<compile_context>
chip_gen: v7x
topology: tpu7x:2x2x1
jax: 0.10.2.dev20260603
libtpu: 0.0.44.dev20260713+nightly
codegen_flags: <defaults>
</compile_context>

<pallas_src>
import functools

import jax
import jax.numpy as jnp
from jax import lax
from jax.experimental import pallas as pl
from jax.experimental.pallas import tpu as pltpu
from jax.experimental.pallas import tpu_sc as plsc

_D = 16
_L = 16
_NC = 2
_NS = 16
_NW = _NC * _NS
_BPW = 512
_G = 16
_NB = _BPW // _G
_W = 128


def _gather(idx, tbl_t):
    mesh = plsc.VectorSubcoreMesh(core_axis_name="c", subcore_axis_name="s")
    n = idx.shape[0]

    @functools.partial(
        pl.kernel,
        out_type=jax.ShapeDtypeStruct((_D, n), jnp.float32),
        mesh=mesh,
        scratch_types=[
            pltpu.VMEM((_BPW,), jnp.int32),
            pltpu.VMEM((2, _G, _D, _W), jnp.float32),
            pltpu.VMEM((_D, _BPW), jnp.float32),
            pltpu.SemaphoreType.DMA,
            pltpu.SemaphoreType.DMA,
        ],
        compiler_params=pltpu.CompilerParams(needs_layout_passes=False),
        cost_estimate=pl.CostEstimate(
            flops=0, transcendentals=0, bytes_accessed=135_000_000),
    )
    def body(idx_hbm, tbl_hbm, out_hbm, u_v, col_v, out_v, sem0, sem1):
        wid = lax.axis_index("s") * _NC + lax.axis_index("c")
        pltpu.sync_copy(idx_hbm.at[pl.ds(wid * _BPW, _BPW)], u_v)
        iota = lax.iota(jnp.int32, _L)

        def fire(b, buf, sem):
            uvec = u_v[pl.ds(b * _G, _G)]
            copies = []
            for jj in range(_G):
                c0 = pl.multiple_of((uvec[jj] // _W) * _W, _W)
                copies.append(pltpu.async_copy(
                    tbl_hbm.at[iota, pl.ds(c0, _W)], col_v.at[buf, jj], sem))
            return copies

        def drain(b, buf, copies):
            lanes = u_v[pl.ds(b * _G, _G)] % _W
            bv = jnp.full((_L,), buf, jnp.int32)
            for c in copies:
                c.wait()
            for d in range(_D):
                vals = plsc.load_gather(
                    col_v, [bv, iota, jnp.full((_L,), d, jnp.int32), lanes])
                out_v[d, pl.ds(b * _G, _G)] = vals

        def pipelined(k, carry):
            b0, b1 = 2 * k, 2 * k + 1
            c1 = fire(b1, 1, sem1)
            w0 = [pltpu.make_async_copy(
                tbl_hbm.at[iota, pl.ds(0, _W)], col_v.at[0, jj], sem0)
                for jj in range(_G)]
            drain(b0, 0, w0)

            @pl.when(k < _NB // 2 - 1)
            def _():
                fire(2 * k + 2, 0, sem0)

            drain(b1, 1, c1)
            return carry

        fire(0, 0, sem0)
        lax.fori_loop(0, _NB // 2, pipelined, 0)
        pltpu.sync_copy(out_v, out_hbm.at[:, pl.ds(wid * _BPW, _BPW)])

    return body(idx, tbl_t)


def kernel(user, user_table, item_table):
    rows_t = _gather(user, user_table.T)
    return (rows_t.T, item_table)

# --- scband reference (transcript-rebuilt; emitter-appended) ---
"""Pipeline reference for scband-basic-model-64982855188774 (READ-ONLY COPY).

The authoritative reference and input builder live on the scoring server;
editing this copy changes nothing except your own understanding.
"""

import jax, jax.numpy as jnp
import numpy as np

NUM_USERS = 1000000
NUM_ITEMS = 1000000
EMBED_DIM = 16
BATCH = 16384


def setup_inputs(seed: int = 0) -> dict:
    key = jax.random.key(seed)
    k1, k2, k3 = jax.random.split(key, 3)
    # interaction[0] = user ids
    user = jax.random.randint(k1, (BATCH,), 0, NUM_USERS, dtype=jnp.int32)
    # learned parameters: user/item embedding tables (the concrete model's
    # forward() returns these; BasicModel then gathers user rows)
    user_table = jax.random.normal(k2, (NUM_USERS, EMBED_DIM), dtype=jnp.float32) * 0.01
    item_table = jax.random.normal(k3, (NUM_ITEMS, EMBED_DIM), dtype=jnp.float32) * 0.01
    return {"user": user, "user_table": user_table, "item_table": item_table}


def reference(user, user_table, item_table):
    # BasicModel.get_user_item_embeddings:
    #   user_embeddings, item_embeddings = self.forward()
    #   user_e = user_embeddings[user, :]
    #   all_item_e = item_embeddings
    user_e = jnp.take(user_table, user, axis=0)
    all_item_e = item_table
    return (user_e, all_item_e)

if __name__ == "__main__":
    import jax
    _d = setup_inputs()
    print(jax.jit(kernel)(*tuple(_d.values())))

</pallas_src>

<mosaic_0001>
#map = affine_map<(d0, d1) -> (0)>
#map1 = affine_map<(d0, d1) -> (0, 0)>
module attributes {stable_mosaic.version = 14 : i64} {
  func.func @body(%arg0: i32, %arg1: i32, %arg2: memref<16384xi32, #tpu.memory_space<hbm>>, %arg3: memref<16x1000000xf32, #tpu.memory_space<hbm>>, %arg4: memref<16x16384xf32, #tpu.memory_space<hbm>>, %arg5: memref<512xi32, #tpu.memory_space<vmem>>, %arg6: memref<2x16x16x128xf32, #tpu.memory_space<vmem>>, %arg7: memref<16x512xf32, #tpu.memory_space<vmem>>, %arg8: memref<!tpu.dma_semaphore, #tpu.memory_space<semaphore_mem>>, %arg9: memref<!tpu.dma_semaphore, #tpu.memory_space<semaphore_mem>>) attributes {dimension_semantics = [#tpu.dimension_semantics<core_parallel>, #tpu.dimension_semantics<subcore_parallel>], iteration_bounds = array<i64: 2, 16>, scalar_prefetch = 0 : i64, scratch_operands = 5 : i64, tpu.core_type = #tpu.core_type<sc_vector_subcore>, window_params = [{transform_indices = #map}, {transform_indices = #map1}, {transform_indices = #map1}]} {
    %mul3A = arith.constant 2 : i32
    %mul3A_0 = arith.muli %arg1, %mul3A : i32
    %add3A = arith.addi %mul3A_0, %arg0 : i32
    %mul3A_1 = arith.constant 512 : i32
    %mul3A_2 = arith.muli %add3A, %mul3A_1 : i32
    "tpu.region"() ({
      %run_scoped3A = tpu.sem_alloc : memref<!tpu.dma_semaphore, #tpu.memory_space<semaphore_mem>>
      %dma_start3A_591 = tpu.memref_slice %arg2[%mul3A_2] : memref<16384xi32, #tpu.memory_space<hbm>> -> memref<512xi32, #tpu.memory_space<hbm>>
      %dma_start3A_592 = tpu.memref_slice %arg2[%mul3A_2] : memref<16384xi32, #tpu.memory_space<hbm>> -> memref<512xi32, #tpu.memory_space<hbm>>
      tpu.enqueue_dma source(%dma_start3A_592 : memref<512xi32, #tpu.memory_space<hbm>>) target(%arg5 : memref<512xi32, #tpu.memory_space<vmem>>) target_semaphore(%run_scoped3A : memref<!tpu.dma_semaphore, #tpu.memory_space<semaphore_mem>>)
      %dma_wait3A = tpu.memref_slice %arg2[%mul3A_2] : memref<16384xi32, #tpu.memory_space<hbm>> -> memref<512xi32, #tpu.memory_space<hbm>>
      %dma_wait3A_593 = tpu.memref_slice %arg2[%mul3A_2] : memref<16384xi32, #tpu.memory_space<hbm>> -> memref<512xi32, #tpu.memory_space<hbm>>
      tpu.wait_dma2 semaphore(%run_scoped3A : memref<!tpu.dma_semaphore, #tpu.memory_space<semaphore_mem>>) src(%dma_wait3A_593 : memref<512xi32, #tpu.memory_space<hbm>>) dst(%arg5 : memref<512xi32, #tpu.memory_space<vmem>>)
      tpu.yield
    }) : () -> ()
    %iota3A = tpu.iota {dimensions = array<i32: 0>} : vector<16xi32>
    %get3A = arith.constant 0 : index
    %get3A_3 = tpu.vector_load %arg5[%get3A] {strides = array<i32>} : memref<512xi32, #tpu.memory_space<vmem>>, vector<16xi32>,
    %slice3A = vector.extract_strided_slice %get3A_3 {offsets = [0], sizes = [1], strides = [1]} : vector<16xi32> to vector<1xi32>
    %squeeze3A = vector.extract %slice3A[0] : i32 from vector<1xi32>
    %jit3A = arith.constant 128 : i32
    %div3A = arith.divsi %squeeze3A, %jit3A : i32
    %sign3A = arith.constant 0 : i32
    %sign3A_4 = arith.cmpi sgt, %squeeze3A, %sign3A : i32
    %sign3A_5 = arith.extui %sign3A_4 : i1 to i32
    %sign3A_6 = arith.constant 0 : i32
    %sign3A_7 = arith.cmpi slt, %squeeze3A, %sign3A_6 : i32
    %sign3A_8 = arith.extui %sign3A_7 : i1 to i32
    %sign3A_9 = arith.subi %sign3A_5, %sign3A_8 : i32
    %sign3A_10 = arith.constant 0 : i32
    %sign3A_11 = arith.cmpi sgt, %jit3A, %sign3A_10 : i32
    %sign3A_12 = arith.extui %sign3A_11 : i1 to i32
    %sign3A_13 = arith.constant 0 : i32
    %sign3A_14 = arith.cmpi slt, %jit3A, %sign3A_13 : i32
    %sign3A_15 = arith.extui %sign3A_14 : i1 to i32
    %sign3A_16 = arith.subi %sign3A_12, %sign3A_15 : i32
    %ne3A = arith.cmpi ne, %sign3A_9, %sign3A_16 : i32
    %rem3A = arith.remsi %squeeze3A, %jit3A : i32
    %ne3A_17 = arith.constant 0 : i32
    %ne3A_18 = arith.cmpi ne, %rem3A, %ne3A_17 : i32
    %and3A = arith.andi %ne3A, %ne3A_18 : i1
    %sub3A = arith.constant 1 : i32
    %sub3A_19 = arith.subi %div3A, %sub3A : i32
    %select_n3A = arith.select %and3A, %sub3A_19, %div3A : i32
    %mul3A_20 = arith.constant 128 : i32
    %mul3A_21 = arith.muli %select_n3A, %mul3A_20 : i32
    %multiple_of3A = tpu.assume_multiple %mul3A_21, 128 : i32
    %dma_start3A = arith.constant 0 : i32
    %dma_start3A_22 = arith.constant 0 : i32
    %dma_start3A_23 = arith.constant 0 : i32
    %dma_start3A_24 = arith.constant 0 : i32
    %dma_start3A_25 = tpu.memref_slice %arg6[%dma_start3A, %dma_start3A_22, %dma_start3A_23, %dma_start3A_24] : memref<2x16x16x128xf32, #tpu.memory_space<vmem>> -> memref<1x1x16x128xf32, #tpu.memory_space<vmem>>
    %dma_start3A_26 = tpu.memref_squeeze %dma_start3A_25 : memref<1x1x16x128xf32, #tpu.memory_space<vmem>> -> memref<16x128xf32, #tpu.memory_space<vmem>>
    %dma_start3A_27 = arith.constant 0 : i32
    %dma_start3A_28 = tpu.memref_slice %arg3[%dma_start3A_27, %multiple_of3A] : memref<16x1000000xf32, #tpu.memory_space<hbm>> -> memref<16x128xf32, #tpu.memory_space<hbm>>
    tpu.enqueue_indirect_dma source(%dma_start3A_28 : memref<16x128xf32, #tpu.memory_space<hbm>>) target(%dma_start3A_26 : memref<16x128xf32, #tpu.memory_space<vmem>>) offsets(%iota3A : vector<16xi32>) semaphore(%arg8 : memref<!tpu.dma_semaphore, #tpu.memory_space<semaphore_mem>>)
    %slice3A_29 = vector.extract_strided_slice %get3A_3 {offsets = [1], sizes = [1], strides = [1]} : vector<16xi32> to vector<1xi32>
    %squeeze3A_30 = vector.extract %slice3A_29[0] : i32 from vector<1xi32>
    %jit3A_31 = arith.constant 128 : i32
    %div3A_32 = arith.divsi %squeeze3A_30, %jit3A_31 : i32
    %sign3A_33 = arith.constant 0 : i32
    %sign3A_34 = arith.cmpi sgt, %squeeze3A_30, %sign3A_33 : i32
    %sign3A_35 = arith.extui %sign3A_34 : i1 to i32
    %sign3A_36 = arith.constant 0 : i32
    %sign3A_37 = arith.cmpi slt, %squeeze3A_30, %sign3A_36 : i32
    %sign3A_38 = arith.extui %sign3A_37 : i1 to i32
    %sign3A_39 = arith.subi %sign3A_35, %sign3A_38 : i32
    %sign3A_40 = arith.constant 0 : i32
    %sign3A_41 = arith.cmpi sgt, %jit3A_31, %sign3A_40 : i32
    %sign3A_42 = arith.extui %sign3A_41 : i1 to i32
    %sign3A_43 = arith.constant 0 : i32
    %sign3A_44 = arith.cmpi slt, %jit3A_31, %sign3A_43 : i32
    %sign3A_45 = arith.extui %sign3A_44 : i1 to i32
    %sign3A_46 = arith.subi %sign3A_42, %sign3A_45 : i32
    %ne3A_47 = arith.cmpi ne, %sign3A_39, %sign3A_46 : i32
    %rem3A_48 = arith.remsi %squeeze3A_30, %jit3A_31 : i32
    %ne3A_49 = arith.constant 0 : i32
    %ne3A_50 = arith.cmpi ne, %rem3A_48, %ne3A_49 : i32
    %and3A_51 = arith.andi %ne3A_47, %ne3A_50 : i1
    %sub3A_52 = arith.constant 1 : i32
    %sub3A_53 = arith.subi %div3A_32, %sub3A_52 : i32
    %select_n3A_54 = arith.select %and3A_51, %sub3A_53, %div3A_32 : i32
    %mul3A_55 = arith.constant 128 : i32
    %mul3A_56 = arith.muli %select_n3A_54, %mul3A_55 : i32
    %multiple_of3A_57 = tpu.assume_multiple %mul3A_56, 128 : i32
    %dma_start3A_58 = arith.constant 0 : i32
    %dma_start3A_59 = arith.constant 1 : i32
    %dma_start3A_60 = arith.constant 0 : i32
    %dma_start3A_61 = arith.constant 0 : i32
    %dma_start3A_62 = tpu.memref_slice %arg6[%dma_start3A_58, %dma_start3A_59, %dma_start3A_60, %dma_start3A_61] : memref<2x16x16x128xf32, #tpu.memory_space<vmem>> -> memref<1x1x16x128xf32, #tpu.memory_space<vmem>>
    %dma_start3A_63 = tpu.memref_squeeze %dma_start3A_62 : memref<1x1x16x128xf32, #tpu.memory_space<vmem>> -> memref<16x128xf32, #tpu.memory_space<vmem>>
    %dma_start3A_64 = arith.constant 0 : i32
    %dma_start3A_65 = tpu.memref_slice %arg3[%dma_start3A_64, %multiple_of3A_57] : memref<16x1000000xf32, #tpu.memory_space<hbm>> -> memref<16x128xf32, #tpu.memory_space<hbm>>
    tpu.enqueue_indirect_dma source(%dma_start3A_65 : memref<16x128xf32, #tpu.memory_space<hbm>>) target(%dma_start3A_63 : memref<16x128xf32, #tpu.memory_space<vmem>>) offsets(%iota3A : vector<16xi32>) semaphore(%arg8 : memref<!tpu.dma_semaphore, #tpu.memory_space<semaphore_mem>>)
    %slice3A_66 = vector.extract_strided_slice %get3A_3 {offsets = [2], sizes = [1], strides = [1]} : vector<16xi32> to vector<1xi32>
    %squeeze3A_67 = vector.extract %slice3A_66[0] : i32 from vector<1xi32>
    %jit3A_68 = arith.constant 128 : i32
    %div3A_69 = arith.divsi %squeeze3A_67, %jit3A_68 : i32
    %sign3A_70 = arith.constant 0 : i32
    %sign3A_71 = arith.cmpi sgt, %squeeze3A_67, %sign3A_70 : i32
    %sign3A_72 = arith.extui %sign3A_71 : i1 to i32
    %sign3A_73 = arith.constant 0 : i32
    %sign3A_74 = arith.cmpi slt, %squeeze3A_67, %sign3A_73 : i32
    %sign3A_75 = arith.extui %sign3A_74 : i1 to i32
    %sign3A_76 = arith.subi %sign3A_72, %sign3A_75 : i32
    %sign3A_77 = arith.constant 0 : i32
    %sign3A_78 = arith.cmpi sgt, %jit3A_68, %sign3A_77 : i32
    %sign3A_79 = arith.extui %sign3A_78 : i1 to i32
    %sign3A_80 = arith.constant 0 : i32
    %sign3A_81 = arith.cmpi slt, %jit3A_68, %sign3A_80 : i32
    %sign3A_82 = arith.extui %sign3A_81 : i1 to i32
    %sign3A_83 = arith.subi %sign3A_79, %sign3A_82 : i32
    %ne3A_84 = arith.cmpi ne, %sign3A_76, %sign3A_83 : i32
    %rem3A_85 = arith.remsi %squeeze3A_67, %jit3A_68 : i32
    %ne3A_86 = arith.constant 0 : i32
    %ne3A_87 = arith.cmpi ne, %rem3A_85, %ne3A_86 : i32
    %and3A_88 = arith.andi %ne3A_84, %ne3A_87 : i1
    %sub3A_89 = arith.constant 1 : i32
    %sub3A_90 = arith.subi %div3A_69, %sub3A_89 : i32
    %select_n3A_91 = arith.select %and3A_88, %sub3A_90, %div3A_69 : i32
    %mul3A_92 = arith.constant 128 : i32
    %mul3A_93 = arith.muli %select_n3A_91, %mul3A_92 : i32
    %multiple_of3A_94 = tpu.assume_multiple %mul3A_93, 128 : i32
    %dma_start3A_95 = arith.constant 0 : i32
    %dma_start3A_96 = arith.constant 2 : i32
    %dma_start3A_97 = arith.constant 0 : i32
    %dma_start3A_98 = arith.constant 0 : i32
    %dma_start3A_99 = tpu.memref_slice %arg6[%dma_start3A_95, %dma_start3A_96, %dma_start3A_97, %dma_start3A_98] : memref<2x16x16x128xf32, #tpu.memory_space<vmem>> -> memref<1x1x16x128xf32, #tpu.memory_space<vmem>>
    %dma_start3A_100 = tpu.memref_squeeze %dma_start3A_99 : memref<1x1x16x128xf32, #tpu.memory_space<vmem>> -> memref<16x128xf32, #tpu.memory_space<vmem>>
    %dma_start3A_101 = arith.constant 0 : i32
    %dma_start3A_102 = tpu.memref_slice %arg3[%dma_start3A_101, %multiple_of3A_94] : memref<16x1000000xf32, #tpu.memory_space<hbm>> -> memref<16x128xf32, #tpu.memory_space<hbm>>
    tpu.enqueue_indirect_dma source(%dma_start3A_102 : memref<16x128xf32, #tpu.memory_space<hbm>>) target(%dma_start3A_100 : memref<16x128xf32, #tpu.memory_space<vmem>>) offsets(%iota3A : vector<16xi32>) semaphore(%arg8 : memref<!tpu.dma_semaphore, #tpu.memory_space<semaphore_mem>>)
    %slice3A_103 = vector.extract_strided_slice %get3A_3 {offsets = [3], sizes = [1], strides = [1]} : vector<16xi32> to vector<1xi32>
    %squeeze3A_104 = vector.extract %slice3A_103[0] : i32 from vector<1xi32>
    %jit3A_105 = arith.constant 128 : i32
    %div3A_106 = arith.divsi %squeeze3A_104, %jit3A_105 : i32
    %sign3A_107 = arith.constant 0 : i32
    %sign3A_108 = arith.cmpi sgt, %squeeze3A_104, %sign3A_107 : i32
    %sign3A_109 = arith.extui %sign3A_108 : i1 to i32
    %sign3A_110 = arith.constant 0 : i32
    %sign3A_111 = arith.cmpi slt, %squeeze3A_104, %sign3A_110 : i32
    %sign3A_112 = arith.extui %sign3A_111 : i1 to i32
    %sign3A_113 = arith.subi %sign3A_109, %sign3A_112 : i32
    %sign3A_114 = arith.constant 0 : i32
    %sign3A_115 = arith.cmpi sgt, %jit3A_105, %sign3A_114 : i32
    %sign3A_116 = arith.extui %sign3A_115 : i1 to i32
    %sign3A_117 = arith.constant 0 : i32
    %sign3A_118 = arith.cmpi slt, %jit3A_105, %sign3A_117 : i32
    %sign3A_119 = arith.extui %sign3A_118 : i1 to i32
    %sign3A_120 = arith.subi %sign3A_116, %sign3A_119 : i32
    %ne3A_121 = arith.cmpi ne, %sign3A_113, %sign3A_120 : i32
    %rem3A_122 = arith.remsi %squeeze3A_104, %jit3A_105 : i32
    %ne3A_123 = arith.constant 0 : i32
    %ne3A_124 = arith.cmpi ne, %rem3A_122, %ne3A_123 : i32
    %and3A_125 = arith.andi %ne3A_121, %ne3A_124 : i1
    %sub3A_126 = arith.constant 1 : i32
    %sub3A_127 = arith.subi %div3A_106, %sub3A_126 : i32
    %select_n3A_128 = arith.select %and3A_125, %sub3A_127, %div3A_106 : i32
    %mul3A_129 = arith.constant 128 : i32
    %mul3A_130 = arith.muli %select_n3A_128, %mul3A_129 : i32
    %multiple_of3A_131 = tpu.assume_multiple %mul3A_130, 128 : i32
    %dma_start3A_132 = arith.constant 0 : i32
    %dma_start3A_133 = arith.constant 3 : i32
    %dma_start3A_134 = arith.constant 0 : i32
    %dma_start3A_135 = arith.constant 0 : i32
    %dma_start3A_136 = tpu.memref_slice %arg6[%dma_start3A_132, %dma_start3A_133, %dma_start3A_134, %dma_start3A_135] : memref<2x16x16x128xf32, #tpu.memory_space<vmem>> -> memref<1x1x16x128xf32, #tpu.memory_space<vmem>>
    %dma_start3A_137 = tpu.memref_squeeze %dma_start3A_136 : memref<1x1x16x128xf32, #tpu.memory_space<vmem>> -> memref<16x128xf32, #tpu.memory_space<vmem>>
    %dma_start3A_138 = arith.constant 0 : i32
    %dma_start3A_139 = tpu.memref_slice %arg3[%dma_start3A_138, %multiple_of3A_131] : memref<16x1000000xf32, #tpu.memory_space<hbm>> -> memref<16x128xf32, #tpu.memory_space<hbm>>
    tpu.enqueue_indirect_dma source(%dma_start3A_139 : memref<16x128xf32, #tpu.memory_space<hbm>>) target(%dma_start3A_137 : memref<16x128xf32, #tpu.memory_space<vmem>>) offsets(%iota3A : vector<16xi32>) semaphore(%arg8 : memref<!tpu.dma_semaphore, #tpu.memory_space<semaphore_mem>>)
    %slice3A_140 = vector.extract_strided_slice %get3A_3 {offsets = [4], sizes = [1], strides = [1]} : vector<16xi32> to vector<1xi32>
    %squeeze3A_141 = vector.extract %slice3A_140[0] : i32 from vector<1xi32>
    %jit3A_142 = arith.constant 128 : i32
    %div3A_143 = arith.divsi %squeeze3A_141, %jit3A_142 : i32
    %sign3A_144 = arith.constant 0 : i32
    %sign3A_145 = arith.cmpi sgt, %squeeze3A_141, %sign3A_144 : i32
    %sign3A_146 = arith.extui %sign3A_145 : i1 to i32
    %sign3A_147 = arith.constant 0 : i32
    %sign3A_148 = arith.cmpi slt, %squeeze3A_141, %sign3A_147 : i32
    %sign3A_149 = arith.extui %sign3A_148 : i1 to i32
    %sign3A_150 = arith.subi %sign3A_146, %sign3A_149 : i32
    %sign3A_151 = arith.constant 0 : i32
    %sign3A_152 = arith.cmpi sgt, %jit3A_142, %sign3A_151 : i32
    %sign3A_153 = arith.extui %sign3A_152 : i1 to i32
    %sign3A_154 = arith.constant 0 : i32
    %sign3A_155 = arith.cmpi slt, %jit3A_142, %sign3A_154 : i32
    %sign3A_156 = arith.extui %sign3A_155 : i1 to i32
    %sign3A_157 = arith.subi %sign3A_153, %sign3A_156 : i32
    %ne3A_158 = arith.cmpi ne, %sign3A_150, %sign3A_157 : i32
    %rem3A_159 = arith.remsi %squeeze3A_141, %jit3A_142 : i32
    %ne3A_160 = arith.constant 0 : i32
    %ne3A_161 = arith.cmpi ne, %rem3A_159, %ne3A_160 : i32
    %and3A_162 = arith.andi %ne3A_158, %ne3A_161 : i1
    %sub3A_163 = arith.constant 1 : i32
    %sub3A_164 = arith.subi %div3A_143, %sub3A_163 : i32
    %select_n3A_165 = arith.select %and3A_162, %sub3A_164, %div3A_143 : i32
    %mul3A_166 = arith.constant 128 : i32
    %mul3A_167 = arith.muli %select_n3A_165, %mul3A_166 : i32
    %multiple_of3A_168 = tpu.assume_multiple %mul3A_167, 128 : i32
    %dma_start3A_169 = arith.constant 0 : i32
    %dma_start3A_170 = arith.constant 4 : i32
    %dma_start3A_171 = arith.constant 0 : i32
    %dma_start3A_172 = arith.constant 0 : i32
    %dma_start3A_173 = tpu.memref_slice %arg6[%dma_start3A_169, %dma_start3A_170, %dma_start3A_171, %dma_start3A_172] : memref<2x16x16x128xf32, #tpu.memory_space<vmem>> -> memref<1x1x16x128xf32, #tpu.memory_space<vmem>>
    %dma_start3A_174 = tpu.memref_squeeze %dma_start3A_173 : memref<1x1x16x128xf32, #tpu.memory_space<vmem>> -> memref<16x128xf32, #tpu.memory_space<vmem>>
    %dma_start3A_175 = arith.constant 0 : i32
    %dma_start3A_176 = tpu.memref_slice %arg3[%dma_start3A_175, %multiple_of3A_168] : memref<16x1000000xf32, #tpu.memory_space<hbm>> -> memref<16x128xf32, #tpu.memory_space<hbm>>
    tpu.enqueue_indirect_dma source(%dma_start3A_176 : memref<16x128xf32, #tpu.memory_space<hbm>>) target(%dma_start3A_174 : memref<16x128xf32, #tpu.memory_space<vmem>>) offsets(%iota3A : vector<16xi32>) semaphore(%arg8 : memref<!tpu.dma_semaphore, #tpu.memory_space<semaphore_mem>>)
    %slice3A_177 = vector.extract_strided_slice %get3A_3 {offsets = [5], sizes = [1], strides = [1]} : vector<16xi32> to vector<1xi32>
    %squeeze3A_178 = vector.extract %slice3A_177[0] : i32 from vector<1xi32>
    %jit3A_179 = arith.constant 128 : i32
    %div3A_180 = arith.divsi %squeeze3A_178, %jit3A_179 : i32
    %sign3A_181 = arith.constant 0 : i32
    %sign3A_182 = arith.cmpi sgt, %squeeze3A_178, %sign3A_181 : i32
    %sign3A_183 = arith.extui %sign3A_182 : i1 to i32
    %sign3A_184 = arith.constant 0 : i32
    %sign3A_185 = arith.cmpi slt, %squeeze3A_178, %sign3A_184 : i32
    %sign3A_186 = arith.extui %sign3A_185 : i1 to i32
    %sign3A_187 = arith.subi %sign3A_183, %sign3A_186 : i32
    %sign3A_188 = arith.constant 0 : i32
    %sign3A_189 = arith.cmpi sgt, %jit3A_179, %sign3A_188 : i32
    %sign3A_190 = arith.extui %sign3A_189 : i1 to i32
    %sign3A_191 = arith.constant 0 : i32
    %sign3A_192 = arith.cmpi slt, %jit3A_179, %sign3A_191 : i32
    %sign3A_193 = arith.extui %sign3A_192 : i1 to i32
    %sign3A_194 = arith.subi %sign3A_190, %sign3A_193 : i32
    %ne3A_195 = arith.cmpi ne, %sign3A_187, %sign3A_194 : i32
    %rem3A_196 = arith.remsi %squeeze3A_178, %jit3A_179 : i32
    %ne3A_197 = arith.constant 0 : i32
    %ne3A_198 = arith.cmpi ne, %rem3A_196, %ne3A_197 : i32
    %and3A_199 = arith.andi %ne3A_195, %ne3A_198 : i1
    %sub3A_200 = arith.constant 1 : i32
    %sub3A_201 = arith.subi %div3A_180, %sub3A_200 : i32
    %select_n3A_202 = arith.select %and3A_199, %sub3A_201, %div3A_180 : i32
    %mul3A_203 = arith.constant 128 : i32
    %mul3A_204 = arith.muli %select_n3A_202, %mul3A_203 : i32
    %multiple_of3A_205 = tpu.assume_multiple %mul3A_204, 128 : i32
    %dma_start3A_206 = arith.constant 0 : i32
    %dma_start3A_207 = arith.constant 5 : i32
    %dma_start3A_208 = arith.constant 0 : i32
    %dma_start3A_209 = arith.constant 0 : i32
    %dma_start3A_210 = tpu.memref_slice %arg6[%dma_start3A_206, %dma_start3A_207, %dma_start3A_208, %dma_start3A_209] : memref<2x16x16x128xf32, #tpu.memory_space<vmem>> -> memref<1x1x16x128xf32, #tpu.memory_space<vmem>>
    %dma_start3A_211 = tpu.memref_squeeze %dma_start3A_210 : memref<1x1x16x128xf32, #tpu.memory_space<vmem>> -> memref<16x128xf32, #tpu.memory_space<vmem>>
    %dma_start3A_212 = arith.constant 0 : i32
    %dma_start3A_213 = tpu.memref_slice %arg3[%dma_start3A_212, %multiple_of3A_205] : memref<16x1000000xf32, #tpu.memory_space<hbm>> -> memref<16x128xf32, #tpu.memory_space<hbm>>
    tpu.enqueue_indirect_dma source(%dma_start3A_213 : memref<16x128xf32, #tpu.memory_space<hbm>>) target(%dma_start3A_211 : memref<16x128xf32, #tpu.memory_space<vmem>>) offsets(%iota3A : vector<16xi32>) semaphore(%arg8 : memref<!tpu.dma_semaphore, #tpu.memory_space<semaphore_mem>>)
    %slice3A_214 = vector.extract_strided_slice %get3A_3 {offsets = [6], sizes = [1], strides = [1]} : vector<16xi32> to vector<1xi32>
    %squeeze3A_215 = vector.extract %slice3A_214[0] : i32 from vector<1xi32>
    %jit3A_216 = arith.constant 128 : i32
    %div3A_217 = arith.divsi %squeeze3A_215, %jit3A_216 : i32
    %sign3A_218 = arith.constant 0 : i32
    %sign3A_219 = arith.cmpi sgt, %squeeze3A_215, %sign3A_218 : i32
    %sign3A_220 = arith.extui %sign3A_219 : i1 to i32
    %sign3A_221 = arith.constant 0 : i32
    %sign3A_222 = arith.cmpi slt, %squeeze3A_215, %sign3A_221 : i32
    %sign3A_223 = arith.extui %sign3A_222 : i1 to i32
    %sign3A_224 = arith.subi %sign3A_220, %sign3A_223 : i32
    %sign3A_225 = arith.constant 0 : i32
    %sign3A_226 = arith.cmpi sgt, %jit3A_216, %sign3A_225 : i32
    %sign3A_227 = arith.extui %sign3A_226 : i1 to i32
    %sign3A_228 = arith.constant 0 : i32
    %sign3A_229 = arith.cmpi slt, %jit3A_216, %sign3A_228 : i32
    %sign3A_230 = arith.extui %sign3A_229 : i1 to i32
    %sign3A_231 = arith.subi %sign3A_227, %sign3A_230 : i32
    %ne3A_232 = arith.cmpi ne, %sign3A_224, %sign3A_231 : i32
    %rem3A_233 = arith.remsi %squeeze3A_215, %jit3A_216 : i32
    %ne3A_234 = arith.constant 0 : i32
    %ne3A_235 = arith.cmpi ne, %rem3A_233, %ne3A_234 : i32
    %and3A_236 = arith.andi %ne3A_232, %ne3A_235 : i1
    %sub3A_237 = arith.constant 1 : i32
    %sub3A_238 = arith.subi %div3A_217, %sub3A_237 : i32
    %select_n3A_239 = arith.select %and3A_236, %sub3A_238, %div3A_217 : i32
    %mul3A_240 = arith.constant 128 : i32
    %mul3A_241 = arith.muli %select_n3A_239, %mul3A_240 : i32
    %multiple_of3A_242 = tpu.assume_multiple %mul3A_241, 128 : i32
    %dma_start3A_243 = arith.constant 0 : i32
    %dma_start3A_244 = arith.constant 6 : i32
    %dma_start3A_245 = arith.constant 0 : i32
    %dma_start3A_246 = arith.constant 0 : i32
    %dma_start3A_247 = tpu.memref_slice %arg6[%dma_start3A_243, %dma_start3A_244, %dma_start3A_245, %dma_start3A_246] : memref<2x16x16x128xf32, #tpu.memory_space<vmem>> -> memref<1x1x16x128xf32, #tpu.memory_space<vmem>>
    %dma_start3A_248 = tpu.memref_squeeze %dma_start3A_247 : memref<1x1x16x128xf32, #tpu.memory_space<vmem>> -> memref<16x128xf32, #tpu.memory_space<vmem>>
    %dma_start3A_249 = arith.constant 0 : i32
    %dma_start3A_250 = tpu.memref_slice %arg3[%dma_start3A_249, %multiple_of3A_242] : memref<16x1000000xf32, #tpu.memory_space<hbm>> -> memref<16x128xf32, #tpu.memory_space<hbm>>
    tpu.enqueue_indirect_dma source(%dma_start3A_250 : memref<16x128xf32, #tpu.memory_space<hbm>>) target(%dma_start3A_248 : memref<16x128xf32, #tpu.memory_space<vmem>>) offsets(%iota3A : vector<16xi32>) semaphore(%arg8 : memref<!tpu.dma_semaphore, #tpu.memory_space<semaphore_mem>>)
    %slice3A_251 = vector.extract_strided_slice %get3A_3 {offsets = [7], sizes = [1], strides = [1]} : vector<16xi32> to vector<1xi32>
    %squeeze3A_252 = vector.extract %slice3A_251[0] : i32 from vector<1xi32>
    %jit3A_253 = arith.constant 128 : i32
    %div3A_254 = arith.divsi %squeeze3A_252, %jit3A_253 : i32
    %sign3A_255 = arith.constant 0 : i32
    %sign3A_256 = arith.cmpi sgt, %squeeze3A_252, %sign3A_255 : i32
    %sign3A_257 = arith.extui %sign3A_256 : i1 to i32
    %sign3A_258 = arith.constant 0 : i32
    %sign3A_259 = arith.cmpi slt, %squeeze3A_252, %sign3A_258 : i32
    %sign3A_260 = arith.extui %sign3A_259 : i1 to i32
    %sign3A_261 = arith.subi %sign3A_257, %sign3A_260 : i32
    %sign3A_262 = arith.constant 0 : i32
    %sign3A_263 = arith.cmpi sgt, %jit3A_253, %sign3A_262 : i32
    %sign3A_264 = arith.extui %sign3A_263 : i1 to i32
    %sign3A_265 = arith.constant 0 : i32
    %sign3A_266 = arith.cmpi slt, %jit3A_253, %sign3A_265 : i32
    %sign3A_267 = arith.extui %sign3A_266 : i1 to i32
    %sign3A_268 = arith.subi %sign3A_264, %sign3A_267 : i32
    %ne3A_269 = arith.cmpi ne, %sign3A_261, %sign3A_268 : i32
    %rem3A_270 = arith.remsi %squeeze3A_252, %jit3A_253 : i32
    %ne3A_271 = arith.constant 0 : i32
    %ne3A_272 = arith.cmpi ne, %rem3A_270, %ne3A_271 : i32
    %and3A_273 = arith.andi %ne3A_269, %ne3A_272 : i1
    %sub3A_274 = arith.constant 1 : i32
    %sub3A_275 = arith.subi %div3A_254, %sub3A_274 : i32
    %select_n3A_276 = arith.select %and3A_273, %sub3A_275, %div3A_254 : i32
    %mul3A_277 = arith.constant 128 : i32
    %mul3A_278 = arith.muli %select_n3A_276, %mul3A_277 : i32
    %multiple_of3A_279 = tpu.assume_multiple %mul3A_278, 128 : i32
    %dma_start3A_280 = arith.constant 0 : i32
    %dma_start3A_281 = arith.constant 7 : i32
    %dma_start3A_282 = arith.constant 0 : i32
    %dma_start3A_283 = arith.constant 0 : i32
    %dma_start3A_284 = tpu.memref_slice %arg6[%dma_start3A_280, %dma_start3A_281, %dma_start3A_282, %dma_start3A_283] : memref<2x16x16x128xf32, #tpu.memory_space<vmem>> -> memref<1x1x16x128xf32, #tpu.memory_space<vmem>>
    %dma_start3A_285 = tpu.memref_squeeze %dma_start3A_284 : memref<1x1x16x128xf32, #tpu.memory_space<vmem>> -> memref<16x128xf32, #tpu.memory_space<vmem>>
    %dma_start3A_286 = arith.constant 0 : i32
    %dma_start3A_287 = tpu.memref_slice %arg3[%dma_start3A_286, %multiple_of3A_279] : memref<16x1000000xf32, #tpu.memory_space<hbm>> -> memref<16x128xf32, #tpu.memory_space<hbm>>
    tpu.enqueue_indirect_dma source(%dma_start3A_287 : memref<16x128xf32, #tpu.memory_space<hbm>>) target(%dma_start3A_285 : memref<16x128xf32, #tpu.memory_space<vmem>>) offsets(%iota3A : vector<16xi32>) semaphore(%arg8 : memref<!tpu.dma_semaphore, #tpu.memory_space<semaphore_mem>>)
    %slice3A_288 = vector.extract_strided_slice %get3A_3 {offsets = [8], sizes = [1], strides = [1]} : vector<16xi32> to vector<1xi32>
    %squeeze3A_289 = vector.extract %slice3A_288[0] : i32 from vector<1xi32>
    %jit3A_290 = arith.constant 128 : i32
    %div3A_291 = arith.divsi %squeeze3A_289, %jit3A_290 : i32
    %sign3A_292 = arith.constant 0 : i32
    %sign3A_293 = arith.cmpi sgt, %squeeze3A_289, %sign3A_292 : i32
    %sign3A_294 = arith.extui %sign3A_293 : i1 to i32
    %sign3A_295 = arith.constant 0 : i32
    %sign3A_296 = arith.cmpi slt, %squeeze3A_289, %sign3A_295 : i32
    %sign3A_297 = arith.extui %sign3A_296 : i1 to i32
    %sign3A_298 = arith.subi %sign3A_294, %sign3A_297 : i32
    %sign3A_299 = arith.constant 0 : i32
    %sign3A_300 = arith.cmpi sgt, %jit3A_290, %sign3A_299 : i32
    %sign3A_301 = arith.extui %sign3A_300 : i1 to i32
    %sign3A_302 = arith.constant 0 : i32
    %sign3A_303 = arith.cmpi slt, %jit3A_290, %sign3A_302 : i32
    %sign3A_304 = arith.extui %sign3A_303 : i1 to i32
    %sign3A_305 = arith.subi %sign3A_301, %sign3A_304 : i32
    %ne3A_306 = arith.cmpi ne, %sign3A_298, %sign3A_305 : i32
    %rem3A_307 = arith.remsi %squeeze3A_289, %jit3A_290 : i32
    %ne3A_308 = arith.constant 0 : i32
    %ne3A_309 = arith.cmpi ne, %rem3A_307, %ne3A_308 : i32
    %and3A_310 = arith.andi %ne3A_306, %ne3A_309 : i1
    %sub3A_311 = arith.constant 1 : i32
    %sub3A_312 = arith.subi %div3A_291, %sub3A_311 : i32
    %select_n3A_313 = arith.select %and3A_310, %sub3A_312, %div3A_291 : i32
    %mul3A_314 = arith.constant 128 : i32
    %mul3A_315 = arith.muli %select_n3A_313, %mul3A_314 : i32
    %multiple_of3A_316 = tpu.assume_multiple %mul3A_315, 128 : i32
    %dma_start3A_317 = arith.constant 0 : i32
    %dma_start3A_318 = arith.constant 8 : i32
    %dma_start3A_319 = arith.constant 0 : i32
    %dma_start3A_320 = arith.constant 0 : i32
    %dma_start3A_321 = tpu.memref_slice %arg6[%dma_start3A_317, %dma_start3A_318, %dma_start3A_319, %dma_start3A_320] : memref<2x16x16x128xf32, #tpu.memory_space<vmem>> -> memref<1x1x16x128xf32, #tpu.memory_space<vmem>>
    %dma_start3A_322 = tpu.memref_squeeze %dma_start3A_321 : memref<1x1x16x128xf32, #tpu.memory_space<vmem>> -> memref<16x128xf32, #tpu.memory_space<vmem>>
    %dma_start3A_323 = arith.constant 0 : i32
    %dma_start3A_324 = tpu.memref_slice %arg3[%dma_start3A_323, %multiple_of3A_316] : memref<16x1000000xf32, #tpu.memory_space<hbm>> -> memref<16x128xf32, #tpu.memory_space<hbm>>
    tpu.enqueue_indirect_dma source(%dma_start3A_324 : memref<16x128xf32, #tpu.memory_space<hbm>>) target(%dma_start3A_322 : memref<16x128xf32, #tpu.memory_space<vmem>>) offsets(%iota3A : vector<16xi32>) semaphore(%arg8 : memref<!tpu.dma_semaphore, #tpu.memory_space<semaphore_mem>>)
    %slice3A_325 = vector.extract_strided_slice %get3A_3 {offsets = [9], sizes = [1], strides = [1]} : vector<16xi32> to vector<1xi32>
    %squeeze3A_326 = vector.extract %slice3A_325[0] : i32 from vector<1xi32>
    %jit3A_327 = arith.constant 128 : i32
    %div3A_328 = arith.divsi %squeeze3A_326, %jit3A_327 : i32
    %sign3A_329 = arith.constant 0 : i32
    %sign3A_330 = arith.cmpi sgt, %squeeze3A_326, %sign3A_329 : i32
    %sign3A_331 = arith.extui %sign3A_330 : i1 to i32
    %sign3A_332 = arith.constant 0 : i32
    %sign3A_333 = arith.cmpi slt, %squeeze3A_326, %sign3A_332 : i32
    %sign3A_334 = arith.extui %sign3A_333 : i1 to i32
    %sign3A_335 = arith.subi %sign3A_331, %sign3A_334 : i32
    %sign3A_336 = arith.constant 0 : i32
    %sign3A_337 = arith.cmpi sgt, %jit3A_327, %sign3A_336 : i32
    %sign3A_338 = arith.extui %sign3A_337 : i1 to i32
    %sign3A_339 = arith.constant 0 : i32
    %sign3A_340 = arith.cmpi slt, %jit3A_327, %sign3A_339 : i32
    %sign3A_341 = arith.extui %sign3A_340 : i1 to i32
    %sign3A_342 = arith.subi %sign3A_338, %sign3A_341 : i32
    %ne3A_343 = arith.cmpi ne, %sign3A_335, %sign3A_342 : i32
    %rem3A_344 = arith.remsi %squeeze3A_326, %jit3A_327 : i32
    %ne3A_345 = arith.constant 0 : i32
    %ne3A_346 = arith.cmpi ne, %rem3A_344, %ne3A_345 : i32
    %and3A_347 = arith.andi %ne3A_343, %ne3A_346 : i1
    %sub3A_348 = arith.constant 1 : i32
    %sub3A_349 = arith.subi %div3A_328, %sub3A_348 : i32
    %select_n3A_350 = arith.select %and3A_347, %sub3A_349, %div3A_328 : i32
    %mul3A_351 = arith.constant 128 : i32
    %mul3A_352 = arith.muli %select_n3A_350, %mul3A_351 : i32
    %multiple_of3A_353 = tpu.assume_multiple %mul3A_352, 128 : i32
    %dma_start3A_354 = arith.constant 0 : i32
    %dma_start3A_355 = arith.constant 9 : i32
    %dma_start3A_356 = arith.constant 0 : i32
    %dma_start3A_357 = arith.constant 0 : i32
    %dma_start3A_358 = tpu.memref_slice %arg6[%dma_start3A_354, %dma_start3A_355, %dma_start3A_356, %dma_start3A_357] : memref<2x16x16x128xf32, #tpu.memory_space<vmem>> -> memref<1x1x16x128xf32, #tpu.memory_space<vmem>>
    %dma_start3A_359 = tpu.memref_squeeze %dma_start3A_358 : memref<1x1x16x128xf32, #tpu.memory_space<vmem>> -> memref<16x128xf32, #tpu.memory_space<vmem>>
    %dma_start3A_360 = arith.constant 0 : i32
    %dma_start3A_361 = tpu.memref_slice %arg3[%dma_start3A_360, %multiple_of3A_353] : memref<16x1000000xf32, #tpu.memory_space<hbm>> -> memref<16x128xf32, #tpu.memory_space<hbm>>
    tpu.enqueue_indirect_dma source(%dma_start3A_361 : memref<16x128xf32, #tpu.memory_space<hbm>>) target(%dma_start3A_359 : memref<16x128xf32, #tpu.memory_space<vmem>>) offsets(%iota3A : vector<16xi32>) semaphore(%arg8 : memref<!tpu.dma_semaphore, #tpu.memory_space<semaphore_mem>>)
    %slice3A_362 = vector.extract_strided_slice %get3A_3 {offsets = [10], sizes = [1], strides = [1]} : vector<16xi32> to vector<1xi32>
    %squeeze3A_363 = vector.extract %slice3A_362[0] : i32 from vector<1xi32>
    %jit3A_364 = arith.constant 128 : i32
    %div3A_365 = arith.divsi %squeeze3A_363, %jit3A_364 : i32
    %sign3A_366 = arith.constant 0 : i32
    %sign3A_367 = arith.cmpi sgt, %squeeze3A_363, %sign3A_366 : i32
    %sign3A_368 = arith.extui %sign3A_367 : i1 to i32
    %sign3A_369 = arith.constant 0 : i32
    %sign3A_370 = arith.cmpi slt, %squeeze3A_363, %sign3A_369 : i32
    %sign3A_371 = arith.extui %sign3A_370 : i1 to i32
    %sign3A_372 = arith.subi %sign3A_368, %sign3A_371 : i32
    %sign3A_373 = arith.constant 0 : i32
    %sign3A_374 = arith.cmpi sgt, %jit3A_364, %sign3A_373 : i32
    %sign3A_375 = arith.extui %sign3A_374 : i1 to i32
    %sign3A_376 = arith.constant 0 : i32
    %sign3A_377 = arith.cmpi slt, %jit3A_364, %sign3A_376 : i32
    %sign3A_378 = arith.extui %sign3A_377 : i1 to i32
    %sign3A_379 = arith.subi %sign3A_375, %sign3A_378 : i32
    %ne3A_380 = arith.cmpi ne, %sign3A_372, %sign3A_379 : i32
    %rem3A_381 = arith.remsi %squeeze3A_363, %jit3A_364 : i32
    %ne3A_382 = arith.constant 0 : i32
    %ne3A_383 = arith.cmpi ne, %rem3A_381, %ne3A_382 : i32
    %and3A_384 = arith.andi %ne3A_380, %ne3A_383 : i1
    %sub3A_385 = arith.constant 1 : i32
    %sub3A_386 = arith.subi %div3A_365, %sub3A_385 : i32
    %select_n3A_387 = arith.select %and3A_384, %sub3A_386, %div3A_365 : i32
    %mul3A_388 = arith.constant 128 : i32
    %mul3A_389 = arith.muli %select_n3A_387, %mul3A_388 : i32
    %multiple_of3A_390 = tpu.assume_multiple %mul3A_389, 128 : i32
    %dma_start3A_391 = arith.constant 0 : i32
    %dma_start3A_392 = arith.constant 10 : i32
    %dma_start3A_393 = arith.constant 0 : i32
    %dma_start3A_394 = arith.constant 0 : i32
    %dma_start3A_395 = tpu.memref_slice %arg6[%dma_start3A_391, %dma_start3A_392, %dma_start3A_393, %dma_start3A_394] : memref<2x16x16x128xf32, #tpu.memory_space<vmem>> -> memref<1x1x16x128xf32, #tpu.memory_space<vmem>>
    %dma_start3A_396 = tpu.memref_squeeze %dma_start3A_395 : memref<1x1x16x128xf32, #tpu.memory_space<vmem>> -> memref<16x128xf32, #tpu.memory_space<vmem>>
    %dma_start3A_397 = arith.constant 0 : i32
    %dma_start3A_398 = tpu.memref_slice %arg3[%dma_start3A_397, %multiple_of3A_390] : memref<16x1000000xf32, #tpu.memory_space<hbm>> -> memref<16x128xf32, #tpu.memory_space<hbm>>
    tpu.enqueue_indirect_dma source(%dma_start3A_398 : memref<16x128xf32, #tpu.memory_space<hbm>>) target(%dma_start3A_396 : memref<16x128xf32, #tpu.memory_space<vmem>>) offsets(%iota3A : vector<16xi32>) semaphore(%arg8 : memref<!tpu.dma_semaphore, #tpu.memory_space<semaphore_mem>>)
    %slice3A_399 = vector.extract_strided_slice %get3A_3 {offsets = [11], sizes = [1], strides = [1]} : vector<16xi32> to vector<1xi32>
    %squeeze3A_400 = vector.extract %slice3A_399[0] : i32 from vector<1xi32>
    %jit3A_401 = arith.constant 128 : i32
    %div3A_402 = arith.divsi %squeeze3A_400, %jit3A_401 : i32
    %sign3A_403 = arith.constant 0 : i32
    %sign3A_404 = arith.cmpi sgt, %squeeze3A_400, %sign3A_403 : i32
    %sign3A_405 = arith.extui %sign3A_404 : i1 to i32
    %sign3A_406 = arith.constant 0 : i32
    %sign3A_407 = arith.cmpi slt, %squeeze3A_400, %sign3A_406 : i32
    %sign3A_408 = arith.extui %sign3A_407 : i1 to i32
    %sign3A_409 = arith.subi %sign3A_405, %sign3A_408 : i32
    %sign3A_410 = arith.constant 0 : i32
    %sign3A_411 = arith.cmpi sgt, %jit3A_401, %sign3A_410 : i32
    %sign3A_412 = arith.extui %sign3A_411 : i1 to i32
    %sign3A_413 = arith.constant 0 : i32
    %sign3A_414 = arith.cmpi slt, %jit3A_401, %sign3A_413 : i32
    %sign3A_415 = arith.extui %sign3A_414 : i1 to i32
    %sign3A_416 = arith.subi %sign3A_412, %sign3A_415 : i32
    %ne3A_417 = arith.cmpi ne, %sign3A_409, %sign3A_416 : i32
    %rem3A_418 = arith.remsi %squeeze3A_400, %jit3A_401 : i32
    %ne3A_419 = arith.constant 0 : i32
    %ne3A_420 = arith.cmpi ne, %rem3A_418, %ne3A_419 : i32
    %and3A_421 = arith.andi %ne3A_417, %ne3A_420 : i1
    %sub3A_422 = arith.constant 1 : i32
    %sub3A_423 = arith.subi %div3A_402, %sub3A_422 : i32
    %select_n3A_424 = arith.select %and3A_421, %sub3A_423, %div3A_402 : i32
    %mul3A_425 = arith.constant 128 : i32
    %mul3A_426 = arith.muli %select_n3A_424, %mul3A_425 : i32
    %multiple_of3A_427 = tpu.assume_multiple %mul3A_426, 128 : i32
    %dma_start3A_428 = arith.constant 0 : i32
    %dma_start3A_429 = arith.constant 11 : i32
    %dma_start3A_430 = arith.constant 0 : i32
    %dma_start3A_431 = arith.constant 0 : i32
    %dma_start3A_432 = tpu.memref_slice %arg6[%dma_start3A_428, %dma_start3A_429, %dma_start3A_430, %dma_start3A_431] : memref<2x16x16x128xf32, #tpu.memory_space<vmem>> -> memref<1x1x16x128xf32, #tpu.memory_space<vmem>>
    %dma_start3A_433 = tpu.memref_squeeze %dma_start3A_432 : memref<1x1x16x128xf32, #tpu.memory_space<vmem>> -> memref<16x128xf32, #tpu.memory_space<vmem>>
    %dma_start3A_434 = arith.constant 0 : i32
    %dma_start3A_435 = tpu.memref_slice %arg3[%dma_start3A_434, %multiple_of3A_427] : memref<16x1000000xf32, #tpu.memory_space<hbm>> -> memref<16x128xf32, #tpu.memory_space<hbm>>
    tpu.enqueue_indirect_dma source(%dma_start3A_435 : memref<16x128xf32, #tpu.memory_space<hbm>>) target(%dma_start3A_433 : memref<16x128xf32, #tpu.memory_space<vmem>>) offsets(%iota3A : vector<16xi32>) semaphore(%arg8 : memref<!tpu.dma_semaphore, #tpu.memory_space<semaphore_mem>>)
    %slice3A_436 = vector.extract_strided_slice %get3A_3 {offsets = [12], sizes = [1], strides = [1]} : vector<16xi32> to vector<1xi32>
    %squeeze3A_437 = vector.extract %slice3A_436[0] : i32 from vector<1xi32>
    %jit3A_438 = arith.constant 128 : i32
    %div3A_439 = arith.divsi %squeeze3A_437, %jit3A_438 : i32
    %sign3A_440 = arith.constant 0 : i32
    %sign3A_441 = arith.cmpi sgt, %squeeze3A_437, %sign3A_440 : i32
    %sign3A_442 = arith.extui %sign3A_441 : i1 to i32
    %sign3A_443 = arith.constant 0 : i32
    %sign3A_444 = arith.cmpi slt, %squeeze3A_437, %sign3A_443 : i32
    %sign3A_445 = arith.extui %sign3A_444 : i1 to i32
    %sign3A_446 = arith.subi %sign3A_442, %sign3A_445 : i32
    %sign3A_447 = arith.constant 0 : i32
    %sign3A_448 = arith.cmpi sgt, %jit3A_438, %sign3A_447 : i32
    %sign3A_449 = arith.extui %sign3A_448 : i1 to i32
    %sign3A_450 = arith.constant 0 : i32
    %sign3A_451 = arith.cmpi slt, %jit3A_438, %sign3A_450 : i32
    %sign3A_452 = arith.extui %sign3A_451 : i1 to i32
    %sign3A_453 = arith.subi %sign3A_449, %sign3A_452 : i32
    %ne3A_454 = arith.cmpi ne, %sign3A_446, %sign3A_453 : i32
    %rem3A_455 = arith.remsi %squeeze3A_437, %jit3A_438 : i32
    %ne3A_456 = arith.constant 0 : i32
    %ne3A_457 = arith.cmpi ne, %rem3A_455, %ne3A_456 : i32
    %and3A_458 = arith.andi %ne3A_454, %ne3A_457 : i1
    %sub3A_459 = arith.constant 1 : i32
    %sub3A_460 = arith.subi %div3A_439, %sub3A_459 : i32
    %select_n3A_461 = arith.select %and3A_458, %sub3A_460, %div3A_439 : i32
    %mul3A_462 = arith.constant 128 : i32
    %mul3A_463 = arith.muli %select_n3A_461, %mul3A_462 : i32
    %multiple_of3A_464 = tpu.assume_multiple %mul3A_463, 128 : i32
    %dma_start3A_465 = arith.constant 0 : i32
    %dma_start3A_466 = arith.constant 12 : i32
    %dma_start3A_467 = arith.constant 0 : i32
    %dma_start3A_468 = arith.constant 0 : i32
    %dma_start3A_469 = tpu.memref_slice %arg6[%dma_start3A_465, %dma_start3A_466, %dma_start3A_467, %dma_start3A_468] : memref<2x16x16x128xf32, #tpu.memory_space<vmem>> -> memref<1x1x16x128xf32, #tpu.memory_space<vmem>>
    %dma_start3A_470 = tpu.memref_squeeze %dma_start3A_469 : memref<1x1x16x128xf32, #tpu.memory_space<vmem>> -> memref<16x128xf32, #tpu.memory_space<vmem>>
    %dma_start3A_471 = arith.constant 0 : i32
    %dma_start3A_472 = tpu.memref_slice %arg3[%dma_start3A_471, %multiple_of3A_464] : memref<16x1000000xf32, #tpu.memory_space<hbm>> -> memref<16x128xf32, #tpu.memory_space<hbm>>
    tpu.enqueue_indirect_dma source(%dma_start3A_472 : memref<16x128xf32, #tpu.memory_space<hbm>>) target(%dma_start3A_470 : memref<16x128xf32, #tpu.memory_space<vmem>>) offsets(%iota3A : vector<16xi32>) semaphore(%arg8 : memref<!tpu.dma_semaphore, #tpu.memory_space<semaphore_mem>>)
    %slice3A_473 = vector.extract_strided_slice %get3A_3 {offsets = [13], sizes = [1], strides = [1]} : vector<16xi32> to vector<1xi32>
    %squeeze3A_474 = vector.extract %slice3A_473[0] : i32 from vector<1xi32>
    %jit3A_475 = arith.constant 128 : i32
    %div3A_476 = arith.divsi %squeeze3A_474, %jit3A_475 : i32
    %sign3A_477 = arith.constant 0 : i32
    %sign3A_478 = arith.cmpi sgt, %squeeze3A_474, %sign3A_477 : i32
    %sign3A_479 = arith.extui %sign3A_478 : i1 to i32
    %sign3A_480 = arith.constant 0 : i32
    %sign3A_481 = arith.cmpi slt, %squeeze3A_474, %sign3A_480 : i32
    %sign3A_482 = arith.extui %sign3A_481 : i1 to i32
    %sign3A_483 = arith.subi %sign3A_479, %sign3A_482 : i32
    %sign3A_484 = arith.constant 0 : i32
    %sign3A_485 = arith.cmpi sgt, %jit3A_475, %sign3A_484 : i32
    %sign3A_486 = arith.extui %sign3A_485 : i1 to i32
    %sign3A_487 = arith.constant 0 : i32
    %sign3A_488 = arith.cmpi slt, %jit3A_475, %sign3A_487 : i32
    %sign3A_489 = arith.extui %sign3A_488 : i1 to i32
    %sign3A_490 = arith.subi %sign3A_486, %sign3A_489 : i32
    %ne3A_491 = arith.cmpi ne, %sign3A_483, %sign3A_490 : i32
    %rem3A_492 = arith.remsi %squeeze3A_474, %jit3A_475 : i32
    %ne3A_493 = arith.constant 0 : i32
    %ne3A_494 = arith.cmpi ne, %rem3A_492, %ne3A_493 : i32
    %and3A_495 = arith.andi %ne3A_491, %ne3A_494 : i1
    %sub3A_496 = arith.constant 1 : i32
    %sub3A_497 = arith.subi %div3A_476, %sub3A_496 : i32
    %select_n3A_498 = arith.select %and3A_495, %sub3A_497, %div3A_476 : i32
    %mul3A_499 = arith.constant 128 : i32
    %mul3A_500 = arith.muli %select_n3A_498, %mul3A_499 : i32
    %multiple_of3A_501 = tpu.assume_multiple %mul3A_500, 128 : i32
    %dma_start3A_502 = arith.constant 0 : i32
    %dma_start3A_503 = arith.constant 13 : i32
    %dma_start3A_504 = arith.constant 0 : i32
    %dma_start3A_505 = arith.constant 0 : i32
    %dma_start3A_506 = tpu.memref_slice %arg6[%dma_start3A_502, %dma_start3A_503, %dma_start3A_504, %dma_start3A_505] : memref<2x16x16x128xf32, #tpu.memory_space<vmem>> -> memref<1x1x16x128xf32, #tpu.memory_space<vmem>>
    %dma_start3A_507 = tpu.memref_squeeze %dma_start3A_506 : memref<1x1x16x128xf32, #tpu.memory_space<vmem>> -> memref<16x128xf32, #tpu.memory_space<vmem>>
    %dma_start3A_508 = arith.constant 0 : i32
    %dma_start3A_509 = tpu.memref_slice %arg3[%dma_start3A_508, %multiple_of3A_501] : memref<16x1000000xf32, #tpu.memory_space<hbm>> -> memref<16x128xf32, #tpu.memory_space<hbm>>
    tpu.enqueue_indirect_dma source(%dma_start3A_509 : memref<16x128xf32, #tpu.memory_space<hbm>>) target(%dma_start3A_507 : memref<16x128xf32, #tpu.memory_space<vmem>>) offsets(%iota3A : vector<16xi32>) semaphore(%arg8 : memref<!tpu.dma_semaphore, #tpu.memory_space<semaphore_mem>>)
    %slice3A_510 = vector.extract_strided_slice %get3A_3 {offsets = [14], sizes = [1], strides = [1]} : vector<16xi32> to vector<1xi32>
    %squeeze3A_511 = vector.extract %slice3A_510[0] : i32 from vector<1xi32>
    %jit3A_512 = arith.constant 128 : i32
    %div3A_513 = arith.divsi %squeeze3A_511, %jit3A_512 : i32
    %sign3A_514 = arith.constant 0 : i32
    %sign3A_515 = arith.cmpi sgt, %squeeze3A_511, %sign3A_514 : i32
    %sign3A_516 = arith.extui %sign3A_515 : i1 to i32
    %sign3A_517 = arith.constant 0 : i32
    %sign3A_518 = arith.cmpi slt, %squeeze3A_511, %sign3A_517 : i32
    %sign3A_519 = arith.extui %sign3A_518 : i1 to i32
    %sign3A_520 = arith.subi %sign3A_516, %sign3A_519 : i32
    %sign3A_521 = arith.constant 0 : i32
    %sign3A_522 = arith.cmpi sgt, %jit3A_512, %sign3A_521 : i32
    %sign3A_523 = arith.extui %sign3A_522 : i1 to i32
    %sign3A_524 = arith.constant 0 : i32
    %sign3A_525 = arith.cmpi slt, %jit3A_512, %sign3A_524 : i32
    %sign3A_526 = arith.extui %sign3A_525 : i1 to i32
    %sign3A_527 = arith.subi %sign3A_523, %sign3A_526 : i32
    %ne3A_528 = arith.cmpi ne, %sign3A_520, %sign3A_527 : i32
    %rem3A_529 = arith.remsi %squeeze3A_511, %jit3A_512 : i32
    %ne3A_530 = arith.constant 0 : i32
    %ne3A_531 = arith.cmpi ne, %rem3A_529, %ne3A_530 : i32
    %and3A_532 = arith.andi %ne3A_528, %ne3A_531 : i1
    %sub3A_533 = arith.constant 1 : i32
    %sub3A_534 = arith.subi %div3A_513, %sub3A_533 : i32
    %select_n3A_535 = arith.select %and3A_532, %sub3A_534, %div3A_513 : i32
    %mul3A_536 = arith.constant 128 : i32
    %mul3A_537 = arith.muli %select_n3A_535, %mul3A_536 : i32
    %multiple_of3A_538 = tpu.assume_multiple %mul3A_537, 128 : i32
    %dma_start3A_539 = arith.constant 0 : i32
    %dma_start3A_540 = arith.constant 14 : i32
    %dma_start3A_541 = arith.constant 0 : i32
    %dma_start3A_542 = arith.constant 0 : i32
    %dma_start3A_543 = tpu.memref_slice %arg6[%dma_start3A_539, %dma_start3A_540, %dma_start3A_541, %dma_start3A_542] : memref<2x16x16x128xf32, #tpu.memory_space<vmem>> -> memref<1x1x16x128xf32, #tpu.memory_space<vmem>>
    %dma_start3A_544 = tpu.memref_squeeze %dma_start3A_543 : memref<1x1x16x128xf32, #tpu.memory_space<vmem>> -> memref<16x128xf32, #tpu.memory_space<vmem>>
    %dma_start3A_545 = arith.constant 0 : i32
    %dma_start3A_546 = tpu.memref_slice %arg3[%dma_start3A_545, %multiple_of3A_538] : memref<16x1000000xf32, #tpu.memory_space<hbm>> -> memref<16x128xf32, #tpu.memory_space<hbm>>
    tpu.enqueue_indirect_dma source(%dma_start3A_546 : memref<16x128xf32, #tpu.memory_space<hbm>>) target(%dma_start3A_544 : memref<16x128xf32, #tpu.memory_space<vmem>>) offsets(%iota3A : vector<16xi32>) semaphore(%arg8 : memref<!tpu.dma_semaphore, #tpu.memory_space<semaphore_mem>>)
    %slice3A_547 = vector.extract_strided_slice %get3A_3 {offsets = [15], sizes = [1], strides = [1]} : vector<16xi32> to vector<1xi32>
    %squeeze3A_548 = vector.extract %slice3A_547[0] : i32 from vector<1xi32>
    %jit3A_549 = arith.constant 128 : i32
    %div3A_550 = arith.divsi %squeeze3A_548, %jit3A_549 : i32
    %sign3A_551 = arith.constant 0 : i32
    %sign3A_552 = arith.cmpi sgt, %squeeze3A_548, %sign3A_551 : i32
    %sign3A_553 = arith.extui %sign3A_552 : i1 to i32
    %sign3A_554 = arith.constant 0 : i32
    %sign3A_555 = arith.cmpi slt, %squeeze3A_548, %sign3A_554 : i32
    %sign3A_556 = arith.extui %sign3A_555 : i1 to i32
    %sign3A_557 = arith.subi %sign3A_553, %sign3A_556 : i32
    %sign3A_558 = arith.constant 0 : i32
    %sign3A_559 = arith.cmpi sgt, %jit3A_549, %sign3A_558 : i32
    %sign3A_560 = arith.extui %sign3A_559 : i1 to i32
    %sign3A_561 = arith.constant 0 : i32
    %sign3A_562 = arith.cmpi slt, %jit3A_549, %sign3A_561 : i32
    %sign3A_563 = arith.extui %sign3A_562 : i1 to i32
    %sign3A_564 = arith.subi %sign3A_560, %sign3A_563 : i32
    %ne3A_565 = arith.cmpi ne, %sign3A_557, %sign3A_564 : i32
    %rem3A_566 = arith.remsi %squeeze3A_548, %jit3A_549 : i32
    %ne3A_567 = arith.constant 0 : i32
    %ne3A_568 = arith.cmpi ne, %rem3A_566, %ne3A_567 : i32
    %and3A_569 = arith.andi %ne3A_565, %ne3A_568 : i1
    %sub3A_570 = arith.constant 1 : i32
    %sub3A_571 = arith.subi %div3A_550, %sub3A_570 : i32
    %select_n3A_572 = arith.select %and3A_569, %sub3A_571, %div3A_550 : i32
    %mul3A_573 = arith.constant 128 : i32
    %mul3A_574 = arith.muli %select_n3A_572, %mul3A_573 : i32
    %multiple_of3A_575 = tpu.assume_multiple %mul3A_574, 128 : i32
    %dma_start3A_576 = arith.constant 0 : i32
    %dma_start3A_577 = arith.constant 15 : i32
    %dma_start3A_578 = arith.constant 0 : i32
    %dma_start3A_579 = arith.constant 0 : i32
    %dma_start3A_580 = tpu.memref_slice %arg6[%dma_start3A_576, %dma_start3A_577, %dma_start3A_578, %dma_start3A_579] : memref<2x16x16x128xf32, #tpu.memory_space<vmem>> -> memref<1x1x16x128xf32, #tpu.memory_space<vmem>>
    %dma_start3A_581 = tpu.memref_squeeze %dma_start3A_580 : memref<1x1x16x128xf32, #tpu.memory_space<vmem>> -> memref<16x128xf32, #tpu.memory_space<vmem>>
    %dma_start3A_582 = arith.constant 0 : i32
    %dma_start3A_583 = tpu.memref_slice %arg3[%dma_start3A_582, %multiple_of3A_575] : memref<16x1000000xf32, #tpu.memory_space<hbm>> -> memref<16x128xf32, #tpu.memory_space<hbm>>
    tpu.enqueue_indirect_dma source(%dma_start3A_583 : memref<16x128xf32, #tpu.memory_space<hbm>>) target(%dma_start3A_581 : memref<16x128xf32, #tpu.memory_space<vmem>>) offsets(%iota3A : vector<16xi32>) semaphore(%arg8 : memref<!tpu.dma_semaphore, #tpu.memory_space<semaphore_mem>>)
    %scan3A = arith.constant 0 : i32
    %scan3A_584 = arith.constant 0 : i32
    %scan3A_585 = arith.constant 16 : i32
    %scan3A_586 = arith.addi %scan3A_584, %scan3A_585 : i32
    %scan3A_587 = arith.constant 1 : i32
    scf.for %scan3A_591 = %scan3A_584 to %scan3A_586 step %scan3A_587  : i32 {
      %mul3A_592 = arith.constant 2 : i32
      %mul3A_593 = arith.muli %mul3A_592, %scan3A_591 : i32
      %mul3A_594 = arith.constant 2 : i32
      %mul3A_595 = arith.muli %mul3A_594, %scan3A_591 : i32
      %add3A_596 = arith.constant 1 : i32
      %add3A_597 = arith.addi %mul3A_595, %add3A_596 : i32
      %mul3A_598 = arith.constant 16 : i32
      %mul3A_599 = arith.muli %add3A_597, %mul3A_598 : i32
      %get3A_600 = arith.index_cast %mul3A_599 : i32 to index
      %get3A_601 = tpu.vector_load %arg5[%get3A_600] {strides = array<i32>} : memref<512xi32, #tpu.memory_space<vmem>>, vector<16xi32>,
      %slice3A_602 = vector.extract_strided_slice %get3A_601 {offsets = [0], sizes = [1], strides = [1]} : vector<16xi32> to vector<1xi32>
      %squeeze3A_603 = vector.extract %slice3A_602[0] : i32 from vector<1xi32>
      %jit3A_604 = arith.constant 128 : i32
      %div3A_605 = arith.divsi %squeeze3A_603, %jit3A_604 : i32
      %sign3A_606 = arith.constant 0 : i32
      %sign3A_607 = arith.cmpi sgt, %squeeze3A_603, %sign3A_606 : i32
      %sign3A_608 = arith.extui %sign3A_607 : i1 to i32
      %sign3A_609 = arith.constant 0 : i32
      %sign3A_610 = arith.cmpi slt, %squeeze3A_603, %sign3A_609 : i32
      %sign3A_611 = arith.extui %sign3A_610 : i1 to i32
      %sign3A_612 = arith.subi %sign3A_608, %sign3A_611 : i32
      %sign3A_613 = arith.constant 0 : i32
      %sign3A_614 = arith.cmpi sgt, %jit3A_604, %sign3A_613 : i32
      %sign3A_615 = arith.extui %sign3A_614 : i1 to i32
      %sign3A_616 = arith.constant 0 : i32
      %sign3A_617 = arith.cmpi slt, %jit3A_604, %sign3A_616 : i32
      %sign3A_618 = arith.extui %sign3A_617 : i1 to i32
      %sign3A_619 = arith.subi %sign3A_615, %sign3A_618 : i32
      %ne3A_620 = arith.cmpi ne, %sign3A_612, %sign3A_619 : i32
      %rem3A_621 = arith.remsi %squeeze3A_603, %jit3A_604 : i32
      %ne3A_622 = arith.constant 0 : i32
      %ne3A_623 = arith.cmpi ne, %rem3A_621, %ne3A_622 : i32
      %and3A_624 = arith.andi %ne3A_620, %ne3A_623 : i1
      %sub3A_625 = arith.constant 1 : i32
      %sub3A_626 = arith.subi %div3A_605, %sub3A_625 : i32
      %select_n3A_627 = arith.select %and3A_624, %sub3A_626, %div3A_605 : i32
      %mul3A_628 = arith.constant 128 : i32
      %mul3A_629 = arith.muli %select_n3A_627, %mul3A_628 : i32
      %multiple_of3A_630 = tpu.assume_multiple %mul3A_629, 128 : i32
      %dma_start3A_631 = arith.constant 1 : i32
      %dma_start3A_632 = arith.constant 0 : i32
      %dma_start3A_633 = arith.constant 0 : i32
      %dma_start3A_634 = arith.constant 0 : i32
      %dma_start3A_635 = tpu.memref_slice %arg6[%dma_start3A_631, %dma_start3A_632, %dma_start3A_633, %dma_start3A_634] : memref<2x16x16x128xf32, #tpu.memory_space<vmem>> -> memref<1x1x16x128xf32, #tpu.memory_space<vmem>>
      %dma_start3A_636 = tpu.memref_squeeze %dma_start3A_635 : memref<1x1x16x128xf32, #tpu.memory_space<vmem>> -> memref<16x128xf32, #tpu.memory_space<vmem>>
      %dma_start3A_637 = arith.constant 0 : i32
      %dma_start3A_638 = tpu.memref_slice %arg3[%dma_start3A_637, %multiple_of3A_630] : memref<16x1000000xf32, #tpu.memory_space<hbm>> -> memref<16x128xf32, #tpu.memory_space<hbm>>
      tpu.enqueue_indirect_dma source(%dma_start3A_638 : memref<16x128xf32, #tpu.memory_space<hbm>>) target(%dma_start3A_636 : memref<16x128xf32, #tpu.memory_space<vmem>>) offsets(%iota3A : vector<16xi32>) semaphore(%arg9 : memref<!tpu.dma_semaphore, #tpu.memory_space<semaphore_mem>>)
      %slice3A_639 = vector.extract_strided_slice %get3A_601 {offsets = [1], sizes = [1], strides = [1]} : vector<16xi32> to vector<1xi32>
      %squeeze3A_640 = vector.extract %slice3A_639[0] : i32 from vector<1xi32>
      %jit3A_641 = arith.constant 128 : i32
      %div3A_642 = arith.divsi %squeeze3A_640, %jit3A_641 : i32
      %sign3A_643 = arith.constant 0 : i32
      %sign3A_644 = arith.cmpi sgt, %squeeze3A_640, %sign3A_643 : i32
      %sign3A_645 = arith.extui %sign3A_644 : i1 to i32
      %sign3A_646 = arith.constant 0 : i32
      %sign3A_647 = arith.cmpi slt, %squeeze3A_640, %sign3A_646 : i32
      %sign3A_648 = arith.extui %sign3A_647 : i1 to i32
      %sign3A_649 = arith.subi %sign3A_645, %sign3A_648 : i32
      %sign3A_650 = arith.constant 0 : i32
      %sign3A_651 = arith.cmpi sgt, %jit3A_641, %sign3A_650 : i32
      %sign3A_652 = arith.extui %sign3A_651 : i1 to i32
      %sign3A_653 = arith.constant 0 : i32
      %sign3A_654 = arith.cmpi slt, %jit3A_641, %sign3A_653 : i32
      %sign3A_655 = arith.extui %sign3A_654 : i1 to i32
      %sign3A_656 = arith.subi %sign3A_652, %sign3A_655 : i32
      %ne3A_657 = arith.cmpi ne, %sign3A_649, %sign3A_656 : i32
      %rem3A_658 = arith.remsi %squeeze3A_640, %jit3A_641 : i32
      %ne3A_659 = arith.constant 0 : i32
      %ne3A_660 = arith.cmpi ne, %rem3A_658, %ne3A_659 : i32
      %and3A_661 = arith.andi %ne3A_657, %ne3A_660 : i1
      %sub3A_662 = arith.constant 1 : i32
      %sub3A_663 = arith.subi %div3A_642, %sub3A_662 : i32
      %select_n3A_664 = arith.select %and3A_661, %sub3A_663, %div3A_642 : i32
      %mul3A_665 = arith.constant 128 : i32
      %mul3A_666 = arith.muli %select_n3A_664, %mul3A_665 : i32
      %multiple_of3A_667 = tpu.assume_multiple %mul3A_666, 128 : i32
      %dma_start3A_668 = arith.constant 1 : i32
      %dma_start3A_669 = arith.constant 1 : i32
      %dma_start3A_670 = arith.constant 0 : i32
      %dma_start3A_671 = arith.constant 0 : i32
      %dma_start3A_672 = tpu.memref_slice %arg6[%dma_start3A_668, %dma_start3A_669, %dma_start3A_670, %dma_start3A_671] : memref<2x16x16x128xf32, #tpu.memory_space<vmem>> -> memref<1x1x16x128xf32, #tpu.memory_space<vmem>>
      %dma_start3A_673 = tpu.memref_squeeze %dma_start3A_672 : memref<1x1x16x128xf32, #tpu.memory_space<vmem>> -> memref<16x128xf32, #tpu.memory_space<vmem>>
      %dma_start3A_674 = arith.constant 0 : i32
      %dma_start3A_675 = tpu.memref_slice %arg3[%dma_start3A_674, %multiple_of3A_667] : memref<16x1000000xf32, #tpu.memory_space<hbm>> -> memref<16x128xf32, #tpu.memory_space<hbm>>
      tpu.enqueue_indirect_dma source(%dma_start3A_675 : memref<16x128xf32, #tpu.memory_space<hbm>>) target(%dma_start3A_673 : memref<16x128xf32, #tpu.memory_space<vmem>>) offsets(%iota3A : vector<16xi32>) semaphore(%arg9 : memref<!tpu.dma_semaphore, #tpu.memory_space<semaphore_mem>>)
      %slice3A_676 = vector.extract_strided_slice %get3A_601 {offsets = [2], sizes = [1], strides = [1]} : vector<16xi32> to vector<1xi32>
      %squeeze3A_677 = vector.extract %slice3A_676[0] : i32 from vector<1xi32>
      %jit3A_678 = arith.constant 128 : i32
      %div3A_679 = arith.divsi %squeeze3A_677, %jit3A_678 : i32
      %sign3A_680 = arith.constant 0 : i32
      %sign3A_681 = arith.cmpi sgt, %squeeze3A_677, %sign3A_680 : i32
      %sign3A_682 = arith.extui %sign3A_681 : i1 to i32
      %sign3A_683 = arith.constant 0 : i32
      %sign3A_684 = arith.cmpi slt, %squeeze3A_677, %sign3A_683 : i32
      %sign3A_685 = arith.extui %sign3A_684 : i1 to i32
      %sign3A_686 = arith.subi %sign3A_682, %sign3A_685 : i32
      %sign3A_687 = arith.constant 0 : i32
      %sign3A_688 = arith.cmpi sgt, %jit3A_678, %sign3A_687 : i32
      %sign3A_689 = arith.extui %sign3A_688 : i1 to i32
      %sign3A_690 = arith.constant 0 : i32
      %sign3A_691 = arith.cmpi slt, %jit3A_678, %sign3A_690 : i32
      %sign3A_692 = arith.extui %sign3A_691 : i1 to i32
      %sign3A_693 = arith.subi %sign3A_689, %sign3A_692 : i32
      %ne3A_694 = arith.cmpi ne, %sign3A_686, %sign3A_693 : i32
      %rem3A_695 = arith.remsi %squeeze3A_677, %jit3A_678 : i32
      %ne3A_696 = arith.constant 0 : i32
      %ne3A_697 = arith.cmpi ne, %rem3A_695, %ne3A_696 : i32
      %and3A_698 = arith.andi %ne3A_694, %ne3A_697 : i1
      %sub3A_699 = arith.constant 1 : i32
      %sub3A_700 = arith.subi %div3A_679, %sub3A_699 : i32
      %select_n3A_701 = arith.select %and3A_698, %sub3A_700, %div3A_679 : i32
      %mul3A_702 = arith.constant 128 : i32
      %mul3A_703 = arith.muli %select_n3A_701, %mul3A_702 : i32
      %multiple_of3A_704 = tpu.assume_multiple %mul3A_703, 128 : i32
      %dma_start3A_705 = arith.constant 1 : i32
      %dma_start3A_706 = arith.constant 2 : i32
      %dma_start3A_707 = arith.constant 0 : i32
      %dma_start3A_708 = arith.constant 0 : i32
      %dma_start3A_709 = tpu.memref_slice %arg6[%dma_start3A_705, %dma_start3A_706, %dma_start3A_707, %dma_start3A_708] : memref<2x16x16x128xf32, #tpu.memory_space<vmem>> -> memref<1x1x16x128xf32, #tpu.memory_space<vmem>>
      %dma_start3A_710 = tpu.memref_squeeze %dma_start3A_709 : memref<1x1x16x128xf32, #tpu.memory_space<vmem>> -> memref<16x128xf32, #tpu.memory_space<vmem>>
      %dma_start3A_711 = arith.constant 0 : i32
      %dma_start3A_712 = tpu.memref_slice %arg3[%dma_start3A_711, %multiple_of3A_704] : memref<16x1000000xf32, #tpu.memory_space<hbm>> -> memref<16x128xf32, #tpu.memory_space<hbm>>
      tpu.enqueue_indirect_dma source(%dma_start3A_712 : memref<16x128xf32, #tpu.memory_space<hbm>>) target(%dma_start3A_710 : memref<16x128xf32, #tpu.memory_space<vmem>>) offsets(%iota3A : vector<16xi32>) semaphore(%arg9 : memref<!tpu.dma_semaphore, #tpu.memory_space<semaphore_mem>>)
      %slice3A_713 = vector.extract_strided_slice %get3A_601 {offsets = [3], sizes = [1], strides = [1]} : vector<16xi32> to vector<1xi32>
      %squeeze3A_714 = vector.extract %slice3A_713[0] : i32 from vector<1xi32>
      %jit3A_715 = arith.constant 128 : i32
      %div3A_716 = arith.divsi %squeeze3A_714, %jit3A_715 : i32
      %sign3A_717 = arith.constant 0 : i32
      %sign3A_718 = arith.cmpi sgt, %squeeze3A_714, %sign3A_717 : i32
      %sign3A_719 = arith.extui %sign3A_718 : i1 to i32
      %sign3A_720 = arith.constant 0 : i32
      %sign3A_721 = arith.cmpi slt, %squeeze3A_714, %sign3A_720 : i32
      %sign3A_722 = arith.extui %sign3A_721 : i1 to i32
      %sign3A_723 = arith.subi %sign3A_719, %sign3A_722 : i32
      %sign3A_724 = arith.constant 0 : i32
      %sign3A_725 = arith.cmpi sgt, %jit3A_715, %sign3A_724 : i32
      %sign3A_726 = arith.extui %sign3A_725 : i1 to i32
      %sign3A_727 = arith.constant 0 : i32
      %sign3A_728 = arith.cmpi slt, %jit3A_715, %sign3A_727 : i32
      %sign3A_729 = arith.extui %sign3A_728 : i1 to i32
      %sign3A_730 = arith.subi %sign3A_726, %sign3A_729 : i32
      %ne3A_731 = arith.cmpi ne, %sign3A_723, %sign3A_730 : i32
      %rem3A_732 = arith.remsi %squeeze3A_714, %jit3A_715 : i32
      %ne3A_733 = arith.constant 0 : i32
      %ne3A_734 = arith.cmpi ne, %rem3A_732, %ne3A_733 : i32
      %and3A_735 = arith.andi %ne3A_731, %ne3A_734 : i1
      %sub3A_736 = arith.constant 1 : i32
      %sub3A_737 = arith.subi %div3A_716, %sub3A_736 : i32
      %select_n3A_738 = arith.select %and3A_735, %sub3A_737, %div3A_716 : i32
      %mul3A_739 = arith.constant 128 : i32
      %mul3A_740 = arith.muli %select_n3A_738, %mul3A_739 : i32
      %multiple_of3A_741 = tpu.assume_multiple %mul3A_740, 128 : i32
      %dma_start3A_742 = arith.constant 1 : i32
      %dma_start3A_743 = arith.constant 3 : i32
      %dma_start3A_744 = arith.constant 0 : i32
      %dma_start3A_745 = arith.constant 0 : i32
      %dma_start3A_746 = tpu.memref_slice %arg6[%dma_start3A_742, %dma_start3A_743, %dma_start3A_744, %dma_start3A_745] : memref<2x16x16x128xf32, #tpu.memory_space<vmem>> -> memref<1x1x16x128xf32, #tpu.memory_space<vmem>>
      %dma_start3A_747 = tpu.memref_squeeze %dma_start3A_746 : memref<1x1x16x128xf32, #tpu.memory_space<vmem>> -> memref<16x128xf32, #tpu.memory_space<vmem>>
      %dma_start3A_748 = arith.constant 0 : i32
      %dma_start3A_749 = tpu.memref_slice %arg3[%dma_start3A_748, %multiple_of3A_741] : memref<16x1000000xf32, #tpu.memory_space<hbm>> -> memref<16x128xf32, #tpu.memory_space<hbm>>
      tpu.enqueue_indirect_dma source(%dma_start3A_749 : memref<16x128xf32, #tpu.memory_space<hbm>>) target(%dma_start3A_747 : memref<16x128xf32, #tpu.memory_space<vmem>>) offsets(%iota3A : vector<16xi32>) semaphore(%arg9 : memref<!tpu.dma_semaphore, #tpu.memory_space<semaphore_mem>>)
      %slice3A_750 = vector.extract_strided_slice %get3A_601 {offsets = [4], sizes = [1], strides = [1]} : vector<16xi32> to vector<1xi32>
      %squeeze3A_751 = vector.extract %slice3A_750[0] : i32 from vector<1xi32>
      %jit3A_752 = arith.constant 128 : i32
      %div3A_753 = arith.divsi %squeeze3A_751, %jit3A_752 : i32
      %sign3A_754 = arith.constant 0 : i32
      %sign3A_755 = arith.cmpi sgt, %squeeze3A_751, %sign3A_754 : i32
      %sign3A_756 = arith.extui %sign3A_755 : i1 to i32
      %sign3A_757 = arith.constant 0 : i32
      %sign3A_758 = arith.cmpi slt, %squeeze3A_751, %sign3A_757 : i32
      %sign3A_759 = arith.extui %sign3A_758 : i1 to i32
      %sign3A_760 = arith.subi %sign3A_756, %sign3A_759 : i32
      %sign3A_761 = arith.constant 0 : i32
      %sign3A_762 = arith.cmpi sgt, %jit3A_752, %sign3A_761 : i32
      %sign3A_763 = arith.extui %sign3A_762 : i1 to i32
      %sign3A_764 = arith.constant 0 : i32
      %sign3A_765 = arith.cmpi slt, %jit3A_752, %sign3A_764 : i32
      %sign3A_766 = arith.extui %sign3A_765 : i1 to i32
      %sign3A_767 = arith.subi %sign3A_763, %sign3A_766 : i32
      %ne3A_768 = arith.cmpi ne, %sign3A_760, %sign3A_767 : i32
      %rem3A_769 = arith.remsi %squeeze3A_751, %jit3A_752 : i32
      %ne3A_770 = arith.constant 0 : i32
      %ne3A_771 = arith.cmpi ne, %rem3A_769, %ne3A_770 : i32
      %and3A_772 = arith.andi %ne3A_768, %ne3A_771 : i1
      %sub3A_773 = arith.constant 1 : i32
      %sub3A_774 = arith.subi %div3A_753, %sub3A_773 : i32
      %select_n3A_775 = arith.select %and3A_772, %sub3A_774, %div3A_753 : i32
      %mul3A_776 = arith.constant 128 : i32
      %mul3A_777 = arith.muli %select_n3A_775, %mul3A_776 : i32
      %multiple_of3A_778 = tpu.assume_multiple %mul3A_777, 128 : i32
      %dma_start3A_779 = arith.constant 1 : i32
      %dma_start3A_780 = arith.constant 4 : i32
      %dma_start3A_781 = arith.constant 0 : i32
      %dma_start3A_782 = arith.constant 0 : i32
      %dma_start3A_783 = tpu.memref_slice %arg6[%dma_start3A_779, %dma_start3A_780, %dma_start3A_781, %dma_start3A_782] : memref<2x16x16x128xf32, #tpu.memory_space<vmem>> -> memref<1x1x16x128xf32, #tpu.memory_space<vmem>>
      %dma_start3A_784 = tpu.memref_squeeze %dma_start3A_783 : memref<1x1x16x128xf32, #tpu.memory_space<vmem>> -> memref<16x128xf32, #tpu.memory_space<vmem>>
      %dma_start3A_785 = arith.constant 0 : i32
      %dma_start3A_786 = tpu.memref_slice %arg3[%dma_start3A_785, %multiple_of3A_778] : memref<16x1000000xf32, #tpu.memory_space<hbm>> -> memref<16x128xf32, #tpu.memory_space<hbm>>
      tpu.enqueue_indirect_dma source(%dma_start3A_786 : memref<16x128xf32, #tpu.memory_space<hbm>>) target(%dma_start3A_784 : memref<16x128xf32, #tpu.memory_space<vmem>>) offsets(%iota3A : vector<16xi32>) semaphore(%arg9 : memref<!tpu.dma_semaphore, #tpu.memory_space<semaphore_mem>>)
      %slice3A_787 = vector.extract_strided_slice %get3A_601 {offsets = [5], sizes = [1], strides = [1]} : vector<16xi32> to vector<1xi32>
      %squeeze3A_788 = vector.extract %slice3A_787[0] : i32 from vector<1xi32>
      %jit3A_789 = arith.constant 128 : i32
      %div3A_790 = arith.divsi %squeeze3A_788, %jit3A_789 : i32
      %sign3A_791 = arith.constant 0 : i32
      %sign3A_792 = arith.cmpi sgt, %squeeze3A_788, %sign3A_791 : i32
      %sign3A_793 = arith.extui %sign3A_792 : i1 to i32
      %sign3A_794 = arith.constant 0 : i32
      %sign3A_795 = arith.cmpi slt, %squeeze3A_788, %sign3A_794 : i32
      %sign3A_796 = arith.extui %sign3A_795 : i1 to i32
      %sign3A_797 = arith.subi %sign3A_793, %sign3A_796 : i32
      %sign3A_798 = arith.constant 0 : i32
      %sign3A_799 = arith.cmpi sgt, %jit3A_789, %sign3A_798 : i32
      %sign3A_800 = arith.extui %sign3A_799 : i1 to i32
      %sign3A_801 = arith.constant 0 : i32
      %sign3A_802 = arith.cmpi slt, %jit3A_789, %sign3A_801 : i32
      %sign3A_803 = arith.extui %sign3A_802 : i1 to i32
      %sign3A_804 = arith.subi %sign3A_800, %sign3A_803 : i32
      %ne3A_805 = arith.cmpi ne, %sign3A_797, %sign3A_804 : i32
      %rem3A_806 = arith.remsi %squeeze3A_788, %jit3A_789 : i32
      %ne3A_807 = arith.constant 0 : i32
      %ne3A_808 = arith.cmpi ne, %rem3A_806, %ne3A_807 : i32
      %and3A_809 = arith.andi %ne3A_805, %ne3A_808 : i1
      %sub3A_810 = arith.constant 1 : i32
      %sub3A_811 = arith.subi %div3A_790, %sub3A_810 : i32
      %select_n3A_812 = arith.select %and3A_809, %sub3A_811, %div3A_790 : i32
      %mul3A_813 = arith.constant 128 : i32
      %mul3A_814 = arith.muli %select_n3A_812, %mul3A_813 : i32
      %multiple_of3A_815 = tpu.assume_multiple %mul3A_814, 128 : i32
      %dma_start3A_816 = arith.constant 1 : i32
      %dma_start3A_817 = arith.constant 5 : i32
      %dma_start3A_818 = arith.constant 0 : i32
      %dma_start3A_819 = arith.constant 0 : i32
      %dma_start3A_820 = tpu.memref_slice %arg6[%dma_start3A_816, %dma_start3A_817, %dma_start3A_818, %dma_start3A_819] : memref<2x16x16x128xf32, #tpu.memory_space<vmem>> -> memref<1x1x16x128xf32, #tpu.memory_space<vmem>>
      %dma_start3A_821 = tpu.memref_squeeze %dma_start3A_820 : memref<1x1x16x128xf32, #tpu.memory_space<vmem>> -> memref<16x128xf32, #tpu.memory_space<vmem>>
      %dma_start3A_822 = arith.constant 0 : i32
      %dma_start3A_823 = tpu.memref_slice %arg3[%dma_start3A_822, %multiple_of3A_815] : memref<16x1000000xf32, #tpu.memory_space<hbm>> -> memref<16x128xf32, #tpu.memory_space<hbm>>
      tpu.enqueue_indirect_dma source(%dma_start3A_823 : memref<16x128xf32, #tpu.memory_space<hbm>>) target(%dma_start3A_821 : memref<16x128xf32, #tpu.memory_space<vmem>>) offsets(%iota3A : vector<16xi32>) semaphore(%arg9 : memref<!tpu.dma_semaphore, #tpu.memory_space<semaphore_mem>>)
      %slice3A_824 = vector.extract_strided_slice %get3A_601 {offsets = [6], sizes = [1], strides = [1]} : vector<16xi32> to vector<1xi32>
      %squeeze3A_825 = vector.extract %slice3A_824[0] : i32 from vector<1xi32>
      %jit3A_826 = arith.constant 128 : i32
      %div3A_827 = arith.divsi %squeeze3A_825, %jit3A_826 : i32
      %sign3A_828 = arith.constant 0 : i32
      %sign3A_829 = arith.cmpi sgt, %squeeze3A_825, %sign3A_828 : i32
      %sign3A_830 = arith.extui %sign3A_829 : i1 to i32
      %sign3A_831 = arith.constant 0 : i32
      %sign3A_832 = arith.cmpi slt, %squeeze3A_825, %sign3A_831 : i32
      %sign3A_833 = arith.extui %sign3A_832 : i1 to i32
      %sign3A_834 = arith.subi %sign3A_830, %sign3A_833 : i32
      %sign3A_835 = arith.constant 0 : i32
      %sign3A_836 = arith.cmpi sgt, %jit3A_826, %sign3A_835 : i32
      %sign3A_837 = arith.extui %sign3A_836 : i1 to i32
      %sign3A_838 = arith.constant 0 : i32
      %sign3A_839 = arith.cmpi slt, %jit3A_826, %sign3A_838 : i32
      %sign3A_840 = arith.extui %sign3A_839 : i1 to i32
      %sign3A_841 = arith.subi %sign3A_837, %sign3A_840 : i32
      %ne3A_842 = arith.cmpi ne, %sign3A_834, %sign3A_841 : i32
      %rem3A_843 = arith.remsi %squeeze3A_825, %jit3A_826 : i32
      %ne3A_844 = arith.constant 0 : i32
      %ne3A_845 = arith.cmpi ne, %rem3A_843, %ne3A_844 : i32
      %and3A_846 = arith.andi %ne3A_842, %ne3A_845 : i1
      %sub3A_847 = arith.constant 1 : i32
      %sub3A_848 = arith.subi %div3A_827, %sub3A_847 : i32
      %select_n3A_849 = arith.select %and3A_846, %sub3A_848, %div3A_827 : i32
      %mul3A_850 = arith.constant 128 : i32
      %mul3A_851 = arith.muli %select_n3A_849, %mul3A_850 : i32
      %multiple_of3A_852 = tpu.assume_multiple %mul3A_851, 128 : i32
      %dma_start3A_853 = arith.constant 1 : i32
      %dma_start3A_854 = arith.constant 6 : i32
      %dma_start3A_855 = arith.constant 0 : i32
      %dma_start3A_856 = arith.constant 0 : i32
      %dma_start3A_857 = tpu.memref_slice %arg6[%dma_start3A_853, %dma_start3A_854, %dma_start3A_855, %dma_start3A_856] : memref<2x16x16x128xf32, #tpu.memory_space<vmem>> -> memref<1x1x16x128xf32, #tpu.memory_space<vmem>>
      %dma_start3A_858 = tpu.memref_squeeze %dma_start3A_857 : memref<1x1x16x128xf32, #tpu.memory_space<vmem>> -> memref<16x128xf32, #tpu.memory_space<vmem>>
      %dma_start3A_859 = arith.constant 0 : i32
      %dma_start3A_860 = tpu.memref_slice %arg3[%dma_start3A_859, %multiple_of3A_852] : memref<16x1000000xf32, #tpu.memory_space<hbm>> -> memref<16x128xf32, #tpu.memory_space<hbm>>
      tpu.enqueue_indirect_dma source(%dma_start3A_860 : memref<16x128xf32, #tpu.memory_space<hbm>>) target(%dma_start3A_858 : memref<16x128xf32, #tpu.memory_space<vmem>>) offsets(%iota3A : vector<16xi32>) semaphore(%arg9 : memref<!tpu.dma_semaphore, #tpu.memory_space<semaphore_mem>>)
      %slice3A_861 = vector.extract_strided_slice %get3A_601 {offsets = [7], sizes = [1], strides = [1]} : vector<16xi32> to vector<1xi32>
      %squeeze3A_862 = vector.extract %slice3A_861[0] : i32 from vector<1xi32>
      %jit3A_863 = arith.constant 128 : i32
      %div3A_864 = arith.divsi %squeeze3A_862, %jit3A_863 : i32
      %sign3A_865 = arith.constant 0 : i32
      %sign3A_866 = arith.cmpi sgt, %squeeze3A_862, %sign3A_865 : i32
      %sign3A_867 = arith.extui %sign3A_866 : i1 to i32
      %sign3A_868 = arith.constant 0 : i32
      %sign3A_869 = arith.cmpi slt, %squeeze3A_862, %sign3A_868 : i32
      %sign3A_870 = arith.extui %sign3A_869 : i1 to i32
      %sign3A_871 = arith.subi %sign3A_867, %sign3A_870 : i32
      %sign3A_872 = arith.constant 0 : i32
      %sign3A_873 = arith.cmpi sgt, %jit3A_863, %sign3A_872 : i32
      %sign3A_874 = arith.extui %sign3A_873 : i1 to i32
      %sign3A_875 = arith.constant 0 : i32
      %sign3A_876 = arith.cmpi slt, %jit3A_863, %sign3A_875 : i32
      %sign3A_877 = arith.extui %sign3A_876 : i1 to i32
      %sign3A_878 = arith.subi %sign3A_874, %sign3A_877 : i32
      %ne3A_879 = arith.cmpi ne, %sign3A_871, %sign3A_878 : i32
      %rem3A_880 = arith.remsi %squeeze3A_862, %jit3A_863 : i32
      %ne3A_881 = arith.constant 0 : i32
      %ne3A_882 = arith.cmpi ne, %rem3A_880, %ne3A_881 : i32
      %and3A_883 = arith.andi %ne3A_879, %ne3A_882 : i1
      %sub3A_884 = arith.constant 1 : i32
      %sub3A_885 = arith.subi %div3A_864, %sub3A_884 : i32
      %select_n3A_886 = arith.select %and3A_883, %sub3A_885, %div3A_864 : i32
      %mul3A_887 = arith.constant 128 : i32
      %mul3A_888 = arith.muli %select_n3A_886, %mul3A_887 : i32
      %multiple_of3A_889 = tpu.assume_multiple %mul3A_888, 128 : i32
      %dma_start3A_890 = arith.constant 1 : i32
      %dma_start3A_891 = arith.constant 7 : i32
      %dma_start3A_892 = arith.constant 0 : i32
      %dma_start3A_893 = arith.constant 0 : i32
      %dma_start3A_894 = tpu.memref_slice %arg6[%dma_start3A_890, %dma_start3A_891, %dma_start3A_892, %dma_start3A_893] : memref<2x16x16x128xf32, #tpu.memory_space<vmem>> -> memref<1x1x16x128xf32, #tpu.memory_space<vmem>>
      %dma_start3A_895 = tpu.memref_squeeze %dma_start3A_894 : memref<1x1x16x128xf32, #tpu.memory_space<vmem>> -> memref<16x128xf32, #tpu.memory_space<vmem>>
      %dma_start3A_896 = arith.constant 0 : i32
      %dma_start3A_897 = tpu.memref_slice %arg3[%dma_start3A_896, %multiple_of3A_889] : memref<16x1000000xf32, #tpu.memory_space<hbm>> -> memref<16x128xf32, #tpu.memory_space<hbm>>
      tpu.enqueue_indirect_dma source(%dma_start3A_897 : memref<16x128xf32, #tpu.memory_space<hbm>>) target(%dma_start3A_895 : memref<16x128xf32, #tpu.memory_space<vmem>>) offsets(%iota3A : vector<16xi32>) semaphore(%arg9 : memref<!tpu.dma_semaphore, #tpu.memory_space<semaphore_mem>>)
      %slice3A_898 = vector.extract_strided_slice %get3A_601 {offsets = [8], sizes = [1], strides = [1]} : vector<16xi32> to vector<1xi32>
      %squeeze3A_899 = vector.extract %slice3A_898[0] : i32 from vector<1xi32>
      %jit3A_900 = arith.constant 128 : i32
      %div3A_901 = arith.divsi %squeeze3A_899, %jit3A_900 : i32
      %sign3A_902 = arith.constant 0 : i32
      %sign3A_903 = arith.cmpi sgt, %squeeze3A_899, %sign3A_902 : i32
      %sign3A_904 = arith.extui %sign3A_903 : i1 to i32
      %sign3A_905 = arith.constant 0 : i32
      %sign3A_906 = arith.cmpi slt, %squeeze3A_899, %sign3A_905 : i32
      %sign3A_907 = arith.extui %sign3A_906 : i1 to i32
      %sign3A_908 = arith.subi %sign3A_904, %sign3A_907 : i32
      %sign3A_909 = arith.constant 0 : i32
      %sign3A_910 = arith.cmpi sgt, %jit3A_900, %sign3A_909 : i32
      %sign3A_911 = arith.extui %sign3A_910 : i1 to i32
      %sign3A_912 = arith.constant 0 : i32
      %sign3A_913 = arith.cmpi slt, %jit3A_900, %sign3A_912 : i32
      %sign3A_914 = arith.extui %sign3A_913 : i1 to i32
      %sign3A_915 = arith.subi %sign3A_911, %sign3A_914 : i32
      %ne3A_916 = arith.cmpi ne, %sign3A_908, %sign3A_915 : i32
      %rem3A_917 = arith.remsi %squeeze3A_899, %jit3A_900 : i32
      %ne3A_918 = arith.constant 0 : i32
      %ne3A_919 = arith.cmpi ne, %rem3A_917, %ne3A_918 : i32
      %and3A_920 = arith.andi %ne3A_916, %ne3A_919 : i1
      %sub3A_921 = arith.constant 1 : i32
      %sub3A_922 = arith.subi %div3A_901, %sub3A_921 : i32
      %select_n3A_923 = arith.select %and3A_920, %sub3A_922, %div3A_901 : i32
      %mul3A_924 = arith.constant 128 : i32
      %mul3A_925 = arith.muli %select_n3A_923, %mul3A_924 : i32
      %multiple_of3A_926 = tpu.assume_multiple %mul3A_925, 128 : i32
      %dma_start3A_927 = arith.constant 1 : i32
      %dma_start3A_928 = arith.constant 8 : i32
      %dma_start3A_929 = arith.constant 0 : i32
      %dma_start3A_930 = arith.constant 0 : i32
      %dma_start3A_931 = tpu.memref_slice %arg6[%dma_start3A_927, %dma_start3A_928, %dma_start3A_929, %dma_start3A_930] : memref<2x16x16x128xf32, #tpu.memory_space<vmem>> -> memref<1x1x16x128xf32, #tpu.memory_space<vmem>>
      %dma_start3A_932 = tpu.memref_squeeze %dma_start3A_931 : memref<1x1x16x128xf32, #tpu.memory_space<vmem>> -> memref<16x128xf32, #tpu.memory_space<vmem>>
      %dma_start3A_933 = arith.constant 0 : i32
      %dma_start3A_934 = tpu.memref_slice %arg3[%dma_start3A_933, %multiple_of3A_926] : memref<16x1000000xf32, #tpu.memory_space<hbm>> -> memref<16x128xf32, #tpu.memory_space<hbm>>
      tpu.enqueue_indirect_dma source(%dma_start3A_934 : memref<16x128xf32, #tpu.memory_space<hbm>>) target(%dma_start3A_932 : memref<16x128xf32, #tpu.memory_space<vmem>>) offsets(%iota3A : vector<16xi32>) semaphore(%arg9 : memref<!tpu.dma_semaphore, #tpu.memory_space<semaphore_mem>>)
      %slice3A_935 = vector.extract_strided_slice %get3A_601 {offsets = [9], sizes = [1], strides = [1]} : vector<16xi32> to vector<1xi32>
      %squeeze3A_936 = vector.extract %slice3A_935[0] : i32 from vector<1xi32>
      %jit3A_937 = arith.constant 128 : i32
      %div3A_938 = arith.divsi %squeeze3A_936, %jit3A_937 : i32
      %sign3A_939 = arith.constant 0 : i32
      %sign3A_940 = arith.cmpi sgt, %squeeze3A_936, %sign3A_939 : i32
      %sign3A_941 = arith.extui %sign3A_940 : i1 to i32
      %sign3A_942 = arith.constant 0 : i32
      %sign3A_943 = arith.cmpi slt, %squeeze3A_936, %sign3A_942 : i32
      %sign3A_944 = arith.extui %sign3A_943 : i1 to i32
      %sign3A_945 = arith.subi %sign3A_941, %sign3A_944 : i32
      %sign3A_946 = arith.constant 0 : i32
      %sign3A_947 = arith.cmpi sgt, %jit3A_937, %sign3A_946 : i32
      %sign3A_948 = arith.extui %sign3A_947 : i1 to i32
      %sign3A_949 = arith.constant 0 : i32
      %sign3A_950 = arith.cmpi slt, %jit3A_937, %sign3A_949 : i32
      %sign3A_951 = arith.extui %sign3A_950 : i1 to i32
      %sign3A_952 = arith.subi %sign3A_948, %sign3A_951 : i32
      %ne3A_953 = arith.cmpi ne, %sign3A_945, %sign3A_952 : i32
      %rem3A_954 = arith.remsi %squeeze3A_936, %jit3A_937 : i32
      %ne3A_955 = arith.constant 0 : i32
      %ne3A_956 = arith.cmpi ne, %rem3A_954, %ne3A_955 : i32
      %and3A_957 = arith.andi %ne3A_953, %ne3A_956 : i1
      %sub3A_958 = arith.constant 1 : i32
      %sub3A_959 = arith.subi %div3A_938, %sub3A_958 : i32
      %select_n3A_960 = arith.select %and3A_957, %sub3A_959, %div3A_938 : i32
      %mul3A_961 = arith.constant 128 : i32
      %mul3A_962 = arith.muli %select_n3A_960, %mul3A_961 : i32
      %multiple_of3A_963 = tpu.assume_multiple %mul3A_962, 128 : i32
      %dma_start3A_964 = arith.constant 1 : i32
      %dma_start3A_965 = arith.constant 9 : i32
      %dma_start3A_966 = arith.constant 0 : i32
      %dma_start3A_967 = arith.constant 0 : i32
      %dma_start3A_968 = tpu.memref_slice %arg6[%dma_start3A_964, %dma_start3A_965, %dma_start3A_966, %dma_start3A_967] : memref<2x16x16x128xf32, #tpu.memory_space<vmem>> -> memref<1x1x16x128xf32, #tpu.memory_space<vmem>>
      %dma_start3A_969 = tpu.memref_squeeze %dma_start3A_968 : memref<1x1x16x128xf32, #tpu.memory_space<vmem>> -> memref<16x128xf32, #tpu.memory_space<vmem>>
      %dma_start3A_970 = arith.constant 0 : i32
      %dma_start3A_971 = tpu.memref_slice %arg3[%dma_start3A_970, %multiple_of3A_963] : memref<16x1000000xf32, #tpu.memory_space<hbm>> -> memref<16x128xf32, #tpu.memory_space<hbm>>
      tpu.enqueue_indirect_dma source(%dma_start3A_971 : memref<16x128xf32, #tpu.memory_space<hbm>>) target(%dma_start3A_969 : memref<16x128xf32, #tpu.memory_space<vmem>>) offsets(%iota3A : vector<16xi32>) semaphore(%arg9 : memref<!tpu.dma_semaphore, #tpu.memory_space<semaphore_mem>>)
      %slice3A_972 = vector.extract_strided_slice %get3A_601 {offsets = [10], sizes = [1], strides = [1]} : vector<16xi32> to vector<1xi32>
      %squeeze3A_973 = vector.extract %slice3A_972[0] : i32 from vector<1xi32>
      %jit3A_974 = arith.constant 128 : i32
      %div3A_975 = arith.divsi %squeeze3A_973, %jit3A_974 : i32
      %sign3A_976 = arith.constant 0 : i32
      %sign3A_977 = arith.cmpi sgt, %squeeze3A_973, %sign3A_976 : i32
      %sign3A_978 = arith.extui %sign3A_977 : i1 to i32
      %sign3A_979 = arith.constant 0 : i32
      %sign3A_980 = arith.cmpi slt, %squeeze3A_973, %sign3A_979 : i32
      %sign3A_981 = arith.extui %sign3A_980 : i1 to i32
      %sign3A_982 = arith.subi %sign3A_978, %sign3A_981 : i32
      %sign3A_983 = arith.constant 0 : i32
      %sign3A_984 = arith.cmpi sgt, %jit3A_974, %sign3A_983 : i32
      %sign3A_985 = arith.extui %sign3A_984 : i1 to i32
      %sign3A_986 = arith.constant 0 : i32
      %sign3A_987 = arith.cmpi slt, %jit3A_974, %sign3A_986 : i32
      %sign3A_988 = arith.extui %sign3A_987 : i1 to i32
      %sign3A_989 = arith.subi %sign3A_985, %sign3A_988 : i32
      %ne3A_990 = arith.cmpi ne, %sign3A_982, %sign3A_989 : i32
      %rem3A_991 = arith.remsi %squeeze3A_973, %jit3A_974 : i32
      %ne3A_992 = arith.constant 0 : i32
      %ne3A_993 = arith.cmpi ne, %rem3A_991, %ne3A_992 : i32
      %and3A_994 = arith.andi %ne3A_990, %ne3A_993 : i1
      %sub3A_995 = arith.constant 1 : i32
      %sub3A_996 = arith.subi %div3A_975, %sub3A_995 : i32
      %select_n3A_997 = arith.select %and3A_994, %sub3A_996, %div3A_975 : i32
      %mul3A_998 = arith.constant 128 : i32
      %mul3A_999 = arith.muli %select_n3A_997, %mul3A_998 : i32
      %multiple_of3A_1000 = tpu.assume_multiple %mul3A_999, 128 : i32
      %dma_start3A_1001 = arith.constant 1 : i32
      %dma_start3A_1002 = arith.constant 10 : i32
      %dma_start3A_1003 = arith.constant 0 : i32
      %dma_start3A_1004 = arith.constant 0 : i32
      %dma_start3A_1005 = tpu.memref_slice %arg6[%dma_start3A_1001, %dma_start3A_1002, %dma_start3A_1003, %dma_start3A_1004] : memref<2x16x16x128xf32, #tpu.memory_space<vmem>> -> memref<1x1x16x128xf32, #tpu.memory_space<vmem>>
      %dma_start3A_1006 = tpu.memref_squeeze %dma_start3A_1005 : memref<1x1x16x128xf32, #tpu.memory_space<vmem>> -> memref<16x128xf32, #tpu.memory_space<vmem>>
      %dma_start3A_1007 = arith.constant 0 : i32
      %dma_start3A_1008 = tpu.memref_slice %arg3[%dma_start3A_1007, %multiple_of3A_1000] : memref<16x1000000xf32, #tpu.memory_space<hbm>> -> memref<16x128xf32, #tpu.memory_space<hbm>>
      tpu.enqueue_indirect_dma source(%dma_start3A_1008 : memref<16x128xf32, #tpu.memory_space<hbm>>) target(%dma_start3A_1006 : memref<16x128xf32, #tpu.memory_space<vmem>>) offsets(%iota3A : vector<16xi32>) semaphore(%arg9 : memref<!tpu.dma_semaphore, #tpu.memory_space<semaphore_mem>>)
      %slice3A_1009 = vector.extract_strided_slice %get3A_601 {offsets = [11], sizes = [1], strides = [1]} : vector<16xi32> to vector<1xi32>
      %squeeze3A_1010 = vector.extract %slice3A_1009[0] : i32 from vector<1xi32>
      %jit3A_1011 = arith.constant 128 : i32
      %div3A_1012 = arith.divsi %squeeze3A_1010, %jit3A_1011 : i32
      %sign3A_1013 = arith.constant 0 : i32
      %sign3A_1014 = arith.cmpi sgt, %squeeze3A_1010, %sign3A_1013 : i32
      %sign3A_1015 = arith.extui %sign3A_1014 : i1 to i32
      %sign3A_1016 = arith.constant 0 : i32
      %sign3A_1017 = arith.cmpi slt, %squeeze3A_1010, %sign3A_1016 : i32
      %sign3A_1018 = arith.extui %sign3A_1017 : i1 to i32
      %sign3A_1019 = arith.subi %sign3A_1015, %sign3A_1018 : i32
      %sign3A_1020 = arith.constant 0 : i32
      %sign3A_1021 = arith.cmpi sgt, %jit3A_1011, %sign3A_1020 : i32
      %sign3A_1022 = arith.extui %sign3A_1021 : i1 to i32
      %sign3A_1023 = arith.constant 0 : i32
      %sign3A_1024 = arith.cmpi slt, %jit3A_1011, %sign3A_1023 : i32
      %sign3A_1025 = arith.extui %sign3A_1024 : i1 to i32
      %sign3A_1026 = arith.subi %sign3A_1022, %sign3A_1025 : i32
      %ne3A_1027 = arith.cmpi ne, %sign3A_1019, %sign3A_1026 : i32
      %rem3A_1028 = arith.remsi %squeeze3A_1010, %jit3A_1011 : i32
      %ne3A_1029 = arith.constant 0 : i32
      %ne3A_1030 = arith.cmpi ne, %rem3A_1028, %ne3A_1029 : i32
      %and3A_1031 = arith.andi %ne3A_1027, %ne3A_1030 : i1
      %sub3A_1032 = arith.constant 1 : i32
      %sub3A_1033 = arith.subi %div3A_1012, %sub3A_1032 : i32
      %select_n3A_1034 = arith.select %and3A_1031, %sub3A_1033, %div3A_1012 : i32
      %mul3A_1035 = arith.constant 128 : i32
      %mul3A_1036 = arith.muli %select_n3A_1034, %mul3A_1035 : i32
      %multiple_of3A_1037 = tpu.assume_multiple %mul3A_1036, 128 : i32
      %dma_start3A_1038 = arith.constant 1 : i32
      %dma_start3A_1039 = arith.constant 11 : i32
      %dma_start3A_1040 = arith.constant 0 : i32
      %dma_start3A_1041 = arith.constant 0 : i32
      %dma_start3A_1042 = tpu.memref_slice %arg6[%dma_start3A_1038, %dma_start3A_1039, %dma_start3A_1040, %dma_start3A_1041] : memref<2x16x16x128xf32, #tpu.memory_space<vmem>> -> memref<1x1x16x128xf32, #tpu.memory_space<vmem>>
      %dma_start3A_1043 = tpu.memref_squeeze %dma_start3A_1042 : memref<1x1x16x128xf32, #tpu.memory_space<vmem>> -> memref<16x128xf32, #tpu.memory_space<vmem>>
      %dma_start3A_1044 = arith.constant 0 : i32
      %dma_start3A_1045 = tpu.memref_slice %arg3[%dma_start3A_1044, %multiple_of3A_1037] : memref<16x1000000xf32, #tpu.memory_space<hbm>> -> memref<16x128xf32, #tpu.memory_space<hbm>>
      tpu.enqueue_indirect_dma source(%dma_start3A_1045 : memref<16x128xf32, #tpu.memory_space<hbm>>) target(%dma_start3A_1043 : memref<16x128xf32, #tpu.memory_space<vmem>>) offsets(%iota3A : vector<16xi32>) semaphore(%arg9 : memref<!tpu.dma_semaphore, #tpu.memory_space<semaphore_mem>>)
      %slice3A_1046 = vector.extract_strided_slice %get3A_601 {offsets = [12], sizes = [1], strides = [1]} : vector<16xi32> to vector<1xi32>
      %squeeze3A_1047 = vector.extract %slice3A_1046[0] : i32 from vector<1xi32>
      %jit3A_1048 = arith.constant 128 : i32
      %div3A_1049 = arith.divsi %squeeze3A_1047, %jit3A_1048 : i32
      %sign3A_1050 = arith.constant 0 : i32
      %sign3A_1051 = arith.cmpi sgt, %squeeze3A_1047, %sign3A_1050 : i32
      %sign3A_1052 = arith.extui %sign3A_1051 : i1 to i32
      %sign3A_1053 = arith.constant 0 : i32
      %sign3A_1054 = arith.cmpi slt, %squeeze3A_1047, %sign3A_1053 : i32
      %sign3A_1055 = arith.extui %sign3A_1054 : i1 to i32
      %sign3A_1056 = arith.subi %sign3A_1052, %sign3A_1055 : i32
      %sign3A_1057 = arith.constant 0 : i32
      %sign3A_1058 = arith.cmpi sgt, %jit3A_1048, %sign3A_1057 : i32
      %sign3A_1059 = arith.extui %sign3A_1058 : i1 to i32
      %sign3A_1060 = arith.constant 0 : i32
      %sign3A_1061 = arith.cmpi slt, %jit3A_1048, %sign3A_1060 : i32
      %sign3A_1062 = arith.extui %sign3A_1061 : i1 to i32
      %sign3A_1063 = arith.subi %sign3A_1059, %sign3A_1062 : i32
      %ne3A_1064 = arith.cmpi ne, %sign3A_1056, %sign3A_1063 : i32
      %rem3A_1065 = arith.remsi %squeeze3A_1047, %jit3A_1048 : i32
      %ne3A_1066 = arith.constant 0 : i32
      %ne3A_1067 = arith.cmpi ne, %rem3A_1065, %ne3A_1066 : i32
      %and3A_1068 = arith.andi %ne3A_1064, %ne3A_1067 : i1
      %sub3A_1069 = arith.constant 1 : i32
      %sub3A_1070 = arith.subi %div3A_1049, %sub3A_1069 : i32
      %select_n3A_1071 = arith.select %and3A_1068, %sub3A_1070, %div3A_1049 : i32
      %mul3A_1072 = arith.constant 128 : i32
      %mul3A_1073 = arith.muli %select_n3A_1071, %mul3A_1072 : i32
      %multiple_of3A_1074 = tpu.assume_multiple %mul3A_1073, 128 : i32
      %dma_start3A_1075 = arith.constant 1 : i32
      %dma_start3A_1076 = arith.constant 12 : i32
      %dma_start3A_1077 = arith.constant 0 : i32
      %dma_start3A_1078 = arith.constant 0 : i32
      %dma_start3A_1079 = tpu.memref_slice %arg6[%dma_start3A_1075, %dma_start3A_1076, %dma_start3A_1077, %dma_start3A_1078] : memref<2x16x16x128xf32, #tpu.memory_space<vmem>> -> memref<1x1x16x128xf32, #tpu.memory_space<vmem>>
      %dma_start3A_1080 = tpu.memref_squeeze %dma_start3A_1079 : memref<1x1x16x128xf32, #tpu.memory_space<vmem>> -> memref<16x128xf32, #tpu.memory_space<vmem>>
      %dma_start3A_1081 = arith.constant 0 : i32
      %dma_start3A_1082 = tpu.memref_slice %arg3[%dma_start3A_1081, %multiple_of3A_1074] : memref<16x1000000xf32, #tpu.memory_space<hbm>> -> memref<16x128xf32, #tpu.memory_space<hbm>>
      tpu.enqueue_indirect_dma source(%dma_start3A_1082 : memref<16x128xf32, #tpu.memory_space<hbm>>) target(%dma_start3A_1080 : memref<16x128xf32, #tpu.memory_space<vmem>>) offsets(%iota3A : vector<16xi32>) semaphore(%arg9 : memref<!tpu.dma_semaphore, #tpu.memory_space<semaphore_mem>>)
      %slice3A_1083 = vector.extract_strided_slice %get3A_601 {offsets = [13], sizes = [1], strides = [1]} : vector<16xi32> to vector<1xi32>
      %squeeze3A_1084 = vector.extract %slice3A_1083[0] : i32 from vector<1xi32>
      %jit3A_1085 = arith.constant 128 : i32
      %div3A_1086 = arith.divsi %squeeze3A_1084, %jit3A_1085 : i32
      %sign3A_1087 = arith.constant 0 : i32
      %sign3A_1088 = arith.cmpi sgt, %squeeze3A_1084, %sign3A_1087 : i32
      %sign3A_1089 = arith.extui %sign3A_1088 : i1 to i32
      %sign3A_1090 = arith.constant 0 : i32
      %sign3A_1091 = arith.cmpi slt, %squeeze3A_1084, %sign3A_1090 : i32
      %sign3A_1092 = arith.extui %sign3A_1091 : i1 to i32
      %sign3A_1093 = arith.subi %sign3A_1089, %sign3A_1092 : i32
      %sign3A_1094 = arith.constant 0 : i32
      %sign3A_1095 = arith.cmpi sgt, %jit3A_1085, %sign3A_1094 : i32
      %sign3A_1096 = arith.extui %sign3A_1095 : i1 to i32
      %sign3A_1097 = arith.constant 0 : i32
      %sign3A_1098 = arith.cmpi slt, %jit3A_1085, %sign3A_1097 : i32
      %sign3A_1099 = arith.extui %sign3A_1098 : i1 to i32
      %sign3A_1100 = arith.subi %sign3A_1096, %sign3A_1099 : i32
      %ne3A_1101 = arith.cmpi ne, %sign3A_1093, %sign3A_1100 : i32
      %rem3A_1102 = arith.remsi %squeeze3A_1084, %jit3A_1085 : i32
      %ne3A_1103 = arith.constant 0 : i32
      %ne3A_1104 = arith.cmpi ne, %rem3A_1102, %ne3A_1103 : i32
      %and3A_1105 = arith.andi %ne3A_1101, %ne3A_1104 : i1
      %sub3A_1106 = arith.constant 1 : i32
      %sub3A_1107 = arith.subi %div3A_1086, %sub3A_1106 : i32
      %select_n3A_1108 = arith.select %and3A_1105, %sub3A_1107, %div3A_1086 : i32
      %mul3A_1109 = arith.constant 128 : i32
      %mul3A_1110 = arith.muli %select_n3A_1108, %mul3A_1109 : i32
      %multiple_of3A_1111 = tpu.assume_multiple %mul3A_1110, 128 : i32
      %dma_start3A_1112 = arith.constant 1 : i32
      %dma_start3A_1113 = arith.constant 13 : i32
      %dma_start3A_1114 = arith.constant 0 : i32
      %dma_start3A_1115 = arith.constant 0 : i32
      %dma_start3A_1116 = tpu.memref_slice %arg6[%dma_start3A_1112, %dma_start3A_1113, %dma_start3A_1114, %dma_start3A_1115] : memref<2x16x16x128xf32, #tpu.memory_space<vmem>> -> memref<1x1x16x128xf32, #tpu.memory_space<vmem>>
      %dma_start3A_1117 = tpu.memref_squeeze %dma_start3A_1116 : memref<1x1x16x128xf32, #tpu.memory_space<vmem>> -> memref<16x128xf32, #tpu.memory_space<vmem>>
      %dma_start3A_1118 = arith.constant 0 : i32
      %dma_start3A_1119 = tpu.memref_slice %arg3[%dma_start3A_1118, %multiple_of3A_1111] : memref<16x1000000xf32, #tpu.memory_space<hbm>> -> memref<16x128xf32, #tpu.memory_space<hbm>>
      tpu.enqueue_indirect_dma source(%dma_start3A_1119 : memref<16x128xf32, #tpu.memory_space<hbm>>) target(%dma_start3A_1117 : memref<16x128xf32, #tpu.memory_space<vmem>>) offsets(%iota3A : vector<16xi32>) semaphore(%arg9 : memref<!tpu.dma_semaphore, #tpu.memory_space<semaphore_mem>>)
      %slice3A_1120 = vector.extract_strided_slice %get3A_601 {offsets = [14], sizes = [1], strides = [1]} : vector<16xi32> to vector<1xi32>
      %squeeze3A_1121 = vector.extract %slice3A_1120[0] : i32 from vector<1xi32>
      %jit3A_1122 = arith.constant 128 : i32
      %div3A_1123 = arith.divsi %squeeze3A_1121, %jit3A_1122 : i32
      %sign3A_1124 = arith.constant 0 : i32
      %sign3A_1125 = arith.cmpi sgt, %squeeze3A_1121, %sign3A_1124 : i32
      %sign3A_1126 = arith.extui %sign3A_1125 : i1 to i32
      %sign3A_1127 = arith.constant 0 : i32
      %sign3A_1128 = arith.cmpi slt, %squeeze3A_1121, %sign3A_1127 : i32
      %sign3A_1129 = arith.extui %sign3A_1128 : i1 to i32
      %sign3A_1130 = arith.subi %sign3A_1126, %sign3A_1129 : i32
      %sign3A_1131 = arith.constant 0 : i32
      %sign3A_1132 = arith.cmpi sgt, %jit3A_1122, %sign3A_1131 : i32
      %sign3A_1133 = arith.extui %sign3A_1132 : i1 to i32
      %sign3A_1134 = arith.constant 0 : i32
      %sign3A_1135 = arith.cmpi slt, %jit3A_1122, %sign3A_1134 : i32
      %sign3A_1136 = arith.extui %sign3A_1135 : i1 to i32
      %sign3A_1137 = arith.subi %sign3A_1133, %sign3A_1136 : i32
      %ne3A_1138 = arith.cmpi ne, %sign3A_1130, %sign3A_1137 : i32
      %rem3A_1139 = arith.remsi %squeeze3A_1121, %jit3A_1122 : i32
      %ne3A_1140 = arith.constant 0 : i32
      %ne3A_1141 = arith.cmpi ne, %rem3A_1139, %ne3A_1140 : i32
      %and3A_1142 = arith.andi %ne3A_1138, %ne3A_1141 : i1
      %sub3A_1143 = arith.constant 1 : i32
      %sub3A_1144 = arith.subi %div3A_1123, %sub3A_1143 : i32
      %select_n3A_1145 = arith.select %and3A_1142, %sub3A_1144, %div3A_1123 : i32
      %mul3A_1146 = arith.constant 128 : i32
      %mul3A_1147 = arith.muli %select_n3A_1145, %mul3A_1146 : i32
      %multiple_of3A_1148 = tpu.assume_multiple %mul3A_1147, 128 : i32
      %dma_start3A_1149 = arith.constant 1 : i32
      %dma_start3A_1150 = arith.constant 14 : i32
      %dma_start3A_1151 = arith.constant 0 : i32
      %dma_start3A_1152 = arith.constant 0 : i32
      %dma_start3A_1153 = tpu.memref_slice %arg6[%dma_start3A_1149, %dma_start3A_1150, %dma_start3A_1151, %dma_start3A_1152] : memref<2x16x16x128xf32, #tpu.memory_space<vmem>> -> memref<1x1x16x128xf32, #tpu.memory_space<vmem>>
      %dma_start3A_1154 = tpu.memref_squeeze %dma_start3A_1153 : memref<1x1x16x128xf32, #tpu.memory_space<vmem>> -> memref<16x128xf32, #tpu.memory_space<vmem>>
      %dma_start3A_1155 = arith.constant 0 : i32
      %dma_start3A_1156 = tpu.memref_slice %arg3[%dma_start3A_1155, %multiple_of3A_1148] : memref<16x1000000xf32, #tpu.memory_space<hbm>> -> memref<16x128xf32, #tpu.memory_space<hbm>>
      tpu.enqueue_indirect_dma source(%dma_start3A_1156 : memref<16x128xf32, #tpu.memory_space<hbm>>) target(%dma_start3A_1154 : memref<16x128xf32, #tpu.memory_space<vmem>>) offsets(%iota3A : vector<16xi32>) semaphore(%arg9 : memref<!tpu.dma_semaphore, #tpu.memory_space<semaphore_mem>>)
      %slice3A_1157 = vector.extract_strided_slice %get3A_601 {offsets = [15], sizes = [1], strides = [1]} : vector<16xi32> to vector<1xi32>
      %squeeze3A_1158 = vector.extract %slice3A_1157[0] : i32 from vector<1xi32>
      %jit3A_1159 = arith.constant 128 : i32
      %div3A_1160 = arith.divsi %squeeze3A_1158, %jit3A_1159 : i32
      %sign3A_1161 = arith.constant 0 : i32
      %sign3A_1162 = arith.cmpi sgt, %squeeze3A_1158, %sign3A_1161 : i32
      %sign3A_1163 = arith.extui %sign3A_1162 : i1 to i32
      %sign3A_1164 = arith.constant 0 : i32
      %sign3A_1165 = arith.cmpi slt, %squeeze3A_1158, %sign3A_1164 : i32
      %sign3A_1166 = arith.extui %sign3A_1165 : i1 to i32
      %sign3A_1167 = arith.subi %sign3A_1163, %sign3A_1166 : i32
      %sign3A_1168 = arith.constant 0 : i32
      %sign3A_1169 = arith.cmpi sgt, %jit3A_1159, %sign3A_1168 : i32
      %sign3A_1170 = arith.extui %sign3A_1169 : i1 to i32
      %sign3A_1171 = arith.constant 0 : i32
      %sign3A_1172 = arith.cmpi slt, %jit3A_1159, %sign3A_1171 : i32
      %sign3A_1173 = arith.extui %sign3A_1172 : i1 to i32
      %sign3A_1174 = arith.subi %sign3A_1170, %sign3A_1173 : i32
      %ne3A_1175 = arith.cmpi ne, %sign3A_1167, %sign3A_1174 : i32
      %rem3A_1176 = arith.remsi %squeeze3A_1158, %jit3A_1159 : i32
      %ne3A_1177 = arith.constant 0 : i32
      %ne3A_1178 = arith.cmpi ne, %rem3A_1176, %ne3A_1177 : i32
      %and3A_1179 = arith.andi %ne3A_1175, %ne3A_1178 : i1
      %sub3A_1180 = arith.constant 1 : i32
      %sub3A_1181 = arith.subi %div3A_1160, %sub3A_1180 : i32
      %select_n3A_1182 = arith.select %and3A_1179, %sub3A_1181, %div3A_1160 : i32
      %mul3A_1183 = arith.constant 128 : i32
      %mul3A_1184 = arith.muli %select_n3A_1182, %mul3A_1183 : i32
      %multiple_of3A_1185 = tpu.assume_multiple %mul3A_1184, 128 : i32
      %dma_start3A_1186 = arith.constant 1 : i32
      %dma_start3A_1187 = arith.constant 15 : i32
      %dma_start3A_1188 = arith.constant 0 : i32
      %dma_start3A_1189 = arith.constant 0 : i32
      %dma_start3A_1190 = tpu.memref_slice %arg6[%dma_start3A_1186, %dma_start3A_1187, %dma_start3A_1188, %dma_start3A_1189] : memref<2x16x16x128xf32, #tpu.memory_space<vmem>> -> memref<1x1x16x128xf32, #tpu.memory_space<vmem>>
      %dma_start3A_1191 = tpu.memref_squeeze %dma_start3A_1190 : memref<1x1x16x128xf32, #tpu.memory_space<vmem>> -> memref<16x128xf32, #tpu.memory_space<vmem>>
      %dma_start3A_1192 = arith.constant 0 : i32
      %dma_start3A_1193 = tpu.memref_slice %arg3[%dma_start3A_1192, %multiple_of3A_1185] : memref<16x1000000xf32, #tpu.memory_space<hbm>> -> memref<16x128xf32, #tpu.memory_space<hbm>>
      tpu.enqueue_indirect_dma source(%dma_start3A_1193 : memref<16x128xf32, #tpu.memory_space<hbm>>) target(%dma_start3A_1191 : memref<16x128xf32, #tpu.memory_space<vmem>>) offsets(%iota3A : vector<16xi32>) semaphore(%arg9 : memref<!tpu.dma_semaphore, #tpu.memory_space<semaphore_mem>>)
      %mul3A_1194 = arith.constant 16 : i32
      %mul3A_1195 = arith.muli %mul3A_593, %mul3A_1194 : i32
      %get3A_1196 = arith.index_cast %mul3A_1195 : i32 to index
      %get3A_1197 = tpu.vector_load %arg5[%get3A_1196] {strides = array<i32>} : memref<512xi32, #tpu.memory_space<vmem>>, vector<16xi32>,
      %jit3A_1198 = arith.constant 128 : i32
      %eq3A = arith.constant 0 : i32
      %eq3A_1199 = arith.cmpi eq, %jit3A_1198, %eq3A : i32
      %jit3A_1200 = arith.constant 1 : i32
      %select_n3A_1201 = arith.select %eq3A_1199, %jit3A_1200, %jit3A_1198 : i32
      %rem3A_1202 = vector.broadcast %select_n3A_1201 : i32 to vector<16xi32>
      %rem3A_1203 = arith.remsi %get3A_1197, %rem3A_1202 : vector<16xi32>
      %ne3A_1204 = arith.constant 0 : i32
      %ne3A_1205 = vector.broadcast %ne3A_1204 : i32 to vector<16xi32>
      %ne3A_1206 = arith.cmpi ne, %rem3A_1203, %ne3A_1205 : vector<16xi32>
      %lt3A = arith.constant 0 : i32
      %lt3A_1207 = vector.broadcast %lt3A : i32 to vector<16xi32>
      %lt3A_1208 = arith.cmpi slt, %rem3A_1203, %lt3A_1207 : vector<16xi32>
      %lt3A_1209 = arith.constant 0 : i32
      %lt3A_1210 = arith.cmpi slt, %select_n3A_1201, %lt3A_1209 : i32
      %ne3A_1211 = vector.broadcast %lt3A_1210 : i1 to vector<16xi1>
      %ne3A_1212 = vector.broadcast %ne3A_1211 : vector<16xi1> to vector<16xi1>
      %ne3A_1213 = arith.xori %lt3A_1208, %ne3A_1212 : vector<16xi1>
      %and3A_1214 = arith.andi %ne3A_1213, %ne3A_1206 : vector<16xi1>
      %add3A_1215 = vector.broadcast %select_n3A_1201 : i32 to vector<16xi32>
      %add3A_1216 = arith.addi %rem3A_1203, %add3A_1215 : vector<16xi32>
      %select_n3A_1217 = arith.select %and3A_1214, %add3A_1216, %rem3A_1203 : vector<16xi1>, vector<16xi32>
      %broadcast_in_dim3A = arith.constant 0 : i32
      %broadcast_in_dim3A_1218 = vector.broadcast %broadcast_in_dim3A : i32 to vector<16xi32>
      %dma_wait3A = arith.constant 0 : i32
      %dma_wait3A_1219 = arith.constant 0 : i32
      %dma_wait3A_1220 = arith.constant 0 : i32
      %dma_wait3A_1221 = arith.constant 0 : i32
      %dma_wait3A_1222 = tpu.memref_slice %arg6[%dma_wait3A, %dma_wait3A_1219, %dma_wait3A_1220, %dma_wait3A_1221] : memref<2x16x16x128xf32, #tpu.memory_space<vmem>> -> memref<1x1x16x128xf32, #tpu.memory_space<vmem>>
      %dma_wait3A_1223 = tpu.memref_squeeze %dma_wait3A_1222 : memref<1x1x16x128xf32, #tpu.memory_space<vmem>> -> memref<16x128xf32, #tpu.memory_space<vmem>>
      %dma_wait3A_1224 = arith.constant 0 : i32
      %dma_wait3A_1225 = arith.constant 0 : i32
      %dma_wait3A_1226 = tpu.memref_slice %arg3[%dma_wait3A_1224, %dma_wait3A_1225] : memref<16x1000000xf32, #tpu.memory_space<hbm>> -> memref<16x128xf32, #tpu.memory_space<hbm>>
      tpu.wait_indirect_dma semaphore(%arg8 : memref<!tpu.dma_semaphore, #tpu.memory_space<semaphore_mem>>) src(%dma_wait3A_1226 : memref<16x128xf32, #tpu.memory_space<hbm>>) dst(%dma_wait3A_1223 : memref<16x128xf32, #tpu.memory_space<vmem>>)
      %dma_wait3A_1227 = arith.constant 0 : i32
      %dma_wait3A_1228 = arith.constant 1 : i32
      %dma_wait3A_1229 = arith.constant 0 : i32
      %dma_wait3A_1230 = arith.constant 0 : i32
      %dma_wait3A_1231 = tpu.memref_slice %arg6[%dma_wait3A_1227, %dma_wait3A_1228, %dma_wait3A_1229, %dma_wait3A_1230] : memref<2x16x16x128xf32, #tpu.memory_space<vmem>> -> memref<1x1x16x128xf32, #tpu.memory_space<vmem>>
      %dma_wait3A_1232 = tpu.memref_squeeze %dma_wait3A_1231 : memref<1x1x16x128xf32, #tpu.memory_space<vmem>> -> memref<16x128xf32, #tpu.memory_space<vmem>>
      %dma_wait3A_1233 = arith.constant 0 : i32
      %dma_wait3A_1234 = arith.constant 0 : i32
      %dma_wait3A_1235 = tpu.memref_slice %arg3[%dma_wait3A_1233, %dma_wait3A_1234] : memref<16x1000000xf32, #tpu.memory_space<hbm>> -> memref<16x128xf32, #tpu.memory_space<hbm>>
      tpu.wait_indirect_dma semaphore(%arg8 : memref<!tpu.dma_semaphore, #tpu.memory_space<semaphore_mem>>) src(%dma_wait3A_1235 : memref<16x128xf32, #tpu.memory_space<hbm>>) dst(%dma_wait3A_1232 : memref<16x128xf32, #tpu.memory_space<vmem>>)
      %dma_wait3A_1236 = arith.constant 0 : i32
      %dma_wait3A_1237 = arith.constant 2 : i32
      %dma_wait3A_1238 = arith.constant 0 : i32
      %dma_wait3A_1239 = arith.constant 0 : i32
      %dma_wait3A_1240 = tpu.memref_slice %arg6[%dma_wait3A_1236, %dma_wait3A_1237, %dma_wait3A_1238, %dma_wait3A_1239] : memref<2x16x16x128xf32, #tpu.memory_space<vmem>> -> memref<1x1x16x128xf32, #tpu.memory_space<vmem>>
      %dma_wait3A_1241 = tpu.memref_squeeze %dma_wait3A_1240 : memref<1x1x16x128xf32, #tpu.memory_space<vmem>> -> memref<16x128xf32, #tpu.memory_space<vmem>>
      %dma_wait3A_1242 = arith.constant 0 : i32
      %dma_wait3A_1243 = arith.constant 0 : i32
      %dma_wait3A_1244 = tpu.memref_slice %arg3[%dma_wait3A_1242, %dma_wait3A_1243] : memref<16x1000000xf32, #tpu.memory_space<hbm>> -> memref<16x128xf32, #tpu.memory_space<hbm>>
      tpu.wait_indirect_dma semaphore(%arg8 : memref<!tpu.dma_semaphore, #tpu.memory_space<semaphore_mem>>) src(%dma_wait3A_1244 : memref<16x128xf32, #tpu.memory_space<hbm>>) dst(%dma_wait3A_1241 : memref<16x128xf32, #tpu.memory_space<vmem>>)
      %dma_wait3A_1245 = arith.constant 0 : i32
      %dma_wait3A_1246 = arith.constant 3 : i32
      %dma_wait3A_1247 = arith.constant 0 : i32
      %dma_wait3A_1248 = arith.constant 0 : i32
      %dma_wait3A_1249 = tpu.memref_slice %arg6[%dma_wait3A_1245, %dma_wait3A_1246, %dma_wait3A_1247, %dma_wait3A_1248] : memref<2x16x16x128xf32, #tpu.memory_space<vmem>> -> memref<1x1x16x128xf32, #tpu.memory_space<vmem>>
      %dma_wait3A_1250 = tpu.memref_squeeze %dma_wait3A_1249 : memref<1x1x16x128xf32, #tpu.memory_space<vmem>> -> memref<16x128xf32, #tpu.memory_space<vmem>>
      %dma_wait3A_1251 = arith.constant 0 : i32
      %dma_wait3A_1252 = arith.constant 0 : i32
      %dma_wait3A_1253 = tpu.memref_slice %arg3[%dma_wait3A_1251, %dma_wait3A_1252] : memref<16x1000000xf32, #tpu.memory_space<hbm>> -> memref<16x128xf32, #tpu.memory_space<hbm>>
      tpu.wait_indirect_dma semaphore(%arg8 : memref<!tpu.dma_semaphore, #tpu.memory_space<semaphore_mem>>) src(%dma_wait3A_1253 : memref<16x128xf32, #tpu.memory_space<hbm>>) dst(%dma_wait3A_1250 : memref<16x128xf32, #tpu.memory_space<vmem>>)
      %dma_wait3A_1254 = arith.constant 0 : i32
      %dma_wait3A_1255 = arith.constant 4 : i32
      %dma_wait3A_1256 = arith.constant 0 : i32
      %dma_wait3A_1257 = arith.constant 0 : i32
      %dma_wait3A_1258 = tpu.memref_slice %arg6[%dma_wait3A_1254, %dma_wait3A_1255, %dma_wait3A_1256, %dma_wait3A_1257] : memref<2x16x16x128xf32, #tpu.memory_space<vmem>> -> memref<1x1x16x128xf32, #tpu.memory_space<vmem>>
      %dma_wait3A_1259 = tpu.memref_squeeze %dma_wait3A_1258 : memref<1x1x16x128xf32, #tpu.memory_space<vmem>> -> memref<16x128xf32, #tpu.memory_space<vmem>>
      %dma_wait3A_1260 = arith.constant 0 : i32
      %dma_wait3A_1261 = arith.constant 0 : i32
      %dma_wait3A_1262 = tpu.memref_slice %arg3[%dma_wait3A_1260, %dma_wait3A_1261] : memref<16x1000000xf32, #tpu.memory_space<hbm>> -> memref<16x128xf32, #tpu.memory_space<hbm>>
      tpu.wait_indirect_dma semaphore(%arg8 : memref<!tpu.dma_semaphore, #tpu.memory_space<semaphore_mem>>) src(%dma_wait3A_1262 : memref<16x128xf32, #tpu.memory_space<hbm>>) dst(%dma_wait3A_1259 : memref<16x128xf32, #tpu.memory_space<vmem>>)
      %dma_wait3A_1263 = arith.constant 0 : i32
      %dma_wait3A_1264 = arith.constant 5 : i32
      %dma_wait3A_1265 = arith.constant 0 : i32
      %dma_wait3A_1266 = arith.constant 0 : i32
      %dma_wait3A_1267 = tpu.memref_slice %arg6[%dma_wait3A_1263, %dma_wait3A_1264, %dma_wait3A_1265, %dma_wait3A_1266] : memref<2x16x16x128xf32, #tpu.memory_space<vmem>> -> memref<1x1x16x128xf32, #tpu.memory_space<vmem>>
      %dma_wait3A_1268 = tpu.memref_squeeze %dma_wait3A_1267 : memref<1x1x16x128xf32, #tpu.memory_space<vmem>> -> memref<16x128xf32, #tpu.memory_space<vmem>>
      %dma_wait3A_1269 = arith.constant 0 : i32
      %dma_wait3A_1270 = arith.constant 0 : i32
      %dma_wait3A_1271 = tpu.memref_slice %arg3[%dma_wait3A_1269, %dma_wait3A_1270] : memref<16x1000000xf32, #tpu.memory_space<hbm>> -> memref<16x128xf32, #tpu.memory_space<hbm>>
      tpu.wait_indirect_dma semaphore(%arg8 : memref<!tpu.dma_semaphore, #tpu.memory_space<semaphore_mem>>) src(%dma_wait3A_1271 : memref<16x128xf32, #tpu.memory_space<hbm>>) dst(%dma_wait3A_1268 : memref<16x128xf32, #tpu.memory_space<vmem>>)
      %dma_wait3A_1272 = arith.constant 0 : i32
      %dma_wait3A_1273 = arith.constant 6 : i32
      %dma_wait3A_1274 = arith.constant 0 : i32
      %dma_wait3A_1275 = arith.constant 0 : i32
      %dma_wait3A_1276 = tpu.memref_slice %arg6[%dma_wait3A_1272, %dma_wait3A_1273, %dma_wait3A_1274, %dma_wait3A_1275] : memref<2x16x16x128xf32, #tpu.memory_space<vmem>> -> memref<1x1x16x128xf32, #tpu.memory_space<vmem>>
      %dma_wait3A_1277 = tpu.memref_squeeze %dma_wait3A_1276 : memref<1x1x16x128xf32, #tpu.memory_space<vmem>> -> memref<16x128xf32, #tpu.memory_space<vmem>>
      %dma_wait3A_1278 = arith.constant 0 : i32
      %dma_wait3A_1279 = arith.constant 0 : i32
      %dma_wait3A_1280 = tpu.memref_slice %arg3[%dma_wait3A_1278, %dma_wait3A_1279] : memref<16x1000000xf32, #tpu.memory_space<hbm>> -> memref<16x128xf32, #tpu.memory_space<hbm>>
      tpu.wait_indirect_dma semaphore(%arg8 : memref<!tpu.dma_semaphore, #tpu.memory_space<semaphore_mem>>) src(%dma_wait3A_1280 : memref<16x128xf32, #tpu.memory_space<hbm>>) dst(%dma_wait3A_1277 : memref<16x128xf32, #tpu.memory_space<vmem>>)
      %dma_wait3A_1281 = arith.constant 0 : i32
      %dma_wait3A_1282 = arith.constant 7 : i32
      %dma_wait3A_1283 = arith.constant 0 : i32
      %dma_wait3A_1284 = arith.constant 0 : i32
      %dma_wait3A_1285 = tpu.memref_slice %arg6[%dma_wait3A_1281, %dma_wait3A_1282, %dma_wait3A_1283, %dma_wait3A_1284] : memref<2x16x16x128xf32, #tpu.memory_space<vmem>> -> memref<1x1x16x128xf32, #tpu.memory_space<vmem>>
      %dma_wait3A_1286 = tpu.memref_squeeze %dma_wait3A_1285 : memref<1x1x16x128xf32, #tpu.memory_space<vmem>> -> memref<16x128xf32, #tpu.memory_space<vmem>>
      %dma_wait3A_1287 = arith.constant 0 : i32
      %dma_wait3A_1288 = arith.constant 0 : i32
      %dma_wait3A_1289 = tpu.memref_slice %arg3[%dma_wait3A_1287, %dma_wait3A_1288] : memref<16x1000000xf32, #tpu.memory_space<hbm>> -> memref<16x128xf32, #tpu.memory_space<hbm>>
      tpu.wait_indirect_dma semaphore(%arg8 : memref<!tpu.dma_semaphore, #tpu.memory_space<semaphore_mem>>) src(%dma_wait3A_1289 : memref<16x128xf32, #tpu.memory_space<hbm>>) dst(%dma_wait3A_1286 : memref<16x128xf32, #tpu.memory_space<vmem>>)
      %dma_wait3A_1290 = arith.constant 0 : i32
      %dma_wait3A_1291 = arith.constant 8 : i32
      %dma_wait3A_1292 = arith.constant 0 : i32
      %dma_wait3A_1293 = arith.constant 0 : i32
      %dma_wait3A_1294 = tpu.memref_slice %arg6[%dma_wait3A_1290, %dma_wait3A_1291, %dma_wait3A_1292, %dma_wait3A_1293] : memref<2x16x16x128xf32, #tpu.memory_space<vmem>> -> memref<1x1x16x128xf32, #tpu.memory_space<vmem>>
      %dma_wait3A_1295 = tpu.memref_squeeze %dma_wait3A_1294 : memref<1x1x16x128xf32, #tpu.memory_space<vmem>> -> memref<16x128xf32, #tpu.memory_space<vmem>>
      %dma_wait3A_1296 = arith.constant 0 : i32
      %dma_wait3A_1297 = arith.constant 0 : i32
      %dma_wait3A_1298 = tpu.memref_slice %arg3[%dma_wait3A_1296, %dma_wait3A_1297] : memref<16x1000000xf32, #tpu.memory_space<hbm>> -> memref<16x128xf32, #tpu.memory_space<hbm>>
      tpu.wait_indirect_dma semaphore(%arg8 : memref<!tpu.dma_semaphore, #tpu.memory_space<semaphore_mem>>) src(%dma_wait3A_1298 : memref<16x128xf32, #tpu.memory_space<hbm>>) dst(%dma_wait3A_1295 : memref<16x128xf32, #tpu.memory_space<vmem>>)
      %dma_wait3A_1299 = arith.constant 0 : i32
      %dma_wait3A_1300 = arith.constant 9 : i32
      %dma_wait3A_1301 = arith.constant 0 : i32
      %dma_wait3A_1302 = arith.constant 0 : i32
      %dma_wait3A_1303 = tpu.memref_slice %arg6[%dma_wait3A_1299, %dma_wait3A_1300, %dma_wait3A_1301, %dma_wait3A_1302] : memref<2x16x16x128xf32, #tpu.memory_space<vmem>> -> memref<1x1x16x128xf32, #tpu.memory_space<vmem>>
      %dma_wait3A_1304 = tpu.memref_squeeze %dma_wait3A_1303 : memref<1x1x16x128xf32, #tpu.memory_space<vmem>> -> memref<16x128xf32, #tpu.memory_space<vmem>>
      %dma_wait3A_1305 = arith.constant 0 : i32
      %dma_wait3A_1306 = arith.constant 0 : i32
      %dma_wait3A_1307 = tpu.memref_slice %arg3[%dma_wait3A_1305, %dma_wait3A_1306] : memref<16x1000000xf32, #tpu.memory_space<hbm>> -> memref<16x128xf32, #tpu.memory_space<hbm>>
      tpu.wait_indirect_dma semaphore(%arg8 : memref<!tpu.dma_semaphore, #tpu.memory_space<semaphore_mem>>) src(%dma_wait3A_1307 : memref<16x128xf32, #tpu.memory_space<hbm>>) dst(%dma_wait3A_1304 : memref<16x128xf32, #tpu.memory_space<vmem>>)
      %dma_wait3A_1308 = arith.constant 0 : i32
      %dma_wait3A_1309 = arith.constant 10 : i32
      %dma_wait3A_1310 = arith.constant 0 : i32
      %dma_wait3A_1311 = arith.constant 0 : i32
      %dma_wait3A_1312 = tpu.memref_slice %arg6[%dma_wait3A_1308, %dma_wait3A_1309, %dma_wait3A_1310, %dma_wait3A_1311] : memref<2x16x16x128xf32, #tpu.memory_space<vmem>> -> memref<1x1x16x128xf32, #tpu.memory_space<vmem>>
      %dma_wait3A_1313 = tpu.memref_squeeze %dma_wait3A_1312 : memref<1x1x16x128xf32, #tpu.memory_space<vmem>> -> memref<16x128xf32, #tpu.memory_space<vmem>>
      %dma_wait3A_1314 = arith.constant 0 : i32
      %dma_wait3A_1315 = arith.constant 0 : i32
      %dma_wait3A_1316 = tpu.memref_slice %arg3[%dma_wait3A_1314, %dma_wait3A_1315] : memref<16x1000000xf32, #tpu.memory_space<hbm>> -> memref<16x128xf32, #tpu.memory_space<hbm>>
      tpu.wait_indirect_dma semaphore(%arg8 : memref<!tpu.dma_semaphore, #tpu.memory_space<semaphore_mem>>) src(%dma_wait3A_1316 : memref<16x128xf32, #tpu.memory_space<hbm>>) dst(%dma_wait3A_1313 : memref<16x128xf32, #tpu.memory_space<vmem>>)
      %dma_wait3A_1317 = arith.constant 0 : i32
      %dma_wait3A_1318 = arith.constant 11 : i32
      %dma_wait3A_1319 = arith.constant 0 : i32
      %dma_wait3A_1320 = arith.constant 0 : i32
      %dma_wait3A_1321 = tpu.memref_slice %arg6[%dma_wait3A_1317, %dma_wait3A_1318, %dma_wait3A_1319, %dma_wait3A_1320] : memref<2x16x16x128xf32, #tpu.memory_space<vmem>> -> memref<1x1x16x128xf32, #tpu.memory_space<vmem>>
      %dma_wait3A_1322 = tpu.memref_squeeze %dma_wait3A_1321 : memref<1x1x16x128xf32, #tpu.memory_space<vmem>> -> memref<16x128xf32, #tpu.memory_space<vmem>>
      %dma_wait3A_1323 = arith.constant 0 : i32
      %dma_wait3A_1324 = arith.constant 0 : i32
      %dma_wait3A_1325 = tpu.memref_slice %arg3[%dma_wait3A_1323, %dma_wait3A_1324] : memref<16x1000000xf32, #tpu.memory_space<hbm>> -> memref<16x128xf32, #tpu.memory_space<hbm>>
      tpu.wait_indirect_dma semaphore(%arg8 : memref<!tpu.dma_semaphore, #tpu.memory_space<semaphore_mem>>) src(%dma_wait3A_1325 : memref<16x128xf32, #tpu.memory_space<hbm>>) dst(%dma_wait3A_1322 : memref<16x128xf32, #tpu.memory_space<vmem>>)
      %dma_wait3A_1326 = arith.constant 0 : i32
      %dma_wait3A_1327 = arith.constant 12 : i32
      %dma_wait3A_1328 = arith.constant 0 : i32
      %dma_wait3A_1329 = arith.constant 0 : i32
      %dma_wait3A_1330 = tpu.memref_slice %arg6[%dma_wait3A_1326, %dma_wait3A_1327, %dma_wait3A_1328, %dma_wait3A_1329] : memref<2x16x16x128xf32, #tpu.memory_space<vmem>> -> memref<1x1x16x128xf32, #tpu.memory_space<vmem>>
      %dma_wait3A_1331 = tpu.memref_squeeze %dma_wait3A_1330 : memref<1x1x16x128xf32, #tpu.memory_space<vmem>> -> memref<16x128xf32, #tpu.memory_space<vmem>>
      %dma_wait3A_1332 = arith.constant 0 : i32
      %dma_wait3A_1333 = arith.constant 0 : i32
      %dma_wait3A_1334 = tpu.memref_slice %arg3[%dma_wait3A_1332, %dma_wait3A_1333] : memref<16x1000000xf32, #tpu.memory_space<hbm>> -> memref<16x128xf32, #tpu.memory_space<hbm>>
      tpu.wait_indirect_dma semaphore(%arg8 : memref<!tpu.dma_semaphore, #tpu.memory_space<semaphore_mem>>) src(%dma_wait3A_1334 : memref<16x128xf32, #tpu.memory_space<hbm>>) dst(%dma_wait3A_1331 : memref<16x128xf32, #tpu.memory_space<vmem>>)
      %dma_wait3A_1335 = arith.constant 0 : i32
      %dma_wait3A_1336 = arith.constant 13 : i32
      %dma_wait3A_1337 = arith.constant 0 : i32
      %dma_wait3A_1338 = arith.constant 0 : i32
      %dma_wait3A_1339 = tpu.memref_slice %arg6[%dma_wait3A_1335, %dma_wait3A_1336, %dma_wait3A_1337, %dma_wait3A_1338] : memref<2x16x16x128xf32, #tpu.memory_space<vmem>> -> memref<1x1x16x128xf32, #tpu.memory_space<vmem>>
      %dma_wait3A_1340 = tpu.memref_squeeze %dma_wait3A_1339 : memref<1x1x16x128xf32, #tpu.memory_space<vmem>> -> memref<16x128xf32, #tpu.memory_space<vmem>>
      %dma_wait3A_1341 = arith.constant 0 : i32
      %dma_wait3A_1342 = arith.constant 0 : i32
      %dma_wait3A_1343 = tpu.memref_slice %arg3[%dma_wait3A_1341, %dma_wait3A_1342] : memref<16x1000000xf32, #tpu.memory_space<hbm>> -> memref<16x128xf32, #tpu.memory_space<hbm>>
      tpu.wait_indirect_dma semaphore(%arg8 : memref<!tpu.dma_semaphore, #tpu.memory_space<semaphore_mem>>) src(%dma_wait3A_1343 : memref<16x128xf32, #tpu.memory_space<hbm>>) dst(%dma_wait3A_1340 : memref<16x128xf32, #tpu.memory_space<vmem>>)
      %dma_wait3A_1344 = arith.constant 0 : i32
      %dma_wait3A_1345 = arith.constant 14 : i32
      %dma_wait3A_1346 = arith.constant 0 : i32
      %dma_wait3A_1347 = arith.constant 0 : i32
      %dma_wait3A_1348 = tpu.memref_slice %arg6[%dma_wait3A_1344, %dma_wait3A_1345, %dma_wait3A_1346, %dma_wait3A_1347] : memref<2x16x16x128xf32, #tpu.memory_space<vmem>> -> memref<1x1x16x128xf32, #tpu.memory_space<vmem>>
      %dma_wait3A_1349 = tpu.memref_squeeze %dma_wait3A_1348 : memref<1x1x16x128xf32, #tpu.memory_space<vmem>> -> memref<16x128xf32, #tpu.memory_space<vmem>>
      %dma_wait3A_1350 = arith.constant 0 : i32
      %dma_wait3A_1351 = arith.constant 0 : i32
      %dma_wait3A_1352 = tpu.memref_slice %arg3[%dma_wait3A_1350, %dma_wait3A_1351] : memref<16x1000000xf32, #tpu.memory_space<hbm>> -> memref<16x128xf32, #tpu.memory_space<hbm>>
      tpu.wait_indirect_dma semaphore(%arg8 : memref<!tpu.dma_semaphore, #tpu.memory_space<semaphore_mem>>) src(%dma_wait3A_1352 : memref<16x128xf32, #tpu.memory_space<hbm>>) dst(%dma_wait3A_1349 : memref<16x128xf32, #tpu.memory_space<vmem>>)
      %dma_wait3A_1353 = arith.constant 0 : i32
      %dma_wait3A_1354 = arith.constant 15 : i32
      %dma_wait3A_1355 = arith.constant 0 : i32
      %dma_wait3A_1356 = arith.constant 0 : i32
      %dma_wait3A_1357 = tpu.memref_slice %arg6[%dma_wait3A_1353, %dma_wait3A_1354, %dma_wait3A_1355, %dma_wait3A_1356] : memref<2x16x16x128xf32, #tpu.memory_space<vmem>> -> memref<1x1x16x128xf32, #tpu.memory_space<vmem>>
      %dma_wait3A_1358 = tpu.memref_squeeze %dma_wait3A_1357 : memref<1x1x16x128xf32, #tpu.memory_space<vmem>> -> memref<16x128xf32, #tpu.memory_space<vmem>>
      %dma_wait3A_1359 = arith.constant 0 : i32
      %dma_wait3A_1360 = arith.constant 0 : i32
      %dma_wait3A_1361 = tpu.memref_slice %arg3[%dma_wait3A_1359, %dma_wait3A_1360] : memref<16x1000000xf32, #tpu.memory_space<hbm>> -> memref<16x128xf32, #tpu.memory_space<hbm>>
      tpu.wait_indirect_dma semaphore(%arg8 : memref<!tpu.dma_semaphore, #tpu.memory_space<semaphore_mem>>) src(%dma_wait3A_1361 : memref<16x128xf32, #tpu.memory_space<hbm>>) dst(%dma_wait3A_1358 : memref<16x128xf32, #tpu.memory_space<vmem>>)
      %broadcast_in_dim3A_1362 = arith.constant 0 : i32
      %broadcast_in_dim3A_1363 = vector.broadcast %broadcast_in_dim3A_1362 : i32 to vector<16xi32>
      %gather3A = tpu.vector_load_idx %arg6[%broadcast_in_dim3A_1218, %iota3A, %broadcast_in_dim3A_1363, %select_n3A_1217] : memref<2x16x16x128xf32, #tpu.memory_space<vmem>>[vector<16xi32>, vector<16xi32>, vector<16xi32>, vector<16xi32>], vector<16xf32>,
      %mul3A_1364 = arith.constant 16 : i32
      %mul3A_1365 = arith.muli %mul3A_593, %mul3A_1364 : i32
      %swap3A = arith.constant 0 : i32
      %swap3A_1366 = arith.index_cast %swap3A : i32 to index
      %swap3A_1367 = arith.index_cast %mul3A_1365 : i32 to index
      %swap3A_1368 = tpu.vector_load %arg7[%swap3A_1366, %swap3A_1367] {strides = array<i32>} : memref<16x512xf32, #tpu.memory_space<vmem>>, vector<16xf32>,
      tpu.vector_store %arg7[%swap3A_1366, %swap3A_1367], %gather3A {strides = array<i32>} : memref<16x512xf32, #tpu.memory_space<vmem>>, vector<16xf32>,
      %broadcast_in_dim3A_1369 = arith.constant 1 : i32
      %broadcast_in_dim3A_1370 = vector.broadcast %broadcast_in_dim3A_1369 : i32 to vector<16xi32>
      %gather3A_1371 = tpu.vector_load_idx %arg6[%broadcast_in_dim3A_1218, %iota3A, %broadcast_in_dim3A_1370, %select_n3A_1217] : memref<2x16x16x128xf32, #tpu.memory_space<vmem>>[vector<16xi32>, vector<16xi32>, vector<16xi32>, vector<16xi32>], vector<16xf32>,
      %mul3A_1372 = arith.constant 16 : i32
      %mul3A_1373 = arith.muli %mul3A_593, %mul3A_1372 : i32
      %swap3A_1374 = arith.constant 1 : i32
      %swap3A_1375 = arith.index_cast %swap3A_1374 : i32 to index
      %swap3A_1376 = arith.index_cast %mul3A_1373 : i32 to index
      %swap3A_1377 = tpu.vector_load %arg7[%swap3A_1375, %swap3A_1376] {strides = array<i32>} : memref<16x512xf32, #tpu.memory_space<vmem>>, vector<16xf32>,
      tpu.vector_store %arg7[%swap3A_1375, %swap3A_1376], %gather3A_1371 {strides = array<i32>} : memref<16x512xf32, #tpu.memory_space<vmem>>, vector<16xf32>,
      %broadcast_in_dim3A_1378 = arith.constant 2 : i32
      %broadcast_in_dim3A_1379 = vector.broadcast %broadcast_in_dim3A_1378 : i32 to vector<16xi32>
      %gather3A_1380 = tpu.vector_load_idx %arg6[%broadcast_in_dim3A_1218, %iota3A, %broadcast_in_dim3A_1379, %select_n3A_1217] : memref<2x16x16x128xf32, #tpu.memory_space<vmem>>[vector<16xi32>, vector<16xi32>, vector<16xi32>, vector<16xi32>], vector<16xf32>,
      %mul3A_1381 = arith.constant 16 : i32
      %mul3A_1382 = arith.muli %mul3A_593, %mul3A_1381 : i32
      %swap3A_1383 = arith.constant 2 : i32
      %swap3A_1384 = arith.index_cast %swap3A_1383 : i32 to index
      %swap3A_1385 = arith.index_cast %mul3A_1382 : i32 to index
      %swap3A_1386 = tpu.vector_load %arg7[%swap3A_1384, %swap3A_1385] {strides = array<i32>} : memref<16x512xf32, #tpu.memory_space<vmem>>, vector<16xf32>,
      tpu.vector_store %arg7[%swap3A_1384, %swap3A_1385], %gather3A_1380 {strides = array<i32>} : memref<16x512xf32, #tpu.memory_space<vmem>>, vector<16xf32>,
      %broadcast_in_dim3A_1387 = arith.constant 3 : i32
      %broadcast_in_dim3A_1388 = vector.broadcast %broadcast_in_dim3A_1387 : i32 to vector<16xi32>
      %gather3A_1389 = tpu.vector_load_idx %arg6[%broadcast_in_dim3A_1218, %iota3A, %broadcast_in_dim3A_1388, %select_n3A_1217] : memref<2x16x16x128xf32, #tpu.memory_space<vmem>>[vector<16xi32>, vector<16xi32>, vector<16xi32>, vector<16xi32>], vector<16xf32>,
      %mul3A_1390 = arith.constant 16 : i32
      %mul3A_1391 = arith.muli %mul3A_593, %mul3A_1390 : i32
      %swap3A_1392 = arith.constant 3 : i32
      %swap3A_1393 = arith.index_cast %swap3A_1392 : i32 to index
      %swap3A_1394 = arith.index_cast %mul3A_1391 : i32 to index
      %swap3A_1395 = tpu.vector_load %arg7[%swap3A_1393, %swap3A_1394] {strides = array<i32>} : memref<16x512xf32, #tpu.memory_space<vmem>>, vector<16xf32>,
      tpu.vector_store %arg7[%swap3A_1393, %swap3A_1394], %gather3A_1389 {strides = array<i32>} : memref<16x512xf32, #tpu.memory_space<vmem>>, vector<16xf32>,
      %broadcast_in_dim3A_1396 = arith.constant 4 : i32
      %broadcast_in_dim3A_1397 = vector.broadcast %broadcast_in_dim3A_1396 : i32 to vector<16xi32>
      %gather3A_1398 = tpu.vector_load_idx %arg6[%broadcast_in_dim3A_1218, %iota3A, %broadcast_in_dim3A_1397, %select_n3A_1217] : memref<2x16x16x128xf32, #tpu.memory_space<vmem>>[vector<16xi32>, vector<16xi32>, vector<16xi32>, vector<16xi32>], vector<16xf32>,
      %mul3A_1399 = arith.constant 16 : i32
      %mul3A_1400 = arith.muli %mul3A_593, %mul3A_1399 : i32
      %swap3A_1401 = arith.constant 4 : i32
      %swap3A_1402 = arith.index_cast %swap3A_1401 : i32 to index
      %swap3A_1403 = arith.index_cast %mul3A_1400 : i32 to index
      %swap3A_1404 = tpu.vector_load %arg7[%swap3A_1402, %swap3A_1403] {strides = array<i32>} : memref<16x512xf32, #tpu.memory_space<vmem>>, vector<16xf32>,
      tpu.vector_store %arg7[%swap3A_1402, %swap3A_1403], %gather3A_1398 {strides = array<i32>} : memref<16x512xf32, #tpu.memory_space<vmem>>, vector<16xf32>,
      %broadcast_in_dim3A_1405 = arith.constant 5 : i32
      %broadcast_in_dim3A_1406 = vector.broadcast %broadcast_in_dim3A_1405 : i32 to vector<16xi32>
      %gather3A_1407 = tpu.vector_load_idx %arg6[%broadcast_in_dim3A_1218, %iota3A, %broadcast_in_dim3A_1406, %select_n3A_1217] : memref<2x16x16x128xf32, #tpu.memory_space<vmem>>[vector<16xi32>, vector<16xi32>, vector<16xi32>, vector<16xi32>], vector<16xf32>,
      %mul3A_1408 = arith.constant 16 : i32
      %mul3A_1409 = arith.muli %mul3A_593, %mul3A_1408 : i32
      %swap3A_1410 = arith.constant 5 : i32
      %swap3A_1411 = arith.index_cast %swap3A_1410 : i32 to index
      %swap3A_1412 = arith.index_cast %mul3A_1409 : i32 to index
      %swap3A_1413 = tpu.vector_load %arg7[%swap3A_1411, %swap3A_1412] {strides = array<i32>} : memref<16x512xf32, #tpu.memory_space<vmem>>, vector<16xf32>,
      tpu.vector_store %arg7[%swap3A_1411, %swap3A_1412], %gather3A_1407 {strides = array<i32>} : memref<16x512xf32, #tpu.memory_space<vmem>>, vector<16xf32>,
      %broadcast_in_dim3A_1414 = arith.constant 6 : i32
      %broadcast_in_dim3A_1415 = vector.broadcast %broadcast_in_dim3A_1414 : i32 to vector<16xi32>
      %gather3A_1416 = tpu.vector_load_idx %arg6[%broadcast_in_dim3A_1218, %iota3A, %broadcast_in_dim3A_1415, %select_n3A_1217] : memref<2x16x16x128xf32, #tpu.memory_space<vmem>>[vector<16xi32>, vector<16xi32>, vector<16xi32>, vector<16xi32>], vector<16xf32>,
      %mul3A_1417 = arith.constant 16 : i32
      %mul3A_1418 = arith.muli %mul3A_593, %mul3A_1417 : i32
      %swap3A_1419 = arith.constant 6 : i32
      %swap3A_1420 = arith.index_cast %swap3A_1419 : i32 to index
      %swap3A_1421 = arith.index_cast %mul3A_1418 : i32 to index
      %swap3A_1422 = tpu.vector_load %arg7[%swap3A_1420, %swap3A_1421] {strides = array<i32>} : memref<16x512xf32, #tpu.memory_space<vmem>>, vector<16xf32>,
      tpu.vector_store %arg7[%swap3A_1420, %swap3A_1421], %gather3A_1416 {strides = array<i32>} : memref<16x512xf32, #tpu.memory_space<vmem>>, vector<16xf32>,
      %broadcast_in_dim3A_1423 = arith.constant 7 : i32
      %broadcast_in_dim3A_1424 = vector.broadcast %broadcast_in_dim3A_1423 : i32 to vector<16xi32>
      %gather3A_1425 = tpu.vector_load_idx %arg6[%broadcast_in_dim3A_1218, %iota3A, %broadcast_in_dim3A_1424, %select_n3A_1217] : memref<2x16x16x128xf32, #tpu.memory_space<vmem>>[vector<16xi32>, vector<16xi32>, vector<16xi32>, vector<16xi32>], vector<16xf32>,
      %mul3A_1426 = arith.constant 16 : i32
      %mul3A_1427 = arith.muli %mul3A_593, %mul3A_1426 : i32
      %swap3A_1428 = arith.constant 7 : i32
      %swap3A_1429 = arith.index_cast %swap3A_1428 : i32 to index
      %swap3A_1430 = arith.index_cast %mul3A_1427 : i32 to index
      %swap3A_1431 = tpu.vector_load %arg7[%swap3A_1429, %swap3A_1430] {strides = array<i32>} : memref<16x512xf32, #tpu.memory_space<vmem>>, vector<16xf32>,
      tpu.vector_store %arg7[%swap3A_1429, %swap3A_1430], %gather3A_1425 {strides = array<i32>} : memref<16x512xf32, #tpu.memory_space<vmem>>, vector<16xf32>,
      %broadcast_in_dim3A_1432 = arith.constant 8 : i32
      %broadcast_in_dim3A_1433 = vector.broadcast %broadcast_in_dim3A_1432 : i32 to vector<16xi32>
      %gather3A_1434 = tpu.vector_load_idx %arg6[%broadcast_in_dim3A_1218, %iota3A, %broadcast_in_dim3A_1433, %select_n3A_1217] : memref<2x16x16x128xf32, #tpu.memory_space<vmem>>[vector<16xi32>, vector<16xi32>, vector<16xi32>, vector<16xi32>], vector<16xf32>,
      %mul3A_1435 = arith.constant 16 : i32
      %mul3A_1436 = arith.muli %mul3A_593, %mul3A_1435 : i32
      %swap3A_1437 = arith.constant 8 : i32
      %swap3A_1438 = arith.index_cast %swap3A_1437 : i32 to index
      %swap3A_1439 = arith.index_cast %mul3A_1436 : i32 to index
      %swap3A_1440 = tpu.vector_load %arg7[%swap3A_1438, %swap3A_1439] {strides = array<i32>} : memref<16x512xf32, #tpu.memory_space<vmem>>, vector<16xf32>,
      tpu.vector_store %arg7[%swap3A_1438, %swap3A_1439], %gather3A_1434 {strides = array<i32>} : memref<16x512xf32, #tpu.memory_space<vmem>>, vector<16xf32>,
      %broadcast_in_dim3A_1441 = arith.constant 9 : i32
      %broadcast_in_dim3A_1442 = vector.broadcast %broadcast_in_dim3A_1441 : i32 to vector<16xi32>
      %gather3A_1443 = tpu.vector_load_idx %arg6[%broadcast_in_dim3A_1218, %iota3A, %broadcast_in_dim3A_1442, %select_n3A_1217] : memref<2x16x16x128xf32, #tpu.memory_space<vmem>>[vector<16xi32>, vector<16xi32>, vector<16xi32>, vector<16xi32>], vector<16xf32>,
      %mul3A_1444 = arith.constant 16 : i32
      %mul3A_1445 = arith.muli %mul3A_593, %mul3A_1444 : i32
      %swap3A_1446 = arith.constant 9 : i32
      %swap3A_1447 = arith.index_cast %swap3A_1446 : i32 to index
      %swap3A_1448 = arith.index_cast %mul3A_1445 : i32 to index
      %swap3A_1449 = tpu.vector_load %arg7[%swap3A_1447, %swap3A_1448] {strides = array<i32>} : memref<16x512xf32, #tpu.memory_space<vmem>>, vector<16xf32>,
      tpu.vector_store %arg7[%swap3A_1447, %swap3A_1448], %gather3A_1443 {strides = array<i32>} : memref<16x512xf32, #tpu.memory_space<vmem>>, vector<16xf32>,
      %broadcast_in_dim3A_1450 = arith.constant 10 : i32
      %broadcast_in_dim3A_1451 = vector.broadcast %broadcast_in_dim3A_1450 : i32 to vector<16xi32>
      %gather3A_1452 = tpu.vector_load_idx %arg6[%broadcast_in_dim3A_1218, %iota3A, %broadcast_in_dim3A_1451, %select_n3A_1217] : memref<2x16x16x128xf32, #tpu.memory_space<vmem>>[vector<16xi32>, vector<16xi32>, vector<16xi32>, vector<16xi32>], vector<16xf32>,
      %mul3A_1453 = arith.constant 16 : i32
      %mul3A_1454 = arith.muli %mul3A_593, %mul3A_1453 : i32
      %swap3A_1455 = arith.constant 10 : i32
      %swap3A_1456 = arith.index_cast %swap3A_1455 : i32 to index
      %swap3A_1457 = arith.index_cast %mul3A_1454 : i32 to index
      %swap3A_1458 = tpu.vector_load %arg7[%swap3A_1456, %swap3A_1457] {strides = array<i32>} : memref<16x512xf32, #tpu.memory_space<vmem>>, vector<16xf32>,
      tpu.vector_store %arg7[%swap3A_1456, %swap3A_1457], %gather3A_1452 {strides = array<i32>} : memref<16x512xf32, #tpu.memory_space<vmem>>, vector<16xf32>,
      %broadcast_in_dim3A_1459 = arith.constant 11 : i32
      %broadcast_in_dim3A_1460 = vector.broadcast %broadcast_in_dim3A_1459 : i32 to vector<16xi32>
      %gather3A_1461 = tpu.vector_load_idx %arg6[%broadcast_in_dim3A_1218, %iota3A, %broadcast_in_dim3A_1460, %select_n3A_1217] : memref<2x16x16x128xf32, #tpu.memory_space<vmem>>[vector<16xi32>, vector<16xi32>, vector<16xi32>, vector<16xi32>], vector<16xf32>,
      %mul3A_1462 = arith.constant 16 : i32
      %mul3A_1463 = arith.muli %mul3A_593, %mul3A_1462 : i32
      %swap3A_1464 = arith.constant 11 : i32
      %swap3A_1465 = arith.index_cast %swap3A_1464 : i32 to index
      %swap3A_1466 = arith.index_cast %mul3A_1463 : i32 to index
      %swap3A_1467 = tpu.vector_load %arg7[%swap3A_1465, %swap3A_1466] {strides = array<i32>} : memref<16x512xf32, #tpu.memory_space<vmem>>, vector<16xf32>,
      tpu.vector_store %arg7[%swap3A_1465, %swap3A_1466], %gather3A_1461 {strides = array<i32>} : memref<16x512xf32, #tpu.memory_space<vmem>>, vector<16xf32>,
      %broadcast_in_dim3A_1468 = arith.constant 12 : i32
      %broadcast_in_dim3A_1469 = vector.broadcast %broadcast_in_dim3A_1468 : i32 to vector<16xi32>
      %gather3A_1470 = tpu.vector_load_idx %arg6[%broadcast_in_dim3A_1218, %iota3A, %broadcast_in_dim3A_1469, %select_n3A_1217] : memref<2x16x16x128xf32, #tpu.memory_space<vmem>>[vector<16xi32>, vector<16xi32>, vector<16xi32>, vector<16xi32>], vector<16xf32>,
      %mul3A_1471 = arith.constant 16 : i32
      %mul3A_1472 = arith.muli %mul3A_593, %mul3A_1471 : i32
      %swap3A_1473 = arith.constant 12 : i32
      %swap3A_1474 = arith.index_cast %swap3A_1473 : i32 to index
      %swap3A_1475 = arith.index_cast %mul3A_1472 : i32 to index
      %swap3A_1476 = tpu.vector_load %arg7[%swap3A_1474, %swap3A_1475] {strides = array<i32>} : memref<16x512xf32, #tpu.memory_space<vmem>>, vector<16xf32>,
      tpu.vector_store %arg7[%swap3A_1474, %swap3A_1475], %gather3A_1470 {strides = array<i32>} : memref<16x512xf32, #tpu.memory_space<vmem>>, vector<16xf32>,
      %broadcast_in_dim3A_1477 = arith.constant 13 : i32
      %broadcast_in_dim3A_1478 = vector.broadcast %broadcast_in_dim3A_1477 : i32 to vector<16xi32>
      %gather3A_1479 = tpu.vector_load_idx %arg6[%broadcast_in_dim3A_1218, %iota3A, %broadcast_in_dim3A_1478, %select_n3A_1217] : memref<2x16x16x128xf32, #tpu.memory_space<vmem>>[vector<16xi32>, vector<16xi32>, vector<16xi32>, vector<16xi32>], vector<16xf32>,
      %mul3A_1480 = arith.constant 16 : i32
      %mul3A_1481 = arith.muli %mul3A_593, %mul3A_1480 : i32
      %swap3A_1482 = arith.constant 13 : i32
      %swap3A_1483 = arith.index_cast %swap3A_1482 : i32 to index
      %swap3A_1484 = arith.index_cast %mul3A_1481 : i32 to index
      %swap3A_1485 = tpu.vector_load %arg7[%swap3A_1483, %swap3A_1484] {strides = array<i32>} : memref<16x512xf32, #tpu.memory_space<vmem>>, vector<16xf32>,
      tpu.vector_store %arg7[%swap3A_1483, %swap3A_1484], %gather3A_1479 {strides = array<i32>} : memref<16x512xf32, #tpu.memory_space<vmem>>, vector<16xf32>,
      %broadcast_in_dim3A_1486 = arith.constant 14 : i32
      %broadcast_in_dim3A_1487 = vector.broadcast %broadcast_in_dim3A_1486 : i32 to vector<16xi32>
      %gather3A_1488 = tpu.vector_load_idx %arg6[%broadcast_in_dim3A_1218, %iota3A, %broadcast_in_dim3A_1487, %select_n3A_1217] : memref<2x16x16x128xf32, #tpu.memory_space<vmem>>[vector<16xi32>, vector<16xi32>, vector<16xi32>, vector<16xi32>], vector<16xf32>,
      %mul3A_1489 = arith.constant 16 : i32
      %mul3A_1490 = arith.muli %mul3A_593, %mul3A_1489 : i32
      %swap3A_1491 = arith.constant 14 : i32
      %swap3A_1492 = arith.index_cast %swap3A_1491 : i32 to index
      %swap3A_1493 = arith.index_cast %mul3A_1490 : i32 to index
      %swap3A_1494 = tpu.vector_load %arg7[%swap3A_1492, %swap3A_1493] {strides = array<i32>} : memref<16x512xf32, #tpu.memory_space<vmem>>, vector<16xf32>,
      tpu.vector_store %arg7[%swap3A_1492, %swap3A_1493], %gather3A_1488 {strides = array<i32>} : memref<16x512xf32, #tpu.memory_space<vmem>>, vector<16xf32>,
      %broadcast_in_dim3A_1495 = arith.constant 15 : i32
      %broadcast_in_dim3A_1496 = vector.broadcast %broadcast_in_dim3A_1495 : i32 to vector<16xi32>
      %gather3A_1497 = tpu.vector_load_idx %arg6[%broadcast_in_dim3A_1218, %iota3A, %broadcast_in_dim3A_1496, %select_n3A_1217] : memref<2x16x16x128xf32, #tpu.memory_space<vmem>>[vector<16xi32>, vector<16xi32>, vector<16xi32>, vector<16xi32>], vector<16xf32>,
      %mul3A_1498 = arith.constant 16 : i32
      %mul3A_1499 = arith.muli %mul3A_593, %mul3A_1498 : i32
      %swap3A_1500 = arith.constant 15 : i32
      %swap3A_1501 = arith.index_cast %swap3A_1500 : i32 to index
      %swap3A_1502 = arith.index_cast %mul3A_1499 : i32 to index
      %swap3A_1503 = tpu.vector_load %arg7[%swap3A_1501, %swap3A_1502] {strides = array<i32>} : memref<16x512xf32, #tpu.memory_space<vmem>>, vector<16xf32>,
      tpu.vector_store %arg7[%swap3A_1501, %swap3A_1502], %gather3A_1497 {strides = array<i32>} : memref<16x512xf32, #tpu.memory_space<vmem>>, vector<16xf32>,
      %lt3A_1504 = arith.constant 15 : i32
      %lt3A_1505 = arith.cmpi slt, %scan3A_591, %lt3A_1504 : i32
      %convert_element_type3A = arith.extui %lt3A_1505 : i1 to i32
      %cond3A = arith.constant 0 : i32
      %cond3A_1506 = arith.cmpi ne, %convert_element_type3A, %cond3A : i32
      scf.if %cond3A_1506 {
        %mul3A_1807 = arith.constant 2 : i32
        %mul3A_1808 = arith.muli %mul3A_1807, %scan3A_591 : i32
        %add3A_1809 = arith.constant 2 : i32
        %add3A_1810 = arith.addi %mul3A_1808, %add3A_1809 : i32
        %mul3A_1811 = arith.constant 16 : i32
        %mul3A_1812 = arith.muli %add3A_1810, %mul3A_1811 : i32
        %get3A_1813 = arith.index_cast %mul3A_1812 : i32 to index
        %get3A_1814 = tpu.vector_load %arg5[%get3A_1813] {strides = array<i32>} : memref<512xi32, #tpu.memory_space<vmem>>, vector<16xi32>,
        %slice3A_1815 = vector.extract_strided_slice %get3A_1814 {offsets = [0], sizes = [1], strides = [1]} : vector<16xi32> to vector<1xi32>
        %squeeze3A_1816 = vector.extract %slice3A_1815[0] : i32 from vector<1xi32>
        %jit3A_1817 = arith.constant 128 : i32
        %div3A_1818 = arith.divsi %squeeze3A_1816, %jit3A_1817 : i32
        %sign3A_1819 = arith.constant 0 : i32
        %sign3A_1820 = arith.cmpi sgt, %squeeze3A_1816, %sign3A_1819 : i32
        %sign3A_1821 = arith.extui %sign3A_1820 : i1 to i32
        %sign3A_1822 = arith.constant 0 : i32
        %sign3A_1823 = arith.cmpi slt, %squeeze3A_1816, %sign3A_1822 : i32
        %sign3A_1824 = arith.extui %sign3A_1823 : i1 to i32
        %sign3A_1825 = arith.subi %sign3A_1821, %sign3A_1824 : i32
        %sign3A_1826 = arith.constant 0 : i32
        %sign3A_1827 = arith.cmpi sgt, %jit3A_1817, %sign3A_1826 : i32
        %sign3A_1828 = arith.extui %sign3A_1827 : i1 to i32
        %sign3A_1829 = arith.constant 0 : i32
        %sign3A_1830 = arith.cmpi slt, %jit3A_1817, %sign3A_1829 : i32
        %sign3A_1831 = arith.extui %sign3A_1830 : i1 to i32
        %sign3A_1832 = arith.subi %sign3A_1828, %sign3A_1831 : i32
        %ne3A_1833 = arith.cmpi ne, %sign3A_1825, %sign3A_1832 : i32
        %rem3A_1834 = arith.remsi %squeeze3A_1816, %jit3A_1817 : i32
        %ne3A_1835 = arith.constant 0 : i32
        %ne3A_1836 = arith.cmpi ne, %rem3A_1834, %ne3A_1835 : i32
        %and3A_1837 = arith.andi %ne3A_1833, %ne3A_1836 : i1
        %sub3A_1838 = arith.constant 1 : i32
        %sub3A_1839 = arith.subi %div3A_1818, %sub3A_1838 : i32
        %select_n3A_1840 = arith.select %and3A_1837, %sub3A_1839, %div3A_1818 : i32
        %mul3A_1841 = arith.constant 128 : i32
        %mul3A_1842 = arith.muli %select_n3A_1840, %mul3A_1841 : i32
        %multiple_of3A_1843 = tpu.assume_multiple %mul3A_1842, 128 : i32
        %dma_start3A_1844 = arith.constant 0 : i32
        %dma_start3A_1845 = arith.constant 0 : i32
        %dma_start3A_1846 = arith.constant 0 : i32
        %dma_start3A_1847 = arith.constant 0 : i32
        %dma_start3A_1848 = tpu.memref_slice %arg6[%dma_start3A_1844, %dma_start3A_1845, %dma_start3A_1846, %dma_start3A_1847] : memref<2x16x16x128xf32, #tpu.memory_space<vmem>> -> memref<1x1x16x128xf32, #tpu.memory_space<vmem>>
        %dma_start3A_1849 = tpu.memref_squeeze %dma_start3A_1848 : memref<1x1x16x128xf32, #tpu.memory_space<vmem>> -> memref<16x128xf32, #tpu.memory_space<vmem>>
        %dma_start3A_1850 = arith.constant 0 : i32
        %dma_start3A_1851 = tpu.memref_slice %arg3[%dma_start3A_1850, %multiple_of3A_1843] : memref<16x1000000xf32, #tpu.memory_space<hbm>> -> memref<16x128xf32, #tpu.memory_space<hbm>>
        tpu.enqueue_indirect_dma source(%dma_start3A_1851 : memref<16x128xf32, #tpu.memory_space<hbm>>) target(%dma_start3A_1849 : memref<16x128xf32, #tpu.memory_space<vmem>>) offsets(%iota3A : vector<16xi32>) semaphore(%arg8 : memref<!tpu.dma_semaphore, #tpu.memory_space<semaphore_mem>>)
        %slice3A_1852 = vector.extract_strided_slice %get3A_1814 {offsets = [1], sizes = [1], strides = [1]} : vector<16xi32> to vector<1xi32>
        %squeeze3A_1853 = vector.extract %slice3A_1852[0] : i32 from vector<1xi32>
        %jit3A_1854 = arith.constant 128 : i32
        %div3A_1855 = arith.divsi %squeeze3A_1853, %jit3A_1854 : i32
        %sign3A_1856 = arith.constant 0 : i32
        %sign3A_1857 = arith.cmpi sgt, %squeeze3A_1853, %sign3A_1856 : i32
        %sign3A_1858 = arith.extui %sign3A_1857 : i1 to i32
        %sign3A_1859 = arith.constant 0 : i32
        %sign3A_1860 = arith.cmpi slt, %squeeze3A_1853, %sign3A_1859 : i32
        %sign3A_1861 = arith.extui %sign3A_1860 : i1 to i32
        %sign3A_1862 = arith.subi %sign3A_1858, %sign3A_1861 : i32
        %sign3A_1863 = arith.constant 0 : i32
        %sign3A_1864 = arith.cmpi sgt, %jit3A_1854, %sign3A_1863 : i32
        %sign3A_1865 = arith.extui %sign3A_1864 : i1 to i32
        %sign3A_1866 = arith.constant 0 : i32
        %sign3A_1867 = arith.cmpi slt, %jit3A_1854, %sign3A_1866 : i32
        %sign3A_1868 = arith.extui %sign3A_1867 : i1 to i32
        %sign3A_1869 = arith.subi %sign3A_1865, %sign3A_1868 : i32
        %ne3A_1870 = arith.cmpi ne, %sign3A_1862, %sign3A_1869 : i32
        %rem3A_1871 = arith.remsi %squeeze3A_1853, %jit3A_1854 : i32
        %ne3A_1872 = arith.constant 0 : i32
        %ne3A_1873 = arith.cmpi ne, %rem3A_1871, %ne3A_1872 : i32
        %and3A_1874 = arith.andi %ne3A_1870, %ne3A_1873 : i1
        %sub3A_1875 = arith.constant 1 : i32
        %sub3A_1876 = arith.subi %div3A_1855, %sub3A_1875 : i32
        %select_n3A_1877 = arith.select %and3A_1874, %sub3A_1876, %div3A_1855 : i32
        %mul3A_1878 = arith.constant 128 : i32
        %mul3A_1879 = arith.muli %select_n3A_1877, %mul3A_1878 : i32
        %multiple_of3A_1880 = tpu.assume_multiple %mul3A_1879, 128 : i32
        %dma_start3A_1881 = arith.constant 0 : i32
        %dma_start3A_1882 = arith.constant 1 : i32
        %dma_start3A_1883 = arith.constant 0 : i32
        %dma_start3A_1884 = arith.constant 0 : i32
        %dma_start3A_1885 = tpu.memref_slice %arg6[%dma_start3A_1881, %dma_start3A_1882, %dma_start3A_1883, %dma_start3A_1884] : memref<2x16x16x128xf32, #tpu.memory_space<vmem>> -> memref<1x1x16x128xf32, #tpu.memory_space<vmem>>
        %dma_start3A_1886 = tpu.memref_squeeze %dma_start3A_1885 : memref<1x1x16x128xf32, #tpu.memory_space<vmem>> -> memref<16x128xf32, #tpu.memory_space<vmem>>
        %dma_start3A_1887 = arith.constant 0 : i32
        %dma_start3A_1888 = tpu.memref_slice %arg3[%dma_start3A_1887, %multiple_of3A_1880] : memref<16x1000000xf32, #tpu.memory_space<hbm>> -> memref<16x128xf32, #tpu.memory_space<hbm>>
        tpu.enqueue_indirect_dma source(%dma_start3A_1888 : memref<16x128xf32, #tpu.memory_space<hbm>>) target(%dma_start3A_1886 : memref<16x128xf32, #tpu.memory_space<vmem>>) offsets(%iota3A : vector<16xi32>) semaphore(%arg8 : memref<!tpu.dma_semaphore, #tpu.memory_space<semaphore_mem>>)
        %slice3A_1889 = vector.extract_strided_slice %get3A_1814 {offsets = [2], sizes = [1], strides = [1]} : vector<16xi32> to vector<1xi32>
        %squeeze3A_1890 = vector.extract %slice3A_1889[0] : i32 from vector<1xi32>
        %jit3A_1891 = arith.constant 128 : i32
        %div3A_1892 = arith.divsi %squeeze3A_1890, %jit3A_1891 : i32
        %sign3A_1893 = arith.constant 0 : i32
        %sign3A_1894 = arith.cmpi sgt, %squeeze3A_1890, %sign3A_1893 : i32
        %sign3A_1895 = arith.extui %sign3A_1894 : i1 to i32
        %sign3A_1896 = arith.constant 0 : i32
        %sign3A_1897 = arith.cmpi slt, %squeeze3A_1890, %sign3A_1896 : i32
        %sign3A_1898 = arith.extui %sign3A_1897 : i1 to i32
        %sign3A_1899 = arith.subi %sign3A_1895, %sign3A_1898 : i32
        %sign3A_1900 = arith.constant 0 : i32
        %sign3A_1901 = arith.cmpi sgt, %jit3A_1891, %sign3A_1900 : i32
        %sign3A_1902 = arith.extui %sign3A_1901 : i1 to i32
        %sign3A_1903 = arith.constant 0 : i32
        %sign3A_1904 = arith.cmpi slt, %jit3A_1891, %sign3A_1903 : i32
        %sign3A_1905 = arith.extui %sign3A_1904 : i1 to i32
        %sign3A_1906 = arith.subi %sign3A_1902, %sign3A_1905 : i32
        %ne3A_1907 = arith.cmpi ne, %sign3A_1899, %sign3A_1906 : i32
        %rem3A_1908 = arith.remsi %squeeze3A_1890, %jit3A_1891 : i32
        %ne3A_1909 = arith.constant 0 : i32
        %ne3A_1910 = arith.cmpi ne, %rem3A_1908, %ne3A_1909 : i32
        %and3A_1911 = arith.andi %ne3A_1907, %ne3A_1910 : i1
        %sub3A_1912 = arith.constant 1 : i32
        %sub3A_1913 = arith.subi %div3A_1892, %sub3A_1912 : i32
        %select_n3A_1914 = arith.select %and3A_1911, %sub3A_1913, %div3A_1892 : i32
        %mul3A_1915 = arith.constant 128 : i32
        %mul3A_1916 = arith.muli %select_n3A_1914, %mul3A_1915 : i32
        %multiple_of3A_1917 = tpu.assume_multiple %mul3A_1916, 128 : i32
        %dma_start3A_1918 = arith.constant 0 : i32
        %dma_start3A_1919 = arith.constant 2 : i32
        %dma_start3A_1920 = arith.constant 0 : i32
        %dma_start3A_1921 = arith.constant 0 : i32
        %dma_start3A_1922 = tpu.memref_slice %arg6[%dma_start3A_1918, %dma_start3A_1919, %dma_start3A_1920, %dma_start3A_1921] : memref<2x16x16x128xf32, #tpu.memory_space<vmem>> -> memref<1x1x16x128xf32, #tpu.memory_space<vmem>>
        %dma_start3A_1923 = tpu.memref_squeeze %dma_start3A_1922 : memref<1x1x16x128xf32, #tpu.memory_space<vmem>> -> memref<16x128xf32, #tpu.memory_space<vmem>>
        %dma_start3A_1924 = arith.constant 0 : i32
        %dma_start3A_1925 = tpu.memref_slice %arg3[%dma_start3A_1924, %multiple_of3A_1917] : memref<16x1000000xf32, #tpu.memory_space<hbm>> -> memref<16x128xf32, #tpu.memory_space<hbm>>
        tpu.enqueue_indirect_dma source(%dma_start3A_1925 : memref<16x128xf32, #tpu.memory_space<hbm>>) target(%dma_start3A_1923 : memref<16x128xf32, #tpu.memory_space<vmem>>) offsets(%iota3A : vector<16xi32>) semaphore(%arg8 : memref<!tpu.dma_semaphore, #tpu.memory_space<semaphore_mem>>)
        %slice3A_1926 = vector.extract_strided_slice %get3A_1814 {offsets = [3], sizes = [1], strides = [1]} : vector<16xi32> to vector<1xi32>
        %squeeze3A_1927 = vector.extract %slice3A_1926[0] : i32 from vector<1xi32>
        %jit3A_1928 = arith.constant 128 : i32
        %div3A_1929 = arith.divsi %squeeze3A_1927, %jit3A_1928 : i32
        %sign3A_1930 = arith.constant 0 : i32
        %sign3A_1931 = arith.cmpi sgt, %squeeze3A_1927, %sign3A_1930 : i32
        %sign3A_1932 = arith.extui %sign3A_1931 : i1 to i32
        %sign3A_1933 = arith.constant 0 : i32
        %sign3A_1934 = arith.cmpi slt, %squeeze3A_1927, %sign3A_1933 : i32
        %sign3A_1935 = arith.extui %sign3A_1934 : i1 to i32
        %sign3A_1936 = arith.subi %sign3A_1932, %sign3A_1935 : i32
        %sign3A_1937 = arith.constant 0 : i32
        %sign3A_1938 = arith.cmpi sgt, %jit3A_1928, %sign3A_1937 : i32
        %sign3A_1939 = arith.extui %sign3A_1938 : i1 to i32
        %sign3A_1940 = arith.constant 0 : i32
        %sign3A_1941 = arith.cmpi slt, %jit3A_1928, %sign3A_1940 : i32
        %sign3A_1942 = arith.extui %sign3A_1941 : i1 to i32
        %sign3A_1943 = arith.subi %sign3A_1939, %sign3A_1942 : i32
        %ne3A_1944 = arith.cmpi ne, %sign3A_1936, %sign3A_1943 : i32
        %rem3A_1945 = arith.remsi %squeeze3A_1927, %jit3A_1928 : i32
        %ne3A_1946 = arith.constant 0 : i32
        %ne3A_1947 = arith.cmpi ne, %rem3A_1945, %ne3A_1946 : i32
        %and3A_1948 = arith.andi %ne3A_1944, %ne3A_1947 : i1
        %sub3A_1949 = arith.constant 1 : i32
        %sub3A_1950 = arith.subi %div3A_1929, %sub3A_1949 : i32
        %select_n3A_1951 = arith.select %and3A_1948, %sub3A_1950, %div3A_1929 : i32
        %mul3A_1952 = arith.constant 128 : i32
        %mul3A_1953 = arith.muli %select_n3A_1951, %mul3A_1952 : i32
        %multiple_of3A_1954 = tpu.assume_multiple %mul3A_1953, 128 : i32
        %dma_start3A_1955 = arith.constant 0 : i32
        %dma_start3A_1956 = arith.constant 3 : i32
        %dma_start3A_1957 = arith.constant 0 : i32
        %dma_start3A_1958 = arith.constant 0 : i32
        %dma_start3A_1959 = tpu.memref_slice %arg6[%dma_start3A_1955, %dma_start3A_1956, %dma_start3A_1957, %dma_start3A_1958] : memref<2x16x16x128xf32, #tpu.memory_space<vmem>> -> memref<1x1x16x128xf32, #tpu.memory_space<vmem>>
        %dma_start3A_1960 = tpu.memref_squeeze %dma_start3A_1959 : memref<1x1x16x128xf32, #tpu.memory_space<vmem>> -> memref<16x128xf32, #tpu.memory_space<vmem>>
        %dma_start3A_1961 = arith.constant 0 : i32
        %dma_start3A_1962 = tpu.memref_slice %arg3[%dma_start3A_1961, %multiple_of3A_1954] : memref<16x1000000xf32, #tpu.memory_space<hbm>> -> memref<16x128xf32, #tpu.memory_space<hbm>>
        tpu.enqueue_indirect_dma source(%dma_start3A_1962 : memref<16x128xf32, #tpu.memory_space<hbm>>) target(%dma_start3A_1960 : memref<16x128xf32, #tpu.memory_space<vmem>>) offsets(%iota3A : vector<16xi32>) semaphore(%arg8 : memref<!tpu.dma_semaphore, #tpu.memory_space<semaphore_mem>>)
        %slice3A_1963 = vector.extract_strided_slice %get3A_1814 {offsets = [4], sizes = [1], strides = [1]} : vector<16xi32> to vector<1xi32>
        %squeeze3A_1964 = vector.extract %slice3A_1963[0] : i32 from vector<1xi32>
        %jit3A_1965 = arith.constant 128 : i32
        %div3A_1966 = arith.divsi %squeeze3A_1964, %jit3A_1965 : i32
        %sign3A_1967 = arith.constant 0 : i32
        %sign3A_1968 = arith.cmpi sgt, %squeeze3A_1964, %sign3A_1967 : i32
        %sign3A_1969 = arith.extui %sign3A_1968 : i1 to i32
        %sign3A_1970 = arith.constant 0 : i32
        %sign3A_1971 = arith.cmpi slt, %squeeze3A_1964, %sign3A_1970 : i32
        %sign3A_1972 = arith.extui %sign3A_1971 : i1 to i32
        %sign3A_1973 = arith.subi %sign3A_1969, %sign3A_1972 : i32
        %sign3A_1974 = arith.constant 0 : i32
        %sign3A_1975 = arith.cmpi sgt, %jit3A_1965, %sign3A_1974 : i32
        %sign3A_1976 = arith.extui %sign3A_1975 : i1 to i32
        %sign3A_1977 = arith.constant 0 : i32
        %sign3A_1978 = arith.cmpi slt, %jit3A_1965, %sign3A_1977 : i32
        %sign3A_1979 = arith.extui %sign3A_1978 : i1 to i32
        %sign3A_1980 = arith.subi %sign3A_1976, %sign3A_1979 : i32
        %ne3A_1981 = arith.cmpi ne, %sign3A_1973, %sign3A_1980 : i32
        %rem3A_1982 = arith.remsi %squeeze3A_1964, %jit3A_1965 : i32
        %ne3A_1983 = arith.constant 0 : i32
        %ne3A_1984 = arith.cmpi ne, %rem3A_1982, %ne3A_1983 : i32
        %and3A_1985 = arith.andi %ne3A_1981, %ne3A_1984 : i1
        %sub3A_1986 = arith.constant 1 : i32
        %sub3A_1987 = arith.subi %div3A_1966, %sub3A_1986 : i32
        %select_n3A_1988 = arith.select %and3A_1985, %sub3A_1987, %div3A_1966 : i32
        %mul3A_1989 = arith.constant 128 : i32
        %mul3A_1990 = arith.muli %select_n3A_1988, %mul3A_1989 : i32
        %multiple_of3A_1991 = tpu.assume_multiple %mul3A_1990, 128 : i32
        %dma_start3A_1992 = arith.constant 0 : i32
        %dma_start3A_1993 = arith.constant 4 : i32
        %dma_start3A_1994 = arith.constant 0 : i32
        %dma_start3A_1995 = arith.constant 0 : i32
        %dma_start3A_1996 = tpu.memref_slice %arg6[%dma_start3A_1992, %dma_start3A_1993, %dma_start3A_1994, %dma_start3A_1995] : memref<2x16x16x128xf32, #tpu.memory_space<vmem>> -> memref<1x1x16x128xf32, #tpu.memory_space<vmem>>
        %dma_start3A_1997 = tpu.memref_squeeze %dma_start3A_1996 : memref<1x1x16x128xf32, #tpu.memory_space<vmem>> -> memref<16x128xf32, #tpu.memory_space<vmem>>
        %dma_start3A_1998 = arith.constant 0 : i32
        %dma_start3A_1999 = tpu.memref_slice %arg3[%dma_start3A_1998, %multiple_of3A_1991] : memref<16x1000000xf32, #tpu.memory_space<hbm>> -> memref<16x128xf32, #tpu.memory_space<hbm>>
        tpu.enqueue_indirect_dma source(%dma_start3A_1999 : memref<16x128xf32, #tpu.memory_space<hbm>>) target(%dma_start3A_1997 : memref<16x128xf32, #tpu.memory_space<vmem>>) offsets(%iota3A : vector<16xi32>) semaphore(%arg8 : memref<!tpu.dma_semaphore, #tpu.memory_space<semaphore_mem>>)
        %slice3A_2000 = vector.extract_strided_slice %get3A_1814 {offsets = [5], sizes = [1], strides = [1]} : vector<16xi32> to vector<1xi32>
        %squeeze3A_2001 = vector.extract %slice3A_2000[0] : i32 from vector<1xi32>
        %jit3A_2002 = arith.constant 128 : i32
        %div3A_2003 = arith.divsi %squeeze3A_2001, %jit3A_2002 : i32
        %sign3A_2004 = arith.constant 0 : i32
        %sign3A_2005 = arith.cmpi sgt, %squeeze3A_2001, %sign3A_2004 : i32
        %sign3A_2006 = arith.extui %sign3A_2005 : i1 to i32
        %sign3A_2007 = arith.constant 0 : i32
        %sign3A_2008 = arith.cmpi slt, %squeeze3A_2001, %sign3A_2007 : i32
        %sign3A_2009 = arith.extui %sign3A_2008 : i1 to i32
        %sign3A_2010 = arith.subi %sign3A_2006, %sign3A_2009 : i32
        %sign3A_2011 = arith.constant 0 : i32
        %sign3A_2012 = arith.cmpi sgt, %jit3A_2002, %sign3A_2011 : i32
        %sign3A_2013 = arith.extui %sign3A_2012 : i1 to i32
        %sign3A_2014 = arith.constant 0 : i32
        %sign3A_2015 = arith.cmpi slt, %jit3A_2002, %sign3A_2014 : i32
        %sign3A_2016 = arith.extui %sign3A_2015 : i1 to i32
        %sign3A_2017 = arith.subi %sign3A_2013, %sign3A_2016 : i32
        %ne3A_2018 = arith.cmpi ne, %sign3A_2010, %sign3A_2017 : i32
        %rem3A_2019 = arith.remsi %squeeze3A_2001, %jit3A_2002 : i32
        %ne3A_2020 = arith.constant 0 : i32
        %ne3A_2021 = arith.cmpi ne, %rem3A_2019, %ne3A_2020 : i32
        %and3A_2022 = arith.andi %ne3A_2018, %ne3A_2021 : i1
        %sub3A_2023 = arith.constant 1 : i32
        %sub3A_2024 = arith.subi %div3A_2003, %sub3A_2023 : i32
        %select_n3A_2025 = arith.select %and3A_2022, %sub3A_2024, %div3A_2003 : i32
        %mul3A_2026 = arith.constant 128 : i32
        %mul3A_2027 = arith.muli %select_n3A_2025, %mul3A_2026 : i32
        %multiple_of3A_2028 = tpu.assume_multiple %mul3A_2027, 128 : i32
        %dma_start3A_2029 = arith.constant 0 : i32
        %dma_start3A_2030 = arith.constant 5 : i32
        %dma_start3A_2031 = arith.constant 0 : i32
        %dma_start3A_2032 = arith.constant 0 : i32
        %dma_start3A_2033 = tpu.memref_slice %arg6[%dma_start3A_2029, %dma_start3A_2030, %dma_start3A_2031, %dma_start3A_2032] : memref<2x16x16x128xf32, #tpu.memory_space<vmem>> -> memref<1x1x16x128xf32, #tpu.memory_space<vmem>>
        %dma_start3A_2034 = tpu.memref_squeeze %dma_start3A_2033 : memref<1x1x16x128xf32, #tpu.memory_space<vmem>> -> memref<16x128xf32, #tpu.memory_space<vmem>>
        %dma_start3A_2035 = arith.constant 0 : i32
        %dma_start3A_2036 = tpu.memref_slice %arg3[%dma_start3A_2035, %multiple_of3A_2028] : memref<16x1000000xf32, #tpu.memory_space<hbm>> -> memref<16x128xf32, #tpu.memory_space<hbm>>
        tpu.enqueue_indirect_dma source(%dma_start3A_2036 : memref<16x128xf32, #tpu.memory_space<hbm>>) target(%dma_start3A_2034 : memref<16x128xf32, #tpu.memory_space<vmem>>) offsets(%iota3A : vector<16xi32>) semaphore(%arg8 : memref<!tpu.dma_semaphore, #tpu.memory_space<semaphore_mem>>)
        %slice3A_2037 = vector.extract_strided_slice %get3A_1814 {offsets = [6], sizes = [1], strides = [1]} : vector<16xi32> to vector<1xi32>
        %squeeze3A_2038 = vector.extract %slice3A_2037[0] : i32 from vector<1xi32>
        %jit3A_2039 = arith.constant 128 : i32
        %div3A_2040 = arith.divsi %squeeze3A_2038, %jit3A_2039 : i32
        %sign3A_2041 = arith.constant 0 : i32
        %sign3A_2042 = arith.cmpi sgt, %squeeze3A_2038, %sign3A_2041 : i32
        %sign3A_2043 = arith.extui %sign3A_2042 : i1 to i32
        %sign3A_2044 = arith.constant 0 : i32
        %sign3A_2045 = arith.cmpi slt, %squeeze3A_2038, %sign3A_2044 : i32
        %sign3A_2046 = arith.extui %sign3A_2045 : i1 to i32
        %sign3A_2047 = arith.subi %sign3A_2043, %sign3A_2046 : i32
        %sign3A_2048 = arith.constant 0 : i32
        %sign3A_2049 = arith.cmpi sgt, %jit3A_2039, %sign3A_2048 : i32
        %sign3A_2050 = arith.extui %sign3A_2049 : i1 to i32
        %sign3A_2051 = arith.constant 0 : i32
        %sign3A_2052 = arith.cmpi slt, %jit3A_2039, %sign3A_2051 : i32
        %sign3A_2053 = arith.extui %sign3A_2052 : i1 to i32
        %sign3A_2054 = arith.subi %sign3A_2050, %sign3A_2053 : i32
        %ne3A_2055 = arith.cmpi ne, %sign3A_2047, %sign3A_2054 : i32
        %rem3A_2056 = arith.remsi %squeeze3A_2038, %jit3A_2039 : i32
        %ne3A_2057 = arith.constant 0 : i32
        %ne3A_2058 = arith.cmpi ne, %rem3A_2056, %ne3A_2057 : i32
        %and3A_2059 = arith.andi %ne3A_2055, %ne3A_2058 : i1
        %sub3A_2060 = arith.constant 1 : i32
        %sub3A_2061 = arith.subi %div3A_2040, %sub3A_2060 : i32
        %select_n3A_2062 = arith.select %and3A_2059, %sub3A_2061, %div3A_2040 : i32
        %mul3A_2063 = arith.constant 128 : i32
        %mul3A_2064 = arith.muli %select_n3A_2062, %mul3A_2063 : i32
        %multiple_of3A_2065 = tpu.assume_multiple %mul3A_2064, 128 : i32
        %dma_start3A_2066 = arith.constant 0 : i32
        %dma_start3A_2067 = arith.constant 6 : i32
        %dma_start3A_2068 = arith.constant 0 : i32
        %dma_start3A_2069 = arith.constant 0 : i32
        %dma_start3A_2070 = tpu.memref_slice %arg6[%dma_start3A_2066, %dma_start3A_2067, %dma_start3A_2068, %dma_start3A_2069] : memref<2x16x16x128xf32, #tpu.memory_space<vmem>> -> memref<1x1x16x128xf32, #tpu.memory_space<vmem>>
        %dma_start3A_2071 = tpu.memref_squeeze %dma_start3A_2070 : memref<1x1x16x128xf32, #tpu.memory_space<vmem>> -> memref<16x128xf32, #tpu.memory_space<vmem>>
        %dma_start3A_2072 = arith.constant 0 : i32
        %dma_start3A_2073 = tpu.memref_slice %arg3[%dma_start3A_2072, %multiple_of3A_2065] : memref<16x1000000xf32, #tpu.memory_space<hbm>> -> memref<16x128xf32, #tpu.memory_space<hbm>>
        tpu.enqueue_indirect_dma source(%dma_start3A_2073 : memref<16x128xf32, #tpu.memory_space<hbm>>) target(%dma_start3A_2071 : memref<16x128xf32, #tpu.memory_space<vmem>>) offsets(%iota3A : vector<16xi32>) semaphore(%arg8 : memref<!tpu.dma_semaphore, #tpu.memory_space<semaphore_mem>>)
        %slice3A_2074 = vector.extract_strided_slice %get3A_1814 {offsets = [7], sizes = [1], strides = [1]} : vector<16xi32> to vector<1xi32>
        %squeeze3A_2075 = vector.extract %slice3A_2074[0] : i32 from vector<1xi32>
        %jit3A_2076 = arith.constant 128 : i32
        %div3A_2077 = arith.divsi %squeeze3A_2075, %jit3A_2076 : i32
        %sign3A_2078 = arith.constant 0 : i32
        %sign3A_2079 = arith.cmpi sgt, %squeeze3A_2075, %sign3A_2078 : i32
        %sign3A_2080 = arith.extui %sign3A_2079 : i1 to i32
        %sign3A_2081 = arith.constant 0 : i32
        %sign3A_2082 = arith.cmpi slt, %squeeze3A_2075, %sign3A_2081 : i32
        %sign3A_2083 = arith.extui %sign3A_2082 : i1 to i32
        %sign3A_2084 = arith.subi %sign3A_2080, %sign3A_2083 : i32
        %sign3A_2085 = arith.constant 0 : i32
        %sign3A_2086 = arith.cmpi sgt, %jit3A_2076, %sign3A_2085 : i32
        %sign3A_2087 = arith.extui %sign3A_2086 : i1 to i32
        %sign3A_2088 = arith.constant 0 : i32
        %sign3A_2089 = arith.cmpi slt, %jit3A_2076, %sign3A_2088 : i32
        %sign3A_2090 = arith.extui %sign3A_2089 : i1 to i32
        %sign3A_2091 = arith.subi %sign3A_2087, %sign3A_2090 : i32
        %ne3A_2092 = arith.cmpi ne, %sign3A_2084, %sign3A_2091 : i32
        %rem3A_2093 = arith.remsi %squeeze3A_2075, %jit3A_2076 : i32
        %ne3A_2094 = arith.constant 0 : i32
        %ne3A_2095 = arith.cmpi ne, %rem3A_2093, %ne3A_2094 : i32
        %and3A_2096 = arith.andi %ne3A_2092, %ne3A_2095 : i1
        %sub3A_2097 = arith.constant 1 : i32
        %sub3A_2098 = arith.subi %div3A_2077, %sub3A_2097 : i32
        %select_n3A_2099 = arith.select %and3A_2096, %sub3A_2098, %div3A_2077 : i32
        %mul3A_2100 = arith.constant 128 : i32
        %mul3A_2101 = arith.muli %select_n3A_2099, %mul3A_2100 : i32
        %multiple_of3A_2102 = tpu.assume_multiple %mul3A_2101, 128 : i32
        %dma_start3A_2103 = arith.constant 0 : i32
        %dma_start3A_2104 = arith.constant 7 : i32
        %dma_start3A_2105 = arith.constant 0 : i32
        %dma_start3A_2106 = arith.constant 0 : i32
        %dma_start3A_2107 = tpu.memref_slice %arg6[%dma_start3A_2103, %dma_start3A_2104, %dma_start3A_2105, %dma_start3A_2106] : memref<2x16x16x128xf32, #tpu.memory_space<vmem>> -> memref<1x1x16x128xf32, #tpu.memory_space<vmem>>
        %dma_start3A_2108 = tpu.memref_squeeze %dma_start3A_2107 : memref<1x1x16x128xf32, #tpu.memory_space<vmem>> -> memref<16x128xf32, #tpu.memory_space<vmem>>
        %dma_start3A_2109 = arith.constant 0 : i32
        %dma_start3A_2110 = tpu.memref_slice %arg3[%dma_start3A_2109, %multiple_of3A_2102] : memref<16x1000000xf32, #tpu.memory_space<hbm>> -> memref<16x128xf32, #tpu.memory_space<hbm>>
        tpu.enqueue_indirect_dma source(%dma_start3A_2110 : memref<16x128xf32, #tpu.memory_space<hbm>>) target(%dma_start3A_2108 : memref<16x128xf32, #tpu.memory_space<vmem>>) offsets(%iota3A : vector<16xi32>) semaphore(%arg8 : memref<!tpu.dma_semaphore, #tpu.memory_space<semaphore_mem>>)
        %slice3A_2111 = vector.extract_strided_slice %get3A_1814 {offsets = [8], sizes = [1], strides = [1]} : vector<16xi32> to vector<1xi32>
        %squeeze3A_2112 = vector.extract %slice3A_2111[0] : i32 from vector<1xi32>
        %jit3A_2113 = arith.constant 128 : i32
        %div3A_2114 = arith.divsi %squeeze3A_2112, %jit3A_2113 : i32
        %sign3A_2115 = arith.constant 0 : i32
        %sign3A_2116 = arith.cmpi sgt, %squeeze3A_2112, %sign3A_2115 : i32
        %sign3A_2117 = arith.extui %sign3A_2116 : i1 to i32
        %sign3A_2118 = arith.constant 0 : i32
        %sign3A_2119 = arith.cmpi slt, %squeeze3A_2112, %sign3A_2118 : i32
        %sign3A_2120 = arith.extui %sign3A_2119 : i1 to i32
        %sign3A_2121 = arith.subi %sign3A_2117, %sign3A_2120 : i32
        %sign3A_2122 = arith.constant 0 : i32
        %sign3A_2123 = arith.cmpi sgt, %jit3A_2113, %sign3A_2122 : i32
        %sign3A_2124 = arith.extui %sign3A_2123 : i1 to i32
        %sign3A_2125 = arith.constant 0 : i32
        %sign3A_2126 = arith.cmpi slt, %jit3A_2113, %sign3A_2125 : i32
        %sign3A_2127 = arith.extui %sign3A_2126 : i1 to i32
        %sign3A_2128 = arith.subi %sign3A_2124, %sign3A_2127 : i32
        %ne3A_2129 = arith.cmpi ne, %sign3A_2121, %sign3A_2128 : i32
        %rem3A_2130 = arith.remsi %squeeze3A_2112, %jit3A_2113 : i32
        %ne3A_2131 = arith.constant 0 : i32
        %ne3A_2132 = arith.cmpi ne, %rem3A_2130, %ne3A_2131 : i32
        %and3A_2133 = arith.andi %ne3A_2129, %ne3A_2132 : i1
        %sub3A_2134 = arith.constant 1 : i32
        %sub3A_2135 = arith.subi %div3A_2114, %sub3A_2134 : i32
        %select_n3A_2136 = arith.select %and3A_2133, %sub3A_2135, %div3A_2114 : i32
        %mul3A_2137 = arith.constant 128 : i32
        %mul3A_2138 = arith.muli %select_n3A_2136, %mul3A_2137 : i32
        %multiple_of3A_2139 = tpu.assume_multiple %mul3A_2138, 128 : i32
        %dma_start3A_2140 = arith.constant 0 : i32
        %dma_start3A_2141 = arith.constant 8 : i32
        %dma_start3A_2142 = arith.constant 0 : i32
        %dma_start3A_2143 = arith.constant 0 : i32
        %dma_start3A_2144 = tpu.memref_slice %arg6[%dma_start3A_2140, %dma_start3A_2141, %dma_start3A_2142, %dma_start3A_2143] : memref<2x16x16x128xf32, #tpu.memory_space<vmem>> -> memref<1x1x16x128xf32, #tpu.memory_space<vmem>>
        %dma_start3A_2145 = tpu.memref_squeeze %dma_start3A_2144 : memref<1x1x16x128xf32, #tpu.memory_space<vmem>> -> memref<16x128xf32, #tpu.memory_space<vmem>>
        %dma_start3A_2146 = arith.constant 0 : i32
        %dma_start3A_2147 = tpu.memref_slice %arg3[%dma_start3A_2146, %multiple_of3A_2139] : memref<16x1000000xf32, #tpu.memory_space<hbm>> -> memref<16x128xf32, #tpu.memory_space<hbm>>
        tpu.enqueue_indirect_dma source(%dma_start3A_2147 : memref<16x128xf32, #tpu.memory_space<hbm>>) target(%dma_start3A_2145 : memref<16x128xf32, #tpu.memory_space<vmem>>) offsets(%iota3A : vector<16xi32>) semaphore(%arg8 : memref<!tpu.dma_semaphore, #tpu.memory_space<semaphore_mem>>)
        %slice3A_2148 = vector.extract_strided_slice %get3A_1814 {offsets = [9], sizes = [1], strides = [1]} : vector<16xi32> to vector<1xi32>
        %squeeze3A_2149 = vector.extract %slice3A_2148[0] : i32 from vector<1xi32>
        %jit3A_2150 = arith.constant 128 : i32
        %div3A_2151 = arith.divsi %squeeze3A_2149, %jit3A_2150 : i32
        %sign3A_2152 = arith.constant 0 : i32
        %sign3A_2153 = arith.cmpi sgt, %squeeze3A_2149, %sign3A_2152 : i32
        %sign3A_2154 = arith.extui %sign3A_2153 : i1 to i32
        %sign3A_2155 = arith.constant 0 : i32
        %sign3A_2156 = arith.cmpi slt, %squeeze3A_2149, %sign3A_2155 : i32
        %sign3A_2157 = arith.extui %sign3A_2156 : i1 to i32
        %sign3A_2158 = arith.subi %sign3A_2154, %sign3A_2157 : i32
        %sign3A_2159 = arith.constant 0 : i32
        %sign3A_2160 = arith.cmpi sgt, %jit3A_2150, %sign3A_2159 : i32
        %sign3A_2161 = arith.extui %sign3A_2160 : i1 to i32
        %sign3A_2162 = arith.constant 0 : i32
        %sign3A_2163 = arith.cmpi slt, %jit3A_2150, %sign3A_2162 : i32
        %sign3A_2164 = arith.extui %sign3A_2163 : i1 to i32
        %sign3A_2165 = arith.subi %sign3A_2161, %sign3A_2164 : i32
        %ne3A_2166 = arith.cmpi ne, %sign3A_2158, %sign3A_2165 : i32
        %rem3A_2167 = arith.remsi %squeeze3A_2149, %jit3A_2150 : i32
        %ne3A_2168 = arith.constant 0 : i32
        %ne3A_2169 = arith.cmpi ne, %rem3A_2167, %ne3A_2168 : i32
        %and3A_2170 = arith.andi %ne3A_2166, %ne3A_2169 : i1
        %sub3A_2171 = arith.constant 1 : i32
        %sub3A_2172 = arith.subi %div3A_2151, %sub3A_2171 : i32
        %select_n3A_2173 = arith.select %and3A_2170, %sub3A_2172, %div3A_2151 : i32
        %mul3A_2174 = arith.constant 128 : i32
        %mul3A_2175 = arith.muli %select_n3A_2173, %mul3A_2174 : i32
        %multiple_of3A_2176 = tpu.assume_multiple %mul3A_2175, 128 : i32
        %dma_start3A_2177 = arith.constant 0 : i32
        %dma_start3A_2178 = arith.constant 9 : i32
        %dma_start3A_2179 = arith.constant 0 : i32
        %dma_start3A_2180 = arith.constant 0 : i32
        %dma_start3A_2181 = tpu.memref_slice %arg6[%dma_start3A_2177, %dma_start3A_2178, %dma_start3A_2179, %dma_start3A_2180] : memref<2x16x16x128xf32, #tpu.memory_space<vmem>> -> memref<1x1x16x128xf32, #tpu.memory_space<vmem>>
        %dma_start3A_2182 = tpu.memref_squeeze %dma_start3A_2181 : memref<1x1x16x128xf32, #tpu.memory_space<vmem>> -> memref<16x128xf32, #tpu.memory_space<vmem>>
        %dma_start3A_2183 = arith.constant 0 : i32
        %dma_start3A_2184 = tpu.memref_slice %arg3[%dma_start3A_2183, %multiple_of3A_2176] : memref<16x1000000xf32, #tpu.memory_space<hbm>> -> memref<16x128xf32, #tpu.memory_space<hbm>>
        tpu.enqueue_indirect_dma source(%dma_start3A_2184 : memref<16x128xf32, #tpu.memory_space<hbm>>) target(%dma_start3A_2182 : memref<16x128xf32, #tpu.memory_space<vmem>>) offsets(%iota3A : vector<16xi32>) semaphore(%arg8 : memref<!tpu.dma_semaphore, #tpu.memory_space<semaphore_mem>>)
        %slice3A_2185 = vector.extract_strided_slice %get3A_1814 {offsets = [10], sizes = [1], strides = [1]} : vector<16xi32> to vector<1xi32>
        %squeeze3A_2186 = vector.extract %slice3A_2185[0] : i32 from vector<1xi32>
        %jit3A_2187 = arith.constant 128 : i32
        %div3A_2188 = arith.divsi %squeeze3A_2186, %jit3A_2187 : i32
        %sign3A_2189 = arith.constant 0 : i32
        %sign3A_2190 = arith.cmpi sgt, %squeeze3A_2186, %sign3A_2189 : i32
        %sign3A_2191 = arith.extui %sign3A_2190 : i1 to i32
        %sign3A_2192 = arith.constant 0 : i32
        %sign3A_2193 = arith.cmpi slt, %squeeze3A_2186, %sign3A_2192 : i32
        %sign3A_2194 = arith.extui %sign3A_2193 : i1 to i32
        %sign3A_2195 = arith.subi %sign3A_2191, %sign3A_2194 : i32
        %sign3A_2196 = arith.constant 0 : i32
        %sign3A_2197 = arith.cmpi sgt, %jit3A_2187, %sign3A_2196 : i32
        %sign3A_2198 = arith.extui %sign3A_2197 : i1 to i32
        %sign3A_2199 = arith.constant 0 : i32
        %sign3A_2200 = arith.cmpi slt, %jit3A_2187, %sign3A_2199 : i32
        %sign3A_2201 = arith.extui %sign3A_2200 : i1 to i32
        %sign3A_2202 = arith.subi %sign3A_2198, %sign3A_2201 : i32
        %ne3A_2203 = arith.cmpi ne, %sign3A_2195, %sign3A_2202 : i32
        %rem3A_2204 = arith.remsi %squeeze3A_2186, %jit3A_2187 : i32
        %ne3A_2205 = arith.constant 0 : i32
        %ne3A_2206 = arith.cmpi ne, %rem3A_2204, %ne3A_2205 : i32
        %and3A_2207 = arith.andi %ne3A_2203, %ne3A_2206 : i1
        %sub3A_2208 = arith.constant 1 : i32
        %sub3A_2209 = arith.subi %div3A_2188, %sub3A_2208 : i32
        %select_n3A_2210 = arith.select %and3A_2207, %sub3A_2209, %div3A_2188 : i32
        %mul3A_2211 = arith.constant 128 : i32
        %mul3A_2212 = arith.muli %select_n3A_2210, %mul3A_2211 : i32
        %multiple_of3A_2213 = tpu.assume_multiple %mul3A_2212, 128 : i32
        %dma_start3A_2214 = arith.constant 0 : i32
        %dma_start3A_2215 = arith.constant 10 : i32
        %dma_start3A_2216 = arith.constant 0 : i32
        %dma_start3A_2217 = arith.constant 0 : i32
        %dma_start3A_2218 = tpu.memref_slice %arg6[%dma_start3A_2214, %dma_start3A_2215, %dma_start3A_2216, %dma_start3A_2217] : memref<2x16x16x128xf32, #tpu.memory_space<vmem>> -> memref<1x1x16x128xf32, #tpu.memory_space<vmem>>
        %dma_start3A_2219 = tpu.memref_squeeze %dma_start3A_2218 : memref<1x1x16x128xf32, #tpu.memory_space<vmem>> -> memref<16x128xf32, #tpu.memory_space<vmem>>
        %dma_start3A_2220 = arith.constant 0 : i32
        %dma_start3A_2221 = tpu.memref_slice %arg3[%dma_start3A_2220, %multiple_of3A_2213] : memref<16x1000000xf32, #tpu.memory_space<hbm>> -> memref<16x128xf32, #tpu.memory_space<hbm>>
        tpu.enqueue_indirect_dma source(%dma_start3A_2221 : memref<16x128xf32, #tpu.memory_space<hbm>>) target(%dma_start3A_2219 : memref<16x128xf32, #tpu.memory_space<vmem>>) offsets(%iota3A : vector<16xi32>) semaphore(%arg8 : memref<!tpu.dma_semaphore, #tpu.memory_space<semaphore_mem>>)
        %slice3A_2222 = vector.extract_strided_slice %get3A_1814 {offsets = [11], sizes = [1], strides = [1]} : vector<16xi32> to vector<1xi32>
        %squeeze3A_2223 = vector.extract %slice3A_2222[0] : i32 from vector<1xi32>
        %jit3A_2224 = arith.constant 128 : i32
        %div3A_2225 = arith.divsi %squeeze3A_2223, %jit3A_2224 : i32
        %sign3A_2226 = arith.constant 0 : i32
        %sign3A_2227 = arith.cmpi sgt, %squeeze3A_2223, %sign3A_2226 : i32
        %sign3A_2228 = arith.extui %sign3A_2227 : i1 to i32
        %sign3A_2229 = arith.constant 0 : i32
        %sign3A_2230 = arith.cmpi slt, %squeeze3A_2223, %sign3A_2229 : i32
        %sign3A_2231 = arith.extui %sign3A_2230 : i1 to i32
        %sign3A_2232 = arith.subi %sign3A_2228, %sign3A_2231 : i32
        %sign3A_2233 = arith.constant 0 : i32
        %sign3A_2234 = arith.cmpi sgt, %jit3A_2224, %sign3A_2233 : i32
        %sign3A_2235 = arith.extui %sign3A_2234 : i1 to i32
        %sign3A_2236 = arith.constant 0 : i32
        %sign3A_2237 = arith.cmpi slt, %jit3A_2224, %sign3A_2236 : i32
        %sign3A_2238 = arith.extui %sign3A_2237 : i1 to i32
        %sign3A_2239 = arith.subi %sign3A_2235, %sign3A_2238 : i32
        %ne3A_2240 = arith.cmpi ne, %sign3A_2232, %sign3A_2239 : i32
        %rem3A_2241 = arith.remsi %squeeze3A_2223, %jit3A_2224 : i32
        %ne3A_2242 = arith.constant 0 : i32
        %ne3A_2243 = arith.cmpi ne, %rem3A_2241, %ne3A_2242 : i32
        %and3A_2244 = arith.andi %ne3A_2240, %ne3A_2243 : i1
        %sub3A_2245 = arith.constant 1 : i32
        %sub3A_2246 = arith.subi %div3A_2225, %sub3A_2245 : i32
        %select_n3A_2247 = arith.select %and3A_2244, %sub3A_2246, %div3A_2225 : i32
        %mul3A_2248 = arith.constant 128 : i32
        %mul3A_2249 = arith.muli %select_n3A_2247, %mul3A_2248 : i32
        %multiple_of3A_2250 = tpu.assume_multiple %mul3A_2249, 128 : i32
        %dma_start3A_2251 = arith.constant 0 : i32
        %dma_start3A_2252 = arith.constant 11 : i32
        %dma_start3A_2253 = arith.constant 0 : i32
        %dma_start3A_2254 = arith.constant 0 : i32
        %dma_start3A_2255 = tpu.memref_slice %arg6[%dma_start3A_2251, %dma_start3A_2252, %dma_start3A_2253, %dma_start3A_2254] : memref<2x16x16x128xf32, #tpu.memory_space<vmem>> -> memref<1x1x16x128xf32, #tpu.memory_space<vmem>>
        %dma_start3A_2256 = tpu.memref_squeeze %dma_start3A_2255 : memref<1x1x16x128xf32, #tpu.memory_space<vmem>> -> memref<16x128xf32, #tpu.memory_space<vmem>>
        %dma_start3A_2257 = arith.constant 0 : i32
        %dma_start3A_2258 = tpu.memref_slice %arg3[%dma_start3A_2257, %multiple_of3A_2250] : memref<16x1000000xf32, #tpu.memory_space<hbm>> -> memref<16x128xf32, #tpu.memory_space<hbm>>
        tpu.enqueue_indirect_dma source(%dma_start3A_2258 : memref<16x128xf32, #tpu.memory_space<hbm>>) target(%dma_start3A_2256 : memref<16x128xf32, #tpu.memory_space<vmem>>) offsets(%iota3A : vector<16xi32>) semaphore(%arg8 : memref<!tpu.dma_semaphore, #tpu.memory_space<semaphore_mem>>)
        %slice3A_2259 = vector.extract_strided_slice %get3A_1814 {offsets = [12], sizes = [1], strides = [1]} : vector<16xi32> to vector<1xi32>
        %squeeze3A_2260 = vector.extract %slice3A_2259[0] : i32 from vector<1xi32>
        %jit3A_2261 = arith.constant 128 : i32
        %div3A_2262 = arith.divsi %squeeze3A_2260, %jit3A_2261 : i32
        %sign3A_2263 = arith.constant 0 : i32
        %sign3A_2264 = arith.cmpi sgt, %squeeze3A_2260, %sign3A_2263 : i32
        %sign3A_2265 = arith.extui %sign3A_2264 : i1 to i32
        %sign3A_2266 = arith.constant 0 : i32
        %sign3A_2267 = arith.cmpi slt, %squeeze3A_2260, %sign3A_2266 : i32
        %sign3A_2268 = arith.extui %sign3A_2267 : i1 to i32
        %sign3A_2269 = arith.subi %sign3A_2265, %sign3A_2268 : i32
        %sign3A_2270 = arith.constant 0 : i32
        %sign3A_2271 = arith.cmpi sgt, %jit3A_2261, %sign3A_2270 : i32
        %sign3A_2272 = arith.extui %sign3A_2271 : i1 to i32
        %sign3A_2273 = arith.constant 0 : i32
        %sign3A_2274 = arith.cmpi slt, %jit3A_2261, %sign3A_2273 : i32
        %sign3A_2275 = arith.extui %sign3A_2274 : i1 to i32
        %sign3A_2276 = arith.subi %sign3A_2272, %sign3A_2275 : i32
        %ne3A_2277 = arith.cmpi ne, %sign3A_2269, %sign3A_2276 : i32
        %rem3A_2278 = arith.remsi %squeeze3A_2260, %jit3A_2261 : i32
        %ne3A_2279 = arith.constant 0 : i32
        %ne3A_2280 = arith.cmpi ne, %rem3A_2278, %ne3A_2279 : i32
        %and3A_2281 = arith.andi %ne3A_2277, %ne3A_2280 : i1
        %sub3A_2282 = arith.constant 1 : i32
        %sub3A_2283 = arith.subi %div3A_2262, %sub3A_2282 : i32
        %select_n3A_2284 = arith.select %and3A_2281, %sub3A_2283, %div3A_2262 : i32
        %mul3A_2285 = arith.constant 128 : i32
        %mul3A_2286 = arith.muli %select_n3A_2284, %mul3A_2285 : i32
        %multiple_of3A_2287 = tpu.assume_multiple %mul3A_2286, 128 : i32
        %dma_start3A_2288 = arith.constant 0 : i32
        %dma_start3A_2289 = arith.constant 12 : i32
        %dma_start3A_2290 = arith.constant 0 : i32
        %dma_start3A_2291 = arith.constant 0 : i32
        %dma_start3A_2292 = tpu.memref_slice %arg6[%dma_start3A_2288, %dma_start3A_2289, %dma_start3A_2290, %dma_start3A_2291] : memref<2x16x16x128xf32, #tpu.memory_space<vmem>> -> memref<1x1x16x128xf32, #tpu.memory_space<vmem>>
        %dma_start3A_2293 = tpu.memref_squeeze %dma_start3A_2292 : memref<1x1x16x128xf32, #tpu.memory_space<vmem>> -> memref<16x128xf32, #tpu.memory_space<vmem>>
        %dma_start3A_2294 = arith.constant 0 : i32
        %dma_start3A_2295 = tpu.memref_slice %arg3[%dma_start3A_2294, %multiple_of3A_2287] : memref<16x1000000xf32, #tpu.memory_space<hbm>> -> memref<16x128xf32, #tpu.memory_space<hbm>>
        tpu.enqueue_indirect_dma source(%dma_start3A_2295 : memref<16x128xf32, #tpu.memory_space<hbm>>) target(%dma_start3A_2293 : memref<16x128xf32, #tpu.memory_space<vmem>>) offsets(%iota3A : vector<16xi32>) semaphore(%arg8 : memref<!tpu.dma_semaphore, #tpu.memory_space<semaphore_mem>>)
        %slice3A_2296 = vector.extract_strided_slice %get3A_1814 {offsets = [13], sizes = [1], strides = [1]} : vector<16xi32> to vector<1xi32>
        %squeeze3A_2297 = vector.extract %slice3A_2296[0] : i32 from vector<1xi32>
        %jit3A_2298 = arith.constant 128 : i32
        %div3A_2299 = arith.divsi %squeeze3A_2297, %jit3A_2298 : i32
        %sign3A_2300 = arith.constant 0 : i32
        %sign3A_2301 = arith.cmpi sgt, %squeeze3A_2297, %sign3A_2300 : i32
        %sign3A_2302 = arith.extui %sign3A_2301 : i1 to i32
        %sign3A_2303 = arith.constant 0 : i32
        %sign3A_2304 = arith.cmpi slt, %squeeze3A_2297, %sign3A_2303 : i32
        %sign3A_2305 = arith.extui %sign3A_2304 : i1 to i32
        %sign3A_2306 = arith.subi %sign3A_2302, %sign3A_2305 : i32
        %sign3A_2307 = arith.constant 0 : i32
        %sign3A_2308 = arith.cmpi sgt, %jit3A_2298, %sign3A_2307 : i32
        %sign3A_2309 = arith.extui %sign3A_2308 : i1 to i32
        %sign3A_2310 = arith.constant 0 : i32
        %sign3A_2311 = arith.cmpi slt, %jit3A_2298, %sign3A_2310 : i32
        %sign3A_2312 = arith.extui %sign3A_2311 : i1 to i32
        %sign3A_2313 = arith.subi %sign3A_2309, %sign3A_2312 : i32
        %ne3A_2314 = arith.cmpi ne, %sign3A_2306, %sign3A_2313 : i32
        %rem3A_2315 = arith.remsi %squeeze3A_2297, %jit3A_2298 : i32
        %ne3A_2316 = arith.constant 0 : i32
        %ne3A_2317 = arith.cmpi ne, %rem3A_2315, %ne3A_2316 : i32
        %and3A_2318 = arith.andi %ne3A_2314, %ne3A_2317 : i1
        %sub3A_2319 = arith.constant 1 : i32
        %sub3A_2320 = arith.subi %div3A_2299, %sub3A_2319 : i32
        %select_n3A_2321 = arith.select %and3A_2318, %sub3A_2320, %div3A_2299 : i32
        %mul3A_2322 = arith.constant 128 : i32
        %mul3A_2323 = arith.muli %select_n3A_2321, %mul3A_2322 : i32
        %multiple_of3A_2324 = tpu.assume_multiple %mul3A_2323, 128 : i32
        %dma_start3A_2325 = arith.constant 0 : i32
        %dma_start3A_2326 = arith.constant 13 : i32
        %dma_start3A_2327 = arith.constant 0 : i32
        %dma_start3A_2328 = arith.constant 0 : i32
        %dma_start3A_2329 = tpu.memref_slice %arg6[%dma_start3A_2325, %dma_start3A_2326, %dma_start3A_2327, %dma_start3A_2328] : memref<2x16x16x128xf32, #tpu.memory_space<vmem>> -> memref<1x1x16x128xf32, #tpu.memory_space<vmem>>
        %dma_start3A_2330 = tpu.memref_squeeze %dma_start3A_2329 : memref<1x1x16x128xf32, #tpu.memory_space<vmem>> -> memref<16x128xf32, #tpu.memory_space<vmem>>
        %dma_start3A_2331 = arith.constant 0 : i32
        %dma_start3A_2332 = tpu.memref_slice %arg3[%dma_start3A_2331, %multiple_of3A_2324] : memref<16x1000000xf32, #tpu.memory_space<hbm>> -> memref<16x128xf32, #tpu.memory_space<hbm>>
        tpu.enqueue_indirect_dma source(%dma_start3A_2332 : memref<16x128xf32, #tpu.memory_space<hbm>>) target(%dma_start3A_2330 : memref<16x128xf32, #tpu.memory_space<vmem>>) offsets(%iota3A : vector<16xi32>) semaphore(%arg8 : memref<!tpu.dma_semaphore, #tpu.memory_space<semaphore_mem>>)
        %slice3A_2333 = vector.extract_strided_slice %get3A_1814 {offsets = [14], sizes = [1], strides = [1]} : vector<16xi32> to vector<1xi32>
        %squeeze3A_2334 = vector.extract %slice3A_2333[0] : i32 from vector<1xi32>
        %jit3A_2335 = arith.constant 128 : i32
        %div3A_2336 = arith.divsi %squeeze3A_2334, %jit3A_2335 : i32
        %sign3A_2337 = arith.constant 0 : i32
        %sign3A_2338 = arith.cmpi sgt, %squeeze3A_2334, %sign3A_2337 : i32
        %sign3A_2339 = arith.extui %sign3A_2338 : i1 to i32
        %sign3A_2340 = arith.constant 0 : i32
        %sign3A_2341 = arith.cmpi slt, %squeeze3A_2334, %sign3A_2340 : i32
        %sign3A_2342 = arith.extui %sign3A_2341 : i1 to i32
        %sign3A_2343 = arith.subi %sign3A_2339, %sign3A_2342 : i32
        %sign3A_2344 = arith.constant 0 : i32
        %sign3A_2345 = arith.cmpi sgt, %jit3A_2335, %sign3A_2344 : i32
        %sign3A_2346 = arith.extui %sign3A_2345 : i1 to i32
        %sign3A_2347 = arith.constant 0 : i32
        %sign3A_2348 = arith.cmpi slt, %jit3A_2335, %sign3A_2347 : i32
        %sign3A_2349 = arith.extui %sign3A_2348 : i1 to i32
        %sign3A_2350 = arith.subi %sign3A_2346, %sign3A_2349 : i32
        %ne3A_2351 = arith.cmpi ne, %sign3A_2343, %sign3A_2350 : i32
        %rem3A_2352 = arith.remsi %squeeze3A_2334, %jit3A_2335 : i32
        %ne3A_2353 = arith.constant 0 : i32
        %ne3A_2354 = arith.cmpi ne, %rem3A_2352, %ne3A_2353 : i32
        %and3A_2355 = arith.andi %ne3A_2351, %ne3A_2354 : i1
        %sub3A_2356 = arith.constant 1 : i32
        %sub3A_2357 = arith.subi %div3A_2336, %sub3A_2356 : i32
        %select_n3A_2358 = arith.select %and3A_2355, %sub3A_2357, %div3A_2336 : i32
        %mul3A_2359 = arith.constant 128 : i32
        %mul3A_2360 = arith.muli %select_n3A_2358, %mul3A_2359 : i32
        %multiple_of3A_2361 = tpu.assume_multiple %mul3A_2360, 128 : i32
        %dma_start3A_2362 = arith.constant 0 : i32
        %dma_start3A_2363 = arith.constant 14 : i32
        %dma_start3A_2364 = arith.constant 0 : i32
        %dma_start3A_2365 = arith.constant 0 : i32
        %dma_start3A_2366 = tpu.memref_slice %arg6[%dma_start3A_2362, %dma_start3A_2363, %dma_start3A_2364, %dma_start3A_2365] : memref<2x16x16x128xf32, #tpu.memory_space<vmem>> -> memref<1x1x16x128xf32, #tpu.memory_space<vmem>>
        %dma_start3A_2367 = tpu.memref_squeeze %dma_start3A_2366 : memref<1x1x16x128xf32, #tpu.memory_space<vmem>> -> memref<16x128xf32, #tpu.memory_space<vmem>>
        %dma_start3A_2368 = arith.constant 0 : i32
        %dma_start3A_2369 = tpu.memref_slice %arg3[%dma_start3A_2368, %multiple_of3A_2361] : memref<16x1000000xf32, #tpu.memory_space<hbm>> -> memref<16x128xf32, #tpu.memory_space<hbm>>
        tpu.enqueue_indirect_dma source(%dma_start3A_2369 : memref<16x128xf32, #tpu.memory_space<hbm>>) target(%dma_start3A_2367 : memref<16x128xf32, #tpu.memory_space<vmem>>) offsets(%iota3A : vector<16xi32>) semaphore(%arg8 : memref<!tpu.dma_semaphore, #tpu.memory_space<semaphore_mem>>)
        %slice3A_2370 = vector.extract_strided_slice %get3A_1814 {offsets = [15], sizes = [1], strides = [1]} : vector<16xi32> to vector<1xi32>
        %squeeze3A_2371 = vector.extract %slice3A_2370[0] : i32 from vector<1xi32>
        %jit3A_2372 = arith.constant 128 : i32
        %div3A_2373 = arith.divsi %squeeze3A_2371, %jit3A_2372 : i32
        %sign3A_2374 = arith.constant 0 : i32
        %sign3A_2375 = arith.cmpi sgt, %squeeze3A_2371, %sign3A_2374 : i32
        %sign3A_2376 = arith.extui %sign3A_2375 : i1 to i32
        %sign3A_2377 = arith.constant 0 : i32
        %sign3A_2378 = arith.cmpi slt, %squeeze3A_2371, %sign3A_2377 : i32
        %sign3A_2379 = arith.extui %sign3A_2378 : i1 to i32
        %sign3A_2380 = arith.subi %sign3A_2376, %sign3A_2379 : i32
        %sign3A_2381 = arith.constant 0 : i32
        %sign3A_2382 = arith.cmpi sgt, %jit3A_2372, %sign3A_2381 : i32
        %sign3A_2383 = arith.extui %sign3A_2382 : i1 to i32
        %sign3A_2384 = arith.constant 0 : i32
        %sign3A_2385 = arith.cmpi slt, %jit3A_2372, %sign3A_2384 : i32
        %sign3A_2386 = arith.extui %sign3A_2385 : i1 to i32
        %sign3A_2387 = arith.subi %sign3A_2383, %sign3A_2386 : i32
        %ne3A_2388 = arith.cmpi ne, %sign3A_2380, %sign3A_2387 : i32
        %rem3A_2389 = arith.remsi %squeeze3A_2371, %jit3A_2372 : i32
        %ne3A_2390 = arith.constant 0 : i32
        %ne3A_2391 = arith.cmpi ne, %rem3A_2389, %ne3A_2390 : i32
        %and3A_2392 = arith.andi %ne3A_2388, %ne3A_2391 : i1
        %sub3A_2393 = arith.constant 1 : i32
        %sub3A_2394 = arith.subi %div3A_2373, %sub3A_2393 : i32
        %select_n3A_2395 = arith.select %and3A_2392, %sub3A_2394, %div3A_2373 : i32
        %mul3A_2396 = arith.constant 128 : i32
        %mul3A_2397 = arith.muli %select_n3A_2395, %mul3A_2396 : i32
        %multiple_of3A_2398 = tpu.assume_multiple %mul3A_2397, 128 : i32
        %dma_start3A_2399 = arith.constant 0 : i32
        %dma_start3A_2400 = arith.constant 15 : i32
        %dma_start3A_2401 = arith.constant 0 : i32
        %dma_start3A_2402 = arith.constant 0 : i32
        %dma_start3A_2403 = tpu.memref_slice %arg6[%dma_start3A_2399, %dma_start3A_2400, %dma_start3A_2401, %dma_start3A_2402] : memref<2x16x16x128xf32, #tpu.memory_space<vmem>> -> memref<1x1x16x128xf32, #tpu.memory_space<vmem>>
        %dma_start3A_2404 = tpu.memref_squeeze %dma_start3A_2403 : memref<1x1x16x128xf32, #tpu.memory_space<vmem>> -> memref<16x128xf32, #tpu.memory_space<vmem>>
        %dma_start3A_2405 = arith.constant 0 : i32
        %dma_start3A_2406 = tpu.memref_slice %arg3[%dma_start3A_2405, %multiple_of3A_2398] : memref<16x1000000xf32, #tpu.memory_space<hbm>> -> memref<16x128xf32, #tpu.memory_space<hbm>>
        tpu.enqueue_indirect_dma source(%dma_start3A_2406 : memref<16x128xf32, #tpu.memory_space<hbm>>) target(%dma_start3A_2404 : memref<16x128xf32, #tpu.memory_space<vmem>>) offsets(%iota3A : vector<16xi32>) semaphore(%arg8 : memref<!tpu.dma_semaphore, #tpu.memory_space<semaphore_mem>>)
      } else {
      }
      %mul3A_1507 = arith.constant 16 : i32
      %mul3A_1508 = arith.muli %add3A_597, %mul3A_1507 : i32
      %get3A_1509 = arith.index_cast %mul3A_1508 : i32 to index
      %get3A_1510 = tpu.vector_load %arg5[%get3A_1509] {strides = array<i32>} : memref<512xi32, #tpu.memory_space<vmem>>, vector<16xi32>,
      %jit3A_1511 = arith.constant 128 : i32
      %eq3A_1512 = arith.constant 0 : i32
      %eq3A_1513 = arith.cmpi eq, %jit3A_1511, %eq3A_1512 : i32
      %jit3A_1514 = arith.constant 1 : i32
      %select_n3A_1515 = arith.select %eq3A_1513, %jit3A_1514, %jit3A_1511 : i32
      %rem3A_1516 = vector.broadcast %select_n3A_1515 : i32 to vector<16xi32>
      %rem3A_1517 = arith.remsi %get3A_1510, %rem3A_1516 : vector<16xi32>
      %ne3A_1518 = arith.constant 0 : i32
      %ne3A_1519 = vector.broadcast %ne3A_1518 : i32 to vector<16xi32>
      %ne3A_1520 = arith.cmpi ne, %rem3A_1517, %ne3A_1519 : vector<16xi32>
      %lt3A_1521 = arith.constant 0 : i32
      %lt3A_1522 = vector.broadcast %lt3A_1521 : i32 to vector<16xi32>
      %lt3A_1523 = arith.cmpi slt, %rem3A_1517, %lt3A_1522 : vector<16xi32>
      %lt3A_1524 = arith.constant 0 : i32
      %lt3A_1525 = arith.cmpi slt, %select_n3A_1515, %lt3A_1524 : i32
      %ne3A_1526 = vector.broadcast %lt3A_1525 : i1 to vector<16xi1>
      %ne3A_1527 = vector.broadcast %ne3A_1526 : vector<16xi1> to vector<16xi1>
      %ne3A_1528 = arith.xori %lt3A_1523, %ne3A_1527 : vector<16xi1>
      %and3A_1529 = arith.andi %ne3A_1528, %ne3A_1520 : vector<16xi1>
      %add3A_1530 = vector.broadcast %select_n3A_1515 : i32 to vector<16xi32>
      %add3A_1531 = arith.addi %rem3A_1517, %add3A_1530 : vector<16xi32>
      %select_n3A_1532 = arith.select %and3A_1529, %add3A_1531, %rem3A_1517 : vector<16xi1>, vector<16xi32>
      %broadcast_in_dim3A_1533 = arith.constant 1 : i32
      %broadcast_in_dim3A_1534 = vector.broadcast %broadcast_in_dim3A_1533 : i32 to vector<16xi32>
      %dma_wait3A_1535 = arith.constant 1 : i32
      %dma_wait3A_1536 = arith.constant 0 : i32
      %dma_wait3A_1537 = arith.constant 0 : i32
      %dma_wait3A_1538 = arith.constant 0 : i32
      %dma_wait3A_1539 = tpu.memref_slice %arg6[%dma_wait3A_1535, %dma_wait3A_1536, %dma_wait3A_1537, %dma_wait3A_1538] : memref<2x16x16x128xf32, #tpu.memory_space<vmem>> -> memref<1x1x16x128xf32, #tpu.memory_space<vmem>>
      %dma_wait3A_1540 = tpu.memref_squeeze %dma_wait3A_1539 : memref<1x1x16x128xf32, #tpu.memory_space<vmem>> -> memref<16x128xf32, #tpu.memory_space<vmem>>
      %dma_wait3A_1541 = arith.constant 0 : i32
      %dma_wait3A_1542 = tpu.memref_slice %arg3[%dma_wait3A_1541, %multiple_of3A_630] : memref<16x1000000xf32, #tpu.memory_space<hbm>> -> memref<16x128xf32, #tpu.memory_space<hbm>>
      tpu.wait_indirect_dma semaphore(%arg9 : memref<!tpu.dma_semaphore, #tpu.memory_space<semaphore_mem>>) src(%dma_wait3A_1542 : memref<16x128xf32, #tpu.memory_space<hbm>>) dst(%dma_wait3A_1540 : memref<16x128xf32, #tpu.memory_space<vmem>>)
      %dma_wait3A_1543 = arith.constant 1 : i32
      %dma_wait3A_1544 = arith.constant 1 : i32
      %dma_wait3A_1545 = arith.constant 0 : i32
      %dma_wait3A_1546 = arith.constant 0 : i32
      %dma_wait3A_1547 = tpu.memref_slice %arg6[%dma_wait3A_1543, %dma_wait3A_1544, %dma_wait3A_1545, %dma_wait3A_1546] : memref<2x16x16x128xf32, #tpu.memory_space<vmem>> -> memref<1x1x16x128xf32, #tpu.memory_space<vmem>>
      %dma_wait3A_1548 = tpu.memref_squeeze %dma_wait3A_1547 : memref<1x1x16x128xf32, #tpu.memory_space<vmem>> -> memref<16x128xf32, #tpu.memory_space<vmem>>
      %dma_wait3A_1549 = arith.constant 0 : i32
      %dma_wait3A_1550 = tpu.memref_slice %arg3[%dma_wait3A_1549, %multiple_of3A_667] : memref<16x1000000xf32, #tpu.memory_space<hbm>> -> memref<16x128xf32, #tpu.memory_space<hbm>>
      tpu.wait_indirect_dma semaphore(%arg9 : memref<!tpu.dma_semaphore, #tpu.memory_space<semaphore_mem>>) src(%dma_wait3A_1550 : memref<16x128xf32, #tpu.memory_space<hbm>>) dst(%dma_wait3A_1548 : memref<16x128xf32, #tpu.memory_space<vmem>>)
      %dma_wait3A_1551 = arith.constant 1 : i32
      %dma_wait3A_1552 = arith.constant 2 : i32
      %dma_wait3A_1553 = arith.constant 0 : i32
      %dma_wait3A_1554 = arith.constant 0 : i32
      %dma_wait3A_1555 = tpu.memref_slice %arg6[%dma_wait3A_1551, %dma_wait3A_1552, %dma_wait3A_1553, %dma_wait3A_1554] : memref<2x16x16x128xf32, #tpu.memory_space<vmem>> -> memref<1x1x16x128xf32, #tpu.memory_space<vmem>>
      %dma_wait3A_1556 = tpu.memref_squeeze %dma_wait3A_1555 : memref<1x1x16x128xf32, #tpu.memory_space<vmem>> -> memref<16x128xf32, #tpu.memory_space<vmem>>
      %dma_wait3A_1557 = arith.constant 0 : i32
      %dma_wait3A_1558 = tpu.memref_slice %arg3[%dma_wait3A_1557, %multiple_of3A_704] : memref<16x1000000xf32, #tpu.memory_space<hbm>> -> memref<16x128xf32, #tpu.memory_space<hbm>>
      tpu.wait_indirect_dma semaphore(%arg9 : memref<!tpu.dma_semaphore, #tpu.memory_space<semaphore_mem>>) src(%dma_wait3A_1558 : memref<16x128xf32, #tpu.memory_space<hbm>>) dst(%dma_wait3A_1556 : memref<16x128xf32, #tpu.memory_space<vmem>>)
      %dma_wait3A_1559 = arith.constant 1 : i32
      %dma_wait3A_1560 = arith.constant 3 : i32
      %dma_wait3A_1561 = arith.constant 0 : i32
      %dma_wait3A_1562 = arith.constant 0 : i32
      %dma_wait3A_1563 = tpu.memref_slice %arg6[%dma_wait3A_1559, %dma_wait3A_1560, %dma_wait3A_1561, %dma_wait3A_1562] : memref<2x16x16x128xf32, #tpu.memory_space<vmem>> -> memref<1x1x16x128xf32, #tpu.memory_space<vmem>>
      %dma_wait3A_1564 = tpu.memref_squeeze %dma_wait3A_1563 : memref<1x1x16x128xf32, #tpu.memory_space<vmem>> -> memref<16x128xf32, #tpu.memory_space<vmem>>
      %dma_wait3A_1565 = arith.constant 0 : i32
      %dma_wait3A_1566 = tpu.memref_slice %arg3[%dma_wait3A_1565, %multiple_of3A_741] : memref<16x1000000xf32, #tpu.memory_space<hbm>> -> memref<16x128xf32, #tpu.memory_space<hbm>>
      tpu.wait_indirect_dma semaphore(%arg9 : memref<!tpu.dma_semaphore, #tpu.memory_space<semaphore_mem>>) src(%dma_wait3A_1566 : memref<16x128xf32, #tpu.memory_space<hbm>>) dst(%dma_wait3A_1564 : memref<16x128xf32, #tpu.memory_space<vmem>>)
      %dma_wait3A_1567 = arith.constant 1 : i32
      %dma_wait3A_1568 = arith.constant 4 : i32
      %dma_wait3A_1569 = arith.constant 0 : i32
      %dma_wait3A_1570 = arith.constant 0 : i32
      %dma_wait3A_1571 = tpu.memref_slice %arg6[%dma_wait3A_1567, %dma_wait3A_1568, %dma_wait3A_1569, %dma_wait3A_1570] : memref<2x16x16x128xf32, #tpu.memory_space<vmem>> -> memref<1x1x16x128xf32, #tpu.memory_space<vmem>>
      %dma_wait3A_1572 = tpu.memref_squeeze %dma_wait3A_1571 : memref<1x1x16x128xf32, #tpu.memory_space<vmem>> -> memref<16x128xf32, #tpu.memory_space<vmem>>
      %dma_wait3A_1573 = arith.constant 0 : i32
      %dma_wait3A_1574 = tpu.memref_slice %arg3[%dma_wait3A_1573, %multiple_of3A_778] : memref<16x1000000xf32, #tpu.memory_space<hbm>> -> memref<16x128xf32, #tpu.memory_space<hbm>>
      tpu.wait_indirect_dma semaphore(%arg9 : memref<!tpu.dma_semaphore, #tpu.memory_space<semaphore_mem>>) src(%dma_wait3A_1574 : memref<16x128xf32, #tpu.memory_space<hbm>>) dst(%dma_wait3A_1572 : memref<16x128xf32, #tpu.memory_space<vmem>>)
      %dma_wait3A_1575 = arith.constant 1 : i32
      %dma_wait3A_1576 = arith.constant 5 : i32
      %dma_wait3A_1577 = arith.constant 0 : i32
      %dma_wait3A_1578 = arith.constant 0 : i32
      %dma_wait3A_1579 = tpu.memref_slice %arg6[%dma_wait3A_1575, %dma_wait3A_1576, %dma_wait3A_1577, %dma_wait3A_1578] : memref<2x16x16x128xf32, #tpu.memory_space<vmem>> -> memref<1x1x16x128xf32, #tpu.memory_space<vmem>>
      %dma_wait3A_1580 = tpu.memref_squeeze %dma_wait3A_1579 : memref<1x1x16x128xf32, #tpu.memory_space<vmem>> -> memref<16x128xf32, #tpu.memory_space<vmem>>
      %dma_wait3A_1581 = arith.constant 0 : i32
      %dma_wait3A_1582 = tpu.memref_slice %arg3[%dma_wait3A_1581, %multiple_of3A_815] : memref<16x1000000xf32, #tpu.memory_space<hbm>> -> memref<16x128xf32, #tpu.memory_space<hbm>>
      tpu.wait_indirect_dma semaphore(%arg9 : memref<!tpu.dma_semaphore, #tpu.memory_space<semaphore_mem>>) src(%dma_wait3A_1582 : memref<16x128xf32, #tpu.memory_space<hbm>>) dst(%dma_wait3A_1580 : memref<16x128xf32, #tpu.memory_space<vmem>>)
      %dma_wait3A_1583 = arith.constant 1 : i32
      %dma_wait3A_1584 = arith.constant 6 : i32
      %dma_wait3A_1585 = arith.constant 0 : i32
      %dma_wait3A_1586 = arith.constant 0 : i32
      %dma_wait3A_1587 = tpu.memref_slice %arg6[%dma_wait3A_1583, %dma_wait3A_1584, %dma_wait3A_1585, %dma_wait3A_1586] : memref<2x16x16x128xf32, #tpu.memory_space<vmem>> -> memref<1x1x16x128xf32, #tpu.memory_space<vmem>>
      %dma_wait3A_1588 = tpu.memref_squeeze %dma_wait3A_1587 : memref<1x1x16x128xf32, #tpu.memory_space<vmem>> -> memref<16x128xf32, #tpu.memory_space<vmem>>
      %dma_wait3A_1589 = arith.constant 0 : i32
      %dma_wait3A_1590 = tpu.memref_slice %arg3[%dma_wait3A_1589, %multiple_of3A_852] : memref<16x1000000xf32, #tpu.memory_space<hbm>> -> memref<16x128xf32, #tpu.memory_space<hbm>>
      tpu.wait_indirect_dma semaphore(%arg9 : memref<!tpu.dma_semaphore, #tpu.memory_space<semaphore_mem>>) src(%dma_wait3A_1590 : memref<16x128xf32, #tpu.memory_space<hbm>>) dst(%dma_wait3A_1588 : memref<16x128xf32, #tpu.memory_space<vmem>>)
      %dma_wait3A_1591 = arith.constant 1 : i32
      %dma_wait3A_1592 = arith.constant 7 : i32
      %dma_wait3A_1593 = arith.constant 0 : i32
      %dma_wait3A_1594 = arith.constant 0 : i32
      %dma_wait3A_1595 = tpu.memref_slice %arg6[%dma_wait3A_1591, %dma_wait3A_1592, %dma_wait3A_1593, %dma_wait3A_1594] : memref<2x16x16x128xf32, #tpu.memory_space<vmem>> -> memref<1x1x16x128xf32, #tpu.memory_space<vmem>>
      %dma_wait3A_1596 = tpu.memref_squeeze %dma_wait3A_1595 : memref<1x1x16x128xf32, #tpu.memory_space<vmem>> -> memref<16x128xf32, #tpu.memory_space<vmem>>
      %dma_wait3A_1597 = arith.constant 0 : i32
      %dma_wait3A_1598 = tpu.memref_slice %arg3[%dma_wait3A_1597, %multiple_of3A_889] : memref<16x1000000xf32, #tpu.memory_space<hbm>> -> memref<16x128xf32, #tpu.memory_space<hbm>>
      tpu.wait_indirect_dma semaphore(%arg9 : memref<!tpu.dma_semaphore, #tpu.memory_space<semaphore_mem>>) src(%dma_wait3A_1598 : memref<16x128xf32, #tpu.memory_space<hbm>>) dst(%dma_wait3A_1596 : memref<16x128xf32, #tpu.memory_space<vmem>>)
      %dma_wait3A_1599 = arith.constant 1 : i32
      %dma_wait3A_1600 = arith.constant 8 : i32
      %dma_wait3A_1601 = arith.constant 0 : i32
      %dma_wait3A_1602 = arith.constant 0 : i32
      %dma_wait3A_1603 = tpu.memref_slice %arg6[%dma_wait3A_1599, %dma_wait3A_1600, %dma_wait3A_1601, %dma_wait3A_1602] : memref<2x16x16x128xf32, #tpu.memory_space<vmem>> -> memref<1x1x16x128xf32, #tpu.memory_space<vmem>>
      %dma_wait3A_1604 = tpu.memref_squeeze %dma_wait3A_1603 : memref<1x1x16x128xf32, #tpu.memory_space<vmem>> -> memref<16x128xf32, #tpu.memory_space<vmem>>
      %dma_wait3A_1605 = arith.constant 0 : i32
      %dma_wait3A_1606 = tpu.memref_slice %arg3[%dma_wait3A_1605, %multiple_of3A_926] : memref<16x1000000xf32, #tpu.memory_space<hbm>> -> memref<16x128xf32, #tpu.memory_space<hbm>>
      tpu.wait_indirect_dma semaphore(%arg9 : memref<!tpu.dma_semaphore, #tpu.memory_space<semaphore_mem>>) src(%dma_wait3A_1606 : memref<16x128xf32, #tpu.memory_space<hbm>>) dst(%dma_wait3A_1604 : memref<16x128xf32, #tpu.memory_space<vmem>>)
      %dma_wait3A_1607 = arith.constant 1 : i32
      %dma_wait3A_1608 = arith.constant 9 : i32
      %dma_wait3A_1609 = arith.constant 0 : i32
      %dma_wait3A_1610 = arith.constant 0 : i32
      %dma_wait3A_1611 = tpu.memref_slice %arg6[%dma_wait3A_1607, %dma_wait3A_1608, %dma_wait3A_1609, %dma_wait3A_1610] : memref<2x16x16x128xf32, #tpu.memory_space<vmem>> -> memref<1x1x16x128xf32, #tpu.memory_space<vmem>>
      %dma_wait3A_1612 = tpu.memref_squeeze %dma_wait3A_1611 : memref<1x1x16x128xf32, #tpu.memory_space<vmem>> -> memref<16x128xf32, #tpu.memory_space<vmem>>
      %dma_wait3A_1613 = arith.constant 0 : i32
      %dma_wait3A_1614 = tpu.memref_slice %arg3[%dma_wait3A_1613, %multiple_of3A_963] : memref<16x1000000xf32, #tpu.memory_space<hbm>> -> memref<16x128xf32, #tpu.memory_space<hbm>>
      tpu.wait_indirect_dma semaphore(%arg9 : memref<!tpu.dma_semaphore, #tpu.memory_space<semaphore_mem>>) src(%dma_wait3A_1614 : memref<16x128xf32, #tpu.memory_space<hbm>>) dst(%dma_wait3A_1612 : memref<16x128xf32, #tpu.memory_space<vmem>>)
      %dma_wait3A_1615 = arith.constant 1 : i32
      %dma_wait3A_1616 = arith.constant 10 : i32
      %dma_wait3A_1617 = arith.constant 0 : i32
      %dma_wait3A_1618 = arith.constant 0 : i32
      %dma_wait3A_1619 = tpu.memref_slice %arg6[%dma_wait3A_1615, %dma_wait3A_1616, %dma_wait3A_1617, %dma_wait3A_1618] : memref<2x16x16x128xf32, #tpu.memory_space<vmem>> -> memref<1x1x16x128xf32, #tpu.memory_space<vmem>>
      %dma_wait3A_1620 = tpu.memref_squeeze %dma_wait3A_1619 : memref<1x1x16x128xf32, #tpu.memory_space<vmem>> -> memref<16x128xf32, #tpu.memory_space<vmem>>
      %dma_wait3A_1621 = arith.constant 0 : i32
      %dma_wait3A_1622 = tpu.memref_slice %arg3[%dma_wait3A_1621, %multiple_of3A_1000] : memref<16x1000000xf32, #tpu.memory_space<hbm>> -> memref<16x128xf32, #tpu.memory_space<hbm>>
      tpu.wait_indirect_dma semaphore(%arg9 : memref<!tpu.dma_semaphore, #tpu.memory_space<semaphore_mem>>) src(%dma_wait3A_1622 : memref<16x128xf32, #tpu.memory_space<hbm>>) dst(%dma_wait3A_1620 : memref<16x128xf32, #tpu.memory_space<vmem>>)
      %dma_wait3A_1623 = arith.constant 1 : i32
      %dma_wait3A_1624 = arith.constant 11 : i32
      %dma_wait3A_1625 = arith.constant 0 : i32
      %dma_wait3A_1626 = arith.constant 0 : i32
      %dma_wait3A_1627 = tpu.memref_slice %arg6[%dma_wait3A_1623, %dma_wait3A_1624, %dma_wait3A_1625, %dma_wait3A_1626] : memref<2x16x16x128xf32, #tpu.memory_space<vmem>> -> memref<1x1x16x128xf32, #tpu.memory_space<vmem>>
      %dma_wait3A_1628 = tpu.memref_squeeze %dma_wait3A_1627 : memref<1x1x16x128xf32, #tpu.memory_space<vmem>> -> memref<16x128xf32, #tpu.memory_space<vmem>>
      %dma_wait3A_1629 = arith.constant 0 : i32
      %dma_wait3A_1630 = tpu.memref_slice %arg3[%dma_wait3A_1629, %multiple_of3A_1037] : memref<16x1000000xf32, #tpu.memory_space<hbm>> -> memref<16x128xf32, #tpu.memory_space<hbm>>
      tpu.wait_indirect_dma semaphore(%arg9 : memref<!tpu.dma_semaphore, #tpu.memory_space<semaphore_mem>>) src(%dma_wait3A_1630 : memref<16x128xf32, #tpu.memory_space<hbm>>) dst(%dma_wait3A_1628 : memref<16x128xf32, #tpu.memory_space<vmem>>)
      %dma_wait3A_1631 = arith.constant 1 : i32
      %dma_wait3A_1632 = arith.constant 12 : i32
      %dma_wait3A_1633 = arith.constant 0 : i32
      %dma_wait3A_1634 = arith.constant 0 : i32
      %dma_wait3A_1635 = tpu.memref_slice %arg6[%dma_wait3A_1631, %dma_wait3A_1632, %dma_wait3A_1633, %dma_wait3A_1634] : memref<2x16x16x128xf32, #tpu.memory_space<vmem>> -> memref<1x1x16x128xf32, #tpu.memory_space<vmem>>
      %dma_wait3A_1636 = tpu.memref_squeeze %dma_wait3A_1635 : memref<1x1x16x128xf32, #tpu.memory_space<vmem>> -> memref<16x128xf32, #tpu.memory_space<vmem>>
      %dma_wait3A_1637 = arith.constant 0 : i32
      %dma_wait3A_1638 = tpu.memref_slice %arg3[%dma_wait3A_1637, %multiple_of3A_1074] : memref<16x1000000xf32, #tpu.memory_space<hbm>> -> memref<16x128xf32, #tpu.memory_space<hbm>>
      tpu.wait_indirect_dma semaphore(%arg9 : memref<!tpu.dma_semaphore, #tpu.memory_space<semaphore_mem>>) src(%dma_wait3A_1638 : memref<16x128xf32, #tpu.memory_space<hbm>>) dst(%dma_wait3A_1636 : memref<16x128xf32, #tpu.memory_space<vmem>>)
      %dma_wait3A_1639 = arith.constant 1 : i32
      %dma_wait3A_1640 = arith.constant 13 : i32
      %dma_wait3A_1641 = arith.constant 0 : i32
      %dma_wait3A_1642 = arith.constant 0 : i32
      %dma_wait3A_1643 = tpu.memref_slice %arg6[%dma_wait3A_1639, %dma_wait3A_1640, %dma_wait3A_1641, %dma_wait3A_1642] : memref<2x16x16x128xf32, #tpu.memory_space<vmem>> -> memref<1x1x16x128xf32, #tpu.memory_space<vmem>>
      %dma_wait3A_1644 = tpu.memref_squeeze %dma_wait3A_1643 : memref<1x1x16x128xf32, #tpu.memory_space<vmem>> -> memref<16x128xf32, #tpu.memory_space<vmem>>
      %dma_wait3A_1645 = arith.constant 0 : i32
      %dma_wait3A_1646 = tpu.memref_slice %arg3[%dma_wait3A_1645, %multiple_of3A_1111] : memref<16x1000000xf32, #tpu.memory_space<hbm>> -> memref<16x128xf32, #tpu.memory_space<hbm>>
      tpu.wait_indirect_dma semaphore(%arg9 : memref<!tpu.dma_semaphore, #tpu.memory_space<semaphore_mem>>) src(%dma_wait3A_1646 : memref<16x128xf32, #tpu.memory_space<hbm>>) dst(%dma_wait3A_1644 : memref<16x128xf32, #tpu.memory_space<vmem>>)
      %dma_wait3A_1647 = arith.constant 1 : i32
      %dma_wait3A_1648 = arith.constant 14 : i32
      %dma_wait3A_1649 = arith.constant 0 : i32
      %dma_wait3A_1650 = arith.constant 0 : i32
      %dma_wait3A_1651 = tpu.memref_slice %arg6[%dma_wait3A_1647, %dma_wait3A_1648, %dma_wait3A_1649, %dma_wait3A_1650] : memref<2x16x16x128xf32, #tpu.memory_space<vmem>> -> memref<1x1x16x128xf32, #tpu.memory_space<vmem>>
      %dma_wait3A_1652 = tpu.memref_squeeze %dma_wait3A_1651 : memref<1x1x16x128xf32, #tpu.memory_space<vmem>> -> memref<16x128xf32, #tpu.memory_space<vmem>>
      %dma_wait3A_1653 = arith.constant 0 : i32
      %dma_wait3A_1654 = tpu.memref_slice %arg3[%dma_wait3A_1653, %multiple_of3A_1148] : memref<16x1000000xf32, #tpu.memory_space<hbm>> -> memref<16x128xf32, #tpu.memory_space<hbm>>
      tpu.wait_indirect_dma semaphore(%arg9 : memref<!tpu.dma_semaphore, #tpu.memory_space<semaphore_mem>>) src(%dma_wait3A_1654 : memref<16x128xf32, #tpu.memory_space<hbm>>) dst(%dma_wait3A_1652 : memref<16x128xf32, #tpu.memory_space<vmem>>)
      %dma_wait3A_1655 = arith.constant 1 : i32
      %dma_wait3A_1656 = arith.constant 15 : i32
      %dma_wait3A_1657 = arith.constant 0 : i32
      %dma_wait3A_1658 = arith.constant 0 : i32
      %dma_wait3A_1659 = tpu.memref_slice %arg6[%dma_wait3A_1655, %dma_wait3A_1656, %dma_wait3A_1657, %dma_wait3A_1658] : memref<2x16x16x128xf32, #tpu.memory_space<vmem>> -> memref<1x1x16x128xf32, #tpu.memory_space<vmem>>
      %dma_wait3A_1660 = tpu.memref_squeeze %dma_wait3A_1659 : memref<1x1x16x128xf32, #tpu.memory_space<vmem>> -> memref<16x128xf32, #tpu.memory_space<vmem>>
      %dma_wait3A_1661 = arith.constant 0 : i32
      %dma_wait3A_1662 = tpu.memref_slice %arg3[%dma_wait3A_1661, %multiple_of3A_1185] : memref<16x1000000xf32, #tpu.memory_space<hbm>> -> memref<16x128xf32, #tpu.memory_space<hbm>>
      tpu.wait_indirect_dma semaphore(%arg9 : memref<!tpu.dma_semaphore, #tpu.memory_space<semaphore_mem>>) src(%dma_wait3A_1662 : memref<16x128xf32, #tpu.memory_space<hbm>>) dst(%dma_wait3A_1660 : memref<16x128xf32, #tpu.memory_space<vmem>>)
      %broadcast_in_dim3A_1663 = arith.constant 0 : i32
      %broadcast_in_dim3A_1664 = vector.broadcast %broadcast_in_dim3A_1663 : i32 to vector<16xi32>
      %gather3A_1665 = tpu.vector_load_idx %arg6[%broadcast_in_dim3A_1534, %iota3A, %broadcast_in_dim3A_1664, %select_n3A_1532] : memref<2x16x16x128xf32, #tpu.memory_space<vmem>>[vector<16xi32>, vector<16xi32>, vector<16xi32>, vector<16xi32>], vector<16xf32>,
      %mul3A_1666 = arith.constant 16 : i32
      %mul3A_1667 = arith.muli %add3A_597, %mul3A_1666 : i32
      %swap3A_1668 = arith.constant 0 : i32
      %swap3A_1669 = arith.index_cast %swap3A_1668 : i32 to index
      %swap3A_1670 = arith.index_cast %mul3A_1667 : i32 to index
      %swap3A_1671 = tpu.vector_load %arg7[%swap3A_1669, %swap3A_1670] {strides = array<i32>} : memref<16x512xf32, #tpu.memory_space<vmem>>, vector<16xf32>,
      tpu.vector_store %arg7[%swap3A_1669, %swap3A_1670], %gather3A_1665 {strides = array<i32>} : memref<16x512xf32, #tpu.memory_space<vmem>>, vector<16xf32>,
      %broadcast_in_dim3A_1672 = arith.constant 1 : i32
      %broadcast_in_dim3A_1673 = vector.broadcast %broadcast_in_dim3A_1672 : i32 to vector<16xi32>
      %gather3A_1674 = tpu.vector_load_idx %arg6[%broadcast_in_dim3A_1534, %iota3A, %broadcast_in_dim3A_1673, %select_n3A_1532] : memref<2x16x16x128xf32, #tpu.memory_space<vmem>>[vector<16xi32>, vector<16xi32>, vector<16xi32>, vector<16xi32>], vector<16xf32>,
      %mul3A_1675 = arith.constant 16 : i32
      %mul3A_1676 = arith.muli %add3A_597, %mul3A_1675 : i32
      %swap3A_1677 = arith.constant 1 : i32
      %swap3A_1678 = arith.index_cast %swap3A_1677 : i32 to index
      %swap3A_1679 = arith.index_cast %mul3A_1676 : i32 to index
      %swap3A_1680 = tpu.vector_load %arg7[%swap3A_1678, %swap3A_1679] {strides = array<i32>} : memref<16x512xf32, #tpu.memory_space<vmem>>, vector<16xf32>,
      tpu.vector_store %arg7[%swap3A_1678, %swap3A_1679], %gather3A_1674 {strides = array<i32>} : memref<16x512xf32, #tpu.memory_space<vmem>>, vector<16xf32>,
      %broadcast_in_dim3A_1681 = arith.constant 2 : i32
      %broadcast_in_dim3A_1682 = vector.broadcast %broadcast_in_dim3A_1681 : i32 to vector<16xi32>
      %gather3A_1683 = tpu.vector_load_idx %arg6[%broadcast_in_dim3A_1534, %iota3A, %broadcast_in_dim3A_1682, %select_n3A_1532] : memref<2x16x16x128xf32, #tpu.memory_space<vmem>>[vector<16xi32>, vector<16xi32>, vector<16xi32>, vector<16xi32>], vector<16xf32>,
      %mul3A_1684 = arith.constant 16 : i32
      %mul3A_1685 = arith.muli %add3A_597, %mul3A_1684 : i32
      %swap3A_1686 = arith.constant 2 : i32
      %swap3A_1687 = arith.index_cast %swap3A_1686 : i32 to index
      %swap3A_1688 = arith.index_cast %mul3A_1685 : i32 to index
      %swap3A_1689 = tpu.vector_load %arg7[%swap3A_1687, %swap3A_1688] {strides = array<i32>} : memref<16x512xf32, #tpu.memory_space<vmem>>, vector<16xf32>,
      tpu.vector_store %arg7[%swap3A_1687, %swap3A_1688], %gather3A_1683 {strides = array<i32>} : memref<16x512xf32, #tpu.memory_space<vmem>>, vector<16xf32>,
      %broadcast_in_dim3A_1690 = arith.constant 3 : i32
      %broadcast_in_dim3A_1691 = vector.broadcast %broadcast_in_dim3A_1690 : i32 to vector<16xi32>
      %gather3A_1692 = tpu.vector_load_idx %arg6[%broadcast_in_dim3A_1534, %iota3A, %broadcast_in_dim3A_1691, %select_n3A_1532] : memref<2x16x16x128xf32, #tpu.memory_space<vmem>>[vector<16xi32>, vector<16xi32>, vector<16xi32>, vector<16xi32>], vector<16xf32>,
      %mul3A_1693 = arith.constant 16 : i32
      %mul3A_1694 = arith.muli %add3A_597, %mul3A_1693 : i32
      %swap3A_1695 = arith.constant 3 : i32
      %swap3A_1696 = arith.index_cast %swap3A_1695 : i32 to index
      %swap3A_1697 = arith.index_cast %mul3A_1694 : i32 to index
      %swap3A_1698 = tpu.vector_load %arg7[%swap3A_1696, %swap3A_1697] {strides = array<i32>} : memref<16x512xf32, #tpu.memory_space<vmem>>, vector<16xf32>,
      tpu.vector_store %arg7[%swap3A_1696, %swap3A_1697], %gather3A_1692 {strides = array<i32>} : memref<16x512xf32, #tpu.memory_space<vmem>>, vector<16xf32>,
      %broadcast_in_dim3A_1699 = arith.constant 4 : i32
      %broadcast_in_dim3A_1700 = vector.broadcast %broadcast_in_dim3A_1699 : i32 to vector<16xi32>
      %gather3A_1701 = tpu.vector_load_idx %arg6[%broadcast_in_dim3A_1534, %iota3A, %broadcast_in_dim3A_1700, %select_n3A_1532] : memref<2x16x16x128xf32, #tpu.memory_space<vmem>>[vector<16xi32>, vector<16xi32>, vector<16xi32>, vector<16xi32>], vector<16xf32>,
      %mul3A_1702 = arith.constant 16 : i32
      %mul3A_1703 = arith.muli %add3A_597, %mul3A_1702 : i32
      %swap3A_1704 = arith.constant 4 : i32
      %swap3A_1705 = arith.index_cast %swap3A_1704 : i32 to index
      %swap3A_1706 = arith.index_cast %mul3A_1703 : i32 to index
      %swap3A_1707 = tpu.vector_load %arg7[%swap3A_1705, %swap3A_1706] {strides = array<i32>} : memref<16x512xf32, #tpu.memory_space<vmem>>, vector<16xf32>,
      tpu.vector_store %arg7[%swap3A_1705, %swap3A_1706], %gather3A_1701 {strides = array<i32>} : memref<16x512xf32, #tpu.memory_space<vmem>>, vector<16xf32>,
      %broadcast_in_dim3A_1708 = arith.constant 5 : i32
      %broadcast_in_dim3A_1709 = vector.broadcast %broadcast_in_dim3A_1708 : i32 to vector<16xi32>
      %gather3A_1710 = tpu.vector_load_idx %arg6[%broadcast_in_dim3A_1534, %iota3A, %broadcast_in_dim3A_1709, %select_n3A_1532] : memref<2x16x16x128xf32, #tpu.memory_space<vmem>>[vector<16xi32>, vector<16xi32>, vector<16xi32>, vector<16xi32>], vector<16xf32>,
      %mul3A_1711 = arith.constant 16 : i32
      %mul3A_1712 = arith.muli %add3A_597, %mul3A_1711 : i32
      %swap3A_1713 = arith.constant 5 : i32
      %swap3A_1714 = arith.index_cast %swap3A_1713 : i32 to index
      %swap3A_1715 = arith.index_cast %mul3A_1712 : i32 to index
      %swap3A_1716 = tpu.vector_load %arg7[%swap3A_1714, %swap3A_1715] {strides = array<i32>} : memref<16x512xf32, #tpu.memory_space<vmem>>, vector<16xf32>,
      tpu.vector_store %arg7[%swap3A_1714, %swap3A_1715], %gather3A_1710 {strides = array<i32>} : memref<16x512xf32, #tpu.memory_space<vmem>>, vector<16xf32>,
      %broadcast_in_dim3A_1717 = arith.constant 6 : i32
      %broadcast_in_dim3A_1718 = vector.broadcast %broadcast_in_dim3A_1717 : i32 to vector<16xi32>
      %gather3A_1719 = tpu.vector_load_idx %arg6[%broadcast_in_dim3A_1534, %iota3A, %broadcast_in_dim3A_1718, %select_n3A_1532] : memref<2x16x16x128xf32, #tpu.memory_space<vmem>>[vector<16xi32>, vector<16xi32>, vector<16xi32>, vector<16xi32>], vector<16xf32>,
      %mul3A_1720 = arith.constant 16 : i32
      %mul3A_1721 = arith.muli %add3A_597, %mul3A_1720 : i32
      %swap3A_1722 = arith.constant 6 : i32
      %swap3A_1723 = arith.index_cast %swap3A_1722 : i32 to index
      %swap3A_1724 = arith.index_cast %mul3A_1721 : i32 to index
      %swap3A_1725 = tpu.vector_load %arg7[%swap3A_1723, %swap3A_1724] {strides = array<i32>} : memref<16x512xf32, #tpu.memory_space<vmem>>, vector<16xf32>,
      tpu.vector_store %arg7[%swap3A_1723, %swap3A_1724], %gather3A_1719 {strides = array<i32>} : memref<16x512xf32, #tpu.memory_space<vmem>>, vector<16xf32>,
      %broadcast_in_dim3A_1726 = arith.constant 7 : i32
      %broadcast_in_dim3A_1727 = vector.broadcast %broadcast_in_dim3A_1726 : i32 to vector<16xi32>
      %gather3A_1728 = tpu.vector_load_idx %arg6[%broadcast_in_dim3A_1534, %iota3A, %broadcast_in_dim3A_1727, %select_n3A_1532] : memref<2x16x16x128xf32, #tpu.memory_space<vmem>>[vector<16xi32>, vector<16xi32>, vector<16xi32>, vector<16xi32>], vector<16xf32>,
      %mul3A_1729 = arith.constant 16 : i32
      %mul3A_1730 = arith.muli %add3A_597, %mul3A_1729 : i32
      %swap3A_1731 = arith.constant 7 : i32
      %swap3A_1732 = arith.index_cast %swap3A_1731 : i32 to index
      %swap3A_1733 = arith.index_cast %mul3A_1730 : i32 to index
      %swap3A_1734 = tpu.vector_load %arg7[%swap3A_1732, %swap3A_1733] {strides = array<i32>} : memref<16x512xf32, #tpu.memory_space<vmem>>, vector<16xf32>,
      tpu.vector_store %arg7[%swap3A_1732, %swap3A_1733], %gather3A_1728 {strides = array<i32>} : memref<16x512xf32, #tpu.memory_space<vmem>>, vector<16xf32>,
      %broadcast_in_dim3A_1735 = arith.constant 8 : i32
      %broadcast_in_dim3A_1736 = vector.broadcast %broadcast_in_dim3A_1735 : i32 to vector<16xi32>
      %gather3A_1737 = tpu.vector_load_idx %arg6[%broadcast_in_dim3A_1534, %iota3A, %broadcast_in_dim3A_1736, %select_n3A_1532] : memref<2x16x16x128xf32, #tpu.memory_space<vmem>>[vector<16xi32>, vector<16xi32>, vector<16xi32>, vector<16xi32>], vector<16xf32>,
      %mul3A_1738 = arith.constant 16 : i32
      %mul3A_1739 = arith.muli %add3A_597, %mul3A_1738 : i32
      %swap3A_1740 = arith.constant 8 : i32
      %swap3A_1741 = arith.index_cast %swap3A_1740 : i32 to index
      %swap3A_1742 = arith.index_cast %mul3A_1739 : i32 to index
      %swap3A_1743 = tpu.vector_load %arg7[%swap3A_1741, %swap3A_1742] {strides = array<i32>} : memref<16x512xf32, #tpu.memory_space<vmem>>, vector<16xf32>,
      tpu.vector_store %arg7[%swap3A_1741, %swap3A_1742], %gather3A_1737 {strides = array<i32>} : memref<16x512xf32, #tpu.memory_space<vmem>>, vector<16xf32>,
      %broadcast_in_dim3A_1744 = arith.constant 9 : i32
      %broadcast_in_dim3A_1745 = vector.broadcast %broadcast_in_dim3A_1744 : i32 to vector<16xi32>
      %gather3A_1746 = tpu.vector_load_idx %arg6[%broadcast_in_dim3A_1534, %iota3A, %broadcast_in_dim3A_1745, %select_n3A_1532] : memref<2x16x16x128xf32, #tpu.memory_space<vmem>>[vector<16xi32>, vector<16xi32>, vector<16xi32>, vector<16xi32>], vector<16xf32>,
      %mul3A_1747 = arith.constant 16 : i32
      %mul3A_1748 = arith.muli %add3A_597, %mul3A_1747 : i32
      %swap3A_1749 = arith.constant 9 : i32
      %swap3A_1750 = arith.index_cast %swap3A_1749 : i32 to index
      %swap3A_1751 = arith.index_cast %mul3A_1748 : i32 to index
      %swap3A_1752 = tpu.vector_load %arg7[%swap3A_1750, %swap3A_1751] {strides = array<i32>} : memref<16x512xf32, #tpu.memory_space<vmem>>, vector<16xf32>,
      tpu.vector_store %arg7[%swap3A_1750, %swap3A_1751], %gather3A_1746 {strides = array<i32>} : memref<16x512xf32, #tpu.memory_space<vmem>>, vector<16xf32>,
      %broadcast_in_dim3A_1753 = arith.constant 10 : i32
      %broadcast_in_dim3A_1754 = vector.broadcast %broadcast_in_dim3A_1753 : i32 to vector<16xi32>
      %gather3A_1755 = tpu.vector_load_idx %arg6[%broadcast_in_dim3A_1534, %iota3A, %broadcast_in_dim3A_1754, %select_n3A_1532] : memref<2x16x16x128xf32, #tpu.memory_space<vmem>>[vector<16xi32>, vector<16xi32>, vector<16xi32>, vector<16xi32>], vector<16xf32>,
      %mul3A_1756 = arith.constant 16 : i32
      %mul3A_1757 = arith.muli %add3A_597, %mul3A_1756 : i32
      %swap3A_1758 = arith.constant 10 : i32
      %swap3A_1759 = arith.index_cast %swap3A_1758 : i32 to index
      %swap3A_1760 = arith.index_cast %mul3A_1757 : i32 to index
      %swap3A_1761 = tpu.vector_load %arg7[%swap3A_1759, %swap3A_1760] {strides = array<i32>} : memref<16x512xf32, #tpu.memory_space<vmem>>, vector<16xf32>,
      tpu.vector_store %arg7[%swap3A_1759, %swap3A_1760], %gather3A_1755 {strides = array<i32>} : memref<16x512xf32, #tpu.memory_space<vmem>>, vector<16xf32>,
      %broadcast_in_dim3A_1762 = arith.constant 11 : i32
      %broadcast_in_dim3A_1763 = vector.broadcast %broadcast_in_dim3A_1762 : i32 to vector<16xi32>
      %gather3A_1764 = tpu.vector_load_idx %arg6[%broadcast_in_dim3A_1534, %iota3A, %broadcast_in_dim3A_1763, %select_n3A_1532] : memref<2x16x16x128xf32, #tpu.memory_space<vmem>>[vector<16xi32>, vector<16xi32>, vector<16xi32>, vector<16xi32>], vector<16xf32>,
      %mul3A_1765 = arith.constant 16 : i32
      %mul3A_1766 = arith.muli %add3A_597, %mul3A_1765 : i32
      %swap3A_1767 = arith.constant 11 : i32
      %swap3A_1768 = arith.index_cast %swap3A_1767 : i32 to index
      %swap3A_1769 = arith.index_cast %mul3A_1766 : i32 to index
      %swap3A_1770 = tpu.vector_load %arg7[%swap3A_1768, %swap3A_1769] {strides = array<i32>} : memref<16x512xf32, #tpu.memory_space<vmem>>, vector<16xf32>,
      tpu.vector_store %arg7[%swap3A_1768, %swap3A_1769], %gather3A_1764 {strides = array<i32>} : memref<16x512xf32, #tpu.memory_space<vmem>>, vector<16xf32>,
      %broadcast_in_dim3A_1771 = arith.constant 12 : i32
      %broadcast_in_dim3A_1772 = vector.broadcast %broadcast_in_dim3A_1771 : i32 to vector<16xi32>
      %gather3A_1773 = tpu.vector_load_idx %arg6[%broadcast_in_dim3A_1534, %iota3A, %broadcast_in_dim3A_1772, %select_n3A_1532] : memref<2x16x16x128xf32, #tpu.memory_space<vmem>>[vector<16xi32>, vector<16xi32>, vector<16xi32>, vector<16xi32>], vector<16xf32>,
      %mul3A_1774 = arith.constant 16 : i32
      %mul3A_1775 = arith.muli %add3A_597, %mul3A_1774 : i32
      %swap3A_1776 = arith.constant 12 : i32
      %swap3A_1777 = arith.index_cast %swap3A_1776 : i32 to index
      %swap3A_1778 = arith.index_cast %mul3A_1775 : i32 to index
      %swap3A_1779 = tpu.vector_load %arg7[%swap3A_1777, %swap3A_1778] {strides = array<i32>} : memref<16x512xf32, #tpu.memory_space<vmem>>, vector<16xf32>,
      tpu.vector_store %arg7[%swap3A_1777, %swap3A_1778], %gather3A_1773 {strides = array<i32>} : memref<16x512xf32, #tpu.memory_space<vmem>>, vector<16xf32>,
      %broadcast_in_dim3A_1780 = arith.constant 13 : i32
      %broadcast_in_dim3A_1781 = vector.broadcast %broadcast_in_dim3A_1780 : i32 to vector<16xi32>
      %gather3A_1782 = tpu.vector_load_idx %arg6[%broadcast_in_dim3A_1534, %iota3A, %broadcast_in_dim3A_1781, %select_n3A_1532] : memref<2x16x16x128xf32, #tpu.memory_space<vmem>>[vector<16xi32>, vector<16xi32>, vector<16xi32>, vector<16xi32>], vector<16xf32>,
      %mul3A_1783 = arith.constant 16 : i32
      %mul3A_1784 = arith.muli %add3A_597, %mul3A_1783 : i32
      %swap3A_1785 = arith.constant 13 : i32
      %swap3A_1786 = arith.index_cast %swap3A_1785 : i32 to index
      %swap3A_1787 = arith.index_cast %mul3A_1784 : i32 to index
      %swap3A_1788 = tpu.vector_load %arg7[%swap3A_1786, %swap3A_1787] {strides = array<i32>} : memref<16x512xf32, #tpu.memory_space<vmem>>, vector<16xf32>,
      tpu.vector_store %arg7[%swap3A_1786, %swap3A_1787], %gather3A_1782 {strides = array<i32>} : memref<16x512xf32, #tpu.memory_space<vmem>>, vector<16xf32>,
      %broadcast_in_dim3A_1789 = arith.constant 14 : i32
      %broadcast_in_dim3A_1790 = vector.broadcast %broadcast_in_dim3A_1789 : i32 to vector<16xi32>
      %gather3A_1791 = tpu.vector_load_idx %arg6[%broadcast_in_dim3A_1534, %iota3A, %broadcast_in_dim3A_1790, %select_n3A_1532] : memref<2x16x16x128xf32, #tpu.memory_space<vmem>>[vector<16xi32>, vector<16xi32>, vector<16xi32>, vector<16xi32>], vector<16xf32>,
      %mul3A_1792 = arith.constant 16 : i32
      %mul3A_1793 = arith.muli %add3A_597, %mul3A_1792 : i32
      %swap3A_1794 = arith.constant 14 : i32
      %swap3A_1795 = arith.index_cast %swap3A_1794 : i32 to index
      %swap3A_1796 = arith.index_cast %mul3A_1793 : i32 to index
      %swap3A_1797 = tpu.vector_load %arg7[%swap3A_1795, %swap3A_1796] {strides = array<i32>} : memref<16x512xf32, #tpu.memory_space<vmem>>, vector<16xf32>,
      tpu.vector_store %arg7[%swap3A_1795, %swap3A_1796], %gather3A_1791 {strides = array<i32>} : memref<16x512xf32, #tpu.memory_space<vmem>>, vector<16xf32>,
      %broadcast_in_dim3A_1798 = arith.constant 15 : i32
      %broadcast_in_dim3A_1799 = vector.broadcast %broadcast_in_dim3A_1798 : i32 to vector<16xi32>
      %gather3A_1800 = tpu.vector_load_idx %arg6[%broadcast_in_dim3A_1534, %iota3A, %broadcast_in_dim3A_1799, %select_n3A_1532] : memref<2x16x16x128xf32, #tpu.memory_space<vmem>>[vector<16xi32>, vector<16xi32>, vector<16xi32>, vector<16xi32>], vector<16xf32>,
      %mul3A_1801 = arith.constant 16 : i32
      %mul3A_1802 = arith.muli %add3A_597, %mul3A_1801 : i32
      %swap3A_1803 = arith.constant 15 : i32
      %swap3A_1804 = arith.index_cast %swap3A_1803 : i32 to index
      %swap3A_1805 = arith.index_cast %mul3A_1802 : i32 to index
      %swap3A_1806 = tpu.vector_load %arg7[%swap3A_1804, %swap3A_1805] {strides = array<i32>} : memref<16x512xf32, #tpu.memory_space<vmem>>, vector<16xf32>,
      tpu.vector_store %arg7[%swap3A_1804, %swap3A_1805], %gather3A_1800 {strides = array<i32>} : memref<16x512xf32, #tpu.memory_space<vmem>>, vector<16xf32>,
    }
    %scan3A_588 = arith.constant 16 : i32
    %mul3A_589 = arith.constant 512 : i32
    %mul3A_590 = arith.muli %add3A, %mul3A_589 : i32
    "tpu.region"() ({
      %run_scoped3A = tpu.sem_alloc : memref<!tpu.dma_semaphore, #tpu.memory_space<semaphore_mem>>
      %dma_start3A_591 = arith.constant 0 : i32
      %dma_start3A_592 = tpu.memref_slice %arg4[%dma_start3A_591, %mul3A_590] : memref<16x16384xf32, #tpu.memory_space<hbm>> -> memref<16x512xf32, #tpu.memory_space<hbm>>
      %dma_start3A_593 = arith.constant 0 : i32
      %dma_start3A_594 = tpu.memref_slice %arg4[%dma_start3A_593, %mul3A_590] : memref<16x16384xf32, #tpu.memory_space<hbm>> -> memref<16x512xf32, #tpu.memory_space<hbm>>
      tpu.enqueue_dma source(%arg7 : memref<16x512xf32, #tpu.memory_space<vmem>>) target(%dma_start3A_594 : memref<16x512xf32, #tpu.memory_space<hbm>>) target_semaphore(%run_scoped3A : memref<!tpu.dma_semaphore, #tpu.memory_space<semaphore_mem>>)
      %dma_wait3A = arith.constant 0 : i32
      %dma_wait3A_595 = tpu.memref_slice %arg4[%dma_wait3A, %mul3A_590] : memref<16x16384xf32, #tpu.memory_space<hbm>> -> memref<16x512xf32, #tpu.memory_space<hbm>>
      %dma_wait3A_596 = arith.constant 0 : i32
      %dma_wait3A_597 = tpu.memref_slice %arg4[%dma_wait3A_596, %mul3A_590] : memref<16x16384xf32, #tpu.memory_space<hbm>> -> memref<16x512xf32, #tpu.memory_space<hbm>>
      tpu.wait_dma2 semaphore(%run_scoped3A : memref<!tpu.dma_semaphore, #tpu.memory_space<semaphore_mem>>) src(%arg7 : memref<16x512xf32, #tpu.memory_space<vmem>>) dst(%dma_wait3A_597 : memref<16x512xf32, #tpu.memory_space<hbm>>)
      tpu.yield
    }) : () -> ()
    return
  }
}

</mosaic_0001>

<sc_bundles>
// kernel: kernel.3.cloned.1.call-start
scs
__scs_entry_jumppad:
0x0: {  	(pc) =	sbr.rel $0x88, $3  }
0x1: {  	(tag) =	ssettag $0x0;
	lr =	simm.s32 $0x1  }
0x2: {  	[smem:$0x3F9E] =	sst lr;
	_ =	strace $0xD0000000  }
0x3: {  	_ = 	snop  }
0x4: {  	_ = 	snop  }
0x5: {  	_ = 	snop  }
0x6: {  	_ = 	snop  }
0x7: {  	_ = 	snop  }
__scs_overlays_trampoline_lowered:
0x8: {  	[smem:$0x3FAD] =	sst s0  }
0x9: {  	[smem:$0x3FAE] =	sst s1  }
0xa: {  	[smem:$0x3FAF] =	sst s2  }
0xb: {  	[smem:$0x3FB0] =	sst s3  }
0xc: {  	[smem:$0x3FB1] =	sst s4  }
0xd: {  	[smem:$0x3FB2] =	sst s5  }
0xe: {  	[smem:$0x3FB3] =	sst s6  }
0xf: {  	[smem:$0x3FB4] =	sst s7  }
0x10: {  	[smem:$0x3FB5] =	sst s8  }
0x11: {  	[smem:$0x3FB6] =	sst s9;
	s0 =	simm.s32 @!p0 $0x0  }
0x12: {  	s1 =	sld [smem:$0x3F9C];
	s0 =	simm.s32 @p0 $0x1  }
0x13: {  	[smem:$0x3FB7] =	sst s0;
	s0 =	simm.s32 @!p1 $0x0  }
0x14: {  	s2 =	sld [smem:$0x3F9B];
	s0 =	simm.s32 @p1 $0x1  }
0x15: {  	[smem:$0x3FB8] =	sst s0;
	s0 =	simm.s32 @!p2 $0x0  }
0x16: {  	s3 =	sld [smem:$0x3FDB];
	s0 =	simm.s32 @p2 $0x1  }
0x17: {  	s4 =	simm.s32 $0x1BF5;
	[smem:$0x3FBA] =	sst s0  }
0x18: {  	s0 =	sld [smem:$0x3F9D];
	_ =	swait.ge [sflag:s4], $0x0  }
0x19: {  	s7 =	sld [smem:$0x3F9E]  }
0x1a: {  	s8 =	sadd.s32 $0xFFFFE003, lr  }
0x1b: {  	s9 =	sadd.s32 $0xFFFFFEF7, lr;
	s5 =	simm.s32 $0xFFFFFFFF;
	p2 =	slt.u32 s8, $0xFFFFF086  }
0x1c: {  	p1 =	slt.u32 s9, $0xF7A;
	s5 =	simm.s32 @!p2 $0x0  }
0x1d: {  	s5 =	simm.s32 @p1 $0x1;
	p0 =	seq.s32 s7, s2  }
0x1e: {  	s7 =	smul.u32 @!p0 $0xF7A, s2;
	p2 =	seq.s32 @!p0 s5, $0x0  }
0x1f: {  	s9 =	smul.u32 $0xF7A, s1;
	s8 =	simm.s32 @!p0 $0x1BF5;
	p2 =	por !p2, p0  }
0x20: {  	[sflag:s8] =	ssyncset.s32 @!p0 $0xFFFFF086;
	s6 =	sadd.s32 @!p0 s3, s7;
	s7 =	simm.s32 @!p0 $0x108  }
0x21: {  	s3 =	sadd.s32 s3, s9;
	s6 =	sadd.s32 @!p0 $0x88, s6;
	s7 =	simm.s32 @p2 $0x1082  }
0x22: {  	[simem:s7], [sflag:s8] =	dma.local @!p0 [hbm:s6], $0xF7A  }
0x23: {  	s9 =	sor.u32 $0xD0000000, s2;
	s6 =	simm.s32 $0x108;
	_ =	swait.ge @!p0 [sflag:s8], $0x0  }
0x24: {  	s3 =	sadd.s32 $0x88, s3;
	s6 =	simm.s32 @!p1 $0x1082;
	[sflag:s4] =	ssyncset.s32 $0xFFFFF086  }
0x25: {  	[simem:s6], [sflag:s4] =	dma.local [hbm:s3], $0xF7A  }
0x26: {  	[smem:$0x3F9E] =	sst s1;
	(tag) =	ssettag s2;
	_ =	strace s9  }
0x27: {  	s1 =	sld [smem:$0x3FAE]  }
0x28: {  	s2 =	sld [smem:$0x3FAF]  }
0x29: {  	s4 =	sld [smem:$0x3FB1]  }
0x2a: {  	p0 =	seq.s32 s5, $0x0;
	s5 =	sld [smem:$0x3FB2]  }
0x2b: {  	s6 =	sld [smem:$0x3FB3]  }
0x2c: {  	s7 =	sld [smem:$0x3FB4]  }
0x2d: {  	s3 =	simm.s32 $0x108;
	s8 =	sld [smem:$0x3FB5]  }
0x2e: {  	s3 =	simm.s32 @!p0 $0x1082;
	s9 =	sld [smem:$0x3FB6]  }
0x2f: {  	lr =	sadd.s32 s0, s3;
	s0 =	sld [smem:$0x3FAD]  }
0x30: {  	s3 =	sld [smem:$0x3FB0]  }
0x31: {  	[smem:$0x3FB9] =	sst s10  }
0x32: {  	s10 =	sld [smem:$0x3FB7];
	_ =	sdelay $0x3  }
0x33: {  	p0 =	seq.s32 s10, $0x1;
	s10 =	sld [smem:$0x3FB9];
	_ =	sdelay $0x3  }
0x34: {  	[smem:$0x3FB9] =	sst s10  }
0x35: {  	s10 =	sld [smem:$0x3FB8];
	_ =	sdelay $0x3  }
0x36: {  	p1 =	seq.s32 s10, $0x1;
	s10 =	sld [smem:$0x3FB9];
	_ =	sdelay $0x3  }
0x37: {  	[smem:$0x3FB9] =	sst s10  }
0x38: {  	s10 =	sld [smem:$0x3FBA]  }
0x39: {  	_ = 	snop;
	(pc) =	sbr.ind lr, $3  }
0x3a: {  	_ = 	snop  }
0x3b: {  	_ = 	snop  }
0x3c: {  	p2 =	seq.s32 s10, $0x1;
	s10 =	sld [smem:$0x3FB9]  }
0x3d: {  	_ =	shalt  }
0x3e: {  	_ =	shalt  }
0x3f: {  	_ =	shalt  }
0x40: {  	_ =	shalt  }
0x41: {  	_ =	shalt  }
0x42: {  	_ =	shalt  }
0x43: {  	_ =	shalt  }
0x44: {  	_ =	shalt  }
0x45: {  	_ =	shalt  }
0x46: {  	_ =	shalt  }
0x47: {  	_ =	shalt  }
0x48: {  	_ =	shalt  }
0x49: {  	_ =	shalt  }
0x4a: {  	_ =	shalt  }
0x4b: {  	_ =	shalt  }
0x4c: {  	_ =	shalt  }
0x4d: {  	_ =	shalt  }
0x4e: {  	_ =	shalt  }
0x4f: {  	_ =	shalt  }
0x50: {  	_ =	shalt  }
0x51: {  	_ =	shalt  }
0x52: {  	_ =	shalt  }
0x53: {  	_ =	shalt  }
0x54: {  	_ =	shalt  }
0x55: {  	_ =	shalt  }
0x56: {  	_ =	shalt  }
0x57: {  	_ =	shalt  }
0x58: {  	_ =	shalt  }
0x59: {  	_ =	shalt  }
0x5a: {  	_ =	shalt  }
0x5b: {  	_ =	shalt  }
0x5c: {  	_ =	shalt  }
0x5d: {  	_ =	shalt  }
0x5e: {  	_ =	shalt  }
0x5f: {  	_ =	shalt  }
0x60: {  	_ =	shalt  }
0x61: {  	_ =	shalt  }
0x62: {  	_ =	shalt  }
0x63: {  	_ =	shalt  }
0x64: {  	_ =	shalt  }
0x65: {  	_ =	shalt  }
0x66: {  	_ =	shalt  }
0x67: {  	_ =	shalt  }
0x68: {  	_ =	shalt  }
0x69: {  	_ =	shalt  }
0x6a: {  	_ =	shalt  }
0x6b: {  	_ =	shalt  }
0x6c: {  	_ =	shalt  }
0x6d: {  	_ =	shalt  }
0x6e: {  	_ =	shalt  }
0x6f: {  	_ =	shalt  }
0x70: {  	_ =	shalt  }
0x71: {  	_ =	shalt  }
0x72: {  	_ =	shalt  }
0x73: {  	_ =	shalt  }
0x74: {  	_ =	shalt  }
0x75: {  	_ =	shalt  }
0x76: {  	_ =	shalt  }
0x77: {  	_ =	shalt  }
0x78: {  	_ =	shalt  }
0x79: {  	_ =	shalt  }
0x7a: {  	_ =	shalt  }
0x7b: {  	_ =	shalt  }
0x7c: {  	_ =	shalt  }
0x7d: {  	_ =	shalt  }
0x7e: {  	_ =	shalt  }
0x7f: {  	_ =	shalt  }
0x80: {  	_ =	shalt  }
0x81: {  	_ =	shalt  }
0x82: {  	_ =	shalt  }
0x83: {  	_ =	shalt  }
0x84: {  	_ =	shalt  }
0x85: {  	_ =	shalt  }
0x86: {  	_ =	shalt  }
0x87: {  	_ =	shalt  }
.Lfunc_end0:
.L_simem_size_0:
called_computation_lowered:
.L_overlay_start_0:
0x88: {  	s2 =	sld [smem:$0x3FD9]  }
0x89: {  	s3 =	sld [smem:$0x3FFE];
	_ =	sdelay $0x1  }
0x8a: {  	s1 =	srdreg.scid  }
0x8b: {  	s0 =	sand.u32 $0x1, s1  }
0x8c: {  	s15 =	sshll.u32 s0, $0xA;
	s2 =	sadd.s32 s3, s2  }
0x8d: {  	s2 =	sadd.s32 s2, s15  }
0x8e: {  	[smem:$0x3FC5] =	sst s2  }
0x8f: {  	_ = 	snop  }
0x90: {  	s2 =	sld [smem:$0x3FD0];
	_ =	sdelay $0x1  }
0x91: {  	s16 =	sld [smem:$0x3FC9]  }
0x92: {  	s5 =	simm.s32 $0xA;
	s6 =	simm.s32 $0x10;
	s4 =	sld [smem:$0x3FC8]  }
0x93: {  	[smem:s6], [sflag:s5] =	dma.local [hbm:s2], $0x1  }
0x94: {  	_ =	swait.eq [sflag:s5], $0x1  }
0x95: {  	[sflag:s5] =	ssyncset.done $0x0  }
0x96: {  	[sflag:s5] =	ssyncadd.s32 $0xFFFFFFFF  }
0x97: {  	s17 =	sld [smem:$0x10];
	(tm) =	ssettm $0x1  }
0x98: {  	s18 =	sld [smem:$0x3FFB];
	_ =	sdelay $0x3  }
0x99: {  	_ =	strace s18  }
0x9a: {  	s5 =	sld [smem:$0x3FFC];
	_ =	sdelay $0x3  }
0x9b: {  	_ =	strace s5  }
0x9c: {  	s5 =	sld [smem:$0x3FFD];
	_ =	sdelay $0x3  }
0x9d: {  	_ =	strace s5  }
0x9e: {  	_ =	strace $0x8FFFFFFF  }
0x9f: {  	s19 =	sld [smem:$0x3FDB];
	_ =	sdelay $0x1  }
0xa0: {  	s20 =	simm.s32 $_scs_section_size  }
0xa1: {  	s7 =	simm.s32 $_size__tile_overlayer_lowered;
	s8 =	simm.s32 $_tile_overlayer_lowered  }
0xa2: {  	s23 =	simm.s32 $0x1BFF;
	s22 =	sshll.u32 s8, $0x1;
	s5 =	sadd.s32 s20, s19  }
0xa3: {  	s9 =	simm.s32 $0x0;
	s21 =	sshll.u32 s7, $0x1;
	s7 =	sadd.s32 s22, s5  }
0xa4: {  	[timem:s9], [sflag:s23] =	dma.local [hbm:s7], s21  }
0xa5: {  	_ =	swait.ge [sflag:s23], s21  }
0xa6: {  	s6 =	ssub.s32 $0x0, s21;
	[sflag:s23] =	ssyncset.done $0x0  }
0xa7: {  	[sflag:s23] =	ssyncadd.s32 s6;
	_ =	sdelay $0x1  }
0xa8: {  	s24 =	simm.s32 $0x1B8B  }
0xa9: {  	_ =	swait.ge [sflag:s24], $0x1  }
0xaa: {  	[sflag:s24] =	ssyncset.done $0x0  }
0xab: {  	s25 =	simm.s32 $0x1B8E;
	[sflag:s24] =	ssyncadd.s32 $0xFFFFFFFF  }
0xac: {  	s26 =	simm.s32 $execute0_lowered;
	[smem:$0x3FD2] =	sst s25  }
0xad: {  	s6 =	sshll.u32 s26, $0x1;
	_ =	strace $0x80000046;
	[dreg:$0x1] =	wrdreg $0xFFFFFFFF  }
0xae: {  	s28 =	simm.s32 $_size_execute0_lowered;
	s5 =	sadd.s32 s5, s6;
	[dreg:$0x0] =	wrdreg $0x0  }
0xaf: {  	s6 =	sshll.u32 s28, $0x1;
	[dreg:$0x2] =	wrdreg s5  }
0xb0: {  	[dreg:$0x3] =	wrdreg s6  }
0xb1: {  	[dreg:$0x4] =	wrdreg $0xC0  }
0xb2: {  	_ =	task [dreg:s9], $0x5FFFF  }
0xb3: {  	[dreg:$0x1] =	wrdreg $0xFFFFFFFF  }
0xb4: {  	[dreg:$0x0] =	wrdreg $0x60  }
0xb5: {  	[dreg:$0x2] =	wrdreg s16  }
0xb6: {  	[dreg:$0x3] =	wrdreg s4  }
0xb7: {  	[dreg:$0x4] =	wrdreg s17  }
0xb8: {  	[dreg:$0x5] =	wrdreg $0x9  }
0xb9: {  	_ =	task.clear_ibuf [dreg:s9], $0x6FFFF;
	_ =	strace $0x90000046  }
0xba: {  	s29 =	simm.s32 $0x9;
	_ =	strace $0x80000048  }
0xbb: {  	_ =	swait.ge [sflag:s29], $0x1  }
0xbc: {  	[sflag:s29] =	ssyncadd.s32 $0xFFFFFFFF  }
0xbd: {  	_ =	strace $0x90000048  }
0xbe: {  	_ =	sfence  }
0xbf: {  	s30 =	sld [smem:$0x0];
	_ =	sdelay $0x2  }
0xc0: {  	s31 =	sshll.u32 s1, $0xD;
	s1 =	sshrl.u32 s1, $0x2  }
0xc1: {  	s3 =	sand.u32 $0x4000, s31;
	s1 =	sadd.s32 s1, s30  }
0xc2: {  	s0 =	sor.u32 s3, s0;
	s1 =	sshll.u32 s1, $0x11  }
0xc3: {  	s0 =	sor.u32 s1, s0  }
0xc4: {  	s0 =	sadd.s32 $0x8F2B, s0  }
0xc5: {  	[sflag:s0] =	ssyncadd.remote.s32 $0x1  }
0xc6: {  	_ =	sfence.sel $0xFFFF  }
0xc7: {  	[dreg:$0x0] =	wrdreg $0xFFFFFFFF;
	(pc) =	sbr.abs _section_cstart, $3  }
0xc8: {  	[dreg:$0x1] =	wrdreg $0xFFFFFFFF  }
0xc9: {  	_ =	task.clear_ibuf [dreg:s9], $0x2FFFF;
	_ =	strace $0x9FFFFFFF  }
0xca: {  	(tm) =	ssettm $0x7FFFFFFF  }
0xcb: {  	_ =	shalt  }
tec
execute0_lowered:
.L_overlay_start_1:
0x0: {  	(tag) =	ssettag $0x1  }
0x1: {  	v0 =	vimm.s32 $0x76543210  }
0x2: {  	v0 =	vunpack.c.l.s4.s8 v0;
	_ =	sdelay $0x1  }
0x3: {  	v0 =	vunpack.c.0.s8.s32 v0  }
0x4: {  	vm0 =	vcmask $0x1F00;
	v12 =	vlaneseq.u32;
	v1 =	vimm.s32 $0x1  }
0x5: {  	v2 =	vimm.s32 $0x2;
	v0 =	vnsel vm0, $0xF42F, v0;
	vm0 =	vcmask $0x2320  }
0x6: {  	v3 =	vimm.s32 $0x3;
	v0 =	vsel vm0, $0xF428, v0;
	vm0 =	vcmask $0x2724  }
0x7: {  	v4 =	vimm.s32 $0x4;
	v0 =	vsel vm0, $0xF429, v0;
	vm0 =	vcmask $0x2B28  }
0x8: {  	v5 =	vimm.s32 $0x5;
	v0 =	vsel vm0, $0xF42A, v0;
	vm0 =	vcmask $0x2F2C  }
0x9: {  	v6 =	vimm.s32 $0x6;
	v0 =	vsel vm0, $0xF42B, v0;
	vm0 =	vcmask $0x3330  }
0xa: {  	v7 =	vimm.s32 $0x7;
	v0 =	vsel vm0, $0xF42C, v0;
	vm0 =	vcmask $0x3734  }
0xb: {  	v8 =	vimm.s32 $0x8;
	v0 =	vsel vm0, $0xF42D, v0;
	vm0 =	vcmask $0x3B38  }
0xc: {  	v9 =	vimm.s32 $0x9;
	v11 =	vsel vm0, $0xF42E, v0;
	v0 =	vimm.s32 $0x0  }
0xd: {  	v10 =	vimm.s32 $0xA;
	v0 =	vperm.xlane v11, v0;
	v1 =	vperm.xlane v11, v1  }
0xe: {  	v13 =	vimm.s32 $0xB;
	v2 =	vperm.xlane v11, v2;
	v3 =	vperm.xlane v11, v3  }
0xf: {  	v14 =	vimm.s32 $0xC;
	v4 =	vperm.xlane v11, v4;
	v5 =	vperm.xlane v11, v5  }
0x10: {  	v15 =	vimm.s32 $0xD;
	v6 =	vperm.xlane v11, v6;
	v7 =	vperm.xlane v11, v7  }
0x11: {  	v17 =	vimm.s32 $0xE;
	v8 =	vperm.xlane v11, v8;
	v9 =	vperm.xlane v11, v9  }
0x12: {  	v18 =	vimm.s32 $0xF;
	v10 =	vperm.xlane v11, v10;
	v13 =	vperm.xlane v11, v13  }
0x13: {  	v16 =	vmul.u32 $0x8, v12;
	v14 =	vperm.xlane v11, v14;
	v15 =	vperm.xlane v11, v15  }
0x14: {  	vm0 =	vmmov $0x1;
	v17 =	vperm.xlane v11, v17;
	v18 =	vperm.xlane v11, v18  }
0x15: {  	v11 =	vmul.u32 $0x800, v12;
	v0 =	vadd.s32 v16, v0;
	v1 =	vadd.s32 v16, v1  }
0x16: {  	v2 =	vadd.s32 v16, v2;
	v3 =	vadd.s32 v16, v3;
	v4 =	vadd.s32 v16, v4  }
0x17: {  	s0 =	rddreg [dreg:$0x0];
	v5 =	vadd.s32 v16, v5;
	v6 =	vadd.s32 v16, v6;
	v7 =	vadd.s32 v16, v7  }
0x18: {  	s2 =	rddreg [dreg:$0x1];
	v8 =	vadd.s32 v16, v8;
	v9 =	vadd.s32 v16, v9;
	v10 =	vadd.s32 v16, v10  }
0x19: {  	s1 =	rddreg [dreg:$0x2];
	s3 =	srdreg.scid;
	v12 =	vadd.s32 v16, v13;
	v13 =	vadd.s32 v16, v14;
	v14 =	vadd.s32 v16, v15  }
0x1a: {  	s5 =	stileid.u32;
	s11 =	simm.s32 $0x3;
	s8 =	simm.s32 $0x1;
	v15 =	vadd.s32 v16, v17;
	v16 =	vadd.s32 v16, v18;
	v17 =	vor.u32 $0x80, v11  }
0x1b: {  	s9 =	simm.s32 $0x200;
	s13 =	simm.s32 $0x1000;
	s20 =	simm.s32 $0x2;
	v18 =	vor.u32 $0x100, v11;
	v19 =	vor.u32 $0x180, v11;
	v20 =	vor.u32 $0x200, v11  }
0x1c: {  	s30 =	simm.s32 $0xFE00;
	s31 =	simm.s32 $0xFD80;
	s12 =	simm.s32 $0x0;
	v21 =	vor.u32 $0x280, v11;
	v22 =	vor.u32 $0x300, v11;
	v23 =	vor.u32 $0x380, v11  }
0x1d: {  	s4 =	sand.u32 $0x1, s3;
	s3 =	simm.s32 $0x0;
	s5 =	sshll.u32 s5, $0xA;
	v24 =	vor.u32 $0x400, v11;
	v25 =	vor.u32 $0x480, v11;
	v26 =	vor.u32 $0x500, v11  }
0x1e: {  	s6 =	sshll.u32 s4, $0x9;
	[smem:$0x7FF] =	sst s3;
	s4 =	ssub.s32 $0x2, s4;
	v27 =	vor.u32 $0x580, v11;
	v28 =	vor.u32 $0x600, v11;
	v29 =	vor.u32 $0x680, v11  }
0x1f: {  	s5 =	sor.u32 s6, s5;
	_ =	strace $0x80000047;
	s26 =	sshrl.u32 s4, $0x1;
	v30 =	vor.u32 $0x700, v11;
	v31 =	vor.u32 $0x780, v11;
	v32 =	vor.u32 $0x8000, v11  }
.Ltmp0:
0x20: {  	s6 =	simm.s32 $0xFA00;
	s7 =	sshrl.u32 s5, $0x3;
	v33 =	vor.u32 $0x8080, v11;
	v34 =	vor.u32 $0x8100, v11;
	v35 =	vor.u32 $0x8180, v11;
	(pc) =	sbr.rel .LBB2_1-.Ltmp0, $4  }
0x21: {  	s4 =	ssub.s32 s4, s26;
	s28 =	sadd.s32 s1, s5;
	s1 =	simm.s32 $0xFC80;
	v36 =	vor.u32 $0x8200, v11;
	v37 =	vor.u32 $0x8280, v11;
	v38 =	vor.u32 $0x8300, v11  }
0x22: {  	s5 =	simm.s32 $0xFB00;
	s0 =	sadd.s32 s0, s7;
	[dreg:$0x5] =	wrdreg s28;
	v39 =	vor.u32 $0x8380, v11;
	v40 =	vor.u32 $0x8400, v11;
	v41 =	vor.u32 $0x8480, v11  }
0x23: {  	s29 =	smax.u32 s4, $0x1;
	s4 =	simm.s32 $0xFC00;
	[dreg:$0x4] =	wrdreg s0;
	v42 =	vor.u32 $0x8500, v11;
	v43 =	vor.u32 $0x8580, v11;
	v44 =	vor.u32 $0x8600, v11  }
0x24: {  	s7 =	simm.s32 $0xFA80;
	[dreg:$0x6] =	wrdreg s29;
	s0 =	simm.s32 $0xFB80;
	v45 =	vor.u32 $0x8680, v11;
	v46 =	vor.u32 $0x8700, v11;
	v47 =	vor.u32 $0x8780, v11  }
.LBB2_5:
0x25: {  	s10 =	rddreg [dreg:$0x5]  }
0x26: {  	s13 =	simm.s32 $0x1000;
	s11 =	simm.s32 $0x20000;
	s12 =	simm.s32 $0x10200  }
0x27: {  	[hbm4b:s10+s13] =	stream.strided.scatter [tilespmem:s12], [sflag:$0x3], $0x2000, s11, s13, $0x38;
	[tilespmem:$0x12200] =	vst v63  }
0x28: {  	s11 =	simm.s32 $0x3  }
0x29: {  	_ =	swait.ge [sflag:s11], $0x2000  }
0x2a: {  	s28 =	rddreg [dreg:$0x7]  }
0x2b: {  	s29 =	rddreg [dreg:$0x6];
	s12 =	sadd.s32 $0x1, s28  }
0x2c: {  	p0 =	sne.s32 s12, s29  }
.Ltmp1:
0x2d: {  	_ = 	snop;
	(pc) =	sbr.rel @!p0 .LBB2_6-.Ltmp1, $3  }
0x2e: {  	_ =	sdelay $0x1  }
0x2f: {  	[sflag:s11] =	ssyncset.done $0x0  }
0x30: {  	[sflag:s11] =	ssyncadd.s32 $0xFFFFE000  }
.LBB2_1:
0x31: {  	[dreg:$0x7] =	wrdreg s12  }
0x32: {  	s10 =	rddreg [dreg:$0x4]  }
0x33: {  	[tilespmem:s3], [sflag:$0x3] =	stream.linear.gather [hbm4b:s10+s3], $0x200, $0x38;
	[tilespmem:$0x12200] =	vst v63  }
0x34: {  	_ =	swait.ge [sflag:s11], $0x200  }
0x35: {  	[sflag:s11] =	ssyncset.done $0x0  }
0x36: {  	[sflag:s11] =	ssyncadd.s32 $0xFFFFFE00  }
0x37: {  	v48 =	vld [tilespmem:$0x0];
	_ =	sdelay $0x4  }
0x38: {  	(v2sf) =	vpush v48, $0x0;
	_ =	sdelay $0xe  }
0x39: {  	s26 =	spop (v2sf)  }
0x3a: {  	s28 =	sand.u32 $0x7F, s26  }
0x3b: {  	s29 =	sshra.s32 s26, $0x1F;
	p0 =	slt.s32 s26, $0x1;
	p1 =	sne.s32 s28, $0x0  }
0x3c: {  	s14 =	sshrl.u32 s29, $0x19;
	p0 =	por !p0, !p1  }
0x3d: {  	s11 =	simm.s32 $0x1;
	s10 =	sadd.s32 s14, s26;
	p0 =	por !p0, !p0  }
0x3e: {  	s10 =	sshrl.u32 s10, $0x7;
	s11 =	simm.s32 @!p0 $0x0  }
0x3f: {  	s10 =	ssub.s32 s10, s11  }
0x40: {  	s10 =	sshll.u32 s10, $0x7  }
0x41: {  	s10 =	sand.u32 $0x1FFFFF80, s10  }
0x42: {  	s10 =	sadd.s32 s2, s10  }
0x43: {  	[tilespmem:s9], [sflag:$0x1] =	stream.indirect_vreg.gather [hbm4b:s10+s3], $0x80, v0, vm0, $0xb8;
	[tilespmem:$0x12200] =	vst v63  }
0x44: {  	s15 =	simm.s32 $0x280  }
0x45: {  	[tilespmem:s15], [sflag:$0x1] =	stream.indirect_vreg.gather [hbm4b:s10+s3], $0x80, v1, vm0, $0xb8;
	[tilespmem:$0x12200] =	vst v63  }
0x46: {  	s16 =	simm.s32 $0x300  }
0x47: {  	[tilespmem:s16], [sflag:$0x1] =	stream.indirect_vreg.gather [hbm4b:s10+s3], $0x80, v2, vm0, $0xb8;
	[tilespmem:$0x12200] =	vst v63  }
0x48: {  	s17 =	simm.s32 $0x380  }
0x49: {  	[tilespmem:s17], [sflag:$0x1] =	stream.indirect_vreg.gather [hbm4b:s10+s3], $0x80, v3, vm0, $0xb8;
	[tilespmem:$0x12200] =	vst v63  }
0x4a: {  	s18 =	simm.s32 $0x400  }
0x4b: {  	(v2sf) =	vpush v48, $0x1;
	[tilespmem:s18], [sflag:$0x1] =	stream.indirect_vreg.gather [hbm4b:s10+s3], $0x80, v4, vm0, $0xb8;
	[tilespmem:$0x12200] =	vst v63  }
0x4c: {  	s19 =	simm.s32 $0x480  }
0x4d: {  	[tilespmem:s19], [sflag:$0x1] =	stream.indirect_vreg.gather [hbm4b:s10+s3], $0x80, v5, vm0, $0xb8;
	[tilespmem:$0x12200] =	vst v63  }
0x4e: {  	s21 =	simm.s32 $0x500  }
0x4f: {  	[tilespmem:s21], [sflag:$0x1] =	stream.indirect_vreg.gather [hbm4b:s10+s3], $0x80, v6, vm0, $0xb8;
	[tilespmem:$0x12200] =	vst v63  }
0x50: {  	s22 =	simm.s32 $0x580  }
0x51: {  	[tilespmem:s22], [sflag:$0x1] =	stream.indirect_vreg.gather [hbm4b:s10+s3], $0x80, v7, vm0, $0xb8;
	[tilespmem:$0x12200] =	vst v63  }
0x52: {  	s23 =	simm.s32 $0x600  }
0x53: {  	[tilespmem:s23], [sflag:$0x1] =	stream.indirect_vreg.gather [hbm4b:s10+s3], $0x80, v8, vm0, $0xb8;
	[tilespmem:$0x12200] =	vst v63  }
0x54: {  	s24 =	simm.s32 $0x680  }
0x55: {  	[tilespmem:s24], [sflag:$0x1] =	stream.indirect_vreg.gather [hbm4b:s10+s3], $0x80, v9, vm0, $0xb8;
	[tilespmem:$0x12200] =	vst v63  }
0x56: {  	s25 =	simm.s32 $0x700  }
0x57: {  	[tilespmem:s25], [sflag:$0x1] =	stream.indirect_vreg.gather [hbm4b:s10+s3], $0x80, v10, vm0, $0xb8;
	[tilespmem:$0x12200] =	vst v63  }
0x58: {  	s26 =	simm.s32 $0x780  }
0x59: {  	[tilespmem:s26], [sflag:$0x1] =	stream.indirect_vreg.gather [hbm4b:s10+s3], $0x80, v12, vm0, $0xb8;
	[tilespmem:$0x12200] =	vst v63  }
0x5a: {  	s28 =	simm.s32 $0x800;
	s15 =	spop (v2sf)  }
0x5b: {  	[tilespmem:s28], [sflag:$0x1] =	stream.indirect_vreg.gather [hbm4b:s10+s3], $0x80, v13, vm0, $0xb8;
	[tilespmem:$0x12200] =	vst v63  }
0x5c: {  	s12 =	simm.s32 $0x900;
	s29 =	simm.s32 $0x880;
	s16 =	sand.u32 $0x7F, s15  }
0x5d: {  	[tilespmem:s29], [sflag:$0x1] =	stream.indirect_vreg.gather [hbm4b:s10+s3], $0x80, v14, vm0, $0xb8;
	[tilespmem:$0x12200] =	vst v63  }
0x5e: {  	s17 =	sshra.s32 s15, $0x1F;
	p1 =	slt.s32 s15, $0x1;
	p2 =	sne.s32 s16, $0x0  }
0x5f: {  	[tilespmem:s12], [sflag:$0x1] =	stream.indirect_vreg.gather [hbm4b:s10+s3], $0x80, v15, vm0, $0xb8;
	[tilespmem:$0x12200] =	vst v63  }
0x60: {  	s14 =	simm.s32 $0x980;
	s18 =	sshrl.u32 s17, $0x19;
	p0 =	por !p1, !p2  }
0x61: {  	[tilespmem:s14], [sflag:$0x1] =	stream.indirect_vreg.gather [hbm4b:s10+s3], $0x80, v16, vm0, $0xb8;
	[tilespmem:$0x12200] =	vst v63  }
0x62: {  	s11 =	simm.s32 $0x1;
	p0 =	por !p0, !p0;
	s10 =	sadd.s32 s18, s15  }
0x63: {  	s11 =	simm.s32 @!p0 $0x0;
	s10 =	sshrl.u32 s10, $0x7  }
0x64: {  	s10 =	ssub.s32 s10, s11  }
0x65: {  	s10 =	sshll.u32 s10, $0x7  }
0x66: {  	s10 =	sand.u32 $0x1FFFFF80, s10  }
0x67: {  	s19 =	simm.s32 $0xA00;
	s10 =	sadd.s32 s2, s10  }
0x68: {  	[tilespmem:s19], [sflag:$0x1] =	stream.indirect_vreg.gather [hbm4b:s10+s3], $0x80, v0, vm0, $0xb8;
	[tilespmem:$0x12200] =	vst v63  }
0x69: {  	s21 =	simm.s32 $0xA80  }
0x6a: {  	[tilespmem:s21], [sflag:$0x1] =	stream.indirect_vreg.gather [hbm4b:s10+s3], $0x80, v1, vm0, $0xb8;
	[tilespmem:$0x12200] =	vst v63  }
0x6b: {  	s22 =	simm.s32 $0xB00  }
0x6c: {  	[tilespmem:s22], [sflag:$0x1] =	stream.indirect_vreg.gather [hbm4b:s10+s3], $0x80, v2, vm0, $0xb8;
	[tilespmem:$0x12200] =	vst v63  }
0x6d: {  	s23 =	simm.s32 $0xB80  }
0x6e: {  	[tilespmem:s23], [sflag:$0x1] =	stream.indirect_vreg.gather [hbm4b:s10+s3], $0x80, v3, vm0, $0xb8;
	[tilespmem:$0x12200] =	vst v63  }
0x6f: {  	s24 =	simm.s32 $0xC00  }
0x70: {  	(v2sf) =	vpush v48, $0x2;
	[tilespmem:s24], [sflag:$0x1] =	stream.indirect_vreg.gather [hbm4b:s10+s3], $0x80, v4, vm0, $0xb8;
	[tilespmem:$0x12200] =	vst v63  }
0x71: {  	s25 =	simm.s32 $0xC80  }
0x72: {  	[tilespmem:s25], [sflag:$0x1] =	stream.indirect_vreg.gather [hbm4b:s10+s3], $0x80, v5, vm0, $0xb8;
	[tilespmem:$0x12200] =	vst v63  }
0x73: {  	s26 =	simm.s32 $0xD00  }
0x74: {  	[tilespmem:s26], [sflag:$0x1] =	stream.indirect_vreg.gather [hbm4b:s10+s3], $0x80, v6, vm0, $0xb8;
	[tilespmem:$0x12200] =	vst v63  }
0x75: {  	s28 =	simm.s32 $0xD80  }
0x76: {  	[tilespmem:s28], [sflag:$0x1] =	stream.indirect_vreg.gather [hbm4b:s10+s3], $0x80, v7, vm0, $0xb8;
	[tilespmem:$0x12200] =	vst v63  }
0x77: {  	s29 =	simm.s32 $0xE00  }
0x78: {  	[tilespmem:s29], [sflag:$0x1] =	stream.indirect_vreg.gather [hbm4b:s10+s3], $0x80, v8, vm0, $0xb8;
	[tilespmem:$0x12200] =	vst v63  }
0x79: {  	s12 =	simm.s32 $0xE80  }
0x7a: {  	[tilespmem:s12], [sflag:$0x1] =	stream.indirect_vreg.gather [hbm4b:s10+s3], $0x80, v9, vm0, $0xb8;
	[tilespmem:$0x12200] =	vst v63  }
0x7b: {  	s14 =	simm.s32 $0xF00  }
0x7c: {  	[tilespmem:s14], [sflag:$0x1] =	stream.indirect_vreg.gather [hbm4b:s10+s3], $0x80, v10, vm0, $0xb8;
	[tilespmem:$0x12200] =	vst v63  }
0x7d: {  	s15 =	simm.s32 $0xF80  }
0x7e: {  	[tilespmem:s15], [sflag:$0x1] =	stream.indirect_vreg.gather [hbm4b:s10+s3], $0x80, v12, vm0, $0xb8;
	[tilespmem:$0x12200] =	vst v63  }
0x7f: {  	s19 =	spop (v2sf)  }
0x80: {  	[tilespmem:s13], [sflag:$0x1] =	stream.indirect_vreg.gather [hbm4b:s10+s3], $0x80, v13, vm0, $0xb8;
	[tilespmem:$0x12200] =	vst v63  }
0x81: {  	s16 =	simm.s32 $0x1080;
	s17 =	simm.s32 $0x1100;
	s21 =	sand.u32 $0x7F, s19  }
0x82: {  	[tilespmem:s16], [sflag:$0x1] =	stream.indirect_vreg.gather [hbm4b:s10+s3], $0x80, v14, vm0, $0xb8;
	[tilespmem:$0x12200] =	vst v63  }
0x83: {  	p3 =	slt.s32 s19, $0x1;
	p4 =	sne.s32 s21, $0x0;
	s22 =	sshra.s32 s19, $0x1F  }
0x84: {  	[tilespmem:s17], [sflag:$0x1] =	stream.indirect_vreg.gather [hbm4b:s10+s3], $0x80, v15, vm0, $0xb8;
	[tilespmem:$0x12200] =	vst v63  }
0x85: {  	s18 =	simm.s32 $0x1180;
	p0 =	por !p3, !p4;
	s23 =	sshrl.u32 s22, $0x19  }
0x86: {  	[tilespmem:s18], [sflag:$0x1] =	stream.indirect_vreg.gather [hbm4b:s10+s3], $0x80, v16, vm0, $0xb8;
	[tilespmem:$0x12200] =	vst v63  }
0x87: {  	s11 =	simm.s32 $0x1;
	p0 =	por !p0, !p0;
	s10 =	sadd.s32 s23, s19  }
0x88: {  	s11 =	simm.s32 @!p0 $0x0;
	s10 =	sshrl.u32 s10, $0x7  }
0x89: {  	s10 =	ssub.s32 s10, s11  }
0x8a: {  	s10 =	sshll.u32 s10, $0x7  }
0x8b: {  	s10 =	sand.u32 $0x1FFFFF80, s10  }
0x8c: {  	s24 =	simm.s32 $0x1200;
	s10 =	sadd.s32 s2, s10  }
0x8d: {  	[tilespmem:s24], [sflag:$0x1] =	stream.indirect_vreg.gather [hbm4b:s10+s3], $0x80, v0, vm0, $0xb8;
	[tilespmem:$0x12200] =	vst v63  }
0x8e: {  	s25 =	simm.s32 $0x1280  }
0x8f: {  	[tilespmem:s25], [sflag:$0x1] =	stream.indirect_vreg.gather [hbm4b:s10+s3], $0x80, v1, vm0, $0xb8;
	[tilespmem:$0x12200] =	vst v63  }
0x90: {  	s26 =	simm.s32 $0x1300  }
0x91: {  	[tilespmem:s26], [sflag:$0x1] =	stream.indirect_vreg.gather [hbm4b:s10+s3], $0x80, v2, vm0, $0xb8;
	[tilespmem:$0x12200] =	vst v63  }
0x92: {  	s28 =	simm.s32 $0x1380  }
0x93: {  	[tilespmem:s28], [sflag:$0x1] =	stream.indirect_vreg.gather [hbm4b:s10+s3], $0x80, v3, vm0, $0xb8;
	[tilespmem:$0x12200] =	vst v63  }
0x94: {  	s29 =	simm.s32 $0x1400  }
0x95: {  	(v2sf) =	vpush v48, $0x3;
	[tilespmem:s29], [sflag:$0x1] =	stream.indirect_vreg.gather [hbm4b:s10+s3], $0x80, v4, vm0, $0xb8;
	[tilespmem:$0x12200] =	vst v63  }
0x96: {  	s12 =	simm.s32 $0x1480  }
0x97: {  	[tilespmem:s12], [sflag:$0x1] =	stream.indirect_vreg.gather [hbm4b:s10+s3], $0x80, v5, vm0, $0xb8;
	[tilespmem:$0x12200] =	vst v63  }
0x98: {  	s13 =	simm.s32 $0x1500  }
0x99: {  	[tilespmem:s13], [sflag:$0x1] =	stream.indirect_vreg.gather [hbm4b:s10+s3], $0x80, v6, vm0, $0xb8;
	[tilespmem:$0x12200] =	vst v63  }
0x9a: {  	s14 =	simm.s32 $0x1580  }
0x9b: {  	[tilespmem:s14], [sflag:$0x1] =	stream.indirect_vreg.gather [hbm4b:s10+s3], $0x80, v7, vm0, $0xb8;
	[tilespmem:$0x12200] =	vst v63  }
0x9c: {  	s15 =	simm.s32 $0x1600  }
0x9d: {  	[tilespmem:s15], [sflag:$0x1] =	stream.indirect_vreg.gather [hbm4b:s10+s3], $0x80, v8, vm0, $0xb8;
	[tilespmem:$0x12200] =	vst v63  }
0x9e: {  	s16 =	simm.s32 $0x1680  }
0x9f: {  	[tilespmem:s16], [sflag:$0x1] =	stream.indirect_vreg.gather [hbm4b:s10+s3], $0x80, v9, vm0, $0xb8;
	[tilespmem:$0x12200] =	vst v63  }
0xa0: {  	s17 =	simm.s32 $0x1700  }
0xa1: {  	[tilespmem:s17], [sflag:$0x1] =	stream.indirect_vreg.gather [hbm4b:s10+s3], $0x80, v10, vm0, $0xb8;
	[tilespmem:$0x12200] =	vst v63  }
0xa2: {  	s18 =	simm.s32 $0x1780  }
0xa3: {  	[tilespmem:s18], [sflag:$0x1] =	stream.indirect_vreg.gather [hbm4b:s10+s3], $0x80, v12, vm0, $0xb8;
	[tilespmem:$0x12200] =	vst v63  }
0xa4: {  	s19 =	simm.s32 $0x1800;
	s24 =	spop (v2sf)  }
0xa5: {  	[tilespmem:s19], [sflag:$0x1] =	stream.indirect_vreg.gather [hbm4b:s10+s3], $0x80, v13, vm0, $0xb8;
	[tilespmem:$0x12200] =	vst v63  }
0xa6: {  	s21 =	simm.s32 $0x1880;
	s22 =	simm.s32 $0x1900;
	s25 =	sand.u32 $0x7F, s24  }
0xa7: {  	[tilespmem:s21], [sflag:$0x1] =	stream.indirect_vreg.gather [hbm4b:s10+s3], $0x80, v14, vm0, $0xb8;
	[tilespmem:$0x12200] =	vst v63  }
0xa8: {  	p5 =	slt.s32 s24, $0x1;
	p6 =	sne.s32 s25, $0x0;
	s26 =	sshra.s32 s24, $0x1F  }
0xa9: {  	[tilespmem:s22], [sflag:$0x1] =	stream.indirect_vreg.gather [hbm4b:s10+s3], $0x80, v15, vm0, $0xb8;
	[tilespmem:$0x12200] =	vst v63  }
0xaa: {  	s23 =	simm.s32 $0x1980;
	p0 =	por !p5, !p6;
	s28 =	sshrl.u32 s26, $0x19  }
0xab: {  	[tilespmem:s23], [sflag:$0x1] =	stream.indirect_vreg.gather [hbm4b:s10+s3], $0x80, v16, vm0, $0xb8;
	[tilespmem:$0x12200] =	vst v63  }
0xac: {  	s11 =	simm.s32 $0x1;
	p0 =	por !p0, !p0;
	s10 =	sadd.s32 s28, s24  }
0xad: {  	s11 =	simm.s32 @!p0 $0x0;
	s10 =	sshrl.u32 s10, $0x7  }
0xae: {  	s10 =	ssub.s32 s10, s11  }
0xaf: {  	s10 =	sshll.u32 s10, $0x7  }
0xb0: {  	s10 =	sand.u32 $0x1FFFFF80, s10  }
0xb1: {  	s29 =	simm.s32 $0x1A00;
	s10 =	sadd.s32 s2, s10  }
0xb2: {  	[tilespmem:s29], [sflag:$0x1] =	stream.indirect_vreg.gather [hbm4b:s10+s3], $0x80, v0, vm0, $0xb8;
	[tilespmem:$0x12200] =	vst v63  }
0xb3: {  	s12 =	simm.s32 $0x1A80  }
0xb4: {  	[tilespmem:s12], [sflag:$0x1] =	stream.indirect_vreg.gather [hbm4b:s10+s3], $0x80, v1, vm0, $0xb8;
	[tilespmem:$0x12200] =	vst v63  }
0xb5: {  	s13 =	simm.s32 $0x1B00  }
0xb6: {  	[tilespmem:s13], [sflag:$0x1] =	stream.indirect_vreg.gather [hbm4b:s10+s3], $0x80, v2, vm0, $0xb8;
	[tilespmem:$0x12200] =	vst v63  }
0xb7: {  	s14 =	simm.s32 $0x1B80  }
0xb8: {  	[tilespmem:s14], [sflag:$0x1] =	stream.indirect_vreg.gather [hbm4b:s10+s3], $0x80, v3, vm0, $0xb8;
	[tilespmem:$0x12200] =	vst v63  }
0xb9: {  	s15 =	simm.s32 $0x1C00  }
0xba: {  	(v2sf) =	vpush v48, $0x4;
	[tilespmem:s15], [sflag:$0x1] =	stream.indirect_vreg.gather [hbm4b:s10+s3], $0x80, v4, vm0, $0xb8;
	[tilespmem:$0x12200] =	vst v63  }
0xbb: {  	s16 =	simm.s32 $0x1C80  }
0xbc: {  	[tilespmem:s16], [sflag:$0x1] =	stream.indirect_vreg.gather [hbm4b:s10+s3], $0x80, v5, vm0, $0xb8;
	[tilespmem:$0x12200] =	vst v63  }
0xbd: {  	s17 =	simm.s32 $0x1D00  }
0xbe: {  	[tilespmem:s17], [sflag:$0x1] =	stream.indirect_vreg.gather [hbm4b:s10+s3], $0x80, v6, vm0, $0xb8;
	[tilespmem:$0x12200] =	vst v63  }
0xbf: {  	s18 =	simm.s32 $0x1D80  }
0xc0: {  	[tilespmem:s18], [sflag:$0x1] =	stream.indirect_vreg.gather [hbm4b:s10+s3], $0x80, v7, vm0, $0xb8;
	[tilespmem:$0x12200] =	vst v63  }
0xc1: {  	s19 =	simm.s32 $0x1E00  }
0xc2: {  	[tilespmem:s19], [sflag:$0x1] =	stream.indirect_vreg.gather [hbm4b:s10+s3], $0x80, v8, vm0, $0xb8;
	[tilespmem:$0x12200] =	vst v63  }
0xc3: {  	s21 =	simm.s32 $0x1E80  }
0xc4: {  	[tilespmem:s21], [sflag:$0x1] =	stream.indirect_vreg.gather [hbm4b:s10+s3], $0x80, v9, vm0, $0xb8;
	[tilespmem:$0x12200] =	vst v63  }
0xc5: {  	s22 =	simm.s32 $0x1F00  }
0xc6: {  	[tilespmem:s22], [sflag:$0x1] =	stream.indirect_vreg.gather [hbm4b:s10+s3], $0x80, v10, vm0, $0xb8;
	[tilespmem:$0x12200] =	vst v63  }
0xc7: {  	s23 =	simm.s32 $0x1F80  }
0xc8: {  	[tilespmem:s23], [sflag:$0x1] =	stream.indirect_vreg.gather [hbm4b:s10+s3], $0x80, v12, vm0, $0xb8;
	[tilespmem:$0x12200] =	vst v63  }
0xc9: {  	s24 =	simm.s32 $0x2000;
	s29 =	spop (v2sf)  }
0xca: {  	[tilespmem:s24], [sflag:$0x1] =	stream.indirect_vreg.gather [hbm4b:s10+s3], $0x80, v13, vm0, $0xb8;
	[tilespmem:$0x12200] =	vst v63  }
0xcb: {  	s25 =	simm.s32 $0x2080;
	s26 =	simm.s32 $0x2100;
	s12 =	sand.u32 $0x7F, s29  }
0xcc: {  	[tilespmem:s25], [sflag:$0x1] =	stream.indirect_vreg.gather [hbm4b:s10+s3], $0x80, v14, vm0, $0xb8;
	[tilespmem:$0x12200] =	vst v63  }
0xcd: {  	p1 =	slt.s32 s29, $0x1;
	p2 =	sne.s32 s12, $0x0;
	s13 =	sshra.s32 s29, $0x1F  }
0xce: {  	[tilespmem:s26], [sflag:$0x1] =	stream.indirect_vreg.gather [hbm4b:s10+s3], $0x80, v15, vm0, $0xb8;
	[tilespmem:$0x12200] =	vst v63  }
0xcf: {  	s28 =	simm.s32 $0x2180;
	p0 =	por !p1, !p2;
	s14 =	sshrl.u32 s13, $0x19  }
0xd0: {  	[tilespmem:s28], [sflag:$0x1] =	stream.indirect_vreg.gather [hbm4b:s10+s3], $0x80, v16, vm0, $0xb8;
	[tilespmem:$0x12200] =	vst v63  }
0xd1: {  	s11 =	simm.s32 $0x1;
	p0 =	por !p0, !p0;
	s10 =	sadd.s32 s14, s29  }
0xd2: {  	s11 =	simm.s32 @!p0 $0x0;
	s10 =	sshrl.u32 s10, $0x7  }
0xd3: {  	s10 =	ssub.s32 s10, s11  }
0xd4: {  	s10 =	sshll.u32 s10, $0x7  }
0xd5: {  	s10 =	sand.u32 $0x1FFFFF80, s10  }
0xd6: {  	s15 =	simm.s32 $0x2200;
	s10 =	sadd.s32 s2, s10  }
0xd7: {  	[tilespmem:s15], [sflag:$0x1] =	stream.indirect_vreg.gather [hbm4b:s10+s3], $0x80, v0, vm0, $0xb8;
	[tilespmem:$0x12200] =	vst v63  }
0xd8: {  	s16 =	simm.s32 $0x2280  }
0xd9: {  	[tilespmem:s16], [sflag:$0x1] =	stream.indirect_vreg.gather [hbm4b:s10+s3], $0x80, v1, vm0, $0xb8;
	[tilespmem:$0x12200] =	vst v63  }
0xda: {  	s17 =	simm.s32 $0x2300  }
0xdb: {  	[tilespmem:s17], [sflag:$0x1] =	stream.indirect_vreg.gather [hbm4b:s10+s3], $0x80, v2, vm0, $0xb8;
	[tilespmem:$0x12200] =	vst v63  }
0xdc: {  	s18 =	simm.s32 $0x2380  }
0xdd: {  	[tilespmem:s18], [sflag:$0x1] =	stream.indirect_vreg.gather [hbm4b:s10+s3], $0x80, v3, vm0, $0xb8;
	[tilespmem:$0x12200] =	vst v63  }
0xde: {  	s19 =	simm.s32 $0x2400  }
0xdf: {  	(v2sf) =	vpush v48, $0x5;
	[tilespmem:s19], [sflag:$0x1] =	stream.indirect_vreg.gather [hbm4b:s10+s3], $0x80, v4, vm0, $0xb8;
	[tilespmem:$0x12200] =	vst v63  }
0xe0: {  	s21 =	simm.s32 $0x2480  }
0xe1: {  	[tilespmem:s21], [sflag:$0x1] =	stream.indirect_vreg.gather [hbm4b:s10+s3], $0x80, v5, vm0, $0xb8;
	[tilespmem:$0x12200] =	vst v63  }
0xe2: {  	s22 =	simm.s32 $0x2500  }
0xe3: {  	[tilespmem:s22], [sflag:$0x1] =	stream.indirect_vreg.gather [hbm4b:s10+s3], $0x80, v6, vm0, $0xb8;
	[tilespmem:$0x12200] =	vst v63  }
0xe4: {  	s23 =	simm.s32 $0x2580  }
0xe5: {  	[tilespmem:s23], [sflag:$0x1] =	stream.indirect_vreg.gather [hbm4b:s10+s3], $0x80, v7, vm0, $0xb8;
	[tilespmem:$0x12200] =	vst v63  }
0xe6: {  	s24 =	simm.s32 $0x2600  }
0xe7: {  	[tilespmem:s24], [sflag:$0x1] =	stream.indirect_vreg.gather [hbm4b:s10+s3], $0x80, v8, vm0, $0xb8;
	[tilespmem:$0x12200] =	vst v63  }
0xe8: {  	s25 =	simm.s32 $0x2680  }
0xe9: {  	[tilespmem:s25], [sflag:$0x1] =	stream.indirect_vreg.gather [hbm4b:s10+s3], $0x80, v9, vm0, $0xb8;
	[tilespmem:$0x12200] =	vst v63  }
0xea: {  	s26 =	simm.s32 $0x2700  }
0xeb: {  	[tilespmem:s26], [sflag:$0x1] =	stream.indirect_vreg.gather [hbm4b:s10+s3], $0x80, v10, vm0, $0xb8;
	[tilespmem:$0x12200] =	vst v63  }
0xec: {  	s28 =	simm.s32 $0x2780  }
0xed: {  	[tilespmem:s28], [sflag:$0x1] =	stream.indirect_vreg.gather [hbm4b:s10+s3], $0x80, v12, vm0, $0xb8;
	[tilespmem:$0x12200] =	vst v63  }
0xee: {  	s29 =	simm.s32 $0x2800;
	s15 =	spop (v2sf)  }
0xef: {  	[tilespmem:s29], [sflag:$0x1] =	stream.indirect_vreg.gather [hbm4b:s10+s3], $0x80, v13, vm0, $0xb8;
	[tilespmem:$0x12200] =	vst v63  }
0xf0: {  	s12 =	simm.s32 $0x2880;
	s13 =	simm.s32 $0x2900;
	s16 =	sand.u32 $0x7F, s15  }
0xf1: {  	[tilespmem:s12], [sflag:$0x1] =	stream.indirect_vreg.gather [hbm4b:s10+s3], $0x80, v14, vm0, $0xb8;
	[tilespmem:$0x12200] =	vst v63  }
0xf2: {  	p3 =	slt.s32 s15, $0x1;
	p4 =	sne.s32 s16, $0x0;
	s17 =	sshra.s32 s15, $0x1F  }
0xf3: {  	[tilespmem:s13], [sflag:$0x1] =	stream.indirect_vreg.gather [hbm4b:s10+s3], $0x80, v15, vm0, $0xb8;
	[tilespmem:$0x12200] =	vst v63  }
0xf4: {  	s14 =	simm.s32 $0x2980;
	p0 =	por !p3, !p4;
	s18 =	sshrl.u32 s17, $0x19  }
0xf5: {  	[tilespmem:s14], [sflag:$0x1] =	stream.indirect_vreg.gather [hbm4b:s10+s3], $0x80, v16, vm0, $0xb8;
	[tilespmem:$0x12200] =	vst v63  }
0xf6: {  	s11 =	simm.s32 $0x1;
	p0 =	por !p0, !p0;
	s10 =	sadd.s32 s18, s15  }
0xf7: {  	s11 =	simm.s32 @!p0 $0x0;
	s10 =	sshrl.u32 s10, $0x7  }
0xf8: {  	s10 =	ssub.s32 s10, s11  }
0xf9: {  	s10 =	sshll.u32 s10, $0x7  }
0xfa: {  	s10 =	sand.u32 $0x1FFFFF80, s10  }
0xfb: {  	s19 =	simm.s32 $0x2A00;
	s10 =	sadd.s32 s2, s10  }
0xfc: {  	[tilespmem:s19], [sflag:$0x1] =	stream.indirect_vreg.gather [hbm4b:s10+s3], $0x80, v0, vm0, $0xb8;
	[tilespmem:$0x12200] =	vst v63  }
0xfd: {  	s21 =	simm.s32 $0x2A80  }
0xfe: {  	[tilespmem:s21], [sflag:$0x1] =	stream.indirect_vreg.gather [hbm4b:s10+s3], $0x80, v1, vm0, $0xb8;
	[tilespmem:$0x12200] =	vst v63  }
0xff: {  	s22 =	simm.s32 $0x2B00  }
0x100: {  	[tilespmem:s22], [sflag:$0x1] =	stream.indirect_vreg.gather [hbm4b:s10+s3], $0x80, v2, vm0, $0xb8;
	[tilespmem:$0x12200] =	vst v63  }
0x101: {  	s23 =	simm.s32 $0x2B80  }
0x102: {  	[tilespmem:s23], [sflag:$0x1] =	stream.indirect_vreg.gather [hbm4b:s10+s3], $0x80, v3, vm0, $0xb8;
	[tilespmem:$0x12200] =	vst v63  }
0x103: {  	s24 =	simm.s32 $0x2C00  }
0x104: {  	(v2sf) =	vpush v48, $0x6;
	[tilespmem:s24], [sflag:$0x1] =	stream.indirect_vreg.gather [hbm4b:s10+s3], $0x80, v4, vm0, $0xb8;
	[tilespmem:$0x12200] =	vst v63  }
0x105: {  	s25 =	simm.s32 $0x2C80  }
0x106: {  	[tilespmem:s25], [sflag:$0x1] =	stream.indirect_vreg.gather [hbm4b:s10+s3], $0x80, v5, vm0, $0xb8;
	[tilespmem:$0x12200] =	vst v63  }
0x107: {  	s26 =	simm.s32 $0x2D00  }
0x108: {  	[tilespmem:s26], [sflag:$0x1] =	stream.indirect_vreg.gather [hbm4b:s10+s3], $0x80, v6, vm0, $0xb8;
	[tilespmem:$0x12200] =	vst v63  }
0x109: {  	s28 =	simm.s32 $0x2D80  }
0x10a: {  	[tilespmem:s28], [sflag:$0x1] =	stream.indirect_vreg.gather [hbm4b:s10+s3], $0x80, v7, vm0, $0xb8;
	[tilespmem:$0x12200] =	vst v63  }
0x10b: {  	s29 =	simm.s32 $0x2E00  }
0x10c: {  	[tilespmem:s29], [sflag:$0x1] =	stream.indirect_vreg.gather [hbm4b:s10+s3], $0x80, v8, vm0, $0xb8;
	[tilespmem:$0x12200] =	vst v63  }
0x10d: {  	s12 =	simm.s32 $0x2E80  }
0x10e: {  	[tilespmem:s12], [sflag:$0x1] =	stream.indirect_vreg.gather [hbm4b:s10+s3], $0x80, v9, vm0, $0xb8;
	[tilespmem:$0x12200] =	vst v63  }
0x10f: {  	s13 =	simm.s32 $0x2F00  }
0x110: {  	[tilespmem:s13], [sflag:$0x1] =	stream.indirect_vreg.gather [hbm4b:s10+s3], $0x80, v10, vm0, $0xb8;
	[tilespmem:$0x12200] =	vst v63  }
0x111: {  	s14 =	simm.s32 $0x2F80  }
0x112: {  	[tilespmem:s14], [sflag:$0x1] =	stream.indirect_vreg.gather [hbm4b:s10+s3], $0x80, v12, vm0, $0xb8;
	[tilespmem:$0x12200] =	vst v63  }
0x113: {  	s15 =	simm.s32 $0x3000;
	s19 =	spop (v2sf)  }
0x114: {  	[tilespmem:s15], [sflag:$0x1] =	stream.indirect_vreg.gather [hbm4b:s10+s3], $0x80, v13, vm0, $0xb8;
	[tilespmem:$0x12200] =	vst v63  }
0x115: {  	s16 =	simm.s32 $0x3080;
	s17 =	simm.s32 $0x3100;
	s21 =	sand.u32 $0x7F, s19  }
0x116: {  	[tilespmem:s16], [sflag:$0x1] =	stream.indirect_vreg.gather [hbm4b:s10+s3], $0x80, v14, vm0, $0xb8;
	[tilespmem:$0x12200] =	vst v63  }
0x117: {  	p5 =	slt.s32 s19, $0x1;
	p6 =	sne.s32 s21, $0x0;
	s22 =	sshra.s32 s19, $0x1F  }
0x118: {  	[tilespmem:s17], [sflag:$0x1] =	stream.indirect_vreg.gather [hbm4b:s10+s3], $0x80, v15, vm0, $0xb8;
	[tilespmem:$0x12200] =	vst v63  }
0x119: {  	s18 =	simm.s32 $0x3180;
	p0 =	por !p5, !p6;
	s23 =	sshrl.u32 s22, $0x19  }
0x11a: {  	[tilespmem:s18], [sflag:$0x1] =	stream.indirect_vreg.gather [hbm4b:s10+s3], $0x80, v16, vm0, $0xb8;
	[tilespmem:$0x12200] =	vst v63  }
0x11b: {  	s11 =	simm.s32 $0x1;
	p0 =	por !p0, !p0;
	s10 =	sadd.s32 s23, s19  }
0x11c: {  	s11 =	simm.s32 @!p0 $0x0;
	s10 =	sshrl.u32 s10, $0x7  }
0x11d: {  	s10 =	ssub.s32 s10, s11  }
0x11e: {  	s10 =	sshll.u32 s10, $0x7  }
0x11f: {  	s10 =	sand.u32 $0x1FFFFF80, s10  }
0x120: {  	s24 =	simm.s32 $0x3200;
	s10 =	sadd.s32 s2, s10  }
0x121: {  	[tilespmem:s24], [sflag:$0x1] =	stream.indirect_vreg.gather [hbm4b:s10+s3], $0x80, v0, vm0, $0xb8;
	[tilespmem:$0x12200] =	vst v63  }
0x122: {  	s25 =	simm.s32 $0x3280  }
0x123: {  	[tilespmem:s25], [sflag:$0x1] =	stream.indirect_vreg.gather [hbm4b:s10+s3], $0x80, v1, vm0, $0xb8;
	[tilespmem:$0x12200] =	vst v63  }
0x124: {  	s26 =	simm.s32 $0x3300  }
0x125: {  	[tilespmem:s26], [sflag:$0x1] =	stream.indirect_vreg.gather [hbm4b:s10+s3], $0x80, v2, vm0, $0xb8;
	[tilespmem:$0x12200] =	vst v63  }
0x126: {  	s28 =	simm.s32 $0x3380  }
0x127: {  	[tilespmem:s28], [sflag:$0x1] =	stream.indirect_vreg.gather [hbm4b:s10+s3], $0x80, v3, vm0, $0xb8;
	[tilespmem:$0x12200] =	vst v63  }
0x128: {  	s29 =	simm.s32 $0x3400  }
0x129: {  	(v2sf) =	vpush v48, $0x7;
	[tilespmem:s29], [sflag:$0x1] =	stream.indirect_vreg.gather [hbm4b:s10+s3], $0x80, v4, vm0, $0xb8;
	[tilespmem:$0x12200] =	vst v63  }
0x12a: {  	s12 =	simm.s32 $0x3480  }
0x12b: {  	[tilespmem:s12], [sflag:$0x1] =	stream.indirect_vreg.gather [hbm4b:s10+s3], $0x80, v5, vm0, $0xb8;
	[tilespmem:$0x12200] =	vst v63  }
0x12c: {  	s13 =	simm.s32 $0x3500  }
0x12d: {  	[tilespmem:s13], [sflag:$0x1] =	stream.indirect_vreg.gather [hbm4b:s10+s3], $0x80, v6, vm0, $0xb8;
	[tilespmem:$0x12200] =	vst v63  }
0x12e: {  	s14 =	simm.s32 $0x3580  }
0x12f: {  	[tilespmem:s14], [sflag:$0x1] =	stream.indirect_vreg.gather [hbm4b:s10+s3], $0x80, v7, vm0, $0xb8;
	[tilespmem:$0x12200] =	vst v63  }
0x130: {  	s15 =	simm.s32 $0x3600  }
0x131: {  	[tilespmem:s15], [sflag:$0x1] =	stream.indirect_vreg.gather [hbm4b:s10+s3], $0x80, v8, vm0, $0xb8;
	[tilespmem:$0x12200] =	vst v63  }
0x132: {  	s16 =	simm.s32 $0x3680  }
0x133: {  	[tilespmem:s16], [sflag:$0x1] =	stream.indirect_vreg.gather [hbm4b:s10+s3], $0x80, v9, vm0, $0xb8;
	[tilespmem:$0x12200] =	vst v63  }
0x134: {  	s17 =	simm.s32 $0x3700  }
0x135: {  	[tilespmem:s17], [sflag:$0x1] =	stream.indirect_vreg.gather [hbm4b:s10+s3], $0x80, v10, vm0, $0xb8;
	[tilespmem:$0x12200] =	vst v63  }
0x136: {  	s18 =	simm.s32 $0x3780  }
0x137: {  	[tilespmem:s18], [sflag:$0x1] =	stream.indirect_vreg.gather [hbm4b:s10+s3], $0x80, v12, vm0, $0xb8;
	[tilespmem:$0x12200] =	vst v63  }
0x138: {  	s19 =	simm.s32 $0x3800;
	s24 =	spop (v2sf)  }
0x139: {  	[tilespmem:s19], [sflag:$0x1] =	stream.indirect_vreg.gather [hbm4b:s10+s3], $0x80, v13, vm0, $0xb8;
	[tilespmem:$0x12200] =	vst v63  }
0x13a: {  	s21 =	simm.s32 $0x3880;
	s22 =	simm.s32 $0x3900;
	s25 =	sand.u32 $0x7F, s24  }
0x13b: {  	[tilespmem:s21], [sflag:$0x1] =	stream.indirect_vreg.gather [hbm4b:s10+s3], $0x80, v14, vm0, $0xb8;
	[tilespmem:$0x12200] =	vst v63  }
0x13c: {  	p1 =	slt.s32 s24, $0x1;
	p2 =	sne.s32 s25, $0x0;
	s26 =	sshra.s32 s24, $0x1F  }
0x13d: {  	[tilespmem:s22], [sflag:$0x1] =	stream.indirect_vreg.gather [hbm4b:s10+s3], $0x80, v15, vm0, $0xb8;
	[tilespmem:$0x12200] =	vst v63  }
0x13e: {  	s23 =	simm.s32 $0x3980;
	p0 =	por !p1, !p2;
	s28 =	sshrl.u32 s26, $0x19  }
0x13f: {  	[tilespmem:s23], [sflag:$0x1] =	stream.indirect_vreg.gather [hbm4b:s10+s3], $0x80, v16, vm0, $0xb8;
	[tilespmem:$0x12200] =	vst v63  }
0x140: {  	s11 =	simm.s32 $0x1;
	p0 =	por !p0, !p0;
	s10 =	sadd.s32 s28, s24  }
0x141: {  	s11 =	simm.s32 @!p0 $0x0;
	s10 =	sshrl.u32 s10, $0x7  }
0x142: {  	s10 =	ssub.s32 s10, s11  }
0x143: {  	s10 =	sshll.u32 s10, $0x7  }
0x144: {  	s10 =	sand.u32 $0x1FFFFF80, s10  }
0x145: {  	s29 =	simm.s32 $0x3A00;
	s10 =	sadd.s32 s2, s10  }
0x146: {  	[tilespmem:s29], [sflag:$0x1] =	stream.indirect_vreg.gather [hbm4b:s10+s3], $0x80, v0, vm0, $0xb8;
	[tilespmem:$0x12200] =	vst v63  }
0x147: {  	s12 =	simm.s32 $0x3A80  }
0x148: {  	[tilespmem:s12], [sflag:$0x1] =	stream.indirect_vreg.gather [hbm4b:s10+s3], $0x80, v1, vm0, $0xb8;
	[tilespmem:$0x12200] =	vst v63  }
0x149: {  	s13 =	simm.s32 $0x3B00  }
0x14a: {  	[tilespmem:s13], [sflag:$0x1] =	stream.indirect_vreg.gather [hbm4b:s10+s3], $0x80, v2, vm0, $0xb8;
	[tilespmem:$0x12200] =	vst v63  }
0x14b: {  	s14 =	simm.s32 $0x3B80  }
0x14c: {  	[tilespmem:s14], [sflag:$0x1] =	stream.indirect_vreg.gather [hbm4b:s10+s3], $0x80, v3, vm0, $0xb8;
	[tilespmem:$0x12200] =	vst v63  }
0x14d: {  	s15 =	simm.s32 $0x3C00  }
0x14e: {  	(v2sf) =	vpush v48, $0x8;
	[tilespmem:s15], [sflag:$0x1] =	stream.indirect_vreg.gather [hbm4b:s10+s3], $0x80, v4, vm0, $0xb8;
	[tilespmem:$0x12200] =	vst v63  }
0x14f: {  	s16 =	simm.s32 $0x3C80  }
0x150: {  	[tilespmem:s16], [sflag:$0x1] =	stream.indirect_vreg.gather [hbm4b:s10+s3], $0x80, v5, vm0, $0xb8;
	[tilespmem:$0x12200] =	vst v63  }
0x151: {  	s17 =	simm.s32 $0x3D00  }
0x152: {  	[tilespmem:s17], [sflag:$0x1] =	stream.indirect_vreg.gather [hbm4b:s10+s3], $0x80, v6, vm0, $0xb8;
	[tilespmem:$0x12200] =	vst v63  }
0x153: {  	s18 =	simm.s32 $0x3D80  }
0x154: {  	[tilespmem:s18], [sflag:$0x1] =	stream.indirect_vreg.gather [hbm4b:s10+s3], $0x80, v7, vm0, $0xb8;
	[tilespmem:$0x12200] =	vst v63  }
0x155: {  	s19 =	simm.s32 $0x3E00  }
0x156: {  	[tilespmem:s19], [sflag:$0x1] =	stream.indirect_vreg.gather [hbm4b:s10+s3], $0x80, v8, vm0, $0xb8;
	[tilespmem:$0x12200] =	vst v63  }
0x157: {  	s21 =	simm.s32 $0x3E80  }
0x158: {  	[tilespmem:s21], [sflag:$0x1] =	stream.indirect_vreg.gather [hbm4b:s10+s3], $0x80, v9, vm0, $0xb8;
	[tilespmem:$0x12200] =	vst v63  }
0x159: {  	s22 =	simm.s32 $0x3F00  }
0x15a: {  	[tilespmem:s22], [sflag:$0x1] =	stream.indirect_vreg.gather [hbm4b:s10+s3], $0x80, v10, vm0, $0xb8;
	[tilespmem:$0x12200] =	vst v63  }
0x15b: {  	s23 =	simm.s32 $0x3F80  }
0x15c: {  	[tilespmem:s23], [sflag:$0x1] =	stream.indirect_vreg.gather [hbm4b:s10+s3], $0x80, v12, vm0, $0xb8;
	[tilespmem:$0x12200] =	vst v63  }
0x15d: {  	s24 =	simm.s32 $0x4000;
	s29 =	spop (v2sf)  }
0x15e: {  	[tilespmem:s24], [sflag:$0x1] =	stream.indirect_vreg.gather [hbm4b:s10+s3], $0x80, v13, vm0, $0xb8;
	[tilespmem:$0x12200] =	vst v63  }
0x15f: {  	s25 =	simm.s32 $0x4080;
	s26 =	simm.s32 $0x4100;
	s12 =	sand.u32 $0x7F, s29  }
0x160: {  	[tilespmem:s25], [sflag:$0x1] =	stream.indirect_vreg.gather [hbm4b:s10+s3], $0x80, v14, vm0, $0xb8;
	[tilespmem:$0x12200] =	vst v63  }
0x161: {  	p3 =	slt.s32 s29, $0x1;
	p4 =	sne.s32 s12, $0x0;
	s13 =	sshra.s32 s29, $0x1F  }
0x162: {  	[tilespmem:s26], [sflag:$0x1] =	stream.indirect_vreg.gather [hbm4b:s10+s3], $0x80, v15, vm0, $0xb8;
	[tilespmem:$0x12200] =	vst v63  }
0x163: {  	s28 =	simm.s32 $0x4180;
	p0 =	por !p3, !p4;
	s14 =	sshrl.u32 s13, $0x19  }
0x164: {  	[tilespmem:s28], [sflag:$0x1] =	stream.indirect_vreg.gather [hbm4b:s10+s3], $0x80, v16, vm0, $0xb8;
	[tilespmem:$0x12200] =	vst v63  }
0x165: {  	s11 =	simm.s32 $0x1;
	p0 =	por !p0, !p0;
	s10 =	sadd.s32 s14, s29  }
0x166: {  	s11 =	simm.s32 @!p0 $0x0;
	s10 =	sshrl.u32 s10, $0x7  }
0x167: {  	s10 =	ssub.s32 s10, s11  }
0x168: {  	s10 =	sshll.u32 s10, $0x7  }
0x169: {  	s10 =	sand.u32 $0x1FFFFF80, s10  }
0x16a: {  	s15 =	simm.s32 $0x4200;
	s10 =	sadd.s32 s2, s10  }
0x16b: {  	[tilespmem:s15], [sflag:$0x1] =	stream.indirect_vreg.gather [hbm4b:s10+s3], $0x80, v0, vm0, $0xb8;
	[tilespmem:$0x12200] =	vst v63  }
0x16c: {  	s16 =	simm.s32 $0x4280  }
0x16d: {  	[tilespmem:s16], [sflag:$0x1] =	stream.indirect_vreg.gather [hbm4b:s10+s3], $0x80, v1, vm0, $0xb8;
	[tilespmem:$0x12200] =	vst v63  }
0x16e: {  	s17 =	simm.s32 $0x4300  }
0x16f: {  	[tilespmem:s17], [sflag:$0x1] =	stream.indirect_vreg.gather [hbm4b:s10+s3], $0x80, v2, vm0, $0xb8;
	[tilespmem:$0x12200] =	vst v63  }
0x170: {  	s18 =	simm.s32 $0x4380  }
0x171: {  	[tilespmem:s18], [sflag:$0x1] =	stream.indirect_vreg.gather [hbm4b:s10+s3], $0x80, v3, vm0, $0xb8;
	[tilespmem:$0x12200] =	vst v63  }
0x172: {  	s19 =	simm.s32 $0x4400  }
0x173: {  	(v2sf) =	vpush v48, $0x9;
	[tilespmem:s19], [sflag:$0x1] =	stream.indirect_vreg.gather [hbm4b:s10+s3], $0x80, v4, vm0, $0xb8;
	[tilespmem:$0x12200] =	vst v63  }
0x174: {  	s21 =	simm.s32 $0x4480  }
0x175: {  	[tilespmem:s21], [sflag:$0x1] =	stream.indirect_vreg.gather [hbm4b:s10+s3], $0x80, v5, vm0, $0xb8;
	[tilespmem:$0x12200] =	vst v63  }
0x176: {  	s22 =	simm.s32 $0x4500  }
0x177: {  	[tilespmem:s22], [sflag:$0x1] =	stream.indirect_vreg.gather [hbm4b:s10+s3], $0x80, v6, vm0, $0xb8;
	[tilespmem:$0x12200] =	vst v63  }
0x178: {  	s23 =	simm.s32 $0x4580  }
0x179: {  	[tilespmem:s23], [sflag:$0x1] =	stream.indirect_vreg.gather [hbm4b:s10+s3], $0x80, v7, vm0, $0xb8;
	[tilespmem:$0x12200] =	vst v63  }
0x17a: {  	s24 =	simm.s32 $0x4600  }
0x17b: {  	[tilespmem:s24], [sflag:$0x1] =	stream.indirect_vreg.gather [hbm4b:s10+s3], $0x80, v8, vm0, $0xb8;
	[tilespmem:$0x12200] =	vst v63  }
0x17c: {  	s25 =	simm.s32 $0x4680  }
0x17d: {  	[tilespmem:s25], [sflag:$0x1] =	stream.indirect_vreg.gather [hbm4b:s10+s3], $0x80, v9, vm0, $0xb8;
	[tilespmem:$0x12200] =	vst v63  }
0x17e: {  	s26 =	simm.s32 $0x4700  }
0x17f: {  	[tilespmem:s26], [sflag:$0x1] =	stream.indirect_vreg.gather [hbm4b:s10+s3], $0x80, v10, vm0, $0xb8;
	[tilespmem:$0x12200] =	vst v63  }
0x180: {  	s28 =	simm.s32 $0x4780  }
0x181: {  	[tilespmem:s28], [sflag:$0x1] =	stream.indirect_vreg.gather [hbm4b:s10+s3], $0x80, v12, vm0, $0xb8;
	[tilespmem:$0x12200] =	vst v63  }
0x182: {  	s29 =	simm.s32 $0x4800;
	s15 =	spop (v2sf)  }
0x183: {  	[tilespmem:s29], [sflag:$0x1] =	stream.indirect_vreg.gather [hbm4b:s10+s3], $0x80, v13, vm0, $0xb8;
	[tilespmem:$0x12200] =	vst v63  }
0x184: {  	s12 =	simm.s32 $0x4880;
	s13 =	simm.s32 $0x4900;
	s16 =	sand.u32 $0x7F, s15  }
0x185: {  	[tilespmem:s12], [sflag:$0x1] =	stream.indirect_vreg.gather [hbm4b:s10+s3], $0x80, v14, vm0, $0xb8;
	[tilespmem:$0x12200] =	vst v63  }
0x186: {  	p5 =	slt.s32 s15, $0x1;
	p6 =	sne.s32 s16, $0x0;
	s17 =	sshra.s32 s15, $0x1F  }
0x187: {  	[tilespmem:s13], [sflag:$0x1] =	stream.indirect_vreg.gather [hbm4b:s10+s3], $0x80, v15, vm0, $0xb8;
	[tilespmem:$0x12200] =	vst v63  }
0x188: {  	s14 =	simm.s32 $0x4980;
	p0 =	por !p5, !p6;
	s18 =	sshrl.u32 s17, $0x19  }
0x189: {  	[tilespmem:s14], [sflag:$0x1] =	stream.indirect_vreg.gather [hbm4b:s10+s3], $0x80, v16, vm0, $0xb8;
	[tilespmem:$0x12200] =	vst v63  }
0x18a: {  	s11 =	simm.s32 $0x1;
	p0 =	por !p0, !p0;
	s10 =	sadd.s32 s18, s15  }
0x18b: {  	s11 =	simm.s32 @!p0 $0x0;
	s10 =	sshrl.u32 s10, $0x7  }
0x18c: {  	s10 =	ssub.s32 s10, s11  }
0x18d: {  	s10 =	sshll.u32 s10, $0x7  }
0x18e: {  	s10 =	sand.u32 $0x1FFFFF80, s10  }
0x18f: {  	s19 =	simm.s32 $0x4A00;
	s10 =	sadd.s32 s2, s10  }
0x190: {  	[tilespmem:s19], [sflag:$0x1] =	stream.indirect_vreg.gather [hbm4b:s10+s3], $0x80, v0, vm0, $0xb8;
	[tilespmem:$0x12200] =	vst v63  }
0x191: {  	s21 =	simm.s32 $0x4A80  }
0x192: {  	[tilespmem:s21], [sflag:$0x1] =	stream.indirect_vreg.gather [hbm4b:s10+s3], $0x80, v1, vm0, $0xb8;
	[tilespmem:$0x12200] =	vst v63  }
0x193: {  	s22 =	simm.s32 $0x4B00  }
0x194: {  	[tilespmem:s22], [sflag:$0x1] =	stream.indirect_vreg.gather [hbm4b:s10+s3], $0x80, v2, vm0, $0xb8;
	[tilespmem:$0x12200] =	vst v63  }
0x195: {  	s23 =	simm.s32 $0x4B80  }
0x196: {  	[tilespmem:s23], [sflag:$0x1] =	stream.indirect_vreg.gather [hbm4b:s10+s3], $0x80, v3, vm0, $0xb8;
	[tilespmem:$0x12200] =	vst v63  }
0x197: {  	s24 =	simm.s32 $0x4C00  }
0x198: {  	(v2sf) =	vpush v48, $0xA;
	[tilespmem:s24], [sflag:$0x1] =	stream.indirect_vreg.gather [hbm4b:s10+s3], $0x80, v4, vm0, $0xb8;
	[tilespmem:$0x12200] =	vst v63  }
0x199: {  	s25 =	simm.s32 $0x4C80  }
0x19a: {  	[tilespmem:s25], [sflag:$0x1] =	stream.indirect_vreg.gather [hbm4b:s10+s3], $0x80, v5, vm0, $0xb8;
	[tilespmem:$0x12200] =	vst v63  }
0x19b: {  	s26 =	simm.s32 $0x4D00  }
0x19c: {  	[tilespmem:s26], [sflag:$0x1] =	stream.indirect_vreg.gather [hbm4b:s10+s3], $0x80, v6, vm0, $0xb8;
	[tilespmem:$0x12200] =	vst v63  }
0x19d: {  	s28 =	simm.s32 $0x4D80  }
0x19e: {  	[tilespmem:s28], [sflag:$0x1] =	stream.indirect_vreg.gather [hbm4b:s10+s3], $0x80, v7, vm0, $0xb8;
	[tilespmem:$0x12200] =	vst v63  }
0x19f: {  	s29 =	simm.s32 $0x4E00  }
0x1a0: {  	[tilespmem:s29], [sflag:$0x1] =	stream.indirect_vreg.gather [hbm4b:s10+s3], $0x80, v8, vm0, $0xb8;
	[tilespmem:$0x12200] =	vst v63  }
0x1a1: {  	s12 =	simm.s32 $0x4E80  }
0x1a2: {  	[tilespmem:s12], [sflag:$0x1] =	stream.indirect_vreg.gather [hbm4b:s10+s3], $0x80, v9, vm0, $0xb8;
	[tilespmem:$0x12200] =	vst v63  }
0x1a3: {  	s13 =	simm.s32 $0x4F00  }
0x1a4: {  	[tilespmem:s13], [sflag:$0x1] =	stream.indirect_vreg.gather [hbm4b:s10+s3], $0x80, v10, vm0, $0xb8;
	[tilespmem:$0x12200] =	vst v63  }
0x1a5: {  	s14 =	simm.s32 $0x4F80  }
0x1a6: {  	[tilespmem:s14], [sflag:$0x1] =	stream.indirect_vreg.gather [hbm4b:s10+s3], $0x80, v12, vm0, $0xb8;
	[tilespmem:$0x12200] =	vst v63  }
0x1a7: {  	s15 =	simm.s32 $0x5000;
	s19 =	spop (v2sf)  }
0x1a8: {  	[tilespmem:s15], [sflag:$0x1] =	stream.indirect_vreg.gather [hbm4b:s10+s3], $0x80, v13, vm0, $0xb8;
	[tilespmem:$0x12200] =	vst v63  }
0x1a9: {  	s16 =	simm.s32 $0x5080;
	s17 =	simm.s32 $0x5100;
	s21 =	sand.u32 $0x7F, s19  }
0x1aa: {  	[tilespmem:s16], [sflag:$0x1] =	stream.indirect_vreg.gather [hbm4b:s10+s3], $0x80, v14, vm0, $0xb8;
	[tilespmem:$0x12200] =	vst v63  }
0x1ab: {  	p1 =	slt.s32 s19, $0x1;
	p2 =	sne.s32 s21, $0x0;
	s22 =	sshra.s32 s19, $0x1F  }
0x1ac: {  	[tilespmem:s17], [sflag:$0x1] =	stream.indirect_vreg.gather [hbm4b:s10+s3], $0x80, v15, vm0, $0xb8;
	[tilespmem:$0x12200] =	vst v63  }
0x1ad: {  	s18 =	simm.s32 $0x5180;
	p0 =	por !p1, !p2;
	s23 =	sshrl.u32 s22, $0x19  }
0x1ae: {  	[tilespmem:s18], [sflag:$0x1] =	stream.indirect_vreg.gather [hbm4b:s10+s3], $0x80, v16, vm0, $0xb8;
	[tilespmem:$0x12200] =	vst v63  }
0x1af: {  	s11 =	simm.s32 $0x1;
	p0 =	por !p0, !p0;
	s10 =	sadd.s32 s23, s19  }
0x1b0: {  	s11 =	simm.s32 @!p0 $0x0;
	s10 =	sshrl.u32 s10, $0x7  }
0x1b1: {  	s10 =	ssub.s32 s10, s11  }
0x1b2: {  	s10 =	sshll.u32 s10, $0x7  }
0x1b3: {  	s10 =	sand.u32 $0x1FFFFF80, s10  }
0x1b4: {  	s24 =	simm.s32 $0x5200;
	s10 =	sadd.s32 s2, s10  }
0x1b5: {  	[tilespmem:s24], [sflag:$0x1] =	stream.indirect_vreg.gather [hbm4b:s10+s3], $0x80, v0, vm0, $0xb8;
	[tilespmem:$0x12200] =	vst v63  }
0x1b6: {  	s25 =	simm.s32 $0x5280  }
0x1b7: {  	[tilespmem:s25], [sflag:$0x1] =	stream.indirect_vreg.gather [hbm4b:s10+s3], $0x80, v1, vm0, $0xb8;
	[tilespmem:$0x12200] =	vst v63  }
0x1b8: {  	s26 =	simm.s32 $0x5300  }
0x1b9: {  	[tilespmem:s26], [sflag:$0x1] =	stream.indirect_vreg.gather [hbm4b:s10+s3], $0x80, v2, vm0, $0xb8;
	[tilespmem:$0x12200] =	vst v63  }
0x1ba: {  	s28 =	simm.s32 $0x5380  }
0x1bb: {  	[tilespmem:s28], [sflag:$0x1] =	stream.indirect_vreg.gather [hbm4b:s10+s3], $0x80, v3, vm0, $0xb8;
	[tilespmem:$0x12200] =	vst v63  }
0x1bc: {  	s29 =	simm.s32 $0x5400  }
0x1bd: {  	(v2sf) =	vpush v48, $0xB;
	[tilespmem:s29], [sflag:$0x1] =	stream.indirect_vreg.gather [hbm4b:s10+s3], $0x80, v4, vm0, $0xb8;
	[tilespmem:$0x12200] =	vst v63  }
0x1be: {  	s12 =	simm.s32 $0x5480  }
0x1bf: {  	[tilespmem:s12], [sflag:$0x1] =	stream.indirect_vreg.gather [hbm4b:s10+s3], $0x80, v5, vm0, $0xb8;
	[tilespmem:$0x12200] =	vst v63  }
0x1c0: {  	s13 =	simm.s32 $0x5500  }
0x1c1: {  	[tilespmem:s13], [sflag:$0x1] =	stream.indirect_vreg.gather [hbm4b:s10+s3], $0x80, v6, vm0, $0xb8;
	[tilespmem:$0x12200] =	vst v63  }
0x1c2: {  	s14 =	simm.s32 $0x5580  }
0x1c3: {  	[tilespmem:s14], [sflag:$0x1] =	stream.indirect_vreg.gather [hbm4b:s10+s3], $0x80, v7, vm0, $0xb8;
	[tilespmem:$0x12200] =	vst v63  }
0x1c4: {  	s15 =	simm.s32 $0x5600  }
0x1c5: {  	[tilespmem:s15], [sflag:$0x1] =	stream.indirect_vreg.gather [hbm4b:s10+s3], $0x80, v8, vm0, $0xb8;
	[tilespmem:$0x12200] =	vst v63  }
0x1c6: {  	s16 =	simm.s32 $0x5680  }
0x1c7: {  	[tilespmem:s16], [sflag:$0x1] =	stream.indirect_vreg.gather [hbm4b:s10+s3], $0x80, v9, vm0, $0xb8;
	[tilespmem:$0x12200] =	vst v63  }
0x1c8: {  	s17 =	simm.s32 $0x5700  }
0x1c9: {  	[tilespmem:s17], [sflag:$0x1] =	stream.indirect_vreg.gather [hbm4b:s10+s3], $0x80, v10, vm0, $0xb8;
	[tilespmem:$0x12200] =	vst v63  }
0x1ca: {  	s18 =	simm.s32 $0x5780  }
0x1cb: {  	[tilespmem:s18], [sflag:$0x1] =	stream.indirect_vreg.gather [hbm4b:s10+s3], $0x80, v12, vm0, $0xb8;
	[tilespmem:$0x12200] =	vst v63  }
0x1cc: {  	s19 =	simm.s32 $0x5800;
	s24 =	spop (v2sf)  }
0x1cd: {  	[tilespmem:s19], [sflag:$0x1] =	stream.indirect_vreg.gather [hbm4b:s10+s3], $0x80, v13, vm0, $0xb8;
	[tilespmem:$0x12200] =	vst v63  }
0x1ce: {  	s21 =	simm.s32 $0x5880;
	s22 =	simm.s32 $0x5900;
	s25 =	sand.u32 $0x7F, s24  }
0x1cf: {  	[tilespmem:s21], [sflag:$0x1] =	stream.indirect_vreg.gather [hbm4b:s10+s3], $0x80, v14, vm0, $0xb8;
	[tilespmem:$0x12200] =	vst v63  }
0x1d0: {  	p3 =	slt.s32 s24, $0x1;
	p4 =	sne.s32 s25, $0x0;
	s26 =	sshra.s32 s24, $0x1F  }
0x1d1: {  	[tilespmem:s22], [sflag:$0x1] =	stream.indirect_vreg.gather [hbm4b:s10+s3], $0x80, v15, vm0, $0xb8;
	[tilespmem:$0x12200] =	vst v63  }
0x1d2: {  	s23 =	simm.s32 $0x5980;
	p0 =	por !p3, !p4;
	s28 =	sshrl.u32 s26, $0x19  }
0x1d3: {  	[tilespmem:s23], [sflag:$0x1] =	stream.indirect_vreg.gather [hbm4b:s10+s3], $0x80, v16, vm0, $0xb8;
	[tilespmem:$0x12200] =	vst v63  }
0x1d4: {  	s11 =	simm.s32 $0x1;
	p0 =	por !p0, !p0;
	s10 =	sadd.s32 s28, s24  }
0x1d5: {  	s11 =	simm.s32 @!p0 $0x0;
	s10 =	sshrl.u32 s10, $0x7  }
0x1d6: {  	s10 =	ssub.s32 s10, s11  }
0x1d7: {  	s10 =	sshll.u32 s10, $0x7  }
0x1d8: {  	s10 =	sand.u32 $0x1FFFFF80, s10  }
0x1d9: {  	s29 =	simm.s32 $0x5A00;
	s10 =	sadd.s32 s2, s10  }
0x1da: {  	[tilespmem:s29], [sflag:$0x1] =	stream.indirect_vreg.gather [hbm4b:s10+s3], $0x80, v0, vm0, $0xb8;
	[tilespmem:$0x12200] =	vst v63  }
0x1db: {  	s12 =	simm.s32 $0x5A80  }
0x1dc: {  	[tilespmem:s12], [sflag:$0x1] =	stream.indirect_vreg.gather [hbm4b:s10+s3], $0x80, v1, vm0, $0xb8;
	[tilespmem:$0x12200] =	vst v63  }
0x1dd: {  	s13 =	simm.s32 $0x5B00  }
0x1de: {  	[tilespmem:s13], [sflag:$0x1] =	stream.indirect_vreg.gather [hbm4b:s10+s3], $0x80, v2, vm0, $0xb8;
	[tilespmem:$0x12200] =	vst v63  }
0x1df: {  	s14 =	simm.s32 $0x5B80  }
0x1e0: {  	[tilespmem:s14], [sflag:$0x1] =	stream.indirect_vreg.gather [hbm4b:s10+s3], $0x80, v3, vm0, $0xb8;
	[tilespmem:$0x12200] =	vst v63  }
0x1e1: {  	s15 =	simm.s32 $0x5C00  }
0x1e2: {  	(v2sf) =	vpush v48, $0xC;
	[tilespmem:s15], [sflag:$0x1] =	stream.indirect_vreg.gather [hbm4b:s10+s3], $0x80, v4, vm0, $0xb8;
	[tilespmem:$0x12200] =	vst v63  }
0x1e3: {  	s16 =	simm.s32 $0x5C80  }
0x1e4: {  	[tilespmem:s16], [sflag:$0x1] =	stream.indirect_vreg.gather [hbm4b:s10+s3], $0x80, v5, vm0, $0xb8;
	[tilespmem:$0x12200] =	vst v63  }
0x1e5: {  	s17 =	simm.s32 $0x5D00  }
0x1e6: {  	[tilespmem:s17], [sflag:$0x1] =	stream.indirect_vreg.gather [hbm4b:s10+s3], $0x80, v6, vm0, $0xb8;
	[tilespmem:$0x12200] =	vst v63  }
0x1e7: {  	s18 =	simm.s32 $0x5D80  }
0x1e8: {  	[tilespmem:s18], [sflag:$0x1] =	stream.indirect_vreg.gather [hbm4b:s10+s3], $0x80, v7, vm0, $0xb8;
	[tilespmem:$0x12200] =	vst v63  }
0x1e9: {  	s19 =	simm.s32 $0x5E00  }
0x1ea: {  	[tilespmem:s19], [sflag:$0x1] =	stream.indirect_vreg.gather [hbm4b:s10+s3], $0x80, v8, vm0, $0xb8;
	[tilespmem:$0x12200] =	vst v63  }
0x1eb: {  	s21 =	simm.s32 $0x5E80  }
0x1ec: {  	[tilespmem:s21], [sflag:$0x1] =	stream.indirect_vreg.gather [hbm4b:s10+s3], $0x80, v9, vm0, $0xb8;
	[tilespmem:$0x12200] =	vst v63  }
0x1ed: {  	s22 =	simm.s32 $0x5F00  }
0x1ee: {  	[tilespmem:s22], [sflag:$0x1] =	stream.indirect_vreg.gather [hbm4b:s10+s3], $0x80, v10, vm0, $0xb8;
	[tilespmem:$0x12200] =	vst v63  }
0x1ef: {  	s23 =	simm.s32 $0x5F80  }
0x1f0: {  	[tilespmem:s23], [sflag:$0x1] =	stream.indirect_vreg.gather [hbm4b:s10+s3], $0x80, v12, vm0, $0xb8;
	[tilespmem:$0x12200] =	vst v63  }
0x1f1: {  	s24 =	simm.s32 $0x6000;
	s29 =	spop (v2sf)  }
0x1f2: {  	[tilespmem:s24], [sflag:$0x1] =	stream.indirect_vreg.gather [hbm4b:s10+s3], $0x80, v13, vm0, $0xb8;
	[tilespmem:$0x12200] =	vst v63  }
0x1f3: {  	s25 =	simm.s32 $0x6080;
	s26 =	simm.s32 $0x6100;
	s13 =	sand.u32 $0x7F, s29  }
0x1f4: {  	[tilespmem:s25], [sflag:$0x1] =	stream.indirect_vreg.gather [hbm4b:s10+s3], $0x80, v14, vm0, $0xb8;
	[tilespmem:$0x12200] =	vst v63  }
0x1f5: {  	p5 =	slt.s32 s29, $0x1;
	p6 =	sne.s32 s13, $0x0;
	s14 =	sshra.s32 s29, $0x1F  }
0x1f6: {  	[tilespmem:s26], [sflag:$0x1] =	stream.indirect_vreg.gather [hbm4b:s10+s3], $0x80, v15, vm0, $0xb8;
	[tilespmem:$0x12200] =	vst v63  }
0x1f7: {  	s28 =	simm.s32 $0x6180;
	p0 =	por !p5, !p6;
	s15 =	sshrl.u32 s14, $0x19  }
0x1f8: {  	[tilespmem:s28], [sflag:$0x1] =	stream.indirect_vreg.gather [hbm4b:s10+s3], $0x80, v16, vm0, $0xb8;
	[tilespmem:$0x12200] =	vst v63  }
0x1f9: {  	s11 =	simm.s32 $0x1;
	p0 =	por !p0, !p0;
	s10 =	sadd.s32 s15, s29  }
0x1fa: {  	s11 =	simm.s32 @!p0 $0x0;
	s10 =	sshrl.u32 s10, $0x7  }
0x1fb: {  	s10 =	ssub.s32 s10, s11  }
0x1fc: {  	s10 =	sshll.u32 s10, $0x7  }
0x1fd: {  	s10 =	sand.u32 $0x1FFFFF80, s10  }
0x1fe: {  	s16 =	simm.s32 $0x6200;
	s10 =	sadd.s32 s2, s10  }
0x1ff: {  	[tilespmem:s16], [sflag:$0x1] =	stream.indirect_vreg.gather [hbm4b:s10+s3], $0x80, v0, vm0, $0xb8;
	[tilespmem:$0x12200] =	vst v63  }
0x200: {  	s17 =	simm.s32 $0x6280  }
0x201: {  	[tilespmem:s17], [sflag:$0x1] =	stream.indirect_vreg.gather [hbm4b:s10+s3], $0x80, v1, vm0, $0xb8;
	[tilespmem:$0x12200] =	vst v63  }
0x202: {  	s18 =	simm.s32 $0x6300  }
0x203: {  	[tilespmem:s18], [sflag:$0x1] =	stream.indirect_vreg.gather [hbm4b:s10+s3], $0x80, v2, vm0, $0xb8;
	[tilespmem:$0x12200] =	vst v63  }
0x204: {  	s19 =	simm.s32 $0x6380  }
0x205: {  	[tilespmem:s19], [sflag:$0x1] =	stream.indirect_vreg.gather [hbm4b:s10+s3], $0x80, v3, vm0, $0xb8;
	[tilespmem:$0x12200] =	vst v63  }
0x206: {  	s21 =	simm.s32 $0x6400  }
0x207: {  	(v2sf) =	vpush v48, $0xD;
	[tilespmem:s21], [sflag:$0x1] =	stream.indirect_vreg.gather [hbm4b:s10+s3], $0x80, v4, vm0, $0xb8;
	[tilespmem:$0x12200] =	vst v63  }
0x208: {  	s22 =	simm.s32 $0x6480  }
0x209: {  	[tilespmem:s22], [sflag:$0x1] =	stream.indirect_vreg.gather [hbm4b:s10+s3], $0x80, v5, vm0, $0xb8;
	[tilespmem:$0x12200] =	vst v63  }
0x20a: {  	s23 =	simm.s32 $0x6500  }
0x20b: {  	[tilespmem:s23], [sflag:$0x1] =	stream.indirect_vreg.gather [hbm4b:s10+s3], $0x80, v6, vm0, $0xb8;
	[tilespmem:$0x12200] =	vst v63  }
0x20c: {  	s24 =	simm.s32 $0x6580  }
0x20d: {  	[tilespmem:s24], [sflag:$0x1] =	stream.indirect_vreg.gather [hbm4b:s10+s3], $0x80, v7, vm0, $0xb8;
	[tilespmem:$0x12200] =	vst v63  }
0x20e: {  	s25 =	simm.s32 $0x6600  }
0x20f: {  	[tilespmem:s25], [sflag:$0x1] =	stream.indirect_vreg.gather [hbm4b:s10+s3], $0x80, v8, vm0, $0xb8;
	[tilespmem:$0x12200] =	vst v63  }
0x210: {  	s26 =	simm.s32 $0x6680  }
0x211: {  	[tilespmem:s26], [sflag:$0x1] =	stream.indirect_vreg.gather [hbm4b:s10+s3], $0x80, v9, vm0, $0xb8;
	[tilespmem:$0x12200] =	vst v63  }
0x212: {  	s28 =	simm.s32 $0x6700  }
0x213: {  	[tilespmem:s28], [sflag:$0x1] =	stream.indirect_vreg.gather [hbm4b:s10+s3], $0x80, v10, vm0, $0xb8;
	[tilespmem:$0x12200] =	vst v63  }
0x214: {  	s29 =	simm.s32 $0x6780  }
0x215: {  	[tilespmem:s29], [sflag:$0x1] =	stream.indirect_vreg.gather [hbm4b:s10+s3], $0x80, v12, vm0, $0xb8;
	[tilespmem:$0x12200] =	vst v63  }
0x216: {  	s12 =	simm.s32 $0x6800;
	s16 =	spop (v2sf)  }
0x217: {  	[tilespmem:s12], [sflag:$0x1] =	stream.indirect_vreg.gather [hbm4b:s10+s3], $0x80, v13, vm0, $0xb8;
	[tilespmem:$0x12200] =	vst v63  }
0x218: {  	s13 =	simm.s32 $0x6880;
	s14 =	simm.s32 $0x6900;
	s17 =	sand.u32 $0x7F, s16  }
0x219: {  	[tilespmem:s13], [sflag:$0x1] =	stream.indirect_vreg.gather [hbm4b:s10+s3], $0x80, v14, vm0, $0xb8;
	[tilespmem:$0x12200] =	vst v63  }
0x21a: {  	p1 =	slt.s32 s16, $0x1;
	p2 =	sne.s32 s17, $0x0;
	s18 =	sshra.s32 s16, $0x1F  }
0x21b: {  	[tilespmem:s14], [sflag:$0x1] =	stream.indirect_vreg.gather [hbm4b:s10+s3], $0x80, v15, vm0, $0xb8;
	[tilespmem:$0x12200] =	vst v63  }
0x21c: {  	s15 =	simm.s32 $0x6980;
	p0 =	por !p1, !p2;
	s19 =	sshrl.u32 s18, $0x19  }
0x21d: {  	[tilespmem:s15], [sflag:$0x1] =	stream.indirect_vreg.gather [hbm4b:s10+s3], $0x80, v16, vm0, $0xb8;
	[tilespmem:$0x12200] =	vst v63  }
0x21e: {  	s11 =	simm.s32 $0x1;
	p0 =	por !p0, !p0;
	s10 =	sadd.s32 s19, s16  }
0x21f: {  	s11 =	simm.s32 @!p0 $0x0;
	s10 =	sshrl.u32 s10, $0x7  }
0x220: {  	s10 =	ssub.s32 s10, s11  }
0x221: {  	s10 =	sshll.u32 s10, $0x7  }
0x222: {  	s10 =	sand.u32 $0x1FFFFF80, s10  }
0x223: {  	s21 =	simm.s32 $0x6A00;
	s10 =	sadd.s32 s2, s10  }
0x224: {  	[tilespmem:s21], [sflag:$0x1] =	stream.indirect_vreg.gather [hbm4b:s10+s3], $0x80, v0, vm0, $0xb8;
	[tilespmem:$0x12200] =	vst v63  }
0x225: {  	s22 =	simm.s32 $0x6A80  }
0x226: {  	[tilespmem:s22], [sflag:$0x1] =	stream.indirect_vreg.gather [hbm4b:s10+s3], $0x80, v1, vm0, $0xb8;
	[tilespmem:$0x12200] =	vst v63  }
0x227: {  	s23 =	simm.s32 $0x6B00  }
0x228: {  	[tilespmem:s23], [sflag:$0x1] =	stream.indirect_vreg.gather [hbm4b:s10+s3], $0x80, v2, vm0, $0xb8;
	[tilespmem:$0x12200] =	vst v63  }
0x229: {  	s24 =	simm.s32 $0x6B80  }
0x22a: {  	[tilespmem:s24], [sflag:$0x1] =	stream.indirect_vreg.gather [hbm4b:s10+s3], $0x80, v3, vm0, $0xb8;
	[tilespmem:$0x12200] =	vst v63  }
0x22b: {  	s25 =	simm.s32 $0x6C00  }
0x22c: {  	(v2sf) =	vpush v48, $0xE;
	[tilespmem:s25], [sflag:$0x1] =	stream.indirect_vreg.gather [hbm4b:s10+s3], $0x80, v4, vm0, $0xb8;
	[tilespmem:$0x12200] =	vst v63  }
0x22d: {  	s26 =	simm.s32 $0x6C80  }
0x22e: {  	[tilespmem:s26], [sflag:$0x1] =	stream.indirect_vreg.gather [hbm4b:s10+s3], $0x80, v5, vm0, $0xb8;
	[tilespmem:$0x12200] =	vst v63  }
0x22f: {  	s28 =	simm.s32 $0x6D00  }
0x230: {  	[tilespmem:s28], [sflag:$0x1] =	stream.indirect_vreg.gather [hbm4b:s10+s3], $0x80, v6, vm0, $0xb8;
	[tilespmem:$0x12200] =	vst v63  }
0x231: {  	s29 =	simm.s32 $0x6D80  }
0x232: {  	[tilespmem:s29], [sflag:$0x1] =	stream.indirect_vreg.gather [hbm4b:s10+s3], $0x80, v7, vm0, $0xb8;
	[tilespmem:$0x12200] =	vst v63  }
0x233: {  	s12 =	simm.s32 $0x6E00  }
0x234: {  	[tilespmem:s12], [sflag:$0x1] =	stream.indirect_vreg.gather [hbm4b:s10+s3], $0x80, v8, vm0, $0xb8;
	[tilespmem:$0x12200] =	vst v63  }
0x235: {  	s13 =	simm.s32 $0x6E80  }
0x236: {  	[tilespmem:s13], [sflag:$0x1] =	stream.indirect_vreg.gather [hbm4b:s10+s3], $0x80, v9, vm0, $0xb8;
	[tilespmem:$0x12200] =	vst v63  }
0x237: {  	s14 =	simm.s32 $0x6F00  }
0x238: {  	[tilespmem:s14], [sflag:$0x1] =	stream.indirect_vreg.gather [hbm4b:s10+s3], $0x80, v10, vm0, $0xb8;
	[tilespmem:$0x12200] =	vst v63  }
0x239: {  	s15 =	simm.s32 $0x6F80  }
0x23a: {  	[tilespmem:s15], [sflag:$0x1] =	stream.indirect_vreg.gather [hbm4b:s10+s3], $0x80, v12, vm0, $0xb8;
	[tilespmem:$0x12200] =	vst v63  }
0x23b: {  	s16 =	simm.s32 $0x7000;
	s21 =	spop (v2sf)  }
0x23c: {  	[tilespmem:s16], [sflag:$0x1] =	stream.indirect_vreg.gather [hbm4b:s10+s3], $0x80, v13, vm0, $0xb8;
	[tilespmem:$0x12200] =	vst v63  }
0x23d: {  	s17 =	simm.s32 $0x7080;
	s18 =	simm.s32 $0x7100;
	s22 =	sand.u32 $0x7F, s21  }
0x23e: {  	[tilespmem:s17], [sflag:$0x1] =	stream.indirect_vreg.gather [hbm4b:s10+s3], $0x80, v14, vm0, $0xb8;
	[tilespmem:$0x12200] =	vst v63  }
0x23f: {  	p3 =	slt.s32 s21, $0x1;
	p4 =	sne.s32 s22, $0x0;
	s23 =	sshra.s32 s21, $0x1F  }
0x240: {  	[tilespmem:s18], [sflag:$0x1] =	stream.indirect_vreg.gather [hbm4b:s10+s3], $0x80, v15, vm0, $0xb8;
	[tilespmem:$0x12200] =	vst v63  }
0x241: {  	s19 =	simm.s32 $0x7180;
	p0 =	por !p3, !p4;
	s24 =	sshrl.u32 s23, $0x19  }
0x242: {  	[tilespmem:s19], [sflag:$0x1] =	stream.indirect_vreg.gather [hbm4b:s10+s3], $0x80, v16, vm0, $0xb8;
	[tilespmem:$0x12200] =	vst v63  }
0x243: {  	s11 =	simm.s32 $0x1;
	p0 =	por !p0, !p0;
	s10 =	sadd.s32 s24, s21  }
0x244: {  	s11 =	simm.s32 @!p0 $0x0;
	s10 =	sshrl.u32 s10, $0x7  }
0x245: {  	s10 =	ssub.s32 s10, s11  }
0x246: {  	s10 =	sshll.u32 s10, $0x7  }
0x247: {  	s10 =	sand.u32 $0x1FFFFF80, s10  }
0x248: {  	s25 =	simm.s32 $0x7200;
	s10 =	sadd.s32 s2, s10  }
0x249: {  	[tilespmem:s25], [sflag:$0x1] =	stream.indirect_vreg.gather [hbm4b:s10+s3], $0x80, v0, vm0, $0xb8;
	[tilespmem:$0x12200] =	vst v63  }
0x24a: {  	s26 =	simm.s32 $0x7280  }
0x24b: {  	[tilespmem:s26], [sflag:$0x1] =	stream.indirect_vreg.gather [hbm4b:s10+s3], $0x80, v1, vm0, $0xb8;
	[tilespmem:$0x12200] =	vst v63  }
0x24c: {  	s28 =	simm.s32 $0x7300  }
0x24d: {  	[tilespmem:s28], [sflag:$0x1] =	stream.indirect_vreg.gather [hbm4b:s10+s3], $0x80, v2, vm0, $0xb8;
	[tilespmem:$0x12200] =	vst v63  }
0x24e: {  	s29 =	simm.s32 $0x7380  }
0x24f: {  	[tilespmem:s29], [sflag:$0x1] =	stream.indirect_vreg.gather [hbm4b:s10+s3], $0x80, v3, vm0, $0xb8;
	[tilespmem:$0x12200] =	vst v63  }
0x250: {  	s12 =	simm.s32 $0x7400  }
0x251: {  	(v2sf) =	vpush v48, $0xF;
	[tilespmem:s12], [sflag:$0x1] =	stream.indirect_vreg.gather [hbm4b:s10+s3], $0x80, v4, vm0, $0xb8;
	[tilespmem:$0x12200] =	vst v63  }
0x252: {  	s13 =	simm.s32 $0x7480  }
0x253: {  	[tilespmem:s13], [sflag:$0x1] =	stream.indirect_vreg.gather [hbm4b:s10+s3], $0x80, v5, vm0, $0xb8;
	[tilespmem:$0x12200] =	vst v63  }
0x254: {  	s14 =	simm.s32 $0x7500  }
0x255: {  	[tilespmem:s14], [sflag:$0x1] =	stream.indirect_vreg.gather [hbm4b:s10+s3], $0x80, v6, vm0, $0xb8;
	[tilespmem:$0x12200] =	vst v63  }
0x256: {  	s15 =	simm.s32 $0x7580  }
0x257: {  	[tilespmem:s15], [sflag:$0x1] =	stream.indirect_vreg.gather [hbm4b:s10+s3], $0x80, v7, vm0, $0xb8;
	[tilespmem:$0x12200] =	vst v63  }
0x258: {  	s16 =	simm.s32 $0x7600  }
0x259: {  	[tilespmem:s16], [sflag:$0x1] =	stream.indirect_vreg.gather [hbm4b:s10+s3], $0x80, v8, vm0, $0xb8;
	[tilespmem:$0x12200] =	vst v63  }
0x25a: {  	s17 =	simm.s32 $0x7680  }
0x25b: {  	[tilespmem:s17], [sflag:$0x1] =	stream.indirect_vreg.gather [hbm4b:s10+s3], $0x80, v9, vm0, $0xb8;
	[tilespmem:$0x12200] =	vst v63  }
0x25c: {  	s18 =	simm.s32 $0x7700  }
0x25d: {  	[tilespmem:s18], [sflag:$0x1] =	stream.indirect_vreg.gather [hbm4b:s10+s3], $0x80, v10, vm0, $0xb8;
	[tilespmem:$0x12200] =	vst v63  }
0x25e: {  	s19 =	simm.s32 $0x7780  }
0x25f: {  	[tilespmem:s19], [sflag:$0x1] =	stream.indirect_vreg.gather [hbm4b:s10+s3], $0x80, v12, vm0, $0xb8;
	[tilespmem:$0x12200] =	vst v63  }
0x260: {  	s21 =	simm.s32 $0x7800;
	s25 =	spop (v2sf)  }
0x261: {  	[tilespmem:s21], [sflag:$0x1] =	stream.indirect_vreg.gather [hbm4b:s10+s3], $0x80, v13, vm0, $0xb8;
	[tilespmem:$0x12200] =	vst v63  }
0x262: {  	s22 =	simm.s32 $0x7880;
	s23 =	simm.s32 $0x7900;
	s26 =	sand.u32 $0x7F, s25  }
0x263: {  	[tilespmem:s22], [sflag:$0x1] =	stream.indirect_vreg.gather [hbm4b:s10+s3], $0x80, v14, vm0, $0xb8;
	[tilespmem:$0x12200] =	vst v63  }
0x264: {  	p5 =	slt.s32 s25, $0x1;
	p6 =	sne.s32 s26, $0x0;
	s28 =	sshra.s32 s25, $0x1F  }
0x265: {  	[tilespmem:s23], [sflag:$0x1] =	stream.indirect_vreg.gather [hbm4b:s10+s3], $0x80, v15, vm0, $0xb8;
	[tilespmem:$0x12200] =	vst v63  }
0x266: {  	s24 =	simm.s32 $0x7980;
	p0 =	por !p5, !p6;
	s29 =	sshrl.u32 s28, $0x19  }
0x267: {  	[tilespmem:s24], [sflag:$0x1] =	stream.indirect_vreg.gather [hbm4b:s10+s3], $0x80, v16, vm0, $0xb8;
	[tilespmem:$0x12200] =	vst v63  }
0x268: {  	s11 =	simm.s32 $0x1;
	p0 =	por !p0, !p0;
	s10 =	sadd.s32 s29, s25  }
0x269: {  	s11 =	simm.s32 @!p0 $0x0;
	s10 =	sshrl.u32 s10, $0x7  }
0x26a: {  	s10 =	ssub.s32 s10, s11  }
0x26b: {  	s10 =	sshll.u32 s10, $0x7  }
0x26c: {  	s10 =	sand.u32 $0x1FFFFF80, s10  }
0x26d: {  	s12 =	simm.s32 $0x7A00;
	s10 =	sadd.s32 s2, s10  }
0x26e: {  	[tilespmem:s12], [sflag:$0x1] =	stream.indirect_vreg.gather [hbm4b:s10+s3], $0x80, v0, vm0, $0xb8;
	[tilespmem:$0x12200] =	vst v63  }
0x26f: {  	s13 =	simm.s32 $0x7A80  }
0x270: {  	[tilespmem:s13], [sflag:$0x1] =	stream.indirect_vreg.gather [hbm4b:s10+s3], $0x80, v1, vm0, $0xb8;
	[tilespmem:$0x12200] =	vst v63  }
0x271: {  	s14 =	simm.s32 $0x7B00  }
0x272: {  	[tilespmem:s14], [sflag:$0x1] =	stream.indirect_vreg.gather [hbm4b:s10+s3], $0x80, v2, vm0, $0xb8;
	[tilespmem:$0x12200] =	vst v63  }
0x273: {  	s15 =	simm.s32 $0x7B80  }
0x274: {  	[tilespmem:s15], [sflag:$0x1] =	stream.indirect_vreg.gather [hbm4b:s10+s3], $0x80, v3, vm0, $0xb8;
	[tilespmem:$0x12200] =	vst v63  }
0x275: {  	s16 =	simm.s32 $0x7C00  }
0x276: {  	[tilespmem:s16], [sflag:$0x1] =	stream.indirect_vreg.gather [hbm4b:s10+s3], $0x80, v4, vm0, $0xb8;
	[tilespmem:$0x12200] =	vst v63  }
0x277: {  	s17 =	simm.s32 $0x7C80  }
0x278: {  	[tilespmem:s17], [sflag:$0x1] =	stream.indirect_vreg.gather [hbm4b:s10+s3], $0x80, v5, vm0, $0xb8;
	[tilespmem:$0x12200] =	vst v63  }
0x279: {  	s18 =	simm.s32 $0x7D00  }
0x27a: {  	[tilespmem:s18], [sflag:$0x1] =	stream.indirect_vreg.gather [hbm4b:s10+s3], $0x80, v6, vm0, $0xb8;
	[tilespmem:$0x12200] =	vst v63  }
0x27b: {  	s19 =	simm.s32 $0x7D80  }
0x27c: {  	[tilespmem:s19], [sflag:$0x1] =	stream.indirect_vreg.gather [hbm4b:s10+s3], $0x80, v7, vm0, $0xb8;
	[tilespmem:$0x12200] =	vst v63  }
0x27d: {  	s21 =	simm.s32 $0x7E00  }
0x27e: {  	[tilespmem:s21], [sflag:$0x1] =	stream.indirect_vreg.gather [hbm4b:s10+s3], $0x80, v8, vm0, $0xb8;
	[tilespmem:$0x12200] =	vst v63  }
0x27f: {  	s22 =	simm.s32 $0x7E80  }
0x280: {  	[tilespmem:s22], [sflag:$0x1] =	stream.indirect_vreg.gather [hbm4b:s10+s3], $0x80, v9, vm0, $0xb8;
	[tilespmem:$0x12200] =	vst v63  }
0x281: {  	s23 =	simm.s32 $0x7F00  }
0x282: {  	[tilespmem:s23], [sflag:$0x1] =	stream.indirect_vreg.gather [hbm4b:s10+s3], $0x80, v10, vm0, $0xb8;
	[tilespmem:$0x12200] =	vst v63  }
0x283: {  	s24 =	simm.s32 $0x7F80  }
0x284: {  	[tilespmem:s24], [sflag:$0x1] =	stream.indirect_vreg.gather [hbm4b:s10+s3], $0x80, v12, vm0, $0xb8;
	[tilespmem:$0x12200] =	vst v63  }
0x285: {  	s25 =	simm.s32 $0x8000  }
0x286: {  	[tilespmem:s25], [sflag:$0x1] =	stream.indirect_vreg.gather [hbm4b:s10+s3], $0x80, v13, vm0, $0xb8;
	[tilespmem:$0x12200] =	vst v63  }
0x287: {  	s26 =	simm.s32 $0x8080  }
0x288: {  	[tilespmem:s26], [sflag:$0x1] =	stream.indirect_vreg.gather [hbm4b:s10+s3], $0x80, v14, vm0, $0xb8;
	[tilespmem:$0x12200] =	vst v63  }
.Ltmp2:
0x289: {  	_ = 	snop;
	(pc) =	sbr.rel .LBB2_2-.Ltmp2, $4  }
0x28a: {  	s28 =	simm.s32 $0x8100;
	s29 =	simm.s32 $0x8180;
	s11 =	simm.s32 $0x20  }
0x28b: {  	[tilespmem:s28], [sflag:$0x1] =	stream.indirect_vreg.gather [hbm4b:s10+s3], $0x80, v15, vm0, $0xb8;
	[tilespmem:$0x12200] =	vst v63  }
0x28c: {  	s12 =	simm.s32 $0x0;
	s13 =	simm.s32 $0x0;
	s14 =	simm.s32 $0x0  }
0x28d: {  	[tilespmem:s29], [sflag:$0x1] =	stream.indirect_vreg.gather [hbm4b:s10+s3], $0x80, v16, vm0, $0xb8;
	[tilespmem:$0x12200] =	vst v63  }
.LBB2_4:
0x28e: {  	v48 =	vld [tilespmem:s16+$0x0];
	_ =	swait.ge [sflag:s20], $0x800  }
0x28f: {  	[sflag:s20] =	ssyncset.done $0x0  }
0x290: {  	[sflag:s20] =	ssyncadd.s32 $0xFFFFF800  }
0x291: {  	_ =	swait.ge [sflag:s20], $0x800  }
0x292: {  	[sflag:s20] =	ssyncset.done $0x0  }
0x293: {  	[sflag:s20] =	ssyncadd.s32 $0xFFFFF800  }
0x294: {  	_ =	swait.ge [sflag:s20], $0x800  }
0x295: {  	[sflag:s20] =	ssyncset.done $0x0  }
0x296: {  	[sflag:s20] =	ssyncadd.s32 $0xFFFFF800  }
0x297: {  	_ =	swait.ge [sflag:s20], $0x800  }
0x298: {  	[sflag:s20] =	ssyncset.done $0x0  }
0x299: {  	[sflag:s20] =	ssyncadd.s32 $0xFFFFF800  }
0x29a: {  	_ =	swait.ge [sflag:s20], $0x800  }
0x29b: {  	[sflag:s20] =	ssyncset.done $0x0  }
0x29c: {  	[sflag:s20] =	ssyncadd.s32 $0xFFFFF800  }
0x29d: {  	_ =	swait.ge [sflag:s20], $0x800  }
0x29e: {  	[sflag:s20] =	ssyncset.done $0x0  }
0x29f: {  	[sflag:s20] =	ssyncadd.s32 $0xFFFFF800  }
0x2a0: {  	_ =	swait.ge [sflag:s20], $0x800  }
0x2a1: {  	[sflag:s20] =	ssyncset.done $0x0  }
0x2a2: {  	[sflag:s20] =	ssyncadd.s32 $0xFFFFF800  }
0x2a3: {  	_ =	swait.ge [sflag:s20], $0x800  }
0x2a4: {  	[sflag:s20] =	ssyncset.done $0x0  }
0x2a5: {  	[sflag:s20] =	ssyncadd.s32 $0xFFFFF800  }
0x2a6: {  	_ =	swait.ge [sflag:s20], $0x800  }
0x2a7: {  	[sflag:s20] =	ssyncset.done $0x0  }
0x2a8: {  	[sflag:s20] =	ssyncadd.s32 $0xFFFFF800  }
0x2a9: {  	_ =	swait.ge [sflag:s20], $0x800  }
0x2aa: {  	[sflag:s20] =	ssyncset.done $0x0  }
0x2ab: {  	[sflag:s20] =	ssyncadd.s32 $0xFFFFF800  }
0x2ac: {  	_ =	swait.ge [sflag:s20], $0x800  }
0x2ad: {  	[sflag:s20] =	ssyncset.done $0x0  }
0x2ae: {  	[sflag:s20] =	ssyncadd.s32 $0xFFFFF800  }
0x2af: {  	_ =	swait.ge [sflag:s20], $0x800  }
0x2b0: {  	[sflag:s20] =	ssyncset.done $0x0  }
0x2b1: {  	[sflag:s20] =	ssyncadd.s32 $0xFFFFF800  }
0x2b2: {  	_ =	swait.ge [sflag:s20], $0x800  }
0x2b3: {  	[sflag:s20] =	ssyncset.done $0x0  }
0x2b4: {  	[sflag:s20] =	ssyncadd.s32 $0xFFFFF800  }
0x2b5: {  	_ =	swait.ge [sflag:s20], $0x800  }
0x2b6: {  	[sflag:s20] =	ssyncset.done $0x0  }
0x2b7: {  	[sflag:s20] =	ssyncadd.s32 $0xFFFFF800  }
0x2b8: {  	v48 =	vand.u32 $0x7F, v48;
	_ =	swait.ge [sflag:s20], $0x800  }
0x2b9: {  	v49 =	vor.u32 v32, v48;
	[sflag:s20] =	ssyncset.done $0x0  }
0x2ba: {  	[sflag:s20] =	ssyncadd.s32 $0xFFFFF800  }
0x2bb: {  	_ =	swait.ge [sflag:s20], $0x800  }
0x2bc: {  	[sflag:s20] =	ssyncset.done $0x0  }
0x2bd: {  	[sflag:s20] =	ssyncadd.s32 $0xFFFFF800  }
0x2be: {  	v49 =	vld.idx.msk [tilespmem:v49+s9+$0x0], $0xffff  }
0x2bf: {  	v50 =	vor.u32 v33, v48;
	_ =	sdelay $0x2  }
0x2c0: {  	s10 =	sadd.s32 s15, s10  }
0x2c1: {  	[tilespmem:s10+$0x0] =	vst v49  }
0x2c2: {  	v49 =	vld.idx.msk [tilespmem:v50+s9+$0x0], $0xffff  }
0x2c3: {  	v63 =	vor.u32 v34, v48;
	_ =	sdelay $0x3  }
0x2c4: {  	[tilespmem:s10+$0x80] =	vst v49  }
0x2c5: {  	v49 =	vld.idx.msk [tilespmem:v63+s9+$0x0], $0xffff  }
0x2c6: {  	v52 =	vor.u32 v35, v48;
	_ =	sdelay $0x3  }
0x2c7: {  	[tilespmem:s10+$0x100] =	vst v49  }
0x2c8: {  	v49 =	vld.idx.msk [tilespmem:v52+s9+$0x0], $0xffff  }
0x2c9: {  	v53 =	vor.u32 v36, v48;
	_ =	sdelay $0x3  }
0x2ca: {  	[tilespmem:s10+$0x180] =	vst v49  }
0x2cb: {  	v49 =	vld.idx.msk [tilespmem:v53+s9+$0x0], $0xffff  }
0x2cc: {  	v54 =	vor.u32 v37, v48;
	_ =	sdelay $0x3  }
0x2cd: {  	[tilespmem:s10+$0x200] =	vst v49  }
0x2ce: {  	v49 =	vld.idx.msk [tilespmem:v54+s9+$0x0], $0xffff  }
0x2cf: {  	v55 =	vor.u32 v38, v48;
	_ =	sdelay $0x3  }
0x2d0: {  	[tilespmem:s10+$0x280] =	vst v49  }
0x2d1: {  	v49 =	vld.idx.msk [tilespmem:v55+s9+$0x0], $0xffff  }
0x2d2: {  	v56 =	vor.u32 v39, v48;
	_ =	sdelay $0x1  }
0x2d3: {  	s17 =	sadd.s32 $0x10, s18  }
0x2d4: {  	s18 =	sor.u32 $0x300, s17  }
0x2d5: {  	[tilespmem:s18+$0x10200] =	vst v49  }
0x2d6: {  	v49 =	vld.idx.msk [tilespmem:v56+s9+$0x0], $0xffff  }
0x2d7: {  	v57 =	vor.u32 v40, v48;
	_ =	sdelay $0x2  }
0x2d8: {  	s10 =	sor.u32 $0x380, s17  }
0x2d9: {  	[tilespmem:s10+$0x10200] =	vst v49  }
0x2da: {  	v49 =	vld.idx.msk [tilespmem:v57+s9+$0x0], $0xffff  }
0x2db: {  	v58 =	vor.u32 v41, v48;
	_ =	sdelay $0x2  }
0x2dc: {  	s19 =	sadd.s32 s15, s19  }
0x2dd: {  	[tilespmem:s19+$0x0] =	vst v49  }
0x2de: {  	v49 =	vld.idx.msk [tilespmem:v58+s9+$0x0], $0xffff  }
0x2df: {  	v59 =	vor.u32 v42, v48;
	_ =	sdelay $0x2  }
0x2e0: {  	s21 =	sadd.s32 s15, s21  }
0x2e1: {  	[tilespmem:s21+$0x0] =	vst v49  }
0x2e2: {  	v49 =	vld.idx.msk [tilespmem:v59+s9+$0x0], $0xffff  }
0x2e3: {  	v60 =	vor.u32 v43, v48;
	_ =	sdelay $0x2  }
0x2e4: {  	s22 =	sadd.s32 s15, s22  }
0x2e5: {  	[tilespmem:s22+$0x0] =	vst v49  }
0x2e6: {  	v49 =	vld.idx.msk [tilespmem:v60+s9+$0x0], $0xffff  }
0x2e7: {  	v61 =	vor.u32 v44, v48;
	_ =	sdelay $0x2  }
0x2e8: {  	s23 =	sadd.s32 s15, s23  }
0x2e9: {  	[tilespmem:s23+$0x0] =	vst v49  }
0x2ea: {  	v49 =	vld.idx.msk [tilespmem:v61+s9+$0x0], $0xffff  }
0x2eb: {  	v62 =	vor.u32 v45, v48;
	_ =	sdelay $0x2  }
0x2ec: {  	s24 =	sadd.s32 s15, s24  }
0x2ed: {  	[tilespmem:s24+$0x0] =	vst v49  }
0x2ee: {  	v49 =	vld.idx.msk [tilespmem:v62+s9+$0x0], $0xffff  }
0x2ef: {  	v63 =	vor.u32 v46, v48;
	_ =	sdelay $0x2  }
0x2f0: {  	s25 =	sadd.s32 s15, s25  }
0x2f1: {  	[tilespmem:s25+$0x0] =	vst v49  }
0x2f2: {  	v49 =	vld.idx.msk [tilespmem:v63+s9+$0x0], $0xffff  }
0x2f3: {  	v48 =	vor.u32 v47, v48;
	_ =	sdelay $0x2  }
0x2f4: {  	s26 =	sadd.s32 s15, s26  }
0x2f5: {  	s14 =	sadd.s32 $0x100, s14;
	[tilespmem:s26+$0x0] =	vst v49  }
0x2f6: {  	p0 =	sne.s32 s14, $0x1000;
	v48 =	vld.idx.msk [tilespmem:v48+s9+$0x0], $0xffff  }
.Ltmp3:
0x2f7: {  	_ = 	snop;
	(pc) =	sbr.rel @!p0 .LBB2_5-.Ltmp3, $3  }
0x2f8: {  	_ =	sdelay $0x1  }
0x2f9: {  	s29 =	sadd.s32 s15, s28  }
0x2fa: {  	s11 =	sadd.s32 $0x20, s11;
	s13 =	sadd.s32 $0x1, s13;
	s12 =	sadd.s32 $0x20, s12;
	[tilespmem:s29+$0x0] =	vst v48  }
.LBB2_2:
0x2fb: {  	s17 =	sand.u32 $0x60, s12  }
0x2fc: {  	s10 =	sand.u32 $0x180, s12;
	s15 =	sor.u32 $0x10, s17  }
0x2fd: {  	s16 =	sor.u32 s15, s10  }
0x2fe: {  	v48 =	vld [tilespmem:s16+$0x0];
	_ =	sdelay $0x4  }
0x2ff: {  	(v2sf) =	vpush v48, $0x0;
	_ =	sdelay $0xe  }
0x300: {  	s25 =	spop (v2sf)  }
0x301: {  	s18 =	sand.u32 $0x7F, s25  }
0x302: {  	s19 =	sshra.s32 s25, $0x1F;
	p0 =	slt.s32 s25, $0x1;
	p1 =	sne.s32 s18, $0x0  }
0x303: {  	s26 =	sshrl.u32 s19, $0x19;
	p0 =	por !p0, !p1  }
0x304: {  	s18 =	simm.s32 $0x1;
	s10 =	sadd.s32 s26, s25;
	p0 =	por !p0, !p0  }
0x305: {  	s10 =	sshrl.u32 s10, $0x7;
	s18 =	simm.s32 @!p0 $0x0  }
0x306: {  	s10 =	ssub.s32 s10, s18  }
0x307: {  	s10 =	sshll.u32 s10, $0x7  }
0x308: {  	s10 =	sand.u32 $0x1FFFFF80, s10  }
0x309: {  	s29 =	simm.s32 $0x8200;
	s10 =	sadd.s32 s2, s10  }
0x30a: {  	[tilespmem:s29], [sflag:$0x2] =	stream.indirect_vreg.gather [hbm4b:s10+s3], $0x80, v0, vm0, $0xb8;
	[tilespmem:$0x12200] =	vst v63  }
0x30b: {  	s19 =	simm.s32 $0x8280  }
0x30c: {  	[tilespmem:s19], [sflag:$0x2] =	stream.indirect_vreg.gather [hbm4b:s10+s3], $0x80, v1, vm0, $0xb8;
	[tilespmem:$0x12200] =	vst v63  }
0x30d: {  	s21 =	simm.s32 $0x8300  }
0x30e: {  	[tilespmem:s21], [sflag:$0x2] =	stream.indirect_vreg.gather [hbm4b:s10+s3], $0x80, v2, vm0, $0xb8;
	[tilespmem:$0x12200] =	vst v63  }
0x30f: {  	s22 =	simm.s32 $0x8380  }
0x310: {  	[tilespmem:s22], [sflag:$0x2] =	stream.indirect_vreg.gather [hbm4b:s10+s3], $0x80, v3, vm0, $0xb8;
	[tilespmem:$0x12200] =	vst v63  }
0x311: {  	s23 =	simm.s32 $0x8400  }
0x312: {  	(v2sf) =	vpush v48, $0x1;
	[tilespmem:s23], [sflag:$0x2] =	stream.indirect_vreg.gather [hbm4b:s10+s3], $0x80, v4, vm0, $0xb8;
	[tilespmem:$0x12200] =	vst v63  }
0x313: {  	s24 =	simm.s32 $0x8480  }
0x314: {  	[tilespmem:s24], [sflag:$0x2] =	stream.indirect_vreg.gather [hbm4b:s10+s3], $0x80, v5, vm0, $0xb8;
	[tilespmem:$0x12200] =	vst v63  }
0x315: {  	s25 =	simm.s32 $0x8500  }
0x316: {  	[tilespmem:s25], [sflag:$0x2] =	stream.indirect_vreg.gather [hbm4b:s10+s3], $0x80, v6, vm0, $0xb8;
	[tilespmem:$0x12200] =	vst v63  }
0x317: {  	s26 =	simm.s32 $0x8580  }
0x318: {  	[tilespmem:s26], [sflag:$0x2] =	stream.indirect_vreg.gather [hbm4b:s10+s3], $0x80, v7, vm0, $0xb8;
	[tilespmem:$0x12200] =	vst v63  }
0x319: {  	s29 =	simm.s32 $0x8600  }
0x31a: {  	[tilespmem:s29], [sflag:$0x2] =	stream.indirect_vreg.gather [hbm4b:s10+s3], $0x80, v8, vm0, $0xb8;
	[tilespmem:$0x12200] =	vst v63  }
0x31b: {  	s19 =	simm.s32 $0x8680  }
0x31c: {  	[tilespmem:s19], [sflag:$0x2] =	stream.indirect_vreg.gather [hbm4b:s10+s3], $0x80, v9, vm0, $0xb8;
	[tilespmem:$0x12200] =	vst v63  }
0x31d: {  	s21 =	simm.s32 $0x8700  }
0x31e: {  	[tilespmem:s21], [sflag:$0x2] =	stream.indirect_vreg.gather [hbm4b:s10+s3], $0x80, v10, vm0, $0xb8;
	[tilespmem:$0x12200] =	vst v63  }
0x31f: {  	s22 =	simm.s32 $0x8780  }
0x320: {  	[tilespmem:s22], [sflag:$0x2] =	stream.indirect_vreg.gather [hbm4b:s10+s3], $0x80, v12, vm0, $0xb8;
	[tilespmem:$0x12200] =	vst v63  }
0x321: {  	s23 =	simm.s32 $0x8800;
	s29 =	spop (v2sf)  }
0x322: {  	[tilespmem:s23], [sflag:$0x2] =	stream.indirect_vreg.gather [hbm4b:s10+s3], $0x80, v13, vm0, $0xb8;
	[tilespmem:$0x12200] =	vst v63  }
0x323: {  	s24 =	simm.s32 $0x8880;
	s25 =	simm.s32 $0x8900;
	s19 =	sand.u32 $0x7F, s29  }
0x324: {  	[tilespmem:s24], [sflag:$0x2] =	stream.indirect_vreg.gather [hbm4b:s10+s3], $0x80, v14, vm0, $0xb8;
	[tilespmem:$0x12200] =	vst v63  }
0x325: {  	p1 =	slt.s32 s29, $0x1;
	p2 =	sne.s32 s19, $0x0;
	s21 =	sshra.s32 s29, $0x1F  }
0x326: {  	[tilespmem:s25], [sflag:$0x2] =	stream.indirect_vreg.gather [hbm4b:s10+s3], $0x80, v15, vm0, $0xb8;
	[tilespmem:$0x12200] =	vst v63  }
0x327: {  	s26 =	simm.s32 $0x8980;
	p0 =	por !p1, !p2;
	s22 =	sshrl.u32 s21, $0x19  }
0x328: {  	[tilespmem:s26], [sflag:$0x2] =	stream.indirect_vreg.gather [hbm4b:s10+s3], $0x80, v16, vm0, $0xb8;
	[tilespmem:$0x12200] =	vst v63  }
0x329: {  	s18 =	simm.s32 $0x1;
	p0 =	por !p0, !p0;
	s10 =	sadd.s32 s22, s29  }
0x32a: {  	s18 =	simm.s32 @!p0 $0x0;
	s10 =	sshrl.u32 s10, $0x7  }
0x32b: {  	s10 =	ssub.s32 s10, s18  }
0x32c: {  	s10 =	sshll.u32 s10, $0x7  }
0x32d: {  	s10 =	sand.u32 $0x1FFFFF80, s10  }
0x32e: {  	s23 =	simm.s32 $0x8A00;
	s10 =	sadd.s32 s2, s10  }
0x32f: {  	[tilespmem:s23], [sflag:$0x2] =	stream.indirect_vreg.gather [hbm4b:s10+s3], $0x80, v0, vm0, $0xb8;
	[tilespmem:$0x12200] =	vst v63  }
0x330: {  	s24 =	simm.s32 $0x8A80  }
0x331: {  	[tilespmem:s24], [sflag:$0x2] =	stream.indirect_vreg.gather [hbm4b:s10+s3], $0x80, v1, vm0, $0xb8;
	[tilespmem:$0x12200] =	vst v63  }
0x332: {  	s25 =	simm.s32 $0x8B00  }
0x333: {  	[tilespmem:s25], [sflag:$0x2] =	stream.indirect_vreg.gather [hbm4b:s10+s3], $0x80, v2, vm0, $0xb8;
	[tilespmem:$0x12200] =	vst v63  }
0x334: {  	s26 =	simm.s32 $0x8B80  }
0x335: {  	[tilespmem:s26], [sflag:$0x2] =	stream.indirect_vreg.gather [hbm4b:s10+s3], $0x80, v3, vm0, $0xb8;
	[tilespmem:$0x12200] =	vst v63  }
0x336: {  	s29 =	simm.s32 $0x8C00  }
0x337: {  	(v2sf) =	vpush v48, $0x2;
	[tilespmem:s29], [sflag:$0x2] =	stream.indirect_vreg.gather [hbm4b:s10+s3], $0x80, v4, vm0, $0xb8;
	[tilespmem:$0x12200] =	vst v63  }
0x338: {  	s19 =	simm.s32 $0x8C80  }
0x339: {  	[tilespmem:s19], [sflag:$0x2] =	stream.indirect_vreg.gather [hbm4b:s10+s3], $0x80, v5, vm0, $0xb8;
	[tilespmem:$0x12200] =	vst v63  }
0x33a: {  	s21 =	simm.s32 $0x8D00  }
0x33b: {  	[tilespmem:s21], [sflag:$0x2] =	stream.indirect_vreg.gather [hbm4b:s10+s3], $0x80, v6, vm0, $0xb8;
	[tilespmem:$0x12200] =	vst v63  }
0x33c: {  	s22 =	simm.s32 $0x8D80  }
0x33d: {  	[tilespmem:s22], [sflag:$0x2] =	stream.indirect_vreg.gather [hbm4b:s10+s3], $0x80, v7, vm0, $0xb8;
	[tilespmem:$0x12200] =	vst v63  }
0x33e: {  	s23 =	simm.s32 $0x8E00  }
0x33f: {  	[tilespmem:s23], [sflag:$0x2] =	stream.indirect_vreg.gather [hbm4b:s10+s3], $0x80, v8, vm0, $0xb8;
	[tilespmem:$0x12200] =	vst v63  }
0x340: {  	s24 =	simm.s32 $0x8E80  }
0x341: {  	[tilespmem:s24], [sflag:$0x2] =	stream.indirect_vreg.gather [hbm4b:s10+s3], $0x80, v9, vm0, $0xb8;
	[tilespmem:$0x12200] =	vst v63  }
0x342: {  	s25 =	simm.s32 $0x8F00  }
0x343: {  	[tilespmem:s25], [sflag:$0x2] =	stream.indirect_vreg.gather [hbm4b:s10+s3], $0x80, v10, vm0, $0xb8;
	[tilespmem:$0x12200] =	vst v63  }
0x344: {  	s26 =	simm.s32 $0x8F80  }
0x345: {  	[tilespmem:s26], [sflag:$0x2] =	stream.indirect_vreg.gather [hbm4b:s10+s3], $0x80, v12, vm0, $0xb8;
	[tilespmem:$0x12200] =	vst v63  }
0x346: {  	s29 =	simm.s32 $0x9000;
	s23 =	spop (v2sf)  }
0x347: {  	[tilespmem:s29], [sflag:$0x2] =	stream.indirect_vreg.gather [hbm4b:s10+s3], $0x80, v13, vm0, $0xb8;
	[tilespmem:$0x12200] =	vst v63  }
0x348: {  	s19 =	simm.s32 $0x9080;
	s21 =	simm.s32 $0x9100;
	s24 =	sand.u32 $0x7F, s23  }
0x349: {  	[tilespmem:s19], [sflag:$0x2] =	stream.indirect_vreg.gather [hbm4b:s10+s3], $0x80, v14, vm0, $0xb8;
	[tilespmem:$0x12200] =	vst v63  }
0x34a: {  	p3 =	slt.s32 s23, $0x1;
	p4 =	sne.s32 s24, $0x0;
	s25 =	sshra.s32 s23, $0x1F  }
0x34b: {  	[tilespmem:s21], [sflag:$0x2] =	stream.indirect_vreg.gather [hbm4b:s10+s3], $0x80, v15, vm0, $0xb8;
	[tilespmem:$0x12200] =	vst v63  }
0x34c: {  	s22 =	simm.s32 $0x9180;
	p0 =	por !p3, !p4;
	s26 =	sshrl.u32 s25, $0x19  }
0x34d: {  	[tilespmem:s22], [sflag:$0x2] =	stream.indirect_vreg.gather [hbm4b:s10+s3], $0x80, v16, vm0, $0xb8;
	[tilespmem:$0x12200] =	vst v63  }
0x34e: {  	s18 =	simm.s32 $0x1;
	p0 =	por !p0, !p0;
	s10 =	sadd.s32 s26, s23  }
0x34f: {  	s18 =	simm.s32 @!p0 $0x0;
	s10 =	sshrl.u32 s10, $0x7  }
0x350: {  	s10 =	ssub.s32 s10, s18  }
0x351: {  	s10 =	sshll.u32 s10, $0x7  }
0x352: {  	s10 =	sand.u32 $0x1FFFFF80, s10  }
0x353: {  	s29 =	simm.s32 $0x9200;
	s10 =	sadd.s32 s2, s10  }
0x354: {  	[tilespmem:s29], [sflag:$0x2] =	stream.indirect_vreg.gather [hbm4b:s10+s3], $0x80, v0, vm0, $0xb8;
	[tilespmem:$0x12200] =	vst v63  }
0x355: {  	s19 =	simm.s32 $0x9280  }
0x356: {  	[tilespmem:s19], [sflag:$0x2] =	stream.indirect_vreg.gather [hbm4b:s10+s3], $0x80, v1, vm0, $0xb8;
	[tilespmem:$0x12200] =	vst v63  }
0x357: {  	s21 =	simm.s32 $0x9300  }
0x358: {  	[tilespmem:s21], [sflag:$0x2] =	stream.indirect_vreg.gather [hbm4b:s10+s3], $0x80, v2, vm0, $0xb8;
	[tilespmem:$0x12200] =	vst v63  }
0x359: {  	s22 =	simm.s32 $0x9380  }
0x35a: {  	[tilespmem:s22], [sflag:$0x2] =	stream.indirect_vreg.gather [hbm4b:s10+s3], $0x80, v3, vm0, $0xb8;
	[tilespmem:$0x12200] =	vst v63  }
0x35b: {  	s23 =	simm.s32 $0x9400  }
0x35c: {  	(v2sf) =	vpush v48, $0x3;
	[tilespmem:s23], [sflag:$0x2] =	stream.indirect_vreg.gather [hbm4b:s10+s3], $0x80, v4, vm0, $0xb8;
	[tilespmem:$0x12200] =	vst v63  }
0x35d: {  	s24 =	simm.s32 $0x9480  }
0x35e: {  	[tilespmem:s24], [sflag:$0x2] =	stream.indirect_vreg.gather [hbm4b:s10+s3], $0x80, v5, vm0, $0xb8;
	[tilespmem:$0x12200] =	vst v63  }
0x35f: {  	s25 =	simm.s32 $0x9500  }
0x360: {  	[tilespmem:s25], [sflag:$0x2] =	stream.indirect_vreg.gather [hbm4b:s10+s3], $0x80, v6, vm0, $0xb8;
	[tilespmem:$0x12200] =	vst v63  }
0x361: {  	s26 =	simm.s32 $0x9580  }
0x362: {  	[tilespmem:s26], [sflag:$0x2] =	stream.indirect_vreg.gather [hbm4b:s10+s3], $0x80, v7, vm0, $0xb8;
	[tilespmem:$0x12200] =	vst v63  }
0x363: {  	s29 =	simm.s32 $0x9600  }
0x364: {  	[tilespmem:s29], [sflag:$0x2] =	stream.indirect_vreg.gather [hbm4b:s10+s3], $0x80, v8, vm0, $0xb8;
	[tilespmem:$0x12200] =	vst v63  }
0x365: {  	s19 =	simm.s32 $0x9680  }
0x366: {  	[tilespmem:s19], [sflag:$0x2] =	stream.indirect_vreg.gather [hbm4b:s10+s3], $0x80, v9, vm0, $0xb8;
	[tilespmem:$0x12200] =	vst v63  }
0x367: {  	s21 =	simm.s32 $0x9700  }
0x368: {  	[tilespmem:s21], [sflag:$0x2] =	stream.indirect_vreg.gather [hbm4b:s10+s3], $0x80, v10, vm0, $0xb8;
	[tilespmem:$0x12200] =	vst v63  }
0x369: {  	s22 =	simm.s32 $0x9780  }
0x36a: {  	[tilespmem:s22], [sflag:$0x2] =	stream.indirect_vreg.gather [hbm4b:s10+s3], $0x80, v12, vm0, $0xb8;
	[tilespmem:$0x12200] =	vst v63  }
0x36b: {  	s23 =	simm.s32 $0x9800;
	s29 =	spop (v2sf)  }
0x36c: {  	[tilespmem:s23], [sflag:$0x2] =	stream.indirect_vreg.gather [hbm4b:s10+s3], $0x80, v13, vm0, $0xb8;
	[tilespmem:$0x12200] =	vst v63  }
0x36d: {  	s24 =	simm.s32 $0x9880;
	s25 =	simm.s32 $0x9900;
	s19 =	sand.u32 $0x7F, s29  }
0x36e: {  	[tilespmem:s24], [sflag:$0x2] =	stream.indirect_vreg.gather [hbm4b:s10+s3], $0x80, v14, vm0, $0xb8;
	[tilespmem:$0x12200] =	vst v63  }
0x36f: {  	p5 =	slt.s32 s29, $0x1;
	p6 =	sne.s32 s19, $0x0;
	s21 =	sshra.s32 s29, $0x1F  }
0x370: {  	[tilespmem:s25], [sflag:$0x2] =	stream.indirect_vreg.gather [hbm4b:s10+s3], $0x80, v15, vm0, $0xb8;
	[tilespmem:$0x12200] =	vst v63  }
0x371: {  	s26 =	simm.s32 $0x9980;
	p0 =	por !p5, !p6;
	s22 =	sshrl.u32 s21, $0x19  }
0x372: {  	[tilespmem:s26], [sflag:$0x2] =	stream.indirect_vreg.gather [hbm4b:s10+s3], $0x80, v16, vm0, $0xb8;
	[tilespmem:$0x12200] =	vst v63  }
0x373: {  	s18 =	simm.s32 $0x1;
	p0 =	por !p0, !p0;
	s10 =	sadd.s32 s22, s29  }
0x374: {  	s18 =	simm.s32 @!p0 $0x0;
	s10 =	sshrl.u32 s10, $0x7  }
0x375: {  	s10 =	ssub.s32 s10, s18  }
0x376: {  	s10 =	sshll.u32 s10, $0x7  }
0x377: {  	s10 =	sand.u32 $0x1FFFFF80, s10  }
0x378: {  	s23 =	simm.s32 $0x9A00;
	s10 =	sadd.s32 s2, s10  }
0x379: {  	[tilespmem:s23], [sflag:$0x2] =	stream.indirect_vreg.gather [hbm4b:s10+s3], $0x80, v0, vm0, $0xb8;
	[tilespmem:$0x12200] =	vst v63  }
0x37a: {  	s24 =	simm.s32 $0x9A80  }
0x37b: {  	[tilespmem:s24], [sflag:$0x2] =	stream.indirect_vreg.gather [hbm4b:s10+s3], $0x80, v1, vm0, $0xb8;
	[tilespmem:$0x12200] =	vst v63  }
0x37c: {  	s25 =	simm.s32 $0x9B00  }
0x37d: {  	[tilespmem:s25], [sflag:$0x2] =	stream.indirect_vreg.gather [hbm4b:s10+s3], $0x80, v2, vm0, $0xb8;
	[tilespmem:$0x12200] =	vst v63  }
0x37e: {  	s26 =	simm.s32 $0x9B80  }
0x37f: {  	[tilespmem:s26], [sflag:$0x2] =	stream.indirect_vreg.gather [hbm4b:s10+s3], $0x80, v3, vm0, $0xb8;
	[tilespmem:$0x12200] =	vst v63  }
0x380: {  	s29 =	simm.s32 $0x9C00  }
0x381: {  	(v2sf) =	vpush v48, $0x4;
	[tilespmem:s29], [sflag:$0x2] =	stream.indirect_vreg.gather [hbm4b:s10+s3], $0x80, v4, vm0, $0xb8;
	[tilespmem:$0x12200] =	vst v63  }
0x382: {  	s19 =	simm.s32 $0x9C80  }
0x383: {  	[tilespmem:s19], [sflag:$0x2] =	stream.indirect_vreg.gather [hbm4b:s10+s3], $0x80, v5, vm0, $0xb8;
	[tilespmem:$0x12200] =	vst v63  }
0x384: {  	s21 =	simm.s32 $0x9D00  }
0x385: {  	[tilespmem:s21], [sflag:$0x2] =	stream.indirect_vreg.gather [hbm4b:s10+s3], $0x80, v6, vm0, $0xb8;
	[tilespmem:$0x12200] =	vst v63  }
0x386: {  	s22 =	simm.s32 $0x9D80  }
0x387: {  	[tilespmem:s22], [sflag:$0x2] =	stream.indirect_vreg.gather [hbm4b:s10+s3], $0x80, v7, vm0, $0xb8;
	[tilespmem:$0x12200] =	vst v63  }
0x388: {  	s23 =	simm.s32 $0x9E00  }
0x389: {  	[tilespmem:s23], [sflag:$0x2] =	stream.indirect_vreg.gather [hbm4b:s10+s3], $0x80, v8, vm0, $0xb8;
	[tilespmem:$0x12200] =	vst v63  }
0x38a: {  	s24 =	simm.s32 $0x9E80  }
0x38b: {  	[tilespmem:s24], [sflag:$0x2] =	stream.indirect_vreg.gather [hbm4b:s10+s3], $0x80, v9, vm0, $0xb8;
	[tilespmem:$0x12200] =	vst v63  }
0x38c: {  	s25 =	simm.s32 $0x9F00  }
0x38d: {  	[tilespmem:s25], [sflag:$0x2] =	stream.indirect_vreg.gather [hbm4b:s10+s3], $0x80, v10, vm0, $0xb8;
	[tilespmem:$0x12200] =	vst v63  }
0x38e: {  	s26 =	simm.s32 $0x9F80  }
0x38f: {  	[tilespmem:s26], [sflag:$0x2] =	stream.indirect_vreg.gather [hbm4b:s10+s3], $0x80, v12, vm0, $0xb8;
	[tilespmem:$0x12200] =	vst v63  }
0x390: {  	s29 =	simm.s32 $0xA000;
	s23 =	spop (v2sf)  }
0x391: {  	[tilespmem:s29], [sflag:$0x2] =	stream.indirect_vreg.gather [hbm4b:s10+s3], $0x80, v13, vm0, $0xb8;
	[tilespmem:$0x12200] =	vst v63  }
0x392: {  	s19 =	simm.s32 $0xA080;
	s21 =	simm.s32 $0xA100;
	s24 =	sand.u32 $0x7F, s23  }
0x393: {  	[tilespmem:s19], [sflag:$0x2] =	stream.indirect_vreg.gather [hbm4b:s10+s3], $0x80, v14, vm0, $0xb8;
	[tilespmem:$0x12200] =	vst v63  }
0x394: {  	p1 =	slt.s32 s23, $0x1;
	p2 =	sne.s32 s24, $0x0;
	s25 =	sshra.s32 s23, $0x1F  }
0x395: {  	[tilespmem:s21], [sflag:$0x2] =	stream.indirect_vreg.gather [hbm4b:s10+s3], $0x80, v15, vm0, $0xb8;
	[tilespmem:$0x12200] =	vst v63  }
0x396: {  	s22 =	simm.s32 $0xA180;
	p0 =	por !p1, !p2;
	s26 =	sshrl.u32 s25, $0x19  }
0x397: {  	[tilespmem:s22], [sflag:$0x2] =	stream.indirect_vreg.gather [hbm4b:s10+s3], $0x80, v16, vm0, $0xb8;
	[tilespmem:$0x12200] =	vst v63  }
0x398: {  	s18 =	simm.s32 $0x1;
	p0 =	por !p0, !p0;
	s10 =	sadd.s32 s26, s23  }
0x399: {  	s18 =	simm.s32 @!p0 $0x0;
	s10 =	sshrl.u32 s10, $0x7  }
0x39a: {  	s10 =	ssub.s32 s10, s18  }
0x39b: {  	s10 =	sshll.u32 s10, $0x7  }
0x39c: {  	s10 =	sand.u32 $0x1FFFFF80, s10  }
0x39d: {  	s29 =	simm.s32 $0xA200;
	s10 =	sadd.s32 s2, s10  }
0x39e: {  	[tilespmem:s29], [sflag:$0x2] =	stream.indirect_vreg.gather [hbm4b:s10+s3], $0x80, v0, vm0, $0xb8;
	[tilespmem:$0x12200] =	vst v63  }
0x39f: {  	s19 =	simm.s32 $0xA280  }
0x3a0: {  	[tilespmem:s19], [sflag:$0x2] =	stream.indirect_vreg.gather [hbm4b:s10+s3], $0x80, v1, vm0, $0xb8;
	[tilespmem:$0x12200] =	vst v63  }
0x3a1: {  	s21 =	simm.s32 $0xA300  }
0x3a2: {  	[tilespmem:s21], [sflag:$0x2] =	stream.indirect_vreg.gather [hbm4b:s10+s3], $0x80, v2, vm0, $0xb8;
	[tilespmem:$0x12200] =	vst v63  }
0x3a3: {  	s22 =	simm.s32 $0xA380  }
0x3a4: {  	[tilespmem:s22], [sflag:$0x2] =	stream.indirect_vreg.gather [hbm4b:s10+s3], $0x80, v3, vm0, $0xb8;
	[tilespmem:$0x12200] =	vst v63  }
0x3a5: {  	s23 =	simm.s32 $0xA400  }
0x3a6: {  	(v2sf) =	vpush v48, $0x5;
	[tilespmem:s23], [sflag:$0x2] =	stream.indirect_vreg.gather [hbm4b:s10+s3], $0x80, v4, vm0, $0xb8;
	[tilespmem:$0x12200] =	vst v63  }
0x3a7: {  	s24 =	simm.s32 $0xA480  }
0x3a8: {  	[tilespmem:s24], [sflag:$0x2] =	stream.indirect_vreg.gather [hbm4b:s10+s3], $0x80, v5, vm0, $0xb8;
	[tilespmem:$0x12200] =	vst v63  }
0x3a9: {  	s25 =	simm.s32 $0xA500  }
0x3aa: {  	[tilespmem:s25], [sflag:$0x2] =	stream.indirect_vreg.gather [hbm4b:s10+s3], $0x80, v6, vm0, $0xb8;
	[tilespmem:$0x12200] =	vst v63  }
0x3ab: {  	s26 =	simm.s32 $0xA580  }
0x3ac: {  	[tilespmem:s26], [sflag:$0x2] =	stream.indirect_vreg.gather [hbm4b:s10+s3], $0x80, v7, vm0, $0xb8;
	[tilespmem:$0x12200] =	vst v63  }
0x3ad: {  	s29 =	simm.s32 $0xA600  }
0x3ae: {  	[tilespmem:s29], [sflag:$0x2] =	stream.indirect_vreg.gather [hbm4b:s10+s3], $0x80, v8, vm0, $0xb8;
	[tilespmem:$0x12200] =	vst v63  }
0x3af: {  	s19 =	simm.s32 $0xA680  }
0x3b0: {  	[tilespmem:s19], [sflag:$0x2] =	stream.indirect_vreg.gather [hbm4b:s10+s3], $0x80, v9, vm0, $0xb8;
	[tilespmem:$0x12200] =	vst v63  }
0x3b1: {  	s21 =	simm.s32 $0xA700  }
0x3b2: {  	[tilespmem:s21], [sflag:$0x2] =	stream.indirect_vreg.gather [hbm4b:s10+s3], $0x80, v10, vm0, $0xb8;
	[tilespmem:$0x12200] =	vst v63  }
0x3b3: {  	s22 =	simm.s32 $0xA780  }
0x3b4: {  	[tilespmem:s22], [sflag:$0x2] =	stream.indirect_vreg.gather [hbm4b:s10+s3], $0x80, v12, vm0, $0xb8;
	[tilespmem:$0x12200] =	vst v63  }
0x3b5: {  	s23 =	simm.s32 $0xA800;
	s29 =	spop (v2sf)  }
0x3b6: {  	[tilespmem:s23], [sflag:$0x2] =	stream.indirect_vreg.gather [hbm4b:s10+s3], $0x80, v13, vm0, $0xb8;
	[tilespmem:$0x12200] =	vst v63  }
0x3b7: {  	s24 =	simm.s32 $0xA880;
	s25 =	simm.s32 $0xA900;
	s19 =	sand.u32 $0x7F, s29  }
0x3b8: {  	[tilespmem:s24], [sflag:$0x2] =	stream.indirect_vreg.gather [hbm4b:s10+s3], $0x80, v14, vm0, $0xb8;
	[tilespmem:$0x12200] =	vst v63  }
0x3b9: {  	p3 =	slt.s32 s29, $0x1;
	p4 =	sne.s32 s19, $0x0;
	s21 =	sshra.s32 s29, $0x1F  }
0x3ba: {  	[tilespmem:s25], [sflag:$0x2] =	stream.indirect_vreg.gather [hbm4b:s10+s3], $0x80, v15, vm0, $0xb8;
	[tilespmem:$0x12200] =	vst v63  }
0x3bb: {  	s26 =	simm.s32 $0xA980;
	p0 =	por !p3, !p4;
	s22 =	sshrl.u32 s21, $0x19  }
0x3bc: {  	[tilespmem:s26], [sflag:$0x2] =	stream.indirect_vreg.gather [hbm4b:s10+s3], $0x80, v16, vm0, $0xb8;
	[tilespmem:$0x12200] =	vst v63  }
0x3bd: {  	s18 =	simm.s32 $0x1;
	p0 =	por !p0, !p0;
	s10 =	sadd.s32 s22, s29  }
0x3be: {  	s18 =	simm.s32 @!p0 $0x0;
	s10 =	sshrl.u32 s10, $0x7  }
0x3bf: {  	s10 =	ssub.s32 s10, s18  }
0x3c0: {  	s10 =	sshll.u32 s10, $0x7  }
0x3c1: {  	s10 =	sand.u32 $0x1FFFFF80, s10  }
0x3c2: {  	s23 =	simm.s32 $0xAA00;
	s10 =	sadd.s32 s2, s10  }
0x3c3: {  	[tilespmem:s23], [sflag:$0x2] =	stream.indirect_vreg.gather [hbm4b:s10+s3], $0x80, v0, vm0, $0xb8;
	[tilespmem:$0x12200] =	vst v63  }
0x3c4: {  	s24 =	simm.s32 $0xAA80  }
0x3c5: {  	[tilespmem:s24], [sflag:$0x2] =	stream.indirect_vreg.gather [hbm4b:s10+s3], $0x80, v1, vm0, $0xb8;
	[tilespmem:$0x12200] =	vst v63  }
0x3c6: {  	s25 =	simm.s32 $0xAB00  }
0x3c7: {  	[tilespmem:s25], [sflag:$0x2] =	stream.indirect_vreg.gather [hbm4b:s10+s3], $0x80, v2, vm0, $0xb8;
	[tilespmem:$0x12200] =	vst v63  }
0x3c8: {  	s26 =	simm.s32 $0xAB80  }
0x3c9: {  	[tilespmem:s26], [sflag:$0x2] =	stream.indirect_vreg.gather [hbm4b:s10+s3], $0x80, v3, vm0, $0xb8;
	[tilespmem:$0x12200] =	vst v63  }
0x3ca: {  	s29 =	simm.s32 $0xAC00  }
0x3cb: {  	(v2sf) =	vpush v48, $0x6;
	[tilespmem:s29], [sflag:$0x2] =	stream.indirect_vreg.gather [hbm4b:s10+s3], $0x80, v4, vm0, $0xb8;
	[tilespmem:$0x12200] =	vst v63  }
0x3cc: {  	s19 =	simm.s32 $0xAC80  }
0x3cd: {  	[tilespmem:s19], [sflag:$0x2] =	stream.indirect_vreg.gather [hbm4b:s10+s3], $0x80, v5, vm0, $0xb8;
	[tilespmem:$0x12200] =	vst v63  }
0x3ce: {  	s21 =	simm.s32 $0xAD00  }
0x3cf: {  	[tilespmem:s21], [sflag:$0x2] =	stream.indirect_vreg.gather [hbm4b:s10+s3], $0x80, v6, vm0, $0xb8;
	[tilespmem:$0x12200] =	vst v63  }
0x3d0: {  	s22 =	simm.s32 $0xAD80  }
0x3d1: {  	[tilespmem:s22], [sflag:$0x2] =	stream.indirect_vreg.gather [hbm4b:s10+s3], $0x80, v7, vm0, $0xb8;
	[tilespmem:$0x12200] =	vst v63  }
0x3d2: {  	s23 =	simm.s32 $0xAE00  }
0x3d3: {  	[tilespmem:s23], [sflag:$0x2] =	stream.indirect_vreg.gather [hbm4b:s10+s3], $0x80, v8, vm0, $0xb8;
	[tilespmem:$0x12200] =	vst v63  }
0x3d4: {  	s24 =	simm.s32 $0xAE80  }
0x3d5: {  	[tilespmem:s24], [sflag:$0x2] =	stream.indirect_vreg.gather [hbm4b:s10+s3], $0x80, v9, vm0, $0xb8;
	[tilespmem:$0x12200] =	vst v63  }
0x3d6: {  	s25 =	simm.s32 $0xAF00  }
0x3d7: {  	[tilespmem:s25], [sflag:$0x2] =	stream.indirect_vreg.gather [hbm4b:s10+s3], $0x80, v10, vm0, $0xb8;
	[tilespmem:$0x12200] =	vst v63  }
0x3d8: {  	s26 =	simm.s32 $0xAF80  }
0x3d9: {  	[tilespmem:s26], [sflag:$0x2] =	stream.indirect_vreg.gather [hbm4b:s10+s3], $0x80, v12, vm0, $0xb8;
	[tilespmem:$0x12200] =	vst v63  }
0x3da: {  	s29 =	simm.s32 $0xB000;
	s23 =	spop (v2sf)  }
0x3db: {  	[tilespmem:s29], [sflag:$0x2] =	stream.indirect_vreg.gather [hbm4b:s10+s3], $0x80, v13, vm0, $0xb8;
	[tilespmem:$0x12200] =	vst v63  }
0x3dc: {  	s19 =	simm.s32 $0xB080;
	s21 =	simm.s32 $0xB100;
	s24 =	sand.u32 $0x7F, s23  }
0x3dd: {  	[tilespmem:s19], [sflag:$0x2] =	stream.indirect_vreg.gather [hbm4b:s10+s3], $0x80, v14, vm0, $0xb8;
	[tilespmem:$0x12200] =	vst v63  }
0x3de: {  	p5 =	slt.s32 s23, $0x1;
	p6 =	sne.s32 s24, $0x0;
	s25 =	sshra.s32 s23, $0x1F  }
0x3df: {  	[tilespmem:s21], [sflag:$0x2] =	stream.indirect_vreg.gather [hbm4b:s10+s3], $0x80, v15, vm0, $0xb8;
	[tilespmem:$0x12200] =	vst v63  }
0x3e0: {  	s22 =	simm.s32 $0xB180;
	p0 =	por !p5, !p6;
	s26 =	sshrl.u32 s25, $0x19  }
0x3e1: {  	[tilespmem:s22], [sflag:$0x2] =	stream.indirect_vreg.gather [hbm4b:s10+s3], $0x80, v16, vm0, $0xb8;
	[tilespmem:$0x12200] =	vst v63  }
0x3e2: {  	s18 =	simm.s32 $0x1;
	p0 =	por !p0, !p0;
	s10 =	sadd.s32 s26, s23  }
0x3e3: {  	s18 =	simm.s32 @!p0 $0x0;
	s10 =	sshrl.u32 s10, $0x7  }
0x3e4: {  	s10 =	ssub.s32 s10, s18  }
0x3e5: {  	s10 =	sshll.u32 s10, $0x7  }
0x3e6: {  	s10 =	sand.u32 $0x1FFFFF80, s10  }
0x3e7: {  	s29 =	simm.s32 $0xB200;
	s10 =	sadd.s32 s2, s10  }
0x3e8: {  	[tilespmem:s29], [sflag:$0x2] =	stream.indirect_vreg.gather [hbm4b:s10+s3], $0x80, v0, vm0, $0xb8;
	[tilespmem:$0x12200] =	vst v63  }
0x3e9: {  	s19 =	simm.s32 $0xB280  }
0x3ea: {  	[tilespmem:s19], [sflag:$0x2] =	stream.indirect_vreg.gather [hbm4b:s10+s3], $0x80, v1, vm0, $0xb8;
	[tilespmem:$0x12200] =	vst v63  }
0x3eb: {  	s21 =	simm.s32 $0xB300  }
0x3ec: {  	[tilespmem:s21], [sflag:$0x2] =	stream.indirect_vreg.gather [hbm4b:s10+s3], $0x80, v2, vm0, $0xb8;
	[tilespmem:$0x12200] =	vst v63  }
0x3ed: {  	s22 =	simm.s32 $0xB380  }
0x3ee: {  	[tilespmem:s22], [sflag:$0x2] =	stream.indirect_vreg.gather [hbm4b:s10+s3], $0x80, v3, vm0, $0xb8;
	[tilespmem:$0x12200] =	vst v63  }
0x3ef: {  	s23 =	simm.s32 $0xB400  }
0x3f0: {  	(v2sf) =	vpush v48, $0x7;
	[tilespmem:s23], [sflag:$0x2] =	stream.indirect_vreg.gather [hbm4b:s10+s3], $0x80, v4, vm0, $0xb8;
	[tilespmem:$0x12200] =	vst v63  }
0x3f1: {  	s24 =	simm.s32 $0xB480  }
0x3f2: {  	[tilespmem:s24], [sflag:$0x2] =	stream.indirect_vreg.gather [hbm4b:s10+s3], $0x80, v5, vm0, $0xb8;
	[tilespmem:$0x12200] =	vst v63  }
0x3f3: {  	s25 =	simm.s32 $0xB500  }
0x3f4: {  	[tilespmem:s25], [sflag:$0x2] =	stream.indirect_vreg.gather [hbm4b:s10+s3], $0x80, v6, vm0, $0xb8;
	[tilespmem:$0x12200] =	vst v63  }
0x3f5: {  	s26 =	simm.s32 $0xB580  }
0x3f6: {  	[tilespmem:s26], [sflag:$0x2] =	stream.indirect_vreg.gather [hbm4b:s10+s3], $0x80, v7, vm0, $0xb8;
	[tilespmem:$0x12200] =	vst v63  }
0x3f7: {  	s29 =	simm.s32 $0xB600  }
0x3f8: {  	[tilespmem:s29], [sflag:$0x2] =	stream.indirect_vreg.gather [hbm4b:s10+s3], $0x80, v8, vm0, $0xb8;
	[tilespmem:$0x12200] =	vst v63  }
0x3f9: {  	s19 =	simm.s32 $0xB680  }
0x3fa: {  	[tilespmem:s19], [sflag:$0x2] =	stream.indirect_vreg.gather [hbm4b:s10+s3], $0x80, v9, vm0, $0xb8;
	[tilespmem:$0x12200] =	vst v63  }
0x3fb: {  	s21 =	simm.s32 $0xB700  }
0x3fc: {  	[tilespmem:s21], [sflag:$0x2] =	stream.indirect_vreg.gather [hbm4b:s10+s3], $0x80, v10, vm0, $0xb8;
	[tilespmem:$0x12200] =	vst v63  }
0x3fd: {  	s22 =	simm.s32 $0xB780  }
0x3fe: {  	[tilespmem:s22], [sflag:$0x2] =	stream.indirect_vreg.gather [hbm4b:s10+s3], $0x80, v12, vm0, $0xb8;
	[tilespmem:$0x12200] =	vst v63  }
0x3ff: {  	s23 =	simm.s32 $0xB800;
	s29 =	spop (v2sf)  }
0x400: {  	[tilespmem:s23], [sflag:$0x2] =	stream.indirect_vreg.gather [hbm4b:s10+s3], $0x80, v13, vm0, $0xb8;
	[tilespmem:$0x12200] =	vst v63  }
0x401: {  	s24 =	simm.s32 $0xB880;
	s25 =	simm.s32 $0xB900;
	s19 =	sand.u32 $0x7F, s29  }
0x402: {  	[tilespmem:s24], [sflag:$0x2] =	stream.indirect_vreg.gather [hbm4b:s10+s3], $0x80, v14, vm0, $0xb8;
	[tilespmem:$0x12200] =	vst v63  }
0x403: {  	p1 =	slt.s32 s29, $0x1;
	p2 =	sne.s32 s19, $0x0;
	s21 =	sshra.s32 s29, $0x1F  }
0x404: {  	[tilespmem:s25], [sflag:$0x2] =	stream.indirect_vreg.gather [hbm4b:s10+s3], $0x80, v15, vm0, $0xb8;
	[tilespmem:$0x12200] =	vst v63  }
0x405: {  	s26 =	simm.s32 $0xB980;
	p0 =	por !p1, !p2;
	s22 =	sshrl.u32 s21, $0x19  }
0x406: {  	[tilespmem:s26], [sflag:$0x2] =	stream.indirect_vreg.gather [hbm4b:s10+s3], $0x80, v16, vm0, $0xb8;
	[tilespmem:$0x12200] =	vst v63  }
0x407: {  	s18 =	simm.s32 $0x1;
	p0 =	por !p0, !p0;
	s10 =	sadd.s32 s22, s29  }
0x408: {  	s18 =	simm.s32 @!p0 $0x0;
	s10 =	sshrl.u32 s10, $0x7  }
0x409: {  	s10 =	ssub.s32 s10, s18  }
0x40a: {  	s10 =	sshll.u32 s10, $0x7  }
0x40b: {  	s10 =	sand.u32 $0x1FFFFF80, s10  }
0x40c: {  	s23 =	simm.s32 $0xBA00;
	s10 =	sadd.s32 s2, s10  }
0x40d: {  	[tilespmem:s23], [sflag:$0x2] =	stream.indirect_vreg.gather [hbm4b:s10+s3], $0x80, v0, vm0, $0xb8;
	[tilespmem:$0x12200] =	vst v63  }
0x40e: {  	s24 =	simm.s32 $0xBA80  }
0x40f: {  	[tilespmem:s24], [sflag:$0x2] =	stream.indirect_vreg.gather [hbm4b:s10+s3], $0x80, v1, vm0, $0xb8;
	[tilespmem:$0x12200] =	vst v63  }
0x410: {  	s25 =	simm.s32 $0xBB00  }
0x411: {  	[tilespmem:s25], [sflag:$0x2] =	stream.indirect_vreg.gather [hbm4b:s10+s3], $0x80, v2, vm0, $0xb8;
	[tilespmem:$0x12200] =	vst v63  }
0x412: {  	s26 =	simm.s32 $0xBB80  }
0x413: {  	[tilespmem:s26], [sflag:$0x2] =	stream.indirect_vreg.gather [hbm4b:s10+s3], $0x80, v3, vm0, $0xb8;
	[tilespmem:$0x12200] =	vst v63  }
0x414: {  	s29 =	simm.s32 $0xBC00  }
0x415: {  	(v2sf) =	vpush v48, $0x8;
	[tilespmem:s29], [sflag:$0x2] =	stream.indirect_vreg.gather [hbm4b:s10+s3], $0x80, v4, vm0, $0xb8;
	[tilespmem:$0x12200] =	vst v63  }
0x416: {  	s19 =	simm.s32 $0xBC80  }
0x417: {  	[tilespmem:s19], [sflag:$0x2] =	stream.indirect_vreg.gather [hbm4b:s10+s3], $0x80, v5, vm0, $0xb8;
	[tilespmem:$0x12200] =	vst v63  }
0x418: {  	s21 =	simm.s32 $0xBD00  }
0x419: {  	[tilespmem:s21], [sflag:$0x2] =	stream.indirect_vreg.gather [hbm4b:s10+s3], $0x80, v6, vm0, $0xb8;
	[tilespmem:$0x12200] =	vst v63  }
0x41a: {  	s22 =	simm.s32 $0xBD80  }
0x41b: {  	[tilespmem:s22], [sflag:$0x2] =	stream.indirect_vreg.gather [hbm4b:s10+s3], $0x80, v7, vm0, $0xb8;
	[tilespmem:$0x12200] =	vst v63  }
0x41c: {  	s23 =	simm.s32 $0xBE00  }
0x41d: {  	[tilespmem:s23], [sflag:$0x2] =	stream.indirect_vreg.gather [hbm4b:s10+s3], $0x80, v8, vm0, $0xb8;
	[tilespmem:$0x12200] =	vst v63  }
0x41e: {  	s24 =	simm.s32 $0xBE80  }
0x41f: {  	[tilespmem:s24], [sflag:$0x2] =	stream.indirect_vreg.gather [hbm4b:s10+s3], $0x80, v9, vm0, $0xb8;
	[tilespmem:$0x12200] =	vst v63  }
0x420: {  	s25 =	simm.s32 $0xBF00  }
0x421: {  	[tilespmem:s25], [sflag:$0x2] =	stream.indirect_vreg.gather [hbm4b:s10+s3], $0x80, v10, vm0, $0xb8;
	[tilespmem:$0x12200] =	vst v63  }
0x422: {  	s26 =	simm.s32 $0xBF80  }
0x423: {  	[tilespmem:s26], [sflag:$0x2] =	stream.indirect_vreg.gather [hbm4b:s10+s3], $0x80, v12, vm0, $0xb8;
	[tilespmem:$0x12200] =	vst v63  }
0x424: {  	s29 =	simm.s32 $0xC000;
	s23 =	spop (v2sf)  }
0x425: {  	[tilespmem:s29], [sflag:$0x2] =	stream.indirect_vreg.gather [hbm4b:s10+s3], $0x80, v13, vm0, $0xb8;
	[tilespmem:$0x12200] =	vst v63  }
0x426: {  	s19 =	simm.s32 $0xC080;
	s21 =	simm.s32 $0xC100;
	s24 =	sand.u32 $0x7F, s23  }
0x427: {  	[tilespmem:s19], [sflag:$0x2] =	stream.indirect_vreg.gather [hbm4b:s10+s3], $0x80, v14, vm0, $0xb8;
	[tilespmem:$0x12200] =	vst v63  }
0x428: {  	p3 =	slt.s32 s23, $0x1;
	p4 =	sne.s32 s24, $0x0;
	s25 =	sshra.s32 s23, $0x1F  }
0x429: {  	[tilespmem:s21], [sflag:$0x2] =	stream.indirect_vreg.gather [hbm4b:s10+s3], $0x80, v15, vm0, $0xb8;
	[tilespmem:$0x12200] =	vst v63  }
0x42a: {  	s22 =	simm.s32 $0xC180;
	p0 =	por !p3, !p4;
	s26 =	sshrl.u32 s25, $0x19  }
0x42b: {  	[tilespmem:s22], [sflag:$0x2] =	stream.indirect_vreg.gather [hbm4b:s10+s3], $0x80, v16, vm0, $0xb8;
	[tilespmem:$0x12200] =	vst v63  }
0x42c: {  	s18 =	simm.s32 $0x1;
	p0 =	por !p0, !p0;
	s10 =	sadd.s32 s26, s23  }
0x42d: {  	s18 =	simm.s32 @!p0 $0x0;
	s10 =	sshrl.u32 s10, $0x7  }
0x42e: {  	s10 =	ssub.s32 s10, s18  }
0x42f: {  	s10 =	sshll.u32 s10, $0x7  }
0x430: {  	s10 =	sand.u32 $0x1FFFFF80, s10  }
0x431: {  	s29 =	simm.s32 $0xC200;
	s10 =	sadd.s32 s2, s10  }
0x432: {  	[tilespmem:s29], [sflag:$0x2] =	stream.indirect_vreg.gather [hbm4b:s10+s3], $0x80, v0, vm0, $0xb8;
	[tilespmem:$0x12200] =	vst v63  }
0x433: {  	s19 =	simm.s32 $0xC280  }
0x434: {  	[tilespmem:s19], [sflag:$0x2] =	stream.indirect_vreg.gather [hbm4b:s10+s3], $0x80, v1, vm0, $0xb8;
	[tilespmem:$0x12200] =	vst v63  }
0x435: {  	s21 =	simm.s32 $0xC300  }
0x436: {  	[tilespmem:s21], [sflag:$0x2] =	stream.indirect_vreg.gather [hbm4b:s10+s3], $0x80, v2, vm0, $0xb8;
	[tilespmem:$0x12200] =	vst v63  }
0x437: {  	s22 =	simm.s32 $0xC380  }
0x438: {  	[tilespmem:s22], [sflag:$0x2] =	stream.indirect_vreg.gather [hbm4b:s10+s3], $0x80, v3, vm0, $0xb8;
	[tilespmem:$0x12200] =	vst v63  }
0x439: {  	s23 =	simm.s32 $0xC400  }
0x43a: {  	(v2sf) =	vpush v48, $0x9;
	[tilespmem:s23], [sflag:$0x2] =	stream.indirect_vreg.gather [hbm4b:s10+s3], $0x80, v4, vm0, $0xb8;
	[tilespmem:$0x12200] =	vst v63  }
0x43b: {  	s24 =	simm.s32 $0xC480  }
0x43c: {  	[tilespmem:s24], [sflag:$0x2] =	stream.indirect_vreg.gather [hbm4b:s10+s3], $0x80, v5, vm0, $0xb8;
	[tilespmem:$0x12200] =	vst v63  }
0x43d: {  	s25 =	simm.s32 $0xC500  }
0x43e: {  	[tilespmem:s25], [sflag:$0x2] =	stream.indirect_vreg.gather [hbm4b:s10+s3], $0x80, v6, vm0, $0xb8;
	[tilespmem:$0x12200] =	vst v63  }
0x43f: {  	s26 =	simm.s32 $0xC580  }
0x440: {  	[tilespmem:s26], [sflag:$0x2] =	stream.indirect_vreg.gather [hbm4b:s10+s3], $0x80, v7, vm0, $0xb8;
	[tilespmem:$0x12200] =	vst v63  }
0x441: {  	s29 =	simm.s32 $0xC600  }
0x442: {  	[tilespmem:s29], [sflag:$0x2] =	stream.indirect_vreg.gather [hbm4b:s10+s3], $0x80, v8, vm0, $0xb8;
	[tilespmem:$0x12200] =	vst v63  }
0x443: {  	s19 =	simm.s32 $0xC680  }
0x444: {  	[tilespmem:s19], [sflag:$0x2] =	stream.indirect_vreg.gather [hbm4b:s10+s3], $0x80, v9, vm0, $0xb8;
	[tilespmem:$0x12200] =	vst v63  }
0x445: {  	s21 =	simm.s32 $0xC700  }
0x446: {  	[tilespmem:s21], [sflag:$0x2] =	stream.indirect_vreg.gather [hbm4b:s10+s3], $0x80, v10, vm0, $0xb8;
	[tilespmem:$0x12200] =	vst v63  }
0x447: {  	s22 =	simm.s32 $0xC780  }
0x448: {  	[tilespmem:s22], [sflag:$0x2] =	stream.indirect_vreg.gather [hbm4b:s10+s3], $0x80, v12, vm0, $0xb8;
	[tilespmem:$0x12200] =	vst v63  }
0x449: {  	s23 =	simm.s32 $0xC800;
	s29 =	spop (v2sf)  }
0x44a: {  	[tilespmem:s23], [sflag:$0x2] =	stream.indirect_vreg.gather [hbm4b:s10+s3], $0x80, v13, vm0, $0xb8;
	[tilespmem:$0x12200] =	vst v63  }
0x44b: {  	s24 =	simm.s32 $0xC880;
	s25 =	simm.s32 $0xC900;
	s19 =	sand.u32 $0x7F, s29  }
0x44c: {  	[tilespmem:s24], [sflag:$0x2] =	stream.indirect_vreg.gather [hbm4b:s10+s3], $0x80, v14, vm0, $0xb8;
	[tilespmem:$0x12200] =	vst v63  }
0x44d: {  	p5 =	slt.s32 s29, $0x1;
	p6 =	sne.s32 s19, $0x0;
	s21 =	sshra.s32 s29, $0x1F  }
0x44e: {  	[tilespmem:s25], [sflag:$0x2] =	stream.indirect_vreg.gather [hbm4b:s10+s3], $0x80, v15, vm0, $0xb8;
	[tilespmem:$0x12200] =	vst v63  }
0x44f: {  	s26 =	simm.s32 $0xC980;
	p0 =	por !p5, !p6;
	s22 =	sshrl.u32 s21, $0x19  }
0x450: {  	[tilespmem:s26], [sflag:$0x2] =	stream.indirect_vreg.gather [hbm4b:s10+s3], $0x80, v16, vm0, $0xb8;
	[tilespmem:$0x12200] =	vst v63  }
0x451: {  	s18 =	simm.s32 $0x1;
	p0 =	por !p0, !p0;
	s10 =	sadd.s32 s22, s29  }
0x452: {  	s18 =	simm.s32 @!p0 $0x0;
	s10 =	sshrl.u32 s10, $0x7  }
0x453: {  	s10 =	ssub.s32 s10, s18  }
0x454: {  	s10 =	sshll.u32 s10, $0x7  }
0x455: {  	s10 =	sand.u32 $0x1FFFFF80, s10  }
0x456: {  	s23 =	simm.s32 $0xCA00;
	s10 =	sadd.s32 s2, s10  }
0x457: {  	[tilespmem:s23], [sflag:$0x2] =	stream.indirect_vreg.gather [hbm4b:s10+s3], $0x80, v0, vm0, $0xb8;
	[tilespmem:$0x12200] =	vst v63  }
0x458: {  	s24 =	simm.s32 $0xCA80  }
0x459: {  	[tilespmem:s24], [sflag:$0x2] =	stream.indirect_vreg.gather [hbm4b:s10+s3], $0x80, v1, vm0, $0xb8;
	[tilespmem:$0x12200] =	vst v63  }
0x45a: {  	s25 =	simm.s32 $0xCB00  }
0x45b: {  	[tilespmem:s25], [sflag:$0x2] =	stream.indirect_vreg.gather [hbm4b:s10+s3], $0x80, v2, vm0, $0xb8;
	[tilespmem:$0x12200] =	vst v63  }
0x45c: {  	s26 =	simm.s32 $0xCB80  }
0x45d: {  	[tilespmem:s26], [sflag:$0x2] =	stream.indirect_vreg.gather [hbm4b:s10+s3], $0x80, v3, vm0, $0xb8;
	[tilespmem:$0x12200] =	vst v63  }
0x45e: {  	s29 =	simm.s32 $0xCC00  }
0x45f: {  	(v2sf) =	vpush v48, $0xA;
	[tilespmem:s29], [sflag:$0x2] =	stream.indirect_vreg.gather [hbm4b:s10+s3], $0x80, v4, vm0, $0xb8;
	[tilespmem:$0x12200] =	vst v63  }
0x460: {  	s19 =	simm.s32 $0xCC80  }
0x461: {  	[tilespmem:s19], [sflag:$0x2] =	stream.indirect_vreg.gather [hbm4b:s10+s3], $0x80, v5, vm0, $0xb8;
	[tilespmem:$0x12200] =	vst v63  }
0x462: {  	s21 =	simm.s32 $0xCD00  }
0x463: {  	[tilespmem:s21], [sflag:$0x2] =	stream.indirect_vreg.gather [hbm4b:s10+s3], $0x80, v6, vm0, $0xb8;
	[tilespmem:$0x12200] =	vst v63  }
0x464: {  	s22 =	simm.s32 $0xCD80  }
0x465: {  	[tilespmem:s22], [sflag:$0x2] =	stream.indirect_vreg.gather [hbm4b:s10+s3], $0x80, v7, vm0, $0xb8;
	[tilespmem:$0x12200] =	vst v63  }
0x466: {  	s23 =	simm.s32 $0xCE00  }
0x467: {  	[tilespmem:s23], [sflag:$0x2] =	stream.indirect_vreg.gather [hbm4b:s10+s3], $0x80, v8, vm0, $0xb8;
	[tilespmem:$0x12200] =	vst v63  }
0x468: {  	s24 =	simm.s32 $0xCE80  }
0x469: {  	[tilespmem:s24], [sflag:$0x2] =	stream.indirect_vreg.gather [hbm4b:s10+s3], $0x80, v9, vm0, $0xb8;
	[tilespmem:$0x12200] =	vst v63  }
0x46a: {  	s25 =	simm.s32 $0xCF00  }
0x46b: {  	[tilespmem:s25], [sflag:$0x2] =	stream.indirect_vreg.gather [hbm4b:s10+s3], $0x80, v10, vm0, $0xb8;
	[tilespmem:$0x12200] =	vst v63  }
0x46c: {  	s26 =	simm.s32 $0xCF80  }
0x46d: {  	[tilespmem:s26], [sflag:$0x2] =	stream.indirect_vreg.gather [hbm4b:s10+s3], $0x80, v12, vm0, $0xb8;
	[tilespmem:$0x12200] =	vst v63  }
0x46e: {  	s29 =	simm.s32 $0xD000;
	s23 =	spop (v2sf)  }
0x46f: {  	[tilespmem:s29], [sflag:$0x2] =	stream.indirect_vreg.gather [hbm4b:s10+s3], $0x80, v13, vm0, $0xb8;
	[tilespmem:$0x12200] =	vst v63  }
0x470: {  	s19 =	simm.s32 $0xD080;
	s21 =	simm.s32 $0xD100;
	s24 =	sand.u32 $0x7F, s23  }
0x471: {  	[tilespmem:s19], [sflag:$0x2] =	stream.indirect_vreg.gather [hbm4b:s10+s3], $0x80, v14, vm0, $0xb8;
	[tilespmem:$0x12200] =	vst v63  }
0x472: {  	p1 =	slt.s32 s23, $0x1;
	p2 =	sne.s32 s24, $0x0;
	s25 =	sshra.s32 s23, $0x1F  }
0x473: {  	[tilespmem:s21], [sflag:$0x2] =	stream.indirect_vreg.gather [hbm4b:s10+s3], $0x80, v15, vm0, $0xb8;
	[tilespmem:$0x12200] =	vst v63  }
0x474: {  	s22 =	simm.s32 $0xD180;
	p0 =	por !p1, !p2;
	s26 =	sshrl.u32 s25, $0x19  }
0x475: {  	[tilespmem:s22], [sflag:$0x2] =	stream.indirect_vreg.gather [hbm4b:s10+s3], $0x80, v16, vm0, $0xb8;
	[tilespmem:$0x12200] =	vst v63  }
0x476: {  	s18 =	simm.s32 $0x1;
	p0 =	por !p0, !p0;
	s10 =	sadd.s32 s26, s23  }
0x477: {  	s18 =	simm.s32 @!p0 $0x0;
	s10 =	sshrl.u32 s10, $0x7  }
0x478: {  	s10 =	ssub.s32 s10, s18  }
0x479: {  	s10 =	sshll.u32 s10, $0x7  }
0x47a: {  	s10 =	sand.u32 $0x1FFFFF80, s10  }
0x47b: {  	s29 =	simm.s32 $0xD200;
	s10 =	sadd.s32 s2, s10  }
0x47c: {  	[tilespmem:s29], [sflag:$0x2] =	stream.indirect_vreg.gather [hbm4b:s10+s3], $0x80, v0, vm0, $0xb8;
	[tilespmem:$0x12200] =	vst v63  }
0x47d: {  	s19 =	simm.s32 $0xD280  }
0x47e: {  	[tilespmem:s19], [sflag:$0x2] =	stream.indirect_vreg.gather [hbm4b:s10+s3], $0x80, v1, vm0, $0xb8;
	[tilespmem:$0x12200] =	vst v63  }
0x47f: {  	s21 =	simm.s32 $0xD300  }
0x480: {  	[tilespmem:s21], [sflag:$0x2] =	stream.indirect_vreg.gather [hbm4b:s10+s3], $0x80, v2, vm0, $0xb8;
	[tilespmem:$0x12200] =	vst v63  }
0x481: {  	s22 =	simm.s32 $0xD380  }
0x482: {  	[tilespmem:s22], [sflag:$0x2] =	stream.indirect_vreg.gather [hbm4b:s10+s3], $0x80, v3, vm0, $0xb8;
	[tilespmem:$0x12200] =	vst v63  }
0x483: {  	s23 =	simm.s32 $0xD400  }
0x484: {  	(v2sf) =	vpush v48, $0xB;
	[tilespmem:s23], [sflag:$0x2] =	stream.indirect_vreg.gather [hbm4b:s10+s3], $0x80, v4, vm0, $0xb8;
	[tilespmem:$0x12200] =	vst v63  }
0x485: {  	s24 =	simm.s32 $0xD480  }
0x486: {  	[tilespmem:s24], [sflag:$0x2] =	stream.indirect_vreg.gather [hbm4b:s10+s3], $0x80, v5, vm0, $0xb8;
	[tilespmem:$0x12200] =	vst v63  }
0x487: {  	s25 =	simm.s32 $0xD500  }
0x488: {  	[tilespmem:s25], [sflag:$0x2] =	stream.indirect_vreg.gather [hbm4b:s10+s3], $0x80, v6, vm0, $0xb8;
	[tilespmem:$0x12200] =	vst v63  }
0x489: {  	s26 =	simm.s32 $0xD580  }
0x48a: {  	[tilespmem:s26], [sflag:$0x2] =	stream.indirect_vreg.gather [hbm4b:s10+s3], $0x80, v7, vm0, $0xb8;
	[tilespmem:$0x12200] =	vst v63  }
0x48b: {  	s29 =	simm.s32 $0xD600  }
0x48c: {  	[tilespmem:s29], [sflag:$0x2] =	stream.indirect_vreg.gather [hbm4b:s10+s3], $0x80, v8, vm0, $0xb8;
	[tilespmem:$0x12200] =	vst v63  }
0x48d: {  	s19 =	simm.s32 $0xD680  }
0x48e: {  	[tilespmem:s19], [sflag:$0x2] =	stream.indirect_vreg.gather [hbm4b:s10+s3], $0x80, v9, vm0, $0xb8;
	[tilespmem:$0x12200] =	vst v63  }
0x48f: {  	s21 =	simm.s32 $0xD700  }
0x490: {  	[tilespmem:s21], [sflag:$0x2] =	stream.indirect_vreg.gather [hbm4b:s10+s3], $0x80, v10, vm0, $0xb8;
	[tilespmem:$0x12200] =	vst v63  }
0x491: {  	s22 =	simm.s32 $0xD780  }
0x492: {  	[tilespmem:s22], [sflag:$0x2] =	stream.indirect_vreg.gather [hbm4b:s10+s3], $0x80, v12, vm0, $0xb8;
	[tilespmem:$0x12200] =	vst v63  }
0x493: {  	s23 =	simm.s32 $0xD800;
	s29 =	spop (v2sf)  }
0x494: {  	[tilespmem:s23], [sflag:$0x2] =	stream.indirect_vreg.gather [hbm4b:s10+s3], $0x80, v13, vm0, $0xb8;
	[tilespmem:$0x12200] =	vst v63  }
0x495: {  	s24 =	simm.s32 $0xD880;
	s25 =	simm.s32 $0xD900;
	s19 =	sand.u32 $0x7F, s29  }
0x496: {  	[tilespmem:s24], [sflag:$0x2] =	stream.indirect_vreg.gather [hbm4b:s10+s3], $0x80, v14, vm0, $0xb8;
	[tilespmem:$0x12200] =	vst v63  }
0x497: {  	p3 =	slt.s32 s29, $0x1;
	p4 =	sne.s32 s19, $0x0;
	s21 =	sshra.s32 s29, $0x1F  }
0x498: {  	[tilespmem:s25], [sflag:$0x2] =	stream.indirect_vreg.gather [hbm4b:s10+s3], $0x80, v15, vm0, $0xb8;
	[tilespmem:$0x12200] =	vst v63  }
0x499: {  	s26 =	simm.s32 $0xD980;
	p0 =	por !p3, !p4;
	s22 =	sshrl.u32 s21, $0x19  }
0x49a: {  	[tilespmem:s26], [sflag:$0x2] =	stream.indirect_vreg.gather [hbm4b:s10+s3], $0x80, v16, vm0, $0xb8;
	[tilespmem:$0x12200] =	vst v63  }
0x49b: {  	s18 =	simm.s32 $0x1;
	p0 =	por !p0, !p0;
	s10 =	sadd.s32 s22, s29  }
0x49c: {  	s18 =	simm.s32 @!p0 $0x0;
	s10 =	sshrl.u32 s10, $0x7  }
0x49d: {  	s10 =	ssub.s32 s10, s18  }
0x49e: {  	s10 =	sshll.u32 s10, $0x7  }
0x49f: {  	s10 =	sand.u32 $0x1FFFFF80, s10  }
0x4a0: {  	s23 =	simm.s32 $0xDA00;
	s10 =	sadd.s32 s2, s10  }
0x4a1: {  	[tilespmem:s23], [sflag:$0x2] =	stream.indirect_vreg.gather [hbm4b:s10+s3], $0x80, v0, vm0, $0xb8;
	[tilespmem:$0x12200] =	vst v63  }
0x4a2: {  	s24 =	simm.s32 $0xDA80  }
0x4a3: {  	[tilespmem:s24], [sflag:$0x2] =	stream.indirect_vreg.gather [hbm4b:s10+s3], $0x80, v1, vm0, $0xb8;
	[tilespmem:$0x12200] =	vst v63  }
0x4a4: {  	s25 =	simm.s32 $0xDB00  }
0x4a5: {  	[tilespmem:s25], [sflag:$0x2] =	stream.indirect_vreg.gather [hbm4b:s10+s3], $0x80, v2, vm0, $0xb8;
	[tilespmem:$0x12200] =	vst v63  }
0x4a6: {  	s26 =	simm.s32 $0xDB80  }
0x4a7: {  	[tilespmem:s26], [sflag:$0x2] =	stream.indirect_vreg.gather [hbm4b:s10+s3], $0x80, v3, vm0, $0xb8;
	[tilespmem:$0x12200] =	vst v63  }
0x4a8: {  	s29 =	simm.s32 $0xDC00  }
0x4a9: {  	(v2sf) =	vpush v48, $0xC;
	[tilespmem:s29], [sflag:$0x2] =	stream.indirect_vreg.gather [hbm4b:s10+s3], $0x80, v4, vm0, $0xb8;
	[tilespmem:$0x12200] =	vst v63  }
0x4aa: {  	s19 =	simm.s32 $0xDC80  }
0x4ab: {  	[tilespmem:s19], [sflag:$0x2] =	stream.indirect_vreg.gather [hbm4b:s10+s3], $0x80, v5, vm0, $0xb8;
	[tilespmem:$0x12200] =	vst v63  }
0x4ac: {  	s21 =	simm.s32 $0xDD00  }
0x4ad: {  	[tilespmem:s21], [sflag:$0x2] =	stream.indirect_vreg.gather [hbm4b:s10+s3], $0x80, v6, vm0, $0xb8;
	[tilespmem:$0x12200] =	vst v63  }
0x4ae: {  	s22 =	simm.s32 $0xDD80  }
0x4af: {  	[tilespmem:s22], [sflag:$0x2] =	stream.indirect_vreg.gather [hbm4b:s10+s3], $0x80, v7, vm0, $0xb8;
	[tilespmem:$0x12200] =	vst v63  }
0x4b0: {  	s23 =	simm.s32 $0xDE00  }
0x4b1: {  	[tilespmem:s23], [sflag:$0x2] =	stream.indirect_vreg.gather [hbm4b:s10+s3], $0x80, v8, vm0, $0xb8;
	[tilespmem:$0x12200] =	vst v63  }
0x4b2: {  	s24 =	simm.s32 $0xDE80  }
0x4b3: {  	[tilespmem:s24], [sflag:$0x2] =	stream.indirect_vreg.gather [hbm4b:s10+s3], $0x80, v9, vm0, $0xb8;
	[tilespmem:$0x12200] =	vst v63  }
0x4b4: {  	s25 =	simm.s32 $0xDF00  }
0x4b5: {  	[tilespmem:s25], [sflag:$0x2] =	stream.indirect_vreg.gather [hbm4b:s10+s3], $0x80, v10, vm0, $0xb8;
	[tilespmem:$0x12200] =	vst v63  }
0x4b6: {  	s26 =	simm.s32 $0xDF80  }
0x4b7: {  	[tilespmem:s26], [sflag:$0x2] =	stream.indirect_vreg.gather [hbm4b:s10+s3], $0x80, v12, vm0, $0xb8;
	[tilespmem:$0x12200] =	vst v63  }
0x4b8: {  	s29 =	simm.s32 $0xE000;
	s23 =	spop (v2sf)  }
0x4b9: {  	[tilespmem:s29], [sflag:$0x2] =	stream.indirect_vreg.gather [hbm4b:s10+s3], $0x80, v13, vm0, $0xb8;
	[tilespmem:$0x12200] =	vst v63  }
0x4ba: {  	s19 =	simm.s32 $0xE080;
	s21 =	simm.s32 $0xE100;
	s24 =	sand.u32 $0x7F, s23  }
0x4bb: {  	[tilespmem:s19], [sflag:$0x2] =	stream.indirect_vreg.gather [hbm4b:s10+s3], $0x80, v14, vm0, $0xb8;
	[tilespmem:$0x12200] =	vst v63  }
0x4bc: {  	p5 =	slt.s32 s23, $0x1;
	p6 =	sne.s32 s24, $0x0;
	s25 =	sshra.s32 s23, $0x1F  }
0x4bd: {  	[tilespmem:s21], [sflag:$0x2] =	stream.indirect_vreg.gather [hbm4b:s10+s3], $0x80, v15, vm0, $0xb8;
	[tilespmem:$0x12200] =	vst v63  }
0x4be: {  	s22 =	simm.s32 $0xE180;
	p0 =	por !p5, !p6;
	s26 =	sshrl.u32 s25, $0x19  }
0x4bf: {  	[tilespmem:s22], [sflag:$0x2] =	stream.indirect_vreg.gather [hbm4b:s10+s3], $0x80, v16, vm0, $0xb8;
	[tilespmem:$0x12200] =	vst v63  }
0x4c0: {  	s18 =	simm.s32 $0x1;
	p0 =	por !p0, !p0;
	s10 =	sadd.s32 s26, s23  }
0x4c1: {  	s18 =	simm.s32 @!p0 $0x0;
	s10 =	sshrl.u32 s10, $0x7  }
0x4c2: {  	s10 =	ssub.s32 s10, s18  }
0x4c3: {  	s10 =	sshll.u32 s10, $0x7  }
0x4c4: {  	s10 =	sand.u32 $0x1FFFFF80, s10  }
0x4c5: {  	s29 =	simm.s32 $0xE200;
	s10 =	sadd.s32 s2, s10  }
0x4c6: {  	[tilespmem:s29], [sflag:$0x2] =	stream.indirect_vreg.gather [hbm4b:s10+s3], $0x80, v0, vm0, $0xb8;
	[tilespmem:$0x12200] =	vst v63  }
0x4c7: {  	s19 =	simm.s32 $0xE280  }
0x4c8: {  	[tilespmem:s19], [sflag:$0x2] =	stream.indirect_vreg.gather [hbm4b:s10+s3], $0x80, v1, vm0, $0xb8;
	[tilespmem:$0x12200] =	vst v63  }
0x4c9: {  	s21 =	simm.s32 $0xE300  }
0x4ca: {  	[tilespmem:s21], [sflag:$0x2] =	stream.indirect_vreg.gather [hbm4b:s10+s3], $0x80, v2, vm0, $0xb8;
	[tilespmem:$0x12200] =	vst v63  }
0x4cb: {  	s22 =	simm.s32 $0xE380  }
0x4cc: {  	[tilespmem:s22], [sflag:$0x2] =	stream.indirect_vreg.gather [hbm4b:s10+s3], $0x80, v3, vm0, $0xb8;
	[tilespmem:$0x12200] =	vst v63  }
0x4cd: {  	s23 =	simm.s32 $0xE400  }
0x4ce: {  	(v2sf) =	vpush v48, $0xD;
	[tilespmem:s23], [sflag:$0x2] =	stream.indirect_vreg.gather [hbm4b:s10+s3], $0x80, v4, vm0, $0xb8;
	[tilespmem:$0x12200] =	vst v63  }
0x4cf: {  	s24 =	simm.s32 $0xE480  }
0x4d0: {  	[tilespmem:s24], [sflag:$0x2] =	stream.indirect_vreg.gather [hbm4b:s10+s3], $0x80, v5, vm0, $0xb8;
	[tilespmem:$0x12200] =	vst v63  }
0x4d1: {  	s25 =	simm.s32 $0xE500  }
0x4d2: {  	[tilespmem:s25], [sflag:$0x2] =	stream.indirect_vreg.gather [hbm4b:s10+s3], $0x80, v6, vm0, $0xb8;
	[tilespmem:$0x12200] =	vst v63  }
0x4d3: {  	s26 =	simm.s32 $0xE580  }
0x4d4: {  	[tilespmem:s26], [sflag:$0x2] =	stream.indirect_vreg.gather [hbm4b:s10+s3], $0x80, v7, vm0, $0xb8;
	[tilespmem:$0x12200] =	vst v63  }
0x4d5: {  	s29 =	simm.s32 $0xE600  }
0x4d6: {  	[tilespmem:s29], [sflag:$0x2] =	stream.indirect_vreg.gather [hbm4b:s10+s3], $0x80, v8, vm0, $0xb8;
	[tilespmem:$0x12200] =	vst v63  }
0x4d7: {  	s19 =	simm.s32 $0xE680  }
0x4d8: {  	[tilespmem:s19], [sflag:$0x2] =	stream.indirect_vreg.gather [hbm4b:s10+s3], $0x80, v9, vm0, $0xb8;
	[tilespmem:$0x12200] =	vst v63  }
0x4d9: {  	s21 =	simm.s32 $0xE700  }
0x4da: {  	[tilespmem:s21], [sflag:$0x2] =	stream.indirect_vreg.gather [hbm4b:s10+s3], $0x80, v10, vm0, $0xb8;
	[tilespmem:$0x12200] =	vst v63  }
0x4db: {  	s22 =	simm.s32 $0xE780  }
0x4dc: {  	[tilespmem:s22], [sflag:$0x2] =	stream.indirect_vreg.gather [hbm4b:s10+s3], $0x80, v12, vm0, $0xb8;
	[tilespmem:$0x12200] =	vst v63  }
0x4dd: {  	s23 =	simm.s32 $0xE800;
	s29 =	spop (v2sf)  }
0x4de: {  	[tilespmem:s23], [sflag:$0x2] =	stream.indirect_vreg.gather [hbm4b:s10+s3], $0x80, v13, vm0, $0xb8;
	[tilespmem:$0x12200] =	vst v63  }
0x4df: {  	s24 =	simm.s32 $0xE880;
	s25 =	simm.s32 $0xE900;
	s19 =	sand.u32 $0x7F, s29  }
0x4e0: {  	[tilespmem:s24], [sflag:$0x2] =	stream.indirect_vreg.gather [hbm4b:s10+s3], $0x80, v14, vm0, $0xb8;
	[tilespmem:$0x12200] =	vst v63  }
0x4e1: {  	p1 =	slt.s32 s29, $0x1;
	p2 =	sne.s32 s19, $0x0;
	s21 =	sshra.s32 s29, $0x1F  }
0x4e2: {  	[tilespmem:s25], [sflag:$0x2] =	stream.indirect_vreg.gather [hbm4b:s10+s3], $0x80, v15, vm0, $0xb8;
	[tilespmem:$0x12200] =	vst v63  }
0x4e3: {  	s26 =	simm.s32 $0xE980;
	p0 =	por !p1, !p2;
	s22 =	sshrl.u32 s21, $0x19  }
0x4e4: {  	[tilespmem:s26], [sflag:$0x2] =	stream.indirect_vreg.gather [hbm4b:s10+s3], $0x80, v16, vm0, $0xb8;
	[tilespmem:$0x12200] =	vst v63  }
0x4e5: {  	s18 =	simm.s32 $0x1;
	p0 =	por !p0, !p0;
	s10 =	sadd.s32 s22, s29  }
0x4e6: {  	s18 =	simm.s32 @!p0 $0x0;
	s10 =	sshrl.u32 s10, $0x7  }
0x4e7: {  	s10 =	ssub.s32 s10, s18  }
0x4e8: {  	s10 =	sshll.u32 s10, $0x7  }
0x4e9: {  	s10 =	sand.u32 $0x1FFFFF80, s10  }
0x4ea: {  	s23 =	simm.s32 $0xEA00;
	s10 =	sadd.s32 s2, s10  }
0x4eb: {  	[tilespmem:s23], [sflag:$0x2] =	stream.indirect_vreg.gather [hbm4b:s10+s3], $0x80, v0, vm0, $0xb8;
	[tilespmem:$0x12200] =	vst v63  }
0x4ec: {  	s24 =	simm.s32 $0xEA80  }
0x4ed: {  	[tilespmem:s24], [sflag:$0x2] =	stream.indirect_vreg.gather [hbm4b:s10+s3], $0x80, v1, vm0, $0xb8;
	[tilespmem:$0x12200] =	vst v63  }
0x4ee: {  	s25 =	simm.s32 $0xEB00  }
0x4ef: {  	[tilespmem:s25], [sflag:$0x2] =	stream.indirect_vreg.gather [hbm4b:s10+s3], $0x80, v2, vm0, $0xb8;
	[tilespmem:$0x12200] =	vst v63  }
0x4f0: {  	s26 =	simm.s32 $0xEB80  }
0x4f1: {  	[tilespmem:s26], [sflag:$0x2] =	stream.indirect_vreg.gather [hbm4b:s10+s3], $0x80, v3, vm0, $0xb8;
	[tilespmem:$0x12200] =	vst v63  }
0x4f2: {  	s29 =	simm.s32 $0xEC00  }
0x4f3: {  	(v2sf) =	vpush v48, $0xE;
	[tilespmem:s29], [sflag:$0x2] =	stream.indirect_vreg.gather [hbm4b:s10+s3], $0x80, v4, vm0, $0xb8;
	[tilespmem:$0x12200] =	vst v63  }
0x4f4: {  	s19 =	simm.s32 $0xEC80  }
0x4f5: {  	[tilespmem:s19], [sflag:$0x2] =	stream.indirect_vreg.gather [hbm4b:s10+s3], $0x80, v5, vm0, $0xb8;
	[tilespmem:$0x12200] =	vst v63  }
0x4f6: {  	s21 =	simm.s32 $0xED00  }
0x4f7: {  	[tilespmem:s21], [sflag:$0x2] =	stream.indirect_vreg.gather [hbm4b:s10+s3], $0x80, v6, vm0, $0xb8;
	[tilespmem:$0x12200] =	vst v63  }
0x4f8: {  	s22 =	simm.s32 $0xED80  }
0x4f9: {  	[tilespmem:s22], [sflag:$0x2] =	stream.indirect_vreg.gather [hbm4b:s10+s3], $0x80, v7, vm0, $0xb8;
	[tilespmem:$0x12200] =	vst v63  }
0x4fa: {  	s23 =	simm.s32 $0xEE00  }
0x4fb: {  	[tilespmem:s23], [sflag:$0x2] =	stream.indirect_vreg.gather [hbm4b:s10+s3], $0x80, v8, vm0, $0xb8;
	[tilespmem:$0x12200] =	vst v63  }
0x4fc: {  	s24 =	simm.s32 $0xEE80  }
0x4fd: {  	[tilespmem:s24], [sflag:$0x2] =	stream.indirect_vreg.gather [hbm4b:s10+s3], $0x80, v9, vm0, $0xb8;
	[tilespmem:$0x12200] =	vst v63  }
0x4fe: {  	s25 =	simm.s32 $0xEF00  }
0x4ff: {  	[tilespmem:s25], [sflag:$0x2] =	stream.indirect_vreg.gather [hbm4b:s10+s3], $0x80, v10, vm0, $0xb8;
	[tilespmem:$0x12200] =	vst v63  }
0x500: {  	s26 =	simm.s32 $0xEF80  }
0x501: {  	[tilespmem:s26], [sflag:$0x2] =	stream.indirect_vreg.gather [hbm4b:s10+s3], $0x80, v12, vm0, $0xb8;
	[tilespmem:$0x12200] =	vst v63  }
0x502: {  	s29 =	simm.s32 $0xF000;
	s23 =	spop (v2sf)  }
0x503: {  	[tilespmem:s29], [sflag:$0x2] =	stream.indirect_vreg.gather [hbm4b:s10+s3], $0x80, v13, vm0, $0xb8;
	[tilespmem:$0x12200] =	vst v63  }
0x504: {  	s19 =	simm.s32 $0xF080;
	s21 =	simm.s32 $0xF100;
	s24 =	sand.u32 $0x7F, s23  }
0x505: {  	[tilespmem:s19], [sflag:$0x2] =	stream.indirect_vreg.gather [hbm4b:s10+s3], $0x80, v14, vm0, $0xb8;
	[tilespmem:$0x12200] =	vst v63  }
0x506: {  	p3 =	slt.s32 s23, $0x1;
	p4 =	sne.s32 s24, $0x0;
	s25 =	sshra.s32 s23, $0x1F  }
0x507: {  	[tilespmem:s21], [sflag:$0x2] =	stream.indirect_vreg.gather [hbm4b:s10+s3], $0x80, v15, vm0, $0xb8;
	[tilespmem:$0x12200] =	vst v63  }
0x508: {  	s22 =	simm.s32 $0xF180;
	p0 =	por !p3, !p4;
	s26 =	sshrl.u32 s25, $0x19  }
0x509: {  	[tilespmem:s22], [sflag:$0x2] =	stream.indirect_vreg.gather [hbm4b:s10+s3], $0x80, v16, vm0, $0xb8;
	[tilespmem:$0x12200] =	vst v63  }
0x50a: {  	s18 =	simm.s32 $0x1;
	p0 =	por !p0, !p0;
	s10 =	sadd.s32 s26, s23  }
0x50b: {  	s18 =	simm.s32 @!p0 $0x0;
	s10 =	sshrl.u32 s10, $0x7  }
0x50c: {  	s10 =	ssub.s32 s10, s18  }
0x50d: {  	s10 =	sshll.u32 s10, $0x7  }
0x50e: {  	s10 =	sand.u32 $0x1FFFFF80, s10  }
0x50f: {  	s29 =	simm.s32 $0xF200;
	s10 =	sadd.s32 s2, s10  }
0x510: {  	[tilespmem:s29], [sflag:$0x2] =	stream.indirect_vreg.gather [hbm4b:s10+s3], $0x80, v0, vm0, $0xb8;
	[tilespmem:$0x12200] =	vst v63  }
0x511: {  	s19 =	simm.s32 $0xF280  }
0x512: {  	[tilespmem:s19], [sflag:$0x2] =	stream.indirect_vreg.gather [hbm4b:s10+s3], $0x80, v1, vm0, $0xb8;
	[tilespmem:$0x12200] =	vst v63  }
0x513: {  	s21 =	simm.s32 $0xF300  }
0x514: {  	[tilespmem:s21], [sflag:$0x2] =	stream.indirect_vreg.gather [hbm4b:s10+s3], $0x80, v2, vm0, $0xb8;
	[tilespmem:$0x12200] =	vst v63  }
0x515: {  	s22 =	simm.s32 $0xF380  }
0x516: {  	[tilespmem:s22], [sflag:$0x2] =	stream.indirect_vreg.gather [hbm4b:s10+s3], $0x80, v3, vm0, $0xb8;
	[tilespmem:$0x12200] =	vst v63  }
0x517: {  	s23 =	simm.s32 $0xF400  }
0x518: {  	(v2sf) =	vpush v48, $0xF;
	[tilespmem:s23], [sflag:$0x2] =	stream.indirect_vreg.gather [hbm4b:s10+s3], $0x80, v4, vm0, $0xb8;
	[tilespmem:$0x12200] =	vst v63  }
0x519: {  	s24 =	simm.s32 $0xF480  }
0x51a: {  	[tilespmem:s24], [sflag:$0x2] =	stream.indirect_vreg.gather [hbm4b:s10+s3], $0x80, v5, vm0, $0xb8;
	[tilespmem:$0x12200] =	vst v63  }
0x51b: {  	s25 =	simm.s32 $0xF500  }
0x51c: {  	[tilespmem:s25], [sflag:$0x2] =	stream.indirect_vreg.gather [hbm4b:s10+s3], $0x80, v6, vm0, $0xb8;
	[tilespmem:$0x12200] =	vst v63  }
0x51d: {  	s26 =	simm.s32 $0xF580  }
0x51e: {  	[tilespmem:s26], [sflag:$0x2] =	stream.indirect_vreg.gather [hbm4b:s10+s3], $0x80, v7, vm0, $0xb8;
	[tilespmem:$0x12200] =	vst v63  }
0x51f: {  	s29 =	simm.s32 $0xF600  }
0x520: {  	[tilespmem:s29], [sflag:$0x2] =	stream.indirect_vreg.gather [hbm4b:s10+s3], $0x80, v8, vm0, $0xb8;
	[tilespmem:$0x12200] =	vst v63  }
0x521: {  	s19 =	simm.s32 $0xF680  }
0x522: {  	[tilespmem:s19], [sflag:$0x2] =	stream.indirect_vreg.gather [hbm4b:s10+s3], $0x80, v9, vm0, $0xb8;
	[tilespmem:$0x12200] =	vst v63  }
0x523: {  	s21 =	simm.s32 $0xF700  }
0x524: {  	[tilespmem:s21], [sflag:$0x2] =	stream.indirect_vreg.gather [hbm4b:s10+s3], $0x80, v10, vm0, $0xb8;
	[tilespmem:$0x12200] =	vst v63  }
0x525: {  	s22 =	simm.s32 $0xF780  }
0x526: {  	[tilespmem:s22], [sflag:$0x2] =	stream.indirect_vreg.gather [hbm4b:s10+s3], $0x80, v12, vm0, $0xb8;
	[tilespmem:$0x12200] =	vst v63  }
0x527: {  	s23 =	simm.s32 $0xF800;
	s29 =	spop (v2sf)  }
0x528: {  	[tilespmem:s23], [sflag:$0x2] =	stream.indirect_vreg.gather [hbm4b:s10+s3], $0x80, v13, vm0, $0xb8;
	[tilespmem:$0x12200] =	vst v63  }
0x529: {  	s24 =	simm.s32 $0xF880;
	s25 =	simm.s32 $0xF900;
	s21 =	sand.u32 $0x7F, s29  }
0x52a: {  	[tilespmem:s24], [sflag:$0x2] =	stream.indirect_vreg.gather [hbm4b:s10+s3], $0x80, v14, vm0, $0xb8;
	[tilespmem:$0x12200] =	vst v63  }
0x52b: {  	p5 =	slt.s32 s29, $0x1;
	p6 =	sne.s32 s21, $0x0;
	s22 =	sshra.s32 s29, $0x1F  }
0x52c: {  	[tilespmem:s25], [sflag:$0x2] =	stream.indirect_vreg.gather [hbm4b:s10+s3], $0x80, v15, vm0, $0xb8;
	[tilespmem:$0x12200] =	vst v63  }
0x52d: {  	s26 =	simm.s32 $0xF980;
	p0 =	por !p5, !p6;
	s23 =	sshrl.u32 s22, $0x19  }
0x52e: {  	[tilespmem:s26], [sflag:$0x2] =	stream.indirect_vreg.gather [hbm4b:s10+s3], $0x80, v16, vm0, $0xb8;
	[tilespmem:$0x12200] =	vst v63  }
0x52f: {  	s18 =	simm.s32 $0x1;
	p0 =	por !p0, !p0;
	s10 =	sadd.s32 s23, s29  }
0x530: {  	s18 =	simm.s32 @!p0 $0x0;
	s10 =	sshrl.u32 s10, $0x7  }
0x531: {  	s10 =	ssub.s32 s10, s18  }
0x532: {  	s10 =	sshll.u32 s10, $0x7  }
0x533: {  	s10 =	sand.u32 $0x1FFFFF80, s10  }
0x534: {  	s10 =	sadd.s32 s2, s10  }
0x535: {  	[tilespmem:s6], [sflag:$0x2] =	stream.indirect_vreg.gather [hbm4b:s10+s3], $0x80, v0, vm0, $0xb8;
	[tilespmem:$0x12200] =	vst v63  }
0x536: {  	_ = 	snop  }
0x537: {  	[tilespmem:s7], [sflag:$0x2] =	stream.indirect_vreg.gather [hbm4b:s10+s3], $0x80, v1, vm0, $0xb8;
	[tilespmem:$0x12200] =	vst v63  }
0x538: {  	_ = 	snop  }
0x539: {  	[tilespmem:s5], [sflag:$0x2] =	stream.indirect_vreg.gather [hbm4b:s10+s3], $0x80, v2, vm0, $0xb8;
	[tilespmem:$0x12200] =	vst v63  }
0x53a: {  	_ = 	snop  }
0x53b: {  	[tilespmem:s0], [sflag:$0x2] =	stream.indirect_vreg.gather [hbm4b:s10+s3], $0x80, v3, vm0, $0xb8;
	[tilespmem:$0x12200] =	vst v63  }
0x53c: {  	_ = 	snop  }
0x53d: {  	[tilespmem:s4], [sflag:$0x2] =	stream.indirect_vreg.gather [hbm4b:s10+s3], $0x80, v4, vm0, $0xb8;
	[tilespmem:$0x12200] =	vst v63  }
0x53e: {  	_ = 	snop  }
0x53f: {  	[tilespmem:s1], [sflag:$0x2] =	stream.indirect_vreg.gather [hbm4b:s10+s3], $0x80, v5, vm0, $0xb8;
	[tilespmem:$0x12200] =	vst v63  }
0x540: {  	s24 =	simm.s32 $0xFD00  }
0x541: {  	[tilespmem:s24], [sflag:$0x2] =	stream.indirect_vreg.gather [hbm4b:s10+s3], $0x80, v6, vm0, $0xb8;
	[tilespmem:$0x12200] =	vst v63  }
0x542: {  	_ = 	snop  }
0x543: {  	[tilespmem:s31], [sflag:$0x2] =	stream.indirect_vreg.gather [hbm4b:s10+s3], $0x80, v7, vm0, $0xb8;
	[tilespmem:$0x12200] =	vst v63  }
0x544: {  	_ = 	snop  }
0x545: {  	[tilespmem:s30], [sflag:$0x2] =	stream.indirect_vreg.gather [hbm4b:s10+s3], $0x80, v8, vm0, $0xb8;
	[tilespmem:$0x12200] =	vst v63  }
0x546: {  	s25 =	simm.s32 $0xFE80  }
0x547: {  	[tilespmem:s25], [sflag:$0x2] =	stream.indirect_vreg.gather [hbm4b:s10+s3], $0x80, v9, vm0, $0xb8;
	[tilespmem:$0x12200] =	vst v63  }
0x548: {  	s26 =	simm.s32 $0xFF00  }
0x549: {  	[tilespmem:s26], [sflag:$0x2] =	stream.indirect_vreg.gather [hbm4b:s10+s3], $0x80, v10, vm0, $0xb8;
	[tilespmem:$0x12200] =	vst v63  }
0x54a: {  	s29 =	simm.s32 $0xFF80  }
0x54b: {  	[tilespmem:s29], [sflag:$0x2] =	stream.indirect_vreg.gather [hbm4b:s10+s3], $0x80, v12, vm0, $0xb8;
	[tilespmem:$0x12200] =	vst v63  }
0x54c: {  	s19 =	simm.s32 $0x10000  }
0x54d: {  	[tilespmem:s19], [sflag:$0x2] =	stream.indirect_vreg.gather [hbm4b:s10+s3], $0x80, v13, vm0, $0xb8;
	[tilespmem:$0x12200] =	vst v63  }
0x54e: {  	s21 =	simm.s32 $0x10080  }
0x54f: {  	[tilespmem:s21], [sflag:$0x2] =	stream.indirect_vreg.gather [hbm4b:s10+s3], $0x80, v14, vm0, $0xb8;
	[tilespmem:$0x12200] =	vst v63  }
0x550: {  	s22 =	simm.s32 $0x10100  }
0x551: {  	[tilespmem:s22], [sflag:$0x2] =	stream.indirect_vreg.gather [hbm4b:s10+s3], $0x80, v15, vm0, $0xb8;
	[tilespmem:$0x12200] =	vst v63  }
0x552: {  	s23 =	simm.s32 $0x10180  }
0x553: {  	[tilespmem:s23], [sflag:$0x2] =	stream.indirect_vreg.gather [hbm4b:s10+s3], $0x80, v16, vm0, $0xb8;
	[tilespmem:$0x12200] =	vst v63  }
0x554: {  	v62 =	vld [tilespmem:s11+$0xFFFFFFE0];
	_ =	swait.ge [sflag:s8], $0x800  }
0x555: {  	[sflag:s8] =	ssyncset.done $0x0  }
0x556: {  	[sflag:s8] =	ssyncadd.s32 $0xFFFFF800  }
0x557: {  	_ =	swait.ge [sflag:s8], $0x800  }
0x558: {  	[sflag:s8] =	ssyncset.done $0x0  }
0x559: {  	[sflag:s8] =	ssyncadd.s32 $0xFFFFF800  }
0x55a: {  	_ =	swait.ge [sflag:s8], $0x800  }
0x55b: {  	[sflag:s8] =	ssyncset.done $0x0  }
0x55c: {  	[sflag:s8] =	ssyncadd.s32 $0xFFFFF800  }
0x55d: {  	_ =	swait.ge [sflag:s8], $0x800  }
0x55e: {  	[sflag:s8] =	ssyncset.done $0x0  }
0x55f: {  	[sflag:s8] =	ssyncadd.s32 $0xFFFFF800  }
0x560: {  	_ =	swait.ge [sflag:s8], $0x800  }
0x561: {  	[sflag:s8] =	ssyncset.done $0x0  }
0x562: {  	[sflag:s8] =	ssyncadd.s32 $0xFFFFF800  }
0x563: {  	_ =	swait.ge [sflag:s8], $0x800  }
0x564: {  	[sflag:s8] =	ssyncset.done $0x0  }
0x565: {  	[sflag:s8] =	ssyncadd.s32 $0xFFFFF800  }
0x566: {  	_ =	swait.ge [sflag:s8], $0x800  }
0x567: {  	[sflag:s8] =	ssyncset.done $0x0  }
0x568: {  	[sflag:s8] =	ssyncadd.s32 $0xFFFFF800  }
0x569: {  	_ =	swait.ge [sflag:s8], $0x800  }
0x56a: {  	[sflag:s8] =	ssyncset.done $0x0  }
0x56b: {  	[sflag:s8] =	ssyncadd.s32 $0xFFFFF800  }
0x56c: {  	_ =	swait.ge [sflag:s8], $0x800  }
0x56d: {  	[sflag:s8] =	ssyncset.done $0x0  }
0x56e: {  	[sflag:s8] =	ssyncadd.s32 $0xFFFFF800  }
0x56f: {  	_ =	swait.ge [sflag:s8], $0x800  }
0x570: {  	[sflag:s8] =	ssyncset.done $0x0  }
0x571: {  	[sflag:s8] =	ssyncadd.s32 $0xFFFFF800  }
0x572: {  	_ =	swait.ge [sflag:s8], $0x800  }
0x573: {  	[sflag:s8] =	ssyncset.done $0x0  }
0x574: {  	[sflag:s8] =	ssyncadd.s32 $0xFFFFF800  }
0x575: {  	_ =	swait.ge [sflag:s8], $0x800  }
0x576: {  	[sflag:s8] =	ssyncset.done $0x0  }
0x577: {  	[sflag:s8] =	ssyncadd.s32 $0xFFFFF800  }
0x578: {  	_ =	swait.ge [sflag:s8], $0x800  }
0x579: {  	[sflag:s8] =	ssyncset.done $0x0  }
0x57a: {  	[sflag:s8] =	ssyncadd.s32 $0xFFFFF800  }
0x57b: {  	_ =	swait.ge [sflag:s8], $0x800  }
0x57c: {  	[sflag:s8] =	ssyncset.done $0x0  }
0x57d: {  	[sflag:s8] =	ssyncadd.s32 $0xFFFFF800  }
0x57e: {  	v48 =	vand.u32 $0x7F, v62;
	_ =	swait.ge [sflag:s8], $0x800  }
0x57f: {  	v49 =	vor.u32 v11, v48;
	[sflag:s8] =	ssyncset.done $0x0  }
0x580: {  	[sflag:s8] =	ssyncadd.s32 $0xFFFFF800  }
0x581: {  	_ =	swait.ge [sflag:s8], $0x800  }
0x582: {  	[sflag:s8] =	ssyncset.done $0x0  }
0x583: {  	[sflag:s8] =	ssyncadd.s32 $0xFFFFF800  }
0x584: {  	v49 =	vld.idx.msk [tilespmem:v49+s9+$0x0], $0xffff  }
0x585: {  	v50 =	vor.u32 v17, v48  }
0x586: {  	s28 =	sand.u32 $0xC00, s14  }
0x587: {  	s10 =	sor.u32 $0x10200, s28  }
0x588: {  	s24 =	sor.u32 s17, s10  }
0x589: {  	[tilespmem:s24+$0x0] =	vst v49  }
0x58a: {  	v49 =	vld.idx.msk [tilespmem:v50+s9+$0x0], $0xffff  }
0x58b: {  	v63 =	vor.u32 v18, v48;
	_ =	sdelay $0x3  }
0x58c: {  	[tilespmem:s24+$0x80] =	vst v49  }
0x58d: {  	v49 =	vld.idx.msk [tilespmem:v63+s9+$0x0], $0xffff  }
0x58e: {  	v52 =	vor.u32 v19, v48;
	_ =	sdelay $0x3  }
0x58f: {  	[tilespmem:s24+$0x100] =	vst v49  }
0x590: {  	v49 =	vld.idx.msk [tilespmem:v52+s9+$0x0], $0xffff  }
0x591: {  	v53 =	vor.u32 v20, v48;
	_ =	sdelay $0x3  }
0x592: {  	[tilespmem:s24+$0x180] =	vst v49  }
0x593: {  	v49 =	vld.idx.msk [tilespmem:v53+s9+$0x0], $0xffff  }
0x594: {  	v54 =	vor.u32 v21, v48;
	_ =	sdelay $0x3  }
0x595: {  	[tilespmem:s24+$0x200] =	vst v49  }
0x596: {  	v49 =	vld.idx.msk [tilespmem:v54+s9+$0x0], $0xffff  }
0x597: {  	v55 =	vor.u32 v22, v48;
	_ =	sdelay $0x3  }
0x598: {  	[tilespmem:s24+$0x280] =	vst v49  }
0x599: {  	v49 =	vld.idx.msk [tilespmem:v55+s9+$0x0], $0xffff  }
0x59a: {  	s25 =	sshll.u32 s13, $0x5;
	v56 =	vor.u32 v23, v48  }
0x59b: {  	s18 =	sand.u32 $0x60, s25  }
0x59c: {  	s18 =	sadd.s32 s18, s14  }
0x59d: {  	s26 =	sor.u32 $0x300, s18  }
0x59e: {  	[tilespmem:s26+$0x10200] =	vst v49  }
0x59f: {  	v49 =	vld.idx.msk [tilespmem:v56+s9+$0x0], $0xffff  }
0x5a0: {  	v57 =	vor.u32 v24, v48;
	_ =	sdelay $0x1  }
0x5a1: {  	s29 =	sor.u32 s14, s12  }
0x5a2: {  	s19 =	sor.u32 $0x380, s29  }
0x5a3: {  	[tilespmem:s19+$0x10200] =	vst v49  }
0x5a4: {  	v49 =	vld.idx.msk [tilespmem:v57+s9+$0x0], $0xffff  }
0x5a5: {  	v58 =	vor.u32 v25, v48;
	_ =	sdelay $0x1  }
0x5a6: {  	s19 =	sor.u32 $0x11200, s28  }
0x5a7: {  	s21 =	sor.u32 s17, s19  }
0x5a8: {  	[tilespmem:s21+$0x0] =	vst v49  }
0x5a9: {  	v49 =	vld.idx.msk [tilespmem:v58+s9+$0x0], $0xffff  }
0x5aa: {  	v59 =	vor.u32 v26, v48;
	_ =	sdelay $0x1  }
0x5ab: {  	s21 =	sor.u32 $0x11280, s28  }
0x5ac: {  	s22 =	sor.u32 s17, s21  }
0x5ad: {  	[tilespmem:s22+$0x0] =	vst v49  }
0x5ae: {  	v49 =	vld.idx.msk [tilespmem:v59+s9+$0x0], $0xffff  }
0x5af: {  	v60 =	vor.u32 v27, v48;
	_ =	sdelay $0x1  }
0x5b0: {  	s22 =	sor.u32 $0x11300, s28  }
0x5b1: {  	s23 =	sor.u32 s17, s22  }
0x5b2: {  	[tilespmem:s23+$0x0] =	vst v49  }
0x5b3: {  	v49 =	vld.idx.msk [tilespmem:v60+s9+$0x0], $0xffff  }
0x5b4: {  	v61 =	vor.u32 v28, v48;
	_ =	sdelay $0x1  }
0x5b5: {  	s23 =	sor.u32 $0x11380, s28  }
0x5b6: {  	s24 =	sor.u32 s17, s23  }
0x5b7: {  	[tilespmem:s24+$0x0] =	vst v49  }
0x5b8: {  	v49 =	vld.idx.msk [tilespmem:v61+s9+$0x0], $0xffff  }
0x5b9: {  	v62 =	vor.u32 v29, v48;
	_ =	sdelay $0x1  }
0x5ba: {  	s24 =	sadd.s32 $0x11400, s28  }
0x5bb: {  	s25 =	sor.u32 s17, s24  }
0x5bc: {  	[tilespmem:s25+$0x0] =	vst v49  }
0x5bd: {  	v49 =	vld.idx.msk [tilespmem:v62+s9+$0x0], $0xffff  }
0x5be: {  	v63 =	vor.u32 v30, v48;
	_ =	sdelay $0x1  }
0x5bf: {  	s25 =	sadd.s32 $0x11480, s28  }
0x5c0: {  	s26 =	sor.u32 s17, s25  }
0x5c1: {  	[tilespmem:s26+$0x0] =	vst v49  }
0x5c2: {  	v49 =	vld.idx.msk [tilespmem:v63+s9+$0x0], $0xffff  }
0x5c3: {  	v48 =	vor.u32 v31, v48;
	_ =	sdelay $0x1  }
0x5c4: {  	s26 =	sadd.s32 $0x11500, s28  }
0x5c5: {  	s29 =	sor.u32 s17, s26  }
0x5c6: {  	[tilespmem:s29+$0x0] =	vst v49  }
0x5c7: {  	p0 =	seq.s32 s14, $0xF00;
	v48 =	vld.idx.msk [tilespmem:v48+s9+$0x0], $0xffff  }
.Ltmp4:
0x5c8: {  	_ = 	snop;
	(pc) =	sbr.rel @p0 .LBB2_4-.Ltmp4, $4  }
0x5c9: {  	_ = 	snop  }
0x5ca: {  	s28 =	sadd.s32 $0x11580, s28  }
0x5cb: {  	s17 =	sor.u32 s17, s28  }
0x5cc: {  	[tilespmem:s17+$0x0] =	vst v48  }
0x5cd: {  	v48 =	vld [tilespmem:s11+$0x0];
	_ =	sdelay $0x4  }
0x5ce: {  	(v2sf) =	vpush v48, $0x0;
	_ =	sdelay $0xe  }
0x5cf: {  	s17 =	spop (v2sf)  }
0x5d0: {  	s29 =	sand.u32 $0x7F, s17  }
0x5d1: {  	p1 =	slt.s32 s17, $0x1;
	p0 =	sne.s32 s29, $0x0;
	s29 =	sshra.s32 s17, $0x1F  }
0x5d2: {  	s29 =	sshrl.u32 s29, $0x19;
	p0 =	por !p1, !p0  }
0x5d3: {  	s17 =	sadd.s32 s29, s17;
	p0 =	por !p0, !p0;
	s29 =	simm.s32 $0x1  }
0x5d4: {  	s17 =	sshrl.u32 s17, $0x7;
	s29 =	simm.s32 @!p0 $0x0  }
0x5d5: {  	s17 =	ssub.s32 s17, s29  }
0x5d6: {  	s17 =	sshll.u32 s17, $0x7  }
0x5d7: {  	s17 =	sand.u32 $0x1FFFFF80, s17  }
0x5d8: {  	s17 =	sadd.s32 s2, s17  }
0x5d9: {  	[tilespmem:s9], [sflag:$0x1] =	stream.indirect_vreg.gather [hbm4b:s17+s3], $0x80, v0, vm0, $0xb8;
	[tilespmem:$0x12200] =	vst v63  }
0x5da: {  	s29 =	simm.s32 $0x280  }
0x5db: {  	[tilespmem:s29], [sflag:$0x1] =	stream.indirect_vreg.gather [hbm4b:s17+s3], $0x80, v1, vm0, $0xb8;
	[tilespmem:$0x12200] =	vst v63  }
0x5dc: {  	s29 =	simm.s32 $0x300  }
0x5dd: {  	[tilespmem:s29], [sflag:$0x1] =	stream.indirect_vreg.gather [hbm4b:s17+s3], $0x80, v2, vm0, $0xb8;
	[tilespmem:$0x12200] =	vst v63  }
0x5de: {  	s29 =	simm.s32 $0x380  }
0x5df: {  	[tilespmem:s29], [sflag:$0x1] =	stream.indirect_vreg.gather [hbm4b:s17+s3], $0x80, v3, vm0, $0xb8;
	[tilespmem:$0x12200] =	vst v63  }
0x5e0: {  	s29 =	simm.s32 $0x400  }
0x5e1: {  	[tilespmem:s29], [sflag:$0x1] =	stream.indirect_vreg.gather [hbm4b:s17+s3], $0x80, v4, vm0, $0xb8;
	[tilespmem:$0x12200] =	vst v63  }
0x5e2: {  	s29 =	simm.s32 $0x480  }
0x5e3: {  	[tilespmem:s29], [sflag:$0x1] =	stream.indirect_vreg.gather [hbm4b:s17+s3], $0x80, v5, vm0, $0xb8;
	[tilespmem:$0x12200] =	vst v63  }
0x5e4: {  	s29 =	simm.s32 $0x500  }
0x5e5: {  	[tilespmem:s29], [sflag:$0x1] =	stream.indirect_vreg.gather [hbm4b:s17+s3], $0x80, v6, vm0, $0xb8;
	[tilespmem:$0x12200] =	vst v63  }
0x5e6: {  	s29 =	simm.s32 $0x580  }
0x5e7: {  	[tilespmem:s29], [sflag:$0x1] =	stream.indirect_vreg.gather [hbm4b:s17+s3], $0x80, v7, vm0, $0xb8;
	[tilespmem:$0x12200] =	vst v63  }
0x5e8: {  	s29 =	simm.s32 $0x600  }
0x5e9: {  	(v2sf) =	vpush v48, $0x1;
	[tilespmem:s29], [sflag:$0x1] =	stream.indirect_vreg.gather [hbm4b:s17+s3], $0x80, v8, vm0, $0xb8;
	[tilespmem:$0x12200] =	vst v63  }
0x5ea: {  	s29 =	simm.s32 $0x680  }
0x5eb: {  	[tilespmem:s29], [sflag:$0x1] =	stream.indirect_vreg.gather [hbm4b:s17+s3], $0x80, v9, vm0, $0xb8;
	[tilespmem:$0x12200] =	vst v63  }
0x5ec: {  	s29 =	simm.s32 $0x700  }
0x5ed: {  	[tilespmem:s29], [sflag:$0x1] =	stream.indirect_vreg.gather [hbm4b:s17+s3], $0x80, v10, vm0, $0xb8;
	[tilespmem:$0x12200] =	vst v63  }
0x5ee: {  	s29 =	simm.s32 $0x780  }
0x5ef: {  	[tilespmem:s29], [sflag:$0x1] =	stream.indirect_vreg.gather [hbm4b:s17+s3], $0x80, v12, vm0, $0xb8;
	[tilespmem:$0x12200] =	vst v63  }
0x5f0: {  	s29 =	simm.s32 $0x800  }
0x5f1: {  	[tilespmem:s29], [sflag:$0x1] =	stream.indirect_vreg.gather [hbm4b:s17+s3], $0x80, v13, vm0, $0xb8;
	[tilespmem:$0x12200] =	vst v63  }
0x5f2: {  	s29 =	simm.s32 $0x880  }
0x5f3: {  	[tilespmem:s29], [sflag:$0x1] =	stream.indirect_vreg.gather [hbm4b:s17+s3], $0x80, v14, vm0, $0xb8;
	[tilespmem:$0x12200] =	vst v63  }
0x5f4: {  	s29 =	simm.s32 $0x900  }
0x5f5: {  	[tilespmem:s29], [sflag:$0x1] =	stream.indirect_vreg.gather [hbm4b:s17+s3], $0x80, v15, vm0, $0xb8;
	[tilespmem:$0x12200] =	vst v63  }
0x5f6: {  	s29 =	simm.s32 $0x980  }
0x5f7: {  	[tilespmem:s29], [sflag:$0x1] =	stream.indirect_vreg.gather [hbm4b:s17+s3], $0x80, v16, vm0, $0xb8;
	[tilespmem:$0x12200] =	vst v63  }
0x5f8: {  	s17 =	spop (v2sf)  }
0x5f9: {  	s29 =	sand.u32 $0x7F, s17  }
0x5fa: {  	p2 =	slt.s32 s17, $0x1;
	p1 =	sne.s32 s29, $0x0;
	s29 =	sshra.s32 s17, $0x1F  }
0x5fb: {  	s29 =	sshrl.u32 s29, $0x19;
	p0 =	por !p2, !p1  }
0x5fc: {  	s17 =	sadd.s32 s29, s17;
	p0 =	por !p0, !p0;
	s29 =	simm.s32 $0x1  }
0x5fd: {  	s17 =	sshrl.u32 s17, $0x7;
	s29 =	simm.s32 @!p0 $0x0  }
0x5fe: {  	s17 =	ssub.s32 s17, s29  }
0x5ff: {  	s17 =	sshll.u32 s17, $0x7  }
0x600: {  	s17 =	sand.u32 $0x1FFFFF80, s17  }
0x601: {  	s29 =	simm.s32 $0xA00;
	s17 =	sadd.s32 s2, s17  }
0x602: {  	[tilespmem:s29], [sflag:$0x1] =	stream.indirect_vreg.gather [hbm4b:s17+s3], $0x80, v0, vm0, $0xb8;
	[tilespmem:$0x12200] =	vst v63  }
0x603: {  	s29 =	simm.s32 $0xA80  }
0x604: {  	[tilespmem:s29], [sflag:$0x1] =	stream.indirect_vreg.gather [hbm4b:s17+s3], $0x80, v1, vm0, $0xb8;
	[tilespmem:$0x12200] =	vst v63  }
0x605: {  	s29 =	simm.s32 $0xB00  }
0x606: {  	[tilespmem:s29], [sflag:$0x1] =	stream.indirect_vreg.gather [hbm4b:s17+s3], $0x80, v2, vm0, $0xb8;
	[tilespmem:$0x12200] =	vst v63  }
0x607: {  	s29 =	simm.s32 $0xB80  }
0x608: {  	[tilespmem:s29], [sflag:$0x1] =	stream.indirect_vreg.gather [hbm4b:s17+s3], $0x80, v3, vm0, $0xb8;
	[tilespmem:$0x12200] =	vst v63  }
0x609: {  	s29 =	simm.s32 $0xC00  }
0x60a: {  	[tilespmem:s29], [sflag:$0x1] =	stream.indirect_vreg.gather [hbm4b:s17+s3], $0x80, v4, vm0, $0xb8;
	[tilespmem:$0x12200] =	vst v63  }
0x60b: {  	s29 =	simm.s32 $0xC80  }
0x60c: {  	[tilespmem:s29], [sflag:$0x1] =	stream.indirect_vreg.gather [hbm4b:s17+s3], $0x80, v5, vm0, $0xb8;
	[tilespmem:$0x12200] =	vst v63  }
0x60d: {  	s29 =	simm.s32 $0xD00  }
0x60e: {  	[tilespmem:s29], [sflag:$0x1] =	stream.indirect_vreg.gather [hbm4b:s17+s3], $0x80, v6, vm0, $0xb8;
	[tilespmem:$0x12200] =	vst v63  }
0x60f: {  	s29 =	simm.s32 $0xD80  }
0x610: {  	[tilespmem:s29], [sflag:$0x1] =	stream.indirect_vreg.gather [hbm4b:s17+s3], $0x80, v7, vm0, $0xb8;
	[tilespmem:$0x12200] =	vst v63  }
0x611: {  	s29 =	simm.s32 $0xE00  }
0x612: {  	(v2sf) =	vpush v48, $0x2;
	[tilespmem:s29], [sflag:$0x1] =	stream.indirect_vreg.gather [hbm4b:s17+s3], $0x80, v8, vm0, $0xb8;
	[tilespmem:$0x12200] =	vst v63  }
0x613: {  	s29 =	simm.s32 $0xE80  }
0x614: {  	[tilespmem:s29], [sflag:$0x1] =	stream.indirect_vreg.gather [hbm4b:s17+s3], $0x80, v9, vm0, $0xb8;
	[tilespmem:$0x12200] =	vst v63  }
0x615: {  	s29 =	simm.s32 $0xF00  }
0x616: {  	[tilespmem:s29], [sflag:$0x1] =	stream.indirect_vreg.gather [hbm4b:s17+s3], $0x80, v10, vm0, $0xb8;
	[tilespmem:$0x12200] =	vst v63  }
0x617: {  	s29 =	simm.s32 $0xF80  }
0x618: {  	[tilespmem:s29], [sflag:$0x1] =	stream.indirect_vreg.gather [hbm4b:s17+s3], $0x80, v12, vm0, $0xb8;
	[tilespmem:$0x12200] =	vst v63  }
0x619: {  	s29 =	simm.s32 $0x1000  }
0x61a: {  	[tilespmem:s29], [sflag:$0x1] =	stream.indirect_vreg.gather [hbm4b:s17+s3], $0x80, v13, vm0, $0xb8;
	[tilespmem:$0x12200] =	vst v63  }
0x61b: {  	s29 =	simm.s32 $0x1080  }
0x61c: {  	[tilespmem:s29], [sflag:$0x1] =	stream.indirect_vreg.gather [hbm4b:s17+s3], $0x80, v14, vm0, $0xb8;
	[tilespmem:$0x12200] =	vst v63  }
0x61d: {  	s29 =	simm.s32 $0x1100  }
0x61e: {  	[tilespmem:s29], [sflag:$0x1] =	stream.indirect_vreg.gather [hbm4b:s17+s3], $0x80, v15, vm0, $0xb8;
	[tilespmem:$0x12200] =	vst v63  }
0x61f: {  	s29 =	simm.s32 $0x1180  }
0x620: {  	[tilespmem:s29], [sflag:$0x1] =	stream.indirect_vreg.gather [hbm4b:s17+s3], $0x80, v16, vm0, $0xb8;
	[tilespmem:$0x12200] =	vst v63  }
0x621: {  	s17 =	spop (v2sf)  }
0x622: {  	s29 =	sand.u32 $0x7F, s17  }
0x623: {  	p4 =	slt.s32 s17, $0x1;
	p3 =	sne.s32 s29, $0x0;
	s29 =	sshra.s32 s17, $0x1F  }
0x624: {  	s29 =	sshrl.u32 s29, $0x19;
	p0 =	por !p4, !p3  }
0x625: {  	s17 =	sadd.s32 s29, s17;
	p0 =	por !p0, !p0;
	s29 =	simm.s32 $0x1  }
0x626: {  	s17 =	sshrl.u32 s17, $0x7;
	s29 =	simm.s32 @!p0 $0x0  }
0x627: {  	s17 =	ssub.s32 s17, s29  }
0x628: {  	s17 =	sshll.u32 s17, $0x7  }
0x629: {  	s17 =	sand.u32 $0x1FFFFF80, s17  }
0x62a: {  	s29 =	simm.s32 $0x1200;
	s17 =	sadd.s32 s2, s17  }
0x62b: {  	[tilespmem:s29], [sflag:$0x1] =	stream.indirect_vreg.gather [hbm4b:s17+s3], $0x80, v0, vm0, $0xb8;
	[tilespmem:$0x12200] =	vst v63  }
0x62c: {  	s29 =	simm.s32 $0x1280  }
0x62d: {  	[tilespmem:s29], [sflag:$0x1] =	stream.indirect_vreg.gather [hbm4b:s17+s3], $0x80, v1, vm0, $0xb8;
	[tilespmem:$0x12200] =	vst v63  }
0x62e: {  	s29 =	simm.s32 $0x1300  }
0x62f: {  	[tilespmem:s29], [sflag:$0x1] =	stream.indirect_vreg.gather [hbm4b:s17+s3], $0x80, v2, vm0, $0xb8;
	[tilespmem:$0x12200] =	vst v63  }
0x630: {  	s29 =	simm.s32 $0x1380  }
0x631: {  	[tilespmem:s29], [sflag:$0x1] =	stream.indirect_vreg.gather [hbm4b:s17+s3], $0x80, v3, vm0, $0xb8;
	[tilespmem:$0x12200] =	vst v63  }
0x632: {  	s29 =	simm.s32 $0x1400  }
0x633: {  	[tilespmem:s29], [sflag:$0x1] =	stream.indirect_vreg.gather [hbm4b:s17+s3], $0x80, v4, vm0, $0xb8;
	[tilespmem:$0x12200] =	vst v63  }
0x634: {  	s29 =	simm.s32 $0x1480  }
0x635: {  	[tilespmem:s29], [sflag:$0x1] =	stream.indirect_vreg.gather [hbm4b:s17+s3], $0x80, v5, vm0, $0xb8;
	[tilespmem:$0x12200] =	vst v63  }
0x636: {  	s29 =	simm.s32 $0x1500  }
0x637: {  	[tilespmem:s29], [sflag:$0x1] =	stream.indirect_vreg.gather [hbm4b:s17+s3], $0x80, v6, vm0, $0xb8;
	[tilespmem:$0x12200] =	vst v63  }
0x638: {  	s29 =	simm.s32 $0x1580  }
0x639: {  	[tilespmem:s29], [sflag:$0x1] =	stream.indirect_vreg.gather [hbm4b:s17+s3], $0x80, v7, vm0, $0xb8;
	[tilespmem:$0x12200] =	vst v63  }
0x63a: {  	s29 =	simm.s32 $0x1600  }
0x63b: {  	(v2sf) =	vpush v48, $0x3;
	[tilespmem:s29], [sflag:$0x1] =	stream.indirect_vreg.gather [hbm4b:s17+s3], $0x80, v8, vm0, $0xb8;
	[tilespmem:$0x12200] =	vst v63  }
0x63c: {  	s29 =	simm.s32 $0x1680  }
0x63d: {  	[tilespmem:s29], [sflag:$0x1] =	stream.indirect_vreg.gather [hbm4b:s17+s3], $0x80, v9, vm0, $0xb8;
	[tilespmem:$0x12200] =	vst v63  }
0x63e: {  	s29 =	simm.s32 $0x1700  }
0x63f: {  	[tilespmem:s29], [sflag:$0x1] =	stream.indirect_vreg.gather [hbm4b:s17+s3], $0x80, v10, vm0, $0xb8;
	[tilespmem:$0x12200] =	vst v63  }
0x640: {  	s29 =	simm.s32 $0x1780  }
0x641: {  	[tilespmem:s29], [sflag:$0x1] =	stream.indirect_vreg.gather [hbm4b:s17+s3], $0x80, v12, vm0, $0xb8;
	[tilespmem:$0x12200] =	vst v63  }
0x642: {  	s29 =	simm.s32 $0x1800  }
0x643: {  	[tilespmem:s29], [sflag:$0x1] =	stream.indirect_vreg.gather [hbm4b:s17+s3], $0x80, v13, vm0, $0xb8;
	[tilespmem:$0x12200] =	vst v63  }
0x644: {  	s29 =	simm.s32 $0x1880  }
0x645: {  	[tilespmem:s29], [sflag:$0x1] =	stream.indirect_vreg.gather [hbm4b:s17+s3], $0x80, v14, vm0, $0xb8;
	[tilespmem:$0x12200] =	vst v63  }
0x646: {  	s29 =	simm.s32 $0x1900  }
0x647: {  	[tilespmem:s29], [sflag:$0x1] =	stream.indirect_vreg.gather [hbm4b:s17+s3], $0x80, v15, vm0, $0xb8;
	[tilespmem:$0x12200] =	vst v63  }
0x648: {  	s29 =	simm.s32 $0x1980  }
0x649: {  	[tilespmem:s29], [sflag:$0x1] =	stream.indirect_vreg.gather [hbm4b:s17+s3], $0x80, v16, vm0, $0xb8;
	[tilespmem:$0x12200] =	vst v63  }
0x64a: {  	s17 =	spop (v2sf)  }
0x64b: {  	s29 =	sand.u32 $0x7F, s17  }
0x64c: {  	p6 =	slt.s32 s17, $0x1;
	p5 =	sne.s32 s29, $0x0;
	s29 =	sshra.s32 s17, $0x1F  }
0x64d: {  	s29 =	sshrl.u32 s29, $0x19;
	p0 =	por !p6, !p5  }
0x64e: {  	s17 =	sadd.s32 s29, s17;
	p0 =	por !p0, !p0;
	s29 =	simm.s32 $0x1  }
0x64f: {  	s17 =	sshrl.u32 s17, $0x7;
	s29 =	simm.s32 @!p0 $0x0  }
0x650: {  	s17 =	ssub.s32 s17, s29  }
0x651: {  	s17 =	sshll.u32 s17, $0x7  }
0x652: {  	s17 =	sand.u32 $0x1FFFFF80, s17  }
0x653: {  	s29 =	simm.s32 $0x1A00;
	s17 =	sadd.s32 s2, s17  }
0x654: {  	[tilespmem:s29], [sflag:$0x1] =	stream.indirect_vreg.gather [hbm4b:s17+s3], $0x80, v0, vm0, $0xb8;
	[tilespmem:$0x12200] =	vst v63  }
0x655: {  	s29 =	simm.s32 $0x1A80  }
0x656: {  	[tilespmem:s29], [sflag:$0x1] =	stream.indirect_vreg.gather [hbm4b:s17+s3], $0x80, v1, vm0, $0xb8;
	[tilespmem:$0x12200] =	vst v63  }
0x657: {  	s29 =	simm.s32 $0x1B00  }
0x658: {  	[tilespmem:s29], [sflag:$0x1] =	stream.indirect_vreg.gather [hbm4b:s17+s3], $0x80, v2, vm0, $0xb8;
	[tilespmem:$0x12200] =	vst v63  }
0x659: {  	s29 =	simm.s32 $0x1B80  }
0x65a: {  	[tilespmem:s29], [sflag:$0x1] =	stream.indirect_vreg.gather [hbm4b:s17+s3], $0x80, v3, vm0, $0xb8;
	[tilespmem:$0x12200] =	vst v63  }
0x65b: {  	s29 =	simm.s32 $0x1C00  }
0x65c: {  	[tilespmem:s29], [sflag:$0x1] =	stream.indirect_vreg.gather [hbm4b:s17+s3], $0x80, v4, vm0, $0xb8;
	[tilespmem:$0x12200] =	vst v63  }
0x65d: {  	s29 =	simm.s32 $0x1C80  }
0x65e: {  	[tilespmem:s29], [sflag:$0x1] =	stream.indirect_vreg.gather [hbm4b:s17+s3], $0x80, v5, vm0, $0xb8;
	[tilespmem:$0x12200] =	vst v63  }
0x65f: {  	s29 =	simm.s32 $0x1D00  }
0x660: {  	[tilespmem:s29], [sflag:$0x1] =	stream.indirect_vreg.gather [hbm4b:s17+s3], $0x80, v6, vm0, $0xb8;
	[tilespmem:$0x12200] =	vst v63  }
0x661: {  	s29 =	simm.s32 $0x1D80  }
0x662: {  	[tilespmem:s29], [sflag:$0x1] =	stream.indirect_vreg.gather [hbm4b:s17+s3], $0x80, v7, vm0, $0xb8;
	[tilespmem:$0x12200] =	vst v63  }
0x663: {  	s29 =	simm.s32 $0x1E00  }
0x664: {  	(v2sf) =	vpush v48, $0x4;
	[tilespmem:s29], [sflag:$0x1] =	stream.indirect_vreg.gather [hbm4b:s17+s3], $0x80, v8, vm0, $0xb8;
	[tilespmem:$0x12200] =	vst v63  }
0x665: {  	s29 =	simm.s32 $0x1E80  }
0x666: {  	[tilespmem:s29], [sflag:$0x1] =	stream.indirect_vreg.gather [hbm4b:s17+s3], $0x80, v9, vm0, $0xb8;
	[tilespmem:$0x12200] =	vst v63  }
0x667: {  	s29 =	simm.s32 $0x1F00  }
0x668: {  	[tilespmem:s29], [sflag:$0x1] =	stream.indirect_vreg.gather [hbm4b:s17+s3], $0x80, v10, vm0, $0xb8;
	[tilespmem:$0x12200] =	vst v63  }
0x669: {  	s29 =	simm.s32 $0x1F80  }
0x66a: {  	[tilespmem:s29], [sflag:$0x1] =	stream.indirect_vreg.gather [hbm4b:s17+s3], $0x80, v12, vm0, $0xb8;
	[tilespmem:$0x12200] =	vst v63  }
0x66b: {  	s29 =	simm.s32 $0x2000  }
0x66c: {  	[tilespmem:s29], [sflag:$0x1] =	stream.indirect_vreg.gather [hbm4b:s17+s3], $0x80, v13, vm0, $0xb8;
	[tilespmem:$0x12200] =	vst v63  }
0x66d: {  	s29 =	simm.s32 $0x2080  }
0x66e: {  	[tilespmem:s29], [sflag:$0x1] =	stream.indirect_vreg.gather [hbm4b:s17+s3], $0x80, v14, vm0, $0xb8;
	[tilespmem:$0x12200] =	vst v63  }
0x66f: {  	s29 =	simm.s32 $0x2100  }
0x670: {  	[tilespmem:s29], [sflag:$0x1] =	stream.indirect_vreg.gather [hbm4b:s17+s3], $0x80, v15, vm0, $0xb8;
	[tilespmem:$0x12200] =	vst v63  }
0x671: {  	s29 =	simm.s32 $0x2180  }
0x672: {  	[tilespmem:s29], [sflag:$0x1] =	stream.indirect_vreg.gather [hbm4b:s17+s3], $0x80, v16, vm0, $0xb8;
	[tilespmem:$0x12200] =	vst v63  }
0x673: {  	s17 =	spop (v2sf)  }
0x674: {  	s29 =	sand.u32 $0x7F, s17  }
0x675: {  	p2 =	slt.s32 s17, $0x1;
	p1 =	sne.s32 s29, $0x0;
	s29 =	sshra.s32 s17, $0x1F  }
0x676: {  	s29 =	sshrl.u32 s29, $0x19;
	p0 =	por !p2, !p1  }
0x677: {  	s17 =	sadd.s32 s29, s17;
	p0 =	por !p0, !p0;
	s29 =	simm.s32 $0x1  }
0x678: {  	s17 =	sshrl.u32 s17, $0x7;
	s29 =	simm.s32 @!p0 $0x0  }
0x679: {  	s17 =	ssub.s32 s17, s29  }
0x67a: {  	s17 =	sshll.u32 s17, $0x7  }
0x67b: {  	s17 =	sand.u32 $0x1FFFFF80, s17  }
0x67c: {  	s29 =	simm.s32 $0x2200;
	s17 =	sadd.s32 s2, s17  }
0x67d: {  	[tilespmem:s29], [sflag:$0x1] =	stream.indirect_vreg.gather [hbm4b:s17+s3], $0x80, v0, vm0, $0xb8;
	[tilespmem:$0x12200] =	vst v63  }
0x67e: {  	s29 =	simm.s32 $0x2280  }
0x67f: {  	[tilespmem:s29], [sflag:$0x1] =	stream.indirect_vreg.gather [hbm4b:s17+s3], $0x80, v1, vm0, $0xb8;
	[tilespmem:$0x12200] =	vst v63  }
0x680: {  	s29 =	simm.s32 $0x2300  }
0x681: {  	[tilespmem:s29], [sflag:$0x1] =	stream.indirect_vreg.gather [hbm4b:s17+s3], $0x80, v2, vm0, $0xb8;
	[tilespmem:$0x12200] =	vst v63  }
0x682: {  	s29 =	simm.s32 $0x2380  }
0x683: {  	[tilespmem:s29], [sflag:$0x1] =	stream.indirect_vreg.gather [hbm4b:s17+s3], $0x80, v3, vm0, $0xb8;
	[tilespmem:$0x12200] =	vst v63  }
0x684: {  	s29 =	simm.s32 $0x2400  }
0x685: {  	[tilespmem:s29], [sflag:$0x1] =	stream.indirect_vreg.gather [hbm4b:s17+s3], $0x80, v4, vm0, $0xb8;
	[tilespmem:$0x12200] =	vst v63  }
0x686: {  	s29 =	simm.s32 $0x2480  }
0x687: {  	[tilespmem:s29], [sflag:$0x1] =	stream.indirect_vreg.gather [hbm4b:s17+s3], $0x80, v5, vm0, $0xb8;
	[tilespmem:$0x12200] =	vst v63  }
0x688: {  	s29 =	simm.s32 $0x2500  }
0x689: {  	[tilespmem:s29], [sflag:$0x1] =	stream.indirect_vreg.gather [hbm4b:s17+s3], $0x80, v6, vm0, $0xb8;
	[tilespmem:$0x12200] =	vst v63  }
0x68a: {  	s29 =	simm.s32 $0x2580  }
0x68b: {  	[tilespmem:s29], [sflag:$0x1] =	stream.indirect_vreg.gather [hbm4b:s17+s3], $0x80, v7, vm0, $0xb8;
	[tilespmem:$0x12200] =	vst v63  }
0x68c: {  	s29 =	simm.s32 $0x2600  }
0x68d: {  	(v2sf) =	vpush v48, $0x5;
	[tilespmem:s29], [sflag:$0x1] =	stream.indirect_vreg.gather [hbm4b:s17+s3], $0x80, v8, vm0, $0xb8;
	[tilespmem:$0x12200] =	vst v63  }
0x68e: {  	s29 =	simm.s32 $0x2680  }
0x68f: {  	[tilespmem:s29], [sflag:$0x1] =	stream.indirect_vreg.gather [hbm4b:s17+s3], $0x80, v9, vm0, $0xb8;
	[tilespmem:$0x12200] =	vst v63  }
0x690: {  	s29 =	simm.s32 $0x2700  }
0x691: {  	[tilespmem:s29], [sflag:$0x1] =	stream.indirect_vreg.gather [hbm4b:s17+s3], $0x80, v10, vm0, $0xb8;
	[tilespmem:$0x12200] =	vst v63  }
0x692: {  	s29 =	simm.s32 $0x2780  }
0x693: {  	[tilespmem:s29], [sflag:$0x1] =	stream.indirect_vreg.gather [hbm4b:s17+s3], $0x80, v12, vm0, $0xb8;
	[tilespmem:$0x12200] =	vst v63  }
0x694: {  	s29 =	simm.s32 $0x2800  }
0x695: {  	[tilespmem:s29], [sflag:$0x1] =	stream.indirect_vreg.gather [hbm4b:s17+s3], $0x80, v13, vm0, $0xb8;
	[tilespmem:$0x12200] =	vst v63  }
0x696: {  	s29 =	simm.s32 $0x2880  }
0x697: {  	[tilespmem:s29], [sflag:$0x1] =	stream.indirect_vreg.gather [hbm4b:s17+s3], $0x80, v14, vm0, $0xb8;
	[tilespmem:$0x12200] =	vst v63  }
0x698: {  	s29 =	simm.s32 $0x2900  }
0x699: {  	[tilespmem:s29], [sflag:$0x1] =	stream.indirect_vreg.gather [hbm4b:s17+s3], $0x80, v15, vm0, $0xb8;
	[tilespmem:$0x12200] =	vst v63  }
0x69a: {  	s29 =	simm.s32 $0x2980  }
0x69b: {  	[tilespmem:s29], [sflag:$0x1] =	stream.indirect_vreg.gather [hbm4b:s17+s3], $0x80, v16, vm0, $0xb8;
	[tilespmem:$0x12200] =	vst v63  }
0x69c: {  	s17 =	spop (v2sf)  }
0x69d: {  	s29 =	sand.u32 $0x7F, s17  }
0x69e: {  	p4 =	slt.s32 s17, $0x1;
	p3 =	sne.s32 s29, $0x0;
	s29 =	sshra.s32 s17, $0x1F  }
0x69f: {  	s29 =	sshrl.u32 s29, $0x19;
	p0 =	por !p4, !p3  }
0x6a0: {  	s17 =	sadd.s32 s29, s17;
	p0 =	por !p0, !p0;
	s29 =	simm.s32 $0x1  }
0x6a1: {  	s17 =	sshrl.u32 s17, $0x7;
	s29 =	simm.s32 @!p0 $0x0  }
0x6a2: {  	s17 =	ssub.s32 s17, s29  }
0x6a3: {  	s17 =	sshll.u32 s17, $0x7  }
0x6a4: {  	s17 =	sand.u32 $0x1FFFFF80, s17  }
0x6a5: {  	s29 =	simm.s32 $0x2A00;
	s17 =	sadd.s32 s2, s17  }
0x6a6: {  	[tilespmem:s29], [sflag:$0x1] =	stream.indirect_vreg.gather [hbm4b:s17+s3], $0x80, v0, vm0, $0xb8;
	[tilespmem:$0x12200] =	vst v63  }
0x6a7: {  	s29 =	simm.s32 $0x2A80  }
0x6a8: {  	[tilespmem:s29], [sflag:$0x1] =	stream.indirect_vreg.gather [hbm4b:s17+s3], $0x80, v1, vm0, $0xb8;
	[tilespmem:$0x12200] =	vst v63  }
0x6a9: {  	s29 =	simm.s32 $0x2B00  }
0x6aa: {  	[tilespmem:s29], [sflag:$0x1] =	stream.indirect_vreg.gather [hbm4b:s17+s3], $0x80, v2, vm0, $0xb8;
	[tilespmem:$0x12200] =	vst v63  }
0x6ab: {  	s29 =	simm.s32 $0x2B80  }
0x6ac: {  	[tilespmem:s29], [sflag:$0x1] =	stream.indirect_vreg.gather [hbm4b:s17+s3], $0x80, v3, vm0, $0xb8;
	[tilespmem:$0x12200] =	vst v63  }
0x6ad: {  	s29 =	simm.s32 $0x2C00  }
0x6ae: {  	[tilespmem:s29], [sflag:$0x1] =	stream.indirect_vreg.gather [hbm4b:s17+s3], $0x80, v4, vm0, $0xb8;
	[tilespmem:$0x12200] =	vst v63  }
0x6af: {  	s29 =	simm.s32 $0x2C80  }
0x6b0: {  	[tilespmem:s29], [sflag:$0x1] =	stream.indirect_vreg.gather [hbm4b:s17+s3], $0x80, v5, vm0, $0xb8;
	[tilespmem:$0x12200] =	vst v63  }
0x6b1: {  	s29 =	simm.s32 $0x2D00  }
0x6b2: {  	[tilespmem:s29], [sflag:$0x1] =	stream.indirect_vreg.gather [hbm4b:s17+s3], $0x80, v6, vm0, $0xb8;
	[tilespmem:$0x12200] =	vst v63  }
0x6b3: {  	s29 =	simm.s32 $0x2D80  }
0x6b4: {  	[tilespmem:s29], [sflag:$0x1] =	stream.indirect_vreg.gather [hbm4b:s17+s3], $0x80, v7, vm0, $0xb8;
	[tilespmem:$0x12200] =	vst v63  }
0x6b5: {  	s29 =	simm.s32 $0x2E00  }
0x6b6: {  	(v2sf) =	vpush v48, $0x6;
	[tilespmem:s29], [sflag:$0x1] =	stream.indirect_vreg.gather [hbm4b:s17+s3], $0x80, v8, vm0, $0xb8;
	[tilespmem:$0x12200] =	vst v63  }
0x6b7: {  	s29 =	simm.s32 $0x2E80  }
0x6b8: {  	[tilespmem:s29], [sflag:$0x1] =	stream.indirect_vreg.gather [hbm4b:s17+s3], $0x80, v9, vm0, $0xb8;
	[tilespmem:$0x12200] =	vst v63  }
0x6b9: {  	s29 =	simm.s32 $0x2F00  }
0x6ba: {  	[tilespmem:s29], [sflag:$0x1] =	stream.indirect_vreg.gather [hbm4b:s17+s3], $0x80, v10, vm0, $0xb8;
	[tilespmem:$0x12200] =	vst v63  }
0x6bb: {  	s29 =	simm.s32 $0x2F80  }
0x6bc: {  	[tilespmem:s29], [sflag:$0x1] =	stream.indirect_vreg.gather [hbm4b:s17+s3], $0x80, v12, vm0, $0xb8;
	[tilespmem:$0x12200] =	vst v63  }
0x6bd: {  	s29 =	simm.s32 $0x3000  }
0x6be: {  	[tilespmem:s29], [sflag:$0x1] =	stream.indirect_vreg.gather [hbm4b:s17+s3], $0x80, v13, vm0, $0xb8;
	[tilespmem:$0x12200] =	vst v63  }
0x6bf: {  	s29 =	simm.s32 $0x3080  }
0x6c0: {  	[tilespmem:s29], [sflag:$0x1] =	stream.indirect_vreg.gather [hbm4b:s17+s3], $0x80, v14, vm0, $0xb8;
	[tilespmem:$0x12200] =	vst v63  }
0x6c1: {  	s29 =	simm.s32 $0x3100  }
0x6c2: {  	[tilespmem:s29], [sflag:$0x1] =	stream.indirect_vreg.gather [hbm4b:s17+s3], $0x80, v15, vm0, $0xb8;
	[tilespmem:$0x12200] =	vst v63  }
0x6c3: {  	s29 =	simm.s32 $0x3180  }
0x6c4: {  	[tilespmem:s29], [sflag:$0x1] =	stream.indirect_vreg.gather [hbm4b:s17+s3], $0x80, v16, vm0, $0xb8;
	[tilespmem:$0x12200] =	vst v63  }
0x6c5: {  	s17 =	spop (v2sf)  }
0x6c6: {  	s29 =	sand.u32 $0x7F, s17  }
0x6c7: {  	p6 =	slt.s32 s17, $0x1;
	p5 =	sne.s32 s29, $0x0;
	s29 =	sshra.s32 s17, $0x1F  }
0x6c8: {  	s29 =	sshrl.u32 s29, $0x19;
	p0 =	por !p6, !p5  }
0x6c9: {  	s17 =	sadd.s32 s29, s17;
	p0 =	por !p0, !p0;
	s29 =	simm.s32 $0x1  }
0x6ca: {  	s17 =	sshrl.u32 s17, $0x7;
	s29 =	simm.s32 @!p0 $0x0  }
0x6cb: {  	s17 =	ssub.s32 s17, s29  }
0x6cc: {  	s17 =	sshll.u32 s17, $0x7  }
0x6cd: {  	s17 =	sand.u32 $0x1FFFFF80, s17  }
0x6ce: {  	s29 =	simm.s32 $0x3200;
	s17 =	sadd.s32 s2, s17  }
0x6cf: {  	[tilespmem:s29], [sflag:$0x1] =	stream.indirect_vreg.gather [hbm4b:s17+s3], $0x80, v0, vm0, $0xb8;
	[tilespmem:$0x12200] =	vst v63  }
0x6d0: {  	s29 =	simm.s32 $0x3280  }
0x6d1: {  	[tilespmem:s29], [sflag:$0x1] =	stream.indirect_vreg.gather [hbm4b:s17+s3], $0x80, v1, vm0, $0xb8;
	[tilespmem:$0x12200] =	vst v63  }
0x6d2: {  	s29 =	simm.s32 $0x3300  }
0x6d3: {  	[tilespmem:s29], [sflag:$0x1] =	stream.indirect_vreg.gather [hbm4b:s17+s3], $0x80, v2, vm0, $0xb8;
	[tilespmem:$0x12200] =	vst v63  }
0x6d4: {  	s29 =	simm.s32 $0x3380  }
0x6d5: {  	[tilespmem:s29], [sflag:$0x1] =	stream.indirect_vreg.gather [hbm4b:s17+s3], $0x80, v3, vm0, $0xb8;
	[tilespmem:$0x12200] =	vst v63  }
0x6d6: {  	s29 =	simm.s32 $0x3400  }
0x6d7: {  	[tilespmem:s29], [sflag:$0x1] =	stream.indirect_vreg.gather [hbm4b:s17+s3], $0x80, v4, vm0, $0xb8;
	[tilespmem:$0x12200] =	vst v63  }
0x6d8: {  	s29 =	simm.s32 $0x3480  }
0x6d9: {  	[tilespmem:s29], [sflag:$0x1] =	stream.indirect_vreg.gather [hbm4b:s17+s3], $0x80, v5, vm0, $0xb8;
	[tilespmem:$0x12200] =	vst v63  }
0x6da: {  	s29 =	simm.s32 $0x3500  }
0x6db: {  	[tilespmem:s29], [sflag:$0x1] =	stream.indirect_vreg.gather [hbm4b:s17+s3], $0x80, v6, vm0, $0xb8;
	[tilespmem:$0x12200] =	vst v63  }
0x6dc: {  	s29 =	simm.s32 $0x3580  }
0x6dd: {  	[tilespmem:s29], [sflag:$0x1] =	stream.indirect_vreg.gather [hbm4b:s17+s3], $0x80, v7, vm0, $0xb8;
	[tilespmem:$0x12200] =	vst v63  }
0x6de: {  	s29 =	simm.s32 $0x3600  }
0x6df: {  	(v2sf) =	vpush v48, $0x7;
	[tilespmem:s29], [sflag:$0x1] =	stream.indirect_vreg.gather [hbm4b:s17+s3], $0x80, v8, vm0, $0xb8;
	[tilespmem:$0x12200] =	vst v63  }
0x6e0: {  	s29 =	simm.s32 $0x3680  }
0x6e1: {  	[tilespmem:s29], [sflag:$0x1] =	stream.indirect_vreg.gather [hbm4b:s17+s3], $0x80, v9, vm0, $0xb8;
	[tilespmem:$0x12200] =	vst v63  }
0x6e2: {  	s29 =	simm.s32 $0x3700  }
0x6e3: {  	[tilespmem:s29], [sflag:$0x1] =	stream.indirect_vreg.gather [hbm4b:s17+s3], $0x80, v10, vm0, $0xb8;
	[tilespmem:$0x12200] =	vst v63  }
0x6e4: {  	s29 =	simm.s32 $0x3780  }
0x6e5: {  	[tilespmem:s29], [sflag:$0x1] =	stream.indirect_vreg.gather [hbm4b:s17+s3], $0x80, v12, vm0, $0xb8;
	[tilespmem:$0x12200] =	vst v63  }
0x6e6: {  	s29 =	simm.s32 $0x3800  }
0x6e7: {  	[tilespmem:s29], [sflag:$0x1] =	stream.indirect_vreg.gather [hbm4b:s17+s3], $0x80, v13, vm0, $0xb8;
	[tilespmem:$0x12200] =	vst v63  }
0x6e8: {  	s29 =	simm.s32 $0x3880  }
0x6e9: {  	[tilespmem:s29], [sflag:$0x1] =	stream.indirect_vreg.gather [hbm4b:s17+s3], $0x80, v14, vm0, $0xb8;
	[tilespmem:$0x12200] =	vst v63  }
0x6ea: {  	s29 =	simm.s32 $0x3900  }
0x6eb: {  	[tilespmem:s29], [sflag:$0x1] =	stream.indirect_vreg.gather [hbm4b:s17+s3], $0x80, v15, vm0, $0xb8;
	[tilespmem:$0x12200] =	vst v63  }
0x6ec: {  	s29 =	simm.s32 $0x3980  }
0x6ed: {  	[tilespmem:s29], [sflag:$0x1] =	stream.indirect_vreg.gather [hbm4b:s17+s3], $0x80, v16, vm0, $0xb8;
	[tilespmem:$0x12200] =	vst v63  }
0x6ee: {  	s17 =	spop (v2sf)  }
0x6ef: {  	s29 =	sand.u32 $0x7F, s17  }
0x6f0: {  	p2 =	slt.s32 s17, $0x1;
	p1 =	sne.s32 s29, $0x0;
	s29 =	sshra.s32 s17, $0x1F  }
0x6f1: {  	s29 =	sshrl.u32 s29, $0x19;
	p0 =	por !p2, !p1  }
0x6f2: {  	s17 =	sadd.s32 s29, s17;
	p0 =	por !p0, !p0;
	s29 =	simm.s32 $0x1  }
0x6f3: {  	s17 =	sshrl.u32 s17, $0x7;
	s29 =	simm.s32 @!p0 $0x0  }
0x6f4: {  	s17 =	ssub.s32 s17, s29  }
0x6f5: {  	s17 =	sshll.u32 s17, $0x7  }
0x6f6: {  	s17 =	sand.u32 $0x1FFFFF80, s17  }
0x6f7: {  	s29 =	simm.s32 $0x3A00;
	s17 =	sadd.s32 s2, s17  }
0x6f8: {  	[tilespmem:s29], [sflag:$0x1] =	stream.indirect_vreg.gather [hbm4b:s17+s3], $0x80, v0, vm0, $0xb8;
	[tilespmem:$0x12200] =	vst v63  }
0x6f9: {  	s29 =	simm.s32 $0x3A80  }
0x6fa: {  	[tilespmem:s29], [sflag:$0x1] =	stream.indirect_vreg.gather [hbm4b:s17+s3], $0x80, v1, vm0, $0xb8;
	[tilespmem:$0x12200] =	vst v63  }
0x6fb: {  	s29 =	simm.s32 $0x3B00  }
0x6fc: {  	[tilespmem:s29], [sflag:$0x1] =	stream.indirect_vreg.gather [hbm4b:s17+s3], $0x80, v2, vm0, $0xb8;
	[tilespmem:$0x12200] =	vst v63  }
0x6fd: {  	s29 =	simm.s32 $0x3B80  }
0x6fe: {  	[tilespmem:s29], [sflag:$0x1] =	stream.indirect_vreg.gather [hbm4b:s17+s3], $0x80, v3, vm0, $0xb8;
	[tilespmem:$0x12200] =	vst v63  }
0x6ff: {  	s29 =	simm.s32 $0x3C00  }
0x700: {  	[tilespmem:s29], [sflag:$0x1] =	stream.indirect_vreg.gather [hbm4b:s17+s3], $0x80, v4, vm0, $0xb8;
	[tilespmem:$0x12200] =	vst v63  }
0x701: {  	s29 =	simm.s32 $0x3C80  }
0x702: {  	[tilespmem:s29], [sflag:$0x1] =	stream.indirect_vreg.gather [hbm4b:s17+s3], $0x80, v5, vm0, $0xb8;
	[tilespmem:$0x12200] =	vst v63  }
0x703: {  	s29 =	simm.s32 $0x3D00  }
0x704: {  	[tilespmem:s29], [sflag:$0x1] =	stream.indirect_vreg.gather [hbm4b:s17+s3], $0x80, v6, vm0, $0xb8;
	[tilespmem:$0x12200] =	vst v63  }
0x705: {  	s29 =	simm.s32 $0x3D80  }
0x706: {  	[tilespmem:s29], [sflag:$0x1] =	stream.indirect_vreg.gather [hbm4b:s17+s3], $0x80, v7, vm0, $0xb8;
	[tilespmem:$0x12200] =	vst v63  }
0x707: {  	s29 =	simm.s32 $0x3E00  }
0x708: {  	(v2sf) =	vpush v48, $0x8;
	[tilespmem:s29], [sflag:$0x1] =	stream.indirect_vreg.gather [hbm4b:s17+s3], $0x80, v8, vm0, $0xb8;
	[tilespmem:$0x12200] =	vst v63  }
0x709: {  	s29 =	simm.s32 $0x3E80  }
0x70a: {  	[tilespmem:s29], [sflag:$0x1] =	stream.indirect_vreg.gather [hbm4b:s17+s3], $0x80, v9, vm0, $0xb8;
	[tilespmem:$0x12200] =	vst v63  }
0x70b: {  	s29 =	simm.s32 $0x3F00  }
0x70c: {  	[tilespmem:s29], [sflag:$0x1] =	stream.indirect_vreg.gather [hbm4b:s17+s3], $0x80, v10, vm0, $0xb8;
	[tilespmem:$0x12200] =	vst v63  }
0x70d: {  	s29 =	simm.s32 $0x3F80  }
0x70e: {  	[tilespmem:s29], [sflag:$0x1] =	stream.indirect_vreg.gather [hbm4b:s17+s3], $0x80, v12, vm0, $0xb8;
	[tilespmem:$0x12200] =	vst v63  }
0x70f: {  	s29 =	simm.s32 $0x4000  }
0x710: {  	[tilespmem:s29], [sflag:$0x1] =	stream.indirect_vreg.gather [hbm4b:s17+s3], $0x80, v13, vm0, $0xb8;
	[tilespmem:$0x12200] =	vst v63  }
0x711: {  	s29 =	simm.s32 $0x4080  }
0x712: {  	[tilespmem:s29], [sflag:$0x1] =	stream.indirect_vreg.gather [hbm4b:s17+s3], $0x80, v14, vm0, $0xb8;
	[tilespmem:$0x12200] =	vst v63  }
0x713: {  	s29 =	simm.s32 $0x4100  }
0x714: {  	[tilespmem:s29], [sflag:$0x1] =	stream.indirect_vreg.gather [hbm4b:s17+s3], $0x80, v15, vm0, $0xb8;
	[tilespmem:$0x12200] =	vst v63  }
0x715: {  	s29 =	simm.s32 $0x4180  }
0x716: {  	[tilespmem:s29], [sflag:$0x1] =	stream.indirect_vreg.gather [hbm4b:s17+s3], $0x80, v16, vm0, $0xb8;
	[tilespmem:$0x12200] =	vst v63  }
0x717: {  	s17 =	spop (v2sf)  }
0x718: {  	s29 =	sand.u32 $0x7F, s17  }
0x719: {  	p4 =	slt.s32 s17, $0x1;
	p3 =	sne.s32 s29, $0x0;
	s29 =	sshra.s32 s17, $0x1F  }
0x71a: {  	s29 =	sshrl.u32 s29, $0x19;
	p0 =	por !p4, !p3  }
0x71b: {  	s17 =	sadd.s32 s29, s17;
	p0 =	por !p0, !p0;
	s29 =	simm.s32 $0x1  }
0x71c: {  	s17 =	sshrl.u32 s17, $0x7;
	s29 =	simm.s32 @!p0 $0x0  }
0x71d: {  	s17 =	ssub.s32 s17, s29  }
0x71e: {  	s17 =	sshll.u32 s17, $0x7  }
0x71f: {  	s17 =	sand.u32 $0x1FFFFF80, s17  }
0x720: {  	s29 =	simm.s32 $0x4200;
	s17 =	sadd.s32 s2, s17  }
0x721: {  	[tilespmem:s29], [sflag:$0x1] =	stream.indirect_vreg.gather [hbm4b:s17+s3], $0x80, v0, vm0, $0xb8;
	[tilespmem:$0x12200] =	vst v63  }
0x722: {  	s29 =	simm.s32 $0x4280  }
0x723: {  	[tilespmem:s29], [sflag:$0x1] =	stream.indirect_vreg.gather [hbm4b:s17+s3], $0x80, v1, vm0, $0xb8;
	[tilespmem:$0x12200] =	vst v63  }
0x724: {  	s29 =	simm.s32 $0x4300  }
0x725: {  	[tilespmem:s29], [sflag:$0x1] =	stream.indirect_vreg.gather [hbm4b:s17+s3], $0x80, v2, vm0, $0xb8;
	[tilespmem:$0x12200] =	vst v63  }
0x726: {  	s29 =	simm.s32 $0x4380  }
0x727: {  	[tilespmem:s29], [sflag:$0x1] =	stream.indirect_vreg.gather [hbm4b:s17+s3], $0x80, v3, vm0, $0xb8;
	[tilespmem:$0x12200] =	vst v63  }
0x728: {  	s29 =	simm.s32 $0x4400  }
0x729: {  	[tilespmem:s29], [sflag:$0x1] =	stream.indirect_vreg.gather [hbm4b:s17+s3], $0x80, v4, vm0, $0xb8;
	[tilespmem:$0x12200] =	vst v63  }
0x72a: {  	s29 =	simm.s32 $0x4480  }
0x72b: {  	[tilespmem:s29], [sflag:$0x1] =	stream.indirect_vreg.gather [hbm4b:s17+s3], $0x80, v5, vm0, $0xb8;
	[tilespmem:$0x12200] =	vst v63  }
0x72c: {  	s29 =	simm.s32 $0x4500  }
0x72d: {  	[tilespmem:s29], [sflag:$0x1] =	stream.indirect_vreg.gather [hbm4b:s17+s3], $0x80, v6, vm0, $0xb8;
	[tilespmem:$0x12200] =	vst v63  }
0x72e: {  	s29 =	simm.s32 $0x4580  }
0x72f: {  	[tilespmem:s29], [sflag:$0x1] =	stream.indirect_vreg.gather [hbm4b:s17+s3], $0x80, v7, vm0, $0xb8;
	[tilespmem:$0x12200] =	vst v63  }
0x730: {  	s29 =	simm.s32 $0x4600  }
0x731: {  	(v2sf) =	vpush v48, $0x9;
	[tilespmem:s29], [sflag:$0x1] =	stream.indirect_vreg.gather [hbm4b:s17+s3], $0x80, v8, vm0, $0xb8;
	[tilespmem:$0x12200] =	vst v63  }
0x732: {  	s29 =	simm.s32 $0x4680  }
0x733: {  	[tilespmem:s29], [sflag:$0x1] =	stream.indirect_vreg.gather [hbm4b:s17+s3], $0x80, v9, vm0, $0xb8;
	[tilespmem:$0x12200] =	vst v63  }
0x734: {  	s29 =	simm.s32 $0x4700  }
0x735: {  	[tilespmem:s29], [sflag:$0x1] =	stream.indirect_vreg.gather [hbm4b:s17+s3], $0x80, v10, vm0, $0xb8;
	[tilespmem:$0x12200] =	vst v63  }
0x736: {  	s29 =	simm.s32 $0x4780  }
0x737: {  	[tilespmem:s29], [sflag:$0x1] =	stream.indirect_vreg.gather [hbm4b:s17+s3], $0x80, v12, vm0, $0xb8;
	[tilespmem:$0x12200] =	vst v63  }
0x738: {  	s29 =	simm.s32 $0x4800  }
0x739: {  	[tilespmem:s29], [sflag:$0x1] =	stream.indirect_vreg.gather [hbm4b:s17+s3], $0x80, v13, vm0, $0xb8;
	[tilespmem:$0x12200] =	vst v63  }
0x73a: {  	s29 =	simm.s32 $0x4880  }
0x73b: {  	[tilespmem:s29], [sflag:$0x1] =	stream.indirect_vreg.gather [hbm4b:s17+s3], $0x80, v14, vm0, $0xb8;
	[tilespmem:$0x12200] =	vst v63  }
0x73c: {  	s29 =	simm.s32 $0x4900  }
0x73d: {  	[tilespmem:s29], [sflag:$0x1] =	stream.indirect_vreg.gather [hbm4b:s17+s3], $0x80, v15, vm0, $0xb8;
	[tilespmem:$0x12200] =	vst v63  }
0x73e: {  	s29 =	simm.s32 $0x4980  }
0x73f: {  	[tilespmem:s29], [sflag:$0x1] =	stream.indirect_vreg.gather [hbm4b:s17+s3], $0x80, v16, vm0, $0xb8;
	[tilespmem:$0x12200] =	vst v63  }
0x740: {  	s17 =	spop (v2sf)  }
0x741: {  	s29 =	sand.u32 $0x7F, s17  }
0x742: {  	p6 =	slt.s32 s17, $0x1;
	p5 =	sne.s32 s29, $0x0;
	s29 =	sshra.s32 s17, $0x1F  }
0x743: {  	s29 =	sshrl.u32 s29, $0x19;
	p0 =	por !p6, !p5  }
0x744: {  	s17 =	sadd.s32 s29, s17;
	p0 =	por !p0, !p0;
	s29 =	simm.s32 $0x1  }
0x745: {  	s17 =	sshrl.u32 s17, $0x7;
	s29 =	simm.s32 @!p0 $0x0  }
0x746: {  	s17 =	ssub.s32 s17, s29  }
0x747: {  	s17 =	sshll.u32 s17, $0x7  }
0x748: {  	s17 =	sand.u32 $0x1FFFFF80, s17  }
0x749: {  	s29 =	simm.s32 $0x4A00;
	s17 =	sadd.s32 s2, s17  }
0x74a: {  	[tilespmem:s29], [sflag:$0x1] =	stream.indirect_vreg.gather [hbm4b:s17+s3], $0x80, v0, vm0, $0xb8;
	[tilespmem:$0x12200] =	vst v63  }
0x74b: {  	s29 =	simm.s32 $0x4A80  }
0x74c: {  	[tilespmem:s29], [sflag:$0x1] =	stream.indirect_vreg.gather [hbm4b:s17+s3], $0x80, v1, vm0, $0xb8;
	[tilespmem:$0x12200] =	vst v63  }
0x74d: {  	s29 =	simm.s32 $0x4B00  }
0x74e: {  	[tilespmem:s29], [sflag:$0x1] =	stream.indirect_vreg.gather [hbm4b:s17+s3], $0x80, v2, vm0, $0xb8;
	[tilespmem:$0x12200] =	vst v63  }
0x74f: {  	s29 =	simm.s32 $0x4B80  }
0x750: {  	[tilespmem:s29], [sflag:$0x1] =	stream.indirect_vreg.gather [hbm4b:s17+s3], $0x80, v3, vm0, $0xb8;
	[tilespmem:$0x12200] =	vst v63  }
0x751: {  	s29 =	simm.s32 $0x4C00  }
0x752: {  	[tilespmem:s29], [sflag:$0x1] =	stream.indirect_vreg.gather [hbm4b:s17+s3], $0x80, v4, vm0, $0xb8;
	[tilespmem:$0x12200] =	vst v63  }
0x753: {  	s29 =	simm.s32 $0x4C80  }
0x754: {  	[tilespmem:s29], [sflag:$0x1] =	stream.indirect_vreg.gather [hbm4b:s17+s3], $0x80, v5, vm0, $0xb8;
	[tilespmem:$0x12200] =	vst v63  }
0x755: {  	s29 =	simm.s32 $0x4D00  }
0x756: {  	[tilespmem:s29], [sflag:$0x1] =	stream.indirect_vreg.gather [hbm4b:s17+s3], $0x80, v6, vm0, $0xb8;
	[tilespmem:$0x12200] =	vst v63  }
0x757: {  	s29 =	simm.s32 $0x4D80  }
0x758: {  	[tilespmem:s29], [sflag:$0x1] =	stream.indirect_vreg.gather [hbm4b:s17+s3], $0x80, v7, vm0, $0xb8;
	[tilespmem:$0x12200] =	vst v63  }
0x759: {  	s29 =	simm.s32 $0x4E00  }
0x75a: {  	(v2sf) =	vpush v48, $0xA;
	[tilespmem:s29], [sflag:$0x1] =	stream.indirect_vreg.gather [hbm4b:s17+s3], $0x80, v8, vm0, $0xb8;
	[tilespmem:$0x12200] =	vst v63  }
0x75b: {  	s29 =	simm.s32 $0x4E80  }
0x75c: {  	[tilespmem:s29], [sflag:$0x1] =	stream.indirect_vreg.gather [hbm4b:s17+s3], $0x80, v9, vm0, $0xb8;
	[tilespmem:$0x12200] =	vst v63  }
0x75d: {  	s29 =	simm.s32 $0x4F00  }
0x75e: {  	[tilespmem:s29], [sflag:$0x1] =	stream.indirect_vreg.gather [hbm4b:s17+s3], $0x80, v10, vm0, $0xb8;
	[tilespmem:$0x12200] =	vst v63  }
0x75f: {  	s29 =	simm.s32 $0x4F80  }
0x760: {  	[tilespmem:s29], [sflag:$0x1] =	stream.indirect_vreg.gather [hbm4b:s17+s3], $0x80, v12, vm0, $0xb8;
	[tilespmem:$0x12200] =	vst v63  }
0x761: {  	s29 =	simm.s32 $0x5000  }
0x762: {  	[tilespmem:s29], [sflag:$0x1] =	stream.indirect_vreg.gather [hbm4b:s17+s3], $0x80, v13, vm0, $0xb8;
	[tilespmem:$0x12200] =	vst v63  }
0x763: {  	s29 =	simm.s32 $0x5080  }
0x764: {  	[tilespmem:s29], [sflag:$0x1] =	stream.indirect_vreg.gather [hbm4b:s17+s3], $0x80, v14, vm0, $0xb8;
	[tilespmem:$0x12200] =	vst v63  }
0x765: {  	s29 =	simm.s32 $0x5100  }
0x766: {  	[tilespmem:s29], [sflag:$0x1] =	stream.indirect_vreg.gather [hbm4b:s17+s3], $0x80, v15, vm0, $0xb8;
	[tilespmem:$0x12200] =	vst v63  }
0x767: {  	s29 =	simm.s32 $0x5180  }
0x768: {  	[tilespmem:s29], [sflag:$0x1] =	stream.indirect_vreg.gather [hbm4b:s17+s3], $0x80, v16, vm0, $0xb8;
	[tilespmem:$0x12200] =	vst v63  }
0x769: {  	s17 =	spop (v2sf)  }
0x76a: {  	s29 =	sand.u32 $0x7F, s17  }
0x76b: {  	p2 =	slt.s32 s17, $0x1;
	p1 =	sne.s32 s29, $0x0;
	s29 =	sshra.s32 s17, $0x1F  }
0x76c: {  	s29 =	sshrl.u32 s29, $0x19;
	p0 =	por !p2, !p1  }
0x76d: {  	s17 =	sadd.s32 s29, s17;
	p0 =	por !p0, !p0;
	s29 =	simm.s32 $0x1  }
0x76e: {  	s17 =	sshrl.u32 s17, $0x7;
	s29 =	simm.s32 @!p0 $0x0  }
0x76f: {  	s17 =	ssub.s32 s17, s29  }
0x770: {  	s17 =	sshll.u32 s17, $0x7  }
0x771: {  	s17 =	sand.u32 $0x1FFFFF80, s17  }
0x772: {  	s29 =	simm.s32 $0x5200;
	s17 =	sadd.s32 s2, s17  }
0x773: {  	[tilespmem:s29], [sflag:$0x1] =	stream.indirect_vreg.gather [hbm4b:s17+s3], $0x80, v0, vm0, $0xb8;
	[tilespmem:$0x12200] =	vst v63  }
0x774: {  	s29 =	simm.s32 $0x5280  }
0x775: {  	[tilespmem:s29], [sflag:$0x1] =	stream.indirect_vreg.gather [hbm4b:s17+s3], $0x80, v1, vm0, $0xb8;
	[tilespmem:$0x12200] =	vst v63  }
0x776: {  	s29 =	simm.s32 $0x5300  }
0x777: {  	[tilespmem:s29], [sflag:$0x1] =	stream.indirect_vreg.gather [hbm4b:s17+s3], $0x80, v2, vm0, $0xb8;
	[tilespmem:$0x12200] =	vst v63  }
0x778: {  	s29 =	simm.s32 $0x5380  }
0x779: {  	[tilespmem:s29], [sflag:$0x1] =	stream.indirect_vreg.gather [hbm4b:s17+s3], $0x80, v3, vm0, $0xb8;
	[tilespmem:$0x12200] =	vst v63  }
0x77a: {  	s29 =	simm.s32 $0x5400  }
0x77b: {  	[tilespmem:s29], [sflag:$0x1] =	stream.indirect_vreg.gather [hbm4b:s17+s3], $0x80, v4, vm0, $0xb8;
	[tilespmem:$0x12200] =	vst v63  }
0x77c: {  	s29 =	simm.s32 $0x5480  }
0x77d: {  	[tilespmem:s29], [sflag:$0x1] =	stream.indirect_vreg.gather [hbm4b:s17+s3], $0x80, v5, vm0, $0xb8;
	[tilespmem:$0x12200] =	vst v63  }
0x77e: {  	s29 =	simm.s32 $0x5500  }
0x77f: {  	[tilespmem:s29], [sflag:$0x1] =	stream.indirect_vreg.gather [hbm4b:s17+s3], $0x80, v6, vm0, $0xb8;
	[tilespmem:$0x12200] =	vst v63  }
0x780: {  	s29 =	simm.s32 $0x5580  }
0x781: {  	[tilespmem:s29], [sflag:$0x1] =	stream.indirect_vreg.gather [hbm4b:s17+s3], $0x80, v7, vm0, $0xb8;
	[tilespmem:$0x12200] =	vst v63  }
0x782: {  	s29 =	simm.s32 $0x5600  }
0x783: {  	(v2sf) =	vpush v48, $0xB;
	[tilespmem:s29], [sflag:$0x1] =	stream.indirect_vreg.gather [hbm4b:s17+s3], $0x80, v8, vm0, $0xb8;
	[tilespmem:$0x12200] =	vst v63  }
0x784: {  	s29 =	simm.s32 $0x5680  }
0x785: {  	[tilespmem:s29], [sflag:$0x1] =	stream.indirect_vreg.gather [hbm4b:s17+s3], $0x80, v9, vm0, $0xb8;
	[tilespmem:$0x12200] =	vst v63  }
0x786: {  	s29 =	simm.s32 $0x5700  }
0x787: {  	[tilespmem:s29], [sflag:$0x1] =	stream.indirect_vreg.gather [hbm4b:s17+s3], $0x80, v10, vm0, $0xb8;
	[tilespmem:$0x12200] =	vst v63  }
0x788: {  	s29 =	simm.s32 $0x5780  }
0x789: {  	[tilespmem:s29], [sflag:$0x1] =	stream.indirect_vreg.gather [hbm4b:s17+s3], $0x80, v12, vm0, $0xb8;
	[tilespmem:$0x12200] =	vst v63  }
0x78a: {  	s29 =	simm.s32 $0x5800  }
0x78b: {  	[tilespmem:s29], [sflag:$0x1] =	stream.indirect_vreg.gather [hbm4b:s17+s3], $0x80, v13, vm0, $0xb8;
	[tilespmem:$0x12200] =	vst v63  }
0x78c: {  	s29 =	simm.s32 $0x5880  }
0x78d: {  	[tilespmem:s29], [sflag:$0x1] =	stream.indirect_vreg.gather [hbm4b:s17+s3], $0x80, v14, vm0, $0xb8;
	[tilespmem:$0x12200] =	vst v63  }
0x78e: {  	s29 =	simm.s32 $0x5900  }
0x78f: {  	[tilespmem:s29], [sflag:$0x1] =	stream.indirect_vreg.gather [hbm4b:s17+s3], $0x80, v15, vm0, $0xb8;
	[tilespmem:$0x12200] =	vst v63  }
0x790: {  	s29 =	simm.s32 $0x5980  }
0x791: {  	[tilespmem:s29], [sflag:$0x1] =	stream.indirect_vreg.gather [hbm4b:s17+s3], $0x80, v16, vm0, $0xb8;
	[tilespmem:$0x12200] =	vst v63  }
0x792: {  	s17 =	spop (v2sf)  }
0x793: {  	s29 =	sand.u32 $0x7F, s17  }
0x794: {  	p4 =	slt.s32 s17, $0x1;
	p3 =	sne.s32 s29, $0x0;
	s29 =	sshra.s32 s17, $0x1F  }
0x795: {  	s29 =	sshrl.u32 s29, $0x19;
	p0 =	por !p4, !p3  }
0x796: {  	s17 =	sadd.s32 s29, s17;
	p0 =	por !p0, !p0;
	s29 =	simm.s32 $0x1  }
0x797: {  	s17 =	sshrl.u32 s17, $0x7;
	s29 =	simm.s32 @!p0 $0x0  }
0x798: {  	s17 =	ssub.s32 s17, s29  }
0x799: {  	s17 =	sshll.u32 s17, $0x7  }
0x79a: {  	s17 =	sand.u32 $0x1FFFFF80, s17  }
0x79b: {  	s29 =	simm.s32 $0x5A00;
	s17 =	sadd.s32 s2, s17  }
0x79c: {  	[tilespmem:s29], [sflag:$0x1] =	stream.indirect_vreg.gather [hbm4b:s17+s3], $0x80, v0, vm0, $0xb8;
	[tilespmem:$0x12200] =	vst v63  }
0x79d: {  	s29 =	simm.s32 $0x5A80  }
0x79e: {  	[tilespmem:s29], [sflag:$0x1] =	stream.indirect_vreg.gather [hbm4b:s17+s3], $0x80, v1, vm0, $0xb8;
	[tilespmem:$0x12200] =	vst v63  }
0x79f: {  	s29 =	simm.s32 $0x5B00  }
0x7a0: {  	[tilespmem:s29], [sflag:$0x1] =	stream.indirect_vreg.gather [hbm4b:s17+s3], $0x80, v2, vm0, $0xb8;
	[tilespmem:$0x12200] =	vst v63  }
0x7a1: {  	s29 =	simm.s32 $0x5B80  }
0x7a2: {  	[tilespmem:s29], [sflag:$0x1] =	stream.indirect_vreg.gather [hbm4b:s17+s3], $0x80, v3, vm0, $0xb8;
	[tilespmem:$0x12200] =	vst v63  }
0x7a3: {  	s29 =	simm.s32 $0x5C00  }
0x7a4: {  	[tilespmem:s29], [sflag:$0x1] =	stream.indirect_vreg.gather [hbm4b:s17+s3], $0x80, v4, vm0, $0xb8;
	[tilespmem:$0x12200] =	vst v63  }
0x7a5: {  	s29 =	simm.s32 $0x5C80  }
0x7a6: {  	[tilespmem:s29], [sflag:$0x1] =	stream.indirect_vreg.gather [hbm4b:s17+s3], $0x80, v5, vm0, $0xb8;
	[tilespmem:$0x12200] =	vst v63  }
0x7a7: {  	s29 =	simm.s32 $0x5D00  }
0x7a8: {  	[tilespmem:s29], [sflag:$0x1] =	stream.indirect_vreg.gather [hbm4b:s17+s3], $0x80, v6, vm0, $0xb8;
	[tilespmem:$0x12200] =	vst v63  }
0x7a9: {  	s29 =	simm.s32 $0x5D80  }
0x7aa: {  	[tilespmem:s29], [sflag:$0x1] =	stream.indirect_vreg.gather [hbm4b:s17+s3], $0x80, v7, vm0, $0xb8;
	[tilespmem:$0x12200] =	vst v63  }
0x7ab: {  	s29 =	simm.s32 $0x5E00  }
0x7ac: {  	(v2sf) =	vpush v48, $0xC;
	[tilespmem:s29], [sflag:$0x1] =	stream.indirect_vreg.gather [hbm4b:s17+s3], $0x80, v8, vm0, $0xb8;
	[tilespmem:$0x12200] =	vst v63  }
0x7ad: {  	s29 =	simm.s32 $0x5E80  }
0x7ae: {  	[tilespmem:s29], [sflag:$0x1] =	stream.indirect_vreg.gather [hbm4b:s17+s3], $0x80, v9, vm0, $0xb8;
	[tilespmem:$0x12200] =	vst v63  }
0x7af: {  	s29 =	simm.s32 $0x5F00  }
0x7b0: {  	[tilespmem:s29], [sflag:$0x1] =	stream.indirect_vreg.gather [hbm4b:s17+s3], $0x80, v10, vm0, $0xb8;
	[tilespmem:$0x12200] =	vst v63  }
0x7b1: {  	s29 =	simm.s32 $0x5F80  }
0x7b2: {  	[tilespmem:s29], [sflag:$0x1] =	stream.indirect_vreg.gather [hbm4b:s17+s3], $0x80, v12, vm0, $0xb8;
	[tilespmem:$0x12200] =	vst v63  }
0x7b3: {  	s29 =	simm.s32 $0x6000  }
0x7b4: {  	[tilespmem:s29], [sflag:$0x1] =	stream.indirect_vreg.gather [hbm4b:s17+s3], $0x80, v13, vm0, $0xb8;
	[tilespmem:$0x12200] =	vst v63  }
0x7b5: {  	s29 =	simm.s32 $0x6080  }
0x7b6: {  	[tilespmem:s29], [sflag:$0x1] =	stream.indirect_vreg.gather [hbm4b:s17+s3], $0x80, v14, vm0, $0xb8;
	[tilespmem:$0x12200] =	vst v63  }
0x7b7: {  	s29 =	simm.s32 $0x6100  }
0x7b8: {  	[tilespmem:s29], [sflag:$0x1] =	stream.indirect_vreg.gather [hbm4b:s17+s3], $0x80, v15, vm0, $0xb8;
	[tilespmem:$0x12200] =	vst v63  }
0x7b9: {  	s29 =	simm.s32 $0x6180  }
0x7ba: {  	[tilespmem:s29], [sflag:$0x1] =	stream.indirect_vreg.gather [hbm4b:s17+s3], $0x80, v16, vm0, $0xb8;
	[tilespmem:$0x12200] =	vst v63  }
0x7bb: {  	s17 =	spop (v2sf)  }
0x7bc: {  	s29 =	sand.u32 $0x7F, s17  }
0x7bd: {  	p6 =	slt.s32 s17, $0x1;
	p5 =	sne.s32 s29, $0x0;
	s29 =	sshra.s32 s17, $0x1F  }
0x7be: {  	s29 =	sshrl.u32 s29, $0x19;
	p0 =	por !p6, !p5  }
0x7bf: {  	s17 =	sadd.s32 s29, s17;
	p0 =	por !p0, !p0;
	s29 =	simm.s32 $0x1  }
0x7c0: {  	s17 =	sshrl.u32 s17, $0x7;
	s29 =	simm.s32 @!p0 $0x0  }
0x7c1: {  	s17 =	ssub.s32 s17, s29  }
0x7c2: {  	s17 =	sshll.u32 s17, $0x7  }
0x7c3: {  	s17 =	sand.u32 $0x1FFFFF80, s17  }
0x7c4: {  	s29 =	simm.s32 $0x6200;
	s17 =	sadd.s32 s2, s17  }
0x7c5: {  	[tilespmem:s29], [sflag:$0x1] =	stream.indirect_vreg.gather [hbm4b:s17+s3], $0x80, v0, vm0, $0xb8;
	[tilespmem:$0x12200] =	vst v63  }
0x7c6: {  	s29 =	simm.s32 $0x6280  }
0x7c7: {  	[tilespmem:s29], [sflag:$0x1] =	stream.indirect_vreg.gather [hbm4b:s17+s3], $0x80, v1, vm0, $0xb8;
	[tilespmem:$0x12200] =	vst v63  }
0x7c8: {  	s29 =	simm.s32 $0x6300  }
0x7c9: {  	[tilespmem:s29], [sflag:$0x1] =	stream.indirect_vreg.gather [hbm4b:s17+s3], $0x80, v2, vm0, $0xb8;
	[tilespmem:$0x12200] =	vst v63  }
0x7ca: {  	s29 =	simm.s32 $0x6380  }
0x7cb: {  	[tilespmem:s29], [sflag:$0x1] =	stream.indirect_vreg.gather [hbm4b:s17+s3], $0x80, v3, vm0, $0xb8;
	[tilespmem:$0x12200] =	vst v63  }
0x7cc: {  	s29 =	simm.s32 $0x6400  }
0x7cd: {  	[tilespmem:s29], [sflag:$0x1] =	stream.indirect_vreg.gather [hbm4b:s17+s3], $0x80, v4, vm0, $0xb8;
	[tilespmem:$0x12200] =	vst v63  }
0x7ce: {  	s29 =	simm.s32 $0x6480  }
0x7cf: {  	[tilespmem:s29], [sflag:$0x1] =	stream.indirect_vreg.gather [hbm4b:s17+s3], $0x80, v5, vm0, $0xb8;
	[tilespmem:$0x12200] =	vst v63  }
0x7d0: {  	s29 =	simm.s32 $0x6500  }
0x7d1: {  	[tilespmem:s29], [sflag:$0x1] =	stream.indirect_vreg.gather [hbm4b:s17+s3], $0x80, v6, vm0, $0xb8;
	[tilespmem:$0x12200] =	vst v63  }
0x7d2: {  	s29 =	simm.s32 $0x6580  }
0x7d3: {  	[tilespmem:s29], [sflag:$0x1] =	stream.indirect_vreg.gather [hbm4b:s17+s3], $0x80, v7, vm0, $0xb8;
	[tilespmem:$0x12200] =	vst v63  }
0x7d4: {  	s29 =	simm.s32 $0x6600  }
0x7d5: {  	(v2sf) =	vpush v48, $0xD;
	[tilespmem:s29], [sflag:$0x1] =	stream.indirect_vreg.gather [hbm4b:s17+s3], $0x80, v8, vm0, $0xb8;
	[tilespmem:$0x12200] =	vst v63  }
0x7d6: {  	s29 =	simm.s32 $0x6680  }
0x7d7: {  	[tilespmem:s29], [sflag:$0x1] =	stream.indirect_vreg.gather [hbm4b:s17+s3], $0x80, v9, vm0, $0xb8;
	[tilespmem:$0x12200] =	vst v63  }
0x7d8: {  	s29 =	simm.s32 $0x6700  }
0x7d9: {  	[tilespmem:s29], [sflag:$0x1] =	stream.indirect_vreg.gather [hbm4b:s17+s3], $0x80, v10, vm0, $0xb8;
	[tilespmem:$0x12200] =	vst v63  }
0x7da: {  	s29 =	simm.s32 $0x6780  }
0x7db: {  	[tilespmem:s29], [sflag:$0x1] =	stream.indirect_vreg.gather [hbm4b:s17+s3], $0x80, v12, vm0, $0xb8;
	[tilespmem:$0x12200] =	vst v63  }
0x7dc: {  	s29 =	simm.s32 $0x6800  }
0x7dd: {  	[tilespmem:s29], [sflag:$0x1] =	stream.indirect_vreg.gather [hbm4b:s17+s3], $0x80, v13, vm0, $0xb8;
	[tilespmem:$0x12200] =	vst v63  }
0x7de: {  	s29 =	simm.s32 $0x6880  }
0x7df: {  	[tilespmem:s29], [sflag:$0x1] =	stream.indirect_vreg.gather [hbm4b:s17+s3], $0x80, v14, vm0, $0xb8;
	[tilespmem:$0x12200] =	vst v63  }
0x7e0: {  	s29 =	simm.s32 $0x6900  }
0x7e1: {  	[tilespmem:s29], [sflag:$0x1] =	stream.indirect_vreg.gather [hbm4b:s17+s3], $0x80, v15, vm0, $0xb8;
	[tilespmem:$0x12200] =	vst v63  }
0x7e2: {  	s29 =	simm.s32 $0x6980  }
0x7e3: {  	[tilespmem:s29], [sflag:$0x1] =	stream.indirect_vreg.gather [hbm4b:s17+s3], $0x80, v16, vm0, $0xb8;
	[tilespmem:$0x12200] =	vst v63  }
0x7e4: {  	s17 =	spop (v2sf)  }
0x7e5: {  	s29 =	sand.u32 $0x7F, s17  }
0x7e6: {  	p2 =	slt.s32 s17, $0x1;
	p1 =	sne.s32 s29, $0x0;
	s29 =	sshra.s32 s17, $0x1F  }
0x7e7: {  	s29 =	sshrl.u32 s29, $0x19;
	p0 =	por !p2, !p1  }
0x7e8: {  	s17 =	sadd.s32 s29, s17;
	p0 =	por !p0, !p0;
	s29 =	simm.s32 $0x1  }
0x7e9: {  	s17 =	sshrl.u32 s17, $0x7;
	s29 =	simm.s32 @!p0 $0x0  }
0x7ea: {  	s17 =	ssub.s32 s17, s29  }
0x7eb: {  	s17 =	sshll.u32 s17, $0x7  }
0x7ec: {  	s17 =	sand.u32 $0x1FFFFF80, s17  }
0x7ed: {  	s29 =	simm.s32 $0x6A00;
	s17 =	sadd.s32 s2, s17  }
0x7ee: {  	[tilespmem:s29], [sflag:$0x1] =	stream.indirect_vreg.gather [hbm4b:s17+s3], $0x80, v0, vm0, $0xb8;
	[tilespmem:$0x12200] =	vst v63  }
0x7ef: {  	s29 =	simm.s32 $0x6A80  }
0x7f0: {  	[tilespmem:s29], [sflag:$0x1] =	stream.indirect_vreg.gather [hbm4b:s17+s3], $0x80, v1, vm0, $0xb8;
	[tilespmem:$0x12200] =	vst v63  }
0x7f1: {  	s29 =	simm.s32 $0x6B00  }
0x7f2: {  	[tilespmem:s29], [sflag:$0x1] =	stream.indirect_vreg.gather [hbm4b:s17+s3], $0x80, v2, vm0, $0xb8;
	[tilespmem:$0x12200] =	vst v63  }
0x7f3: {  	s29 =	simm.s32 $0x6B80  }
0x7f4: {  	[tilespmem:s29], [sflag:$0x1] =	stream.indirect_vreg.gather [hbm4b:s17+s3], $0x80, v3, vm0, $0xb8;
	[tilespmem:$0x12200] =	vst v63  }
0x7f5: {  	s29 =	simm.s32 $0x6C00  }
0x7f6: {  	[tilespmem:s29], [sflag:$0x1] =	stream.indirect_vreg.gather [hbm4b:s17+s3], $0x80, v4, vm0, $0xb8;
	[tilespmem:$0x12200] =	vst v63  }
0x7f7: {  	s29 =	simm.s32 $0x6C80  }
0x7f8: {  	[tilespmem:s29], [sflag:$0x1] =	stream.indirect_vreg.gather [hbm4b:s17+s3], $0x80, v5, vm0, $0xb8;
	[tilespmem:$0x12200] =	vst v63  }
0x7f9: {  	s29 =	simm.s32 $0x6D00  }
0x7fa: {  	[tilespmem:s29], [sflag:$0x1] =	stream.indirect_vreg.gather [hbm4b:s17+s3], $0x80, v6, vm0, $0xb8;
	[tilespmem:$0x12200] =	vst v63  }
0x7fb: {  	s29 =	simm.s32 $0x6D80  }
0x7fc: {  	[tilespmem:s29], [sflag:$0x1] =	stream.indirect_vreg.gather [hbm4b:s17+s3], $0x80, v7, vm0, $0xb8;
	[tilespmem:$0x12200] =	vst v63  }
0x7fd: {  	s29 =	simm.s32 $0x6E00  }
0x7fe: {  	(v2sf) =	vpush v48, $0xE;
	[tilespmem:s29], [sflag:$0x1] =	stream.indirect_vreg.gather [hbm4b:s17+s3], $0x80, v8, vm0, $0xb8;
	[tilespmem:$0x12200] =	vst v63  }
0x7ff: {  	s29 =	simm.s32 $0x6E80  }
0x800: {  	[tilespmem:s29], [sflag:$0x1] =	stream.indirect_vreg.gather [hbm4b:s17+s3], $0x80, v9, vm0, $0xb8;
	[tilespmem:$0x12200] =	vst v63  }
0x801: {  	s29 =	simm.s32 $0x6F00  }
0x802: {  	[tilespmem:s29], [sflag:$0x1] =	stream.indirect_vreg.gather [hbm4b:s17+s3], $0x80, v10, vm0, $0xb8;
	[tilespmem:$0x12200] =	vst v63  }
0x803: {  	s29 =	simm.s32 $0x6F80  }
0x804: {  	[tilespmem:s29], [sflag:$0x1] =	stream.indirect_vreg.gather [hbm4b:s17+s3], $0x80, v12, vm0, $0xb8;
	[tilespmem:$0x12200] =	vst v63  }
0x805: {  	s29 =	simm.s32 $0x7000  }
0x806: {  	[tilespmem:s29], [sflag:$0x1] =	stream.indirect_vreg.gather [hbm4b:s17+s3], $0x80, v13, vm0, $0xb8;
	[tilespmem:$0x12200] =	vst v63  }
0x807: {  	s29 =	simm.s32 $0x7080  }
0x808: {  	[tilespmem:s29], [sflag:$0x1] =	stream.indirect_vreg.gather [hbm4b:s17+s3], $0x80, v14, vm0, $0xb8;
	[tilespmem:$0x12200] =	vst v63  }
0x809: {  	s29 =	simm.s32 $0x7100  }
0x80a: {  	[tilespmem:s29], [sflag:$0x1] =	stream.indirect_vreg.gather [hbm4b:s17+s3], $0x80, v15, vm0, $0xb8;
	[tilespmem:$0x12200] =	vst v63  }
0x80b: {  	s29 =	simm.s32 $0x7180  }
0x80c: {  	[tilespmem:s29], [sflag:$0x1] =	stream.indirect_vreg.gather [hbm4b:s17+s3], $0x80, v16, vm0, $0xb8;
	[tilespmem:$0x12200] =	vst v63  }
0x80d: {  	s17 =	spop (v2sf)  }
0x80e: {  	s29 =	sand.u32 $0x7F, s17  }
0x80f: {  	p4 =	slt.s32 s17, $0x1;
	p3 =	sne.s32 s29, $0x0;
	s29 =	sshra.s32 s17, $0x1F  }
0x810: {  	s29 =	sshrl.u32 s29, $0x19;
	p0 =	por !p4, !p3  }
0x811: {  	s17 =	sadd.s32 s29, s17;
	p0 =	por !p0, !p0;
	s29 =	simm.s32 $0x1  }
0x812: {  	s17 =	sshrl.u32 s17, $0x7;
	s29 =	simm.s32 @!p0 $0x0  }
0x813: {  	s17 =	ssub.s32 s17, s29  }
0x814: {  	s17 =	sshll.u32 s17, $0x7  }
0x815: {  	s17 =	sand.u32 $0x1FFFFF80, s17  }
0x816: {  	s29 =	simm.s32 $0x7200;
	s17 =	sadd.s32 s2, s17  }
0x817: {  	[tilespmem:s29], [sflag:$0x1] =	stream.indirect_vreg.gather [hbm4b:s17+s3], $0x80, v0, vm0, $0xb8;
	[tilespmem:$0x12200] =	vst v63  }
0x818: {  	s29 =	simm.s32 $0x7280  }
0x819: {  	[tilespmem:s29], [sflag:$0x1] =	stream.indirect_vreg.gather [hbm4b:s17+s3], $0x80, v1, vm0, $0xb8;
	[tilespmem:$0x12200] =	vst v63  }
0x81a: {  	s29 =	simm.s32 $0x7300  }
0x81b: {  	[tilespmem:s29], [sflag:$0x1] =	stream.indirect_vreg.gather [hbm4b:s17+s3], $0x80, v2, vm0, $0xb8;
	[tilespmem:$0x12200] =	vst v63  }
0x81c: {  	s29 =	simm.s32 $0x7380  }
0x81d: {  	[tilespmem:s29], [sflag:$0x1] =	stream.indirect_vreg.gather [hbm4b:s17+s3], $0x80, v3, vm0, $0xb8;
	[tilespmem:$0x12200] =	vst v63  }
0x81e: {  	s29 =	simm.s32 $0x7400  }
0x81f: {  	[tilespmem:s29], [sflag:$0x1] =	stream.indirect_vreg.gather [hbm4b:s17+s3], $0x80, v4, vm0, $0xb8;
	[tilespmem:$0x12200] =	vst v63  }
0x820: {  	s29 =	simm.s32 $0x7480  }
0x821: {  	[tilespmem:s29], [sflag:$0x1] =	stream.indirect_vreg.gather [hbm4b:s17+s3], $0x80, v5, vm0, $0xb8;
	[tilespmem:$0x12200] =	vst v63  }
0x822: {  	s29 =	simm.s32 $0x7500  }
0x823: {  	[tilespmem:s29], [sflag:$0x1] =	stream.indirect_vreg.gather [hbm4b:s17+s3], $0x80, v6, vm0, $0xb8;
	[tilespmem:$0x12200] =	vst v63  }
0x824: {  	s29 =	simm.s32 $0x7580  }
0x825: {  	[tilespmem:s29], [sflag:$0x1] =	stream.indirect_vreg.gather [hbm4b:s17+s3], $0x80, v7, vm0, $0xb8;
	[tilespmem:$0x12200] =	vst v63  }
0x826: {  	s29 =	simm.s32 $0x7600  }
0x827: {  	(v2sf) =	vpush v48, $0xF;
	[tilespmem:s29], [sflag:$0x1] =	stream.indirect_vreg.gather [hbm4b:s17+s3], $0x80, v8, vm0, $0xb8;
	[tilespmem:$0x12200] =	vst v63  }
0x828: {  	s29 =	simm.s32 $0x7680  }
0x829: {  	[tilespmem:s29], [sflag:$0x1] =	stream.indirect_vreg.gather [hbm4b:s17+s3], $0x80, v9, vm0, $0xb8;
	[tilespmem:$0x12200] =	vst v63  }
0x82a: {  	s29 =	simm.s32 $0x7700  }
0x82b: {  	[tilespmem:s29], [sflag:$0x1] =	stream.indirect_vreg.gather [hbm4b:s17+s3], $0x80, v10, vm0, $0xb8;
	[tilespmem:$0x12200] =	vst v63  }
0x82c: {  	s29 =	simm.s32 $0x7780  }
0x82d: {  	[tilespmem:s29], [sflag:$0x1] =	stream.indirect_vreg.gather [hbm4b:s17+s3], $0x80, v12, vm0, $0xb8;
	[tilespmem:$0x12200] =	vst v63  }
0x82e: {  	s29 =	simm.s32 $0x7800  }
0x82f: {  	[tilespmem:s29], [sflag:$0x1] =	stream.indirect_vreg.gather [hbm4b:s17+s3], $0x80, v13, vm0, $0xb8;
	[tilespmem:$0x12200] =	vst v63  }
0x830: {  	s29 =	simm.s32 $0x7880  }
0x831: {  	[tilespmem:s29], [sflag:$0x1] =	stream.indirect_vreg.gather [hbm4b:s17+s3], $0x80, v14, vm0, $0xb8;
	[tilespmem:$0x12200] =	vst v63  }
0x832: {  	s29 =	simm.s32 $0x7900  }
0x833: {  	[tilespmem:s29], [sflag:$0x1] =	stream.indirect_vreg.gather [hbm4b:s17+s3], $0x80, v15, vm0, $0xb8;
	[tilespmem:$0x12200] =	vst v63  }
0x834: {  	s29 =	simm.s32 $0x7980  }
0x835: {  	[tilespmem:s29], [sflag:$0x1] =	stream.indirect_vreg.gather [hbm4b:s17+s3], $0x80, v16, vm0, $0xb8;
	[tilespmem:$0x12200] =	vst v63  }
0x836: {  	s17 =	spop (v2sf)  }
0x837: {  	s29 =	sand.u32 $0x7F, s17  }
0x838: {  	p6 =	slt.s32 s17, $0x1;
	p5 =	sne.s32 s29, $0x0;
	s29 =	sshra.s32 s17, $0x1F  }
0x839: {  	s29 =	sshrl.u32 s29, $0x19;
	p0 =	por !p6, !p5  }
0x83a: {  	s17 =	sadd.s32 s29, s17;
	p0 =	por !p0, !p0;
	s29 =	simm.s32 $0x1  }
0x83b: {  	s17 =	sshrl.u32 s17, $0x7;
	s29 =	simm.s32 @!p0 $0x0  }
0x83c: {  	s17 =	ssub.s32 s17, s29  }
0x83d: {  	s17 =	sshll.u32 s17, $0x7  }
0x83e: {  	s17 =	sand.u32 $0x1FFFFF80, s17  }
0x83f: {  	s29 =	simm.s32 $0x7A00;
	s17 =	sadd.s32 s2, s17  }
0x840: {  	[tilespmem:s29], [sflag:$0x1] =	stream.indirect_vreg.gather [hbm4b:s17+s3], $0x80, v0, vm0, $0xb8;
	[tilespmem:$0x12200] =	vst v63  }
0x841: {  	s29 =	simm.s32 $0x7A80  }
0x842: {  	[tilespmem:s29], [sflag:$0x1] =	stream.indirect_vreg.gather [hbm4b:s17+s3], $0x80, v1, vm0, $0xb8;
	[tilespmem:$0x12200] =	vst v63  }
0x843: {  	s29 =	simm.s32 $0x7B00  }
0x844: {  	[tilespmem:s29], [sflag:$0x1] =	stream.indirect_vreg.gather [hbm4b:s17+s3], $0x80, v2, vm0, $0xb8;
	[tilespmem:$0x12200] =	vst v63  }
0x845: {  	s29 =	simm.s32 $0x7B80  }
0x846: {  	[tilespmem:s29], [sflag:$0x1] =	stream.indirect_vreg.gather [hbm4b:s17+s3], $0x80, v3, vm0, $0xb8;
	[tilespmem:$0x12200] =	vst v63  }
0x847: {  	s29 =	simm.s32 $0x7C00  }
0x848: {  	[tilespmem:s29], [sflag:$0x1] =	stream.indirect_vreg.gather [hbm4b:s17+s3], $0x80, v4, vm0, $0xb8;
	[tilespmem:$0x12200] =	vst v63  }
0x849: {  	s29 =	simm.s32 $0x7C80  }
0x84a: {  	[tilespmem:s29], [sflag:$0x1] =	stream.indirect_vreg.gather [hbm4b:s17+s3], $0x80, v5, vm0, $0xb8;
	[tilespmem:$0x12200] =	vst v63  }
0x84b: {  	s29 =	simm.s32 $0x7D00  }
0x84c: {  	[tilespmem:s29], [sflag:$0x1] =	stream.indirect_vreg.gather [hbm4b:s17+s3], $0x80, v6, vm0, $0xb8;
	[tilespmem:$0x12200] =	vst v63  }
0x84d: {  	s29 =	simm.s32 $0x7D80  }
0x84e: {  	[tilespmem:s29], [sflag:$0x1] =	stream.indirect_vreg.gather [hbm4b:s17+s3], $0x80, v7, vm0, $0xb8;
	[tilespmem:$0x12200] =	vst v63  }
0x84f: {  	s29 =	simm.s32 $0x7E00  }
0x850: {  	[tilespmem:s29], [sflag:$0x1] =	stream.indirect_vreg.gather [hbm4b:s17+s3], $0x80, v8, vm0, $0xb8;
	[tilespmem:$0x12200] =	vst v63  }
0x851: {  	s29 =	simm.s32 $0x7E80  }
0x852: {  	[tilespmem:s29], [sflag:$0x1] =	stream.indirect_vreg.gather [hbm4b:s17+s3], $0x80, v9, vm0, $0xb8;
	[tilespmem:$0x12200] =	vst v63  }
0x853: {  	s29 =	simm.s32 $0x7F00  }
0x854: {  	[tilespmem:s29], [sflag:$0x1] =	stream.indirect_vreg.gather [hbm4b:s17+s3], $0x80, v10, vm0, $0xb8;
	[tilespmem:$0x12200] =	vst v63  }
0x855: {  	s29 =	simm.s32 $0x7F80  }
0x856: {  	[tilespmem:s29], [sflag:$0x1] =	stream.indirect_vreg.gather [hbm4b:s17+s3], $0x80, v12, vm0, $0xb8;
	[tilespmem:$0x12200] =	vst v63  }
0x857: {  	s29 =	simm.s32 $0x8000  }
0x858: {  	[tilespmem:s29], [sflag:$0x1] =	stream.indirect_vreg.gather [hbm4b:s17+s3], $0x80, v13, vm0, $0xb8;
	[tilespmem:$0x12200] =	vst v63  }
0x859: {  	s29 =	simm.s32 $0x8080  }
0x85a: {  	[tilespmem:s29], [sflag:$0x1] =	stream.indirect_vreg.gather [hbm4b:s17+s3], $0x80, v14, vm0, $0xb8;
	[tilespmem:$0x12200] =	vst v63  }
.Ltmp5:
0x85b: {  	_ = 	snop;
	(pc) =	sbr.rel .LBB2_4-.Ltmp5, $4  }
0x85c: {  	s29 =	simm.s32 $0x8100  }
0x85d: {  	[tilespmem:s29], [sflag:$0x1] =	stream.indirect_vreg.gather [hbm4b:s17+s3], $0x80, v15, vm0, $0xb8;
	[tilespmem:$0x12200] =	vst v63  }
0x85e: {  	s29 =	simm.s32 $0x8180  }
0x85f: {  	[tilespmem:s29], [sflag:$0x1] =	stream.indirect_vreg.gather [hbm4b:s17+s3], $0x80, v16, vm0, $0xb8;
	[tilespmem:$0x12200] =	vst v63  }
.LBB2_6:
0x860: {  	_ =	sfence.sel $0x180000  }
0x861: {  	[bflag:$0x0] =	sbarrier.arrive $0xFFFF  }
0x862: {  	_ =	strace $0x90000047  }
0x863: {  	s0 =	stileid.u32;
	[bflag:$0x2] =	sbarrier.arrive $0xFFFF  }
0x864: {  	p0 =	sne.s32 s0, $0x0;
	s0 =	rddreg [dreg:$0x3]  }
0x865: {  	s0 =	sadd.s32 @!p0 $0x100000, s0  }
0x866: {  	[sflag:s0] =	ssyncadd.tile.s32 @!p0 $0x1;
	_ =	shalt  }
.Lfunc_end2:
_tile_overlayer_lowered:
.L_overlay_start_2:
0x867: {  	(tag) =	ssettag $0x2  }
0x868: {  	s0 =	rddreg [dreg:$0x0];
	s2 =	stileid.u32  }
0x869: {  	s1 =	rddreg [dreg:$0x1];
	p0 =	sne.s32 s2, $0x0  }
0x86a: {  	s3 =	rddreg [dreg:$0x2];
	[bflag:$0x3] =	sbarrier.arrive $0xFFFF;
	s2 =	simm.s32 @!p0 $0x1C03  }
0x86b: {  	[timem:s3], [sflag:s2] =	dma.local @!p0 [hbm:s0], s1  }
0x86c: {  	s0 =	simm.s32 @!p0 $0x3  }
0x86d: {  	_ =	swait.ge @!p0 [sflag:s0], s1  }
0x86e: {  	s1 =	ssub.s32 @!p0 $0x0, s1;
	[sflag:s0] =	ssyncset.done @!p0 $0x0  }
0x86f: {  	[sflag:s0] =	ssyncadd.s32 @!p0 s1  }
0x870: {  	[bflag:$0x3] =	sbarrier.arrive $0xFFFF  }
0x871: {  	_ =	shalt  }

</sc_bundles>
